<compile_context>
chip_gen: v7x
topology: tpu7x:2x2x1
jax: 0.10.2.dev20260603
libtpu: 0.0.44.dev20260713+nightly
codegen_flags: <defaults>
</compile_context>

<pallas_src>
import functools
import math

import jax
import jax.numpy as jnp
from jax import lax
from jax.experimental import pallas as pl
from jax.experimental.pallas import tpu as pltpu
from jax.experimental.pallas import tpu_sc as plsc

HIDDEN = 256
HEADS = 16
DH = 16
HALF = HIDDEN // 2
HPC = HEADS // 2
INV_SCALE = 1.0 / math.sqrt(DH)

NC = 2
NS = 16
CHUNK = 64
NR = 16


def _sc_attention(n_nodes, n_pad, e_pad, kt, qt, vt, src_pad, dst_pad):
    ept = e_pad // NS
    nchunks = ept // CHUNK
    npt = n_pad // NS
    mesh = plsc.VectorSubcoreMesh(core_axis_name="c", subcore_axis_name="s")

    @functools.partial(
        pl.kernel,
        out_type=(
            jax.ShapeDtypeStruct((NC * n_pad, HALF), jnp.float32),
            jax.ShapeDtypeStruct((NC * e_pad, DH), jnp.float32),
        ),
        mesh=mesh,
        compiler_params=pltpu.CompilerParams(needs_layout_passes=False),
        scratch_types=[
            pltpu.VMEM((CHUNK,), jnp.int32),
            pltpu.VMEM((CHUNK,), jnp.int32),
            pltpu.VMEM((CHUNK,), jnp.int32),
            pltpu.VMEM((CHUNK, HALF), jnp.float32),
            pltpu.VMEM((CHUNK, HALF), jnp.float32),
            pltpu.VMEM((CHUNK, HALF), jnp.float32),
            pltpu.VMEM((CHUNK, DH), jnp.float32),
            pltpu.VMEM((NR,), jnp.int32),
            pltpu.VMEM((NR, HALF), jnp.float32),
            pltpu.VMEM((NR, HALF), jnp.float32),
            pltpu.MemorySpace.VMEM_SHARED((n_pad, HALF), jnp.float32),
            pltpu.SemaphoreType.DMA,
        ],
    )
    def attn(kt_hbm, qt_hbm, vt_hbm, src_hbm, dst_hbm, out_hbm, sco_hbm,
             sidx, didx, didx_g, krows, qrows, vrows, srow,
             oidx, wvb, zb, acc_sh, sem):
        c = lax.axis_index("c")
        s = lax.axis_index("s")
        cbase = c * (n_nodes + 1)
        lane = lax.iota(jnp.int32, DH)
        zeros16 = jnp.zeros((DH,), jnp.float32)

        for i in range(NR):
            for h in range(HPC):
                zb[i, pl.ds(h * DH, DH)] = zeros16

        def zero_acc():
            @pl.loop(0, npt // NR)
            def _zero(r):
                row0 = s * npt + r * NR
                oidx[:] = row0 + lane
                pltpu.async_copy(zb, acc_sh.at[oidx], sem).wait()

        zero_acc()
        plsc.subcore_barrier()

        @pl.loop(0, nchunks)
        def _chunk_a(ch):
            base = s * ept + ch * CHUNK
            pltpu.sync_copy(src_hbm.at[pl.ds(base, CHUNK)], sidx)
            pltpu.sync_copy(dst_hbm.at[pl.ds(base, CHUNK)], didx)
            for j in range(CHUNK // DH):
                sl = pl.ds(j * DH, DH)
                sidx[sl] = sidx[sl] + cbase
                didx_g[sl] = didx[sl] + cbase
            d1 = pltpu.async_copy(kt_hbm.at[sidx], krows, sem)
            d2 = pltpu.async_copy(qt_hbm.at[didx_g], qrows, sem)
            d3 = pltpu.async_copy(vt_hbm.at[sidx], vrows, sem)
            d1.wait()
            d2.wait()
            d3.wait()

            @pl.loop(0, CHUNK, unroll=2)
            def _edge(e):
                sv = None
                for h in range(HPC):
                    sl = pl.ds(h * DH, DH)
                    dot = jnp.sum(krows[e, sl] * qrows[e, sl])
                    part = jnp.where(lane == h, dot, 0.0)
                    sv = part if sv is None else sv + part
                sv = jnp.clip(sv * INV_SCALE, -5.0, 5.0)
                sv = jnp.exp(sv)
                srow[e, :] = sv
                for h in range(HPC):
                    sl = pl.ds(h * DH, DH)
                    vrows[e, sl] = vrows[e, sl] * sv[h]

            d4 = pltpu.async_copy(vrows, acc_sh.at[didx], sem, add=True)
            d4.wait()
            pltpu.sync_copy(srow, sco_hbm.at[pl.ds(c * e_pad + base, CHUNK)])

        plsc.subcore_barrier()

        @pl.loop(0, npt // NR)
        def _stage(r):
            row0 = s * npt + r * NR
            oidx[:] = row0 + lane
            pltpu.async_copy(acc_sh.at[oidx], wvb, sem).wait()
            pltpu.sync_copy(wvb, out_hbm.at[pl.ds(c * n_pad + row0, NR)])

        zero_acc()
        plsc.subcore_barrier()

        @pl.loop(0, nchunks)
        def _chunk_b(ch):
            base = s * ept + ch * CHUNK
            pltpu.sync_copy(dst_hbm.at[pl.ds(base, CHUNK)], didx)
            pltpu.sync_copy(sco_hbm.at[pl.ds(c * e_pad + base, CHUNK)], srow)

            @pl.loop(0, CHUNK, unroll=2)
            def _edge_b(e):
                sv = srow[e, :]
                for h in range(HPC):
                    vrows[e, pl.ds(h * DH, DH)] = sv[h] + zeros16

            d1 = pltpu.async_copy(vrows, acc_sh.at[didx], sem, add=True)
            d1.wait()

        plsc.subcore_barrier()

        @pl.loop(0, npt // NR)
        def _norm(r):
            row0 = s * npt + r * NR
            oidx[:] = row0 + lane
            d1 = pltpu.async_copy(acc_sh.at[oidx], zb, sem)
            pltpu.sync_copy(out_hbm.at[pl.ds(c * n_pad + row0, NR)], wvb)
            d1.wait()
            for i in range(NR):
                for h in range(HPC):
                    sl = pl.ds(h * DH, DH)
                    wvb[i, sl] = wvb[i, sl] / (zb[i, sl] + 1e-6)
            pltpu.sync_copy(wvb, out_hbm.at[pl.ds(c * n_pad + row0, NR)])

    return attn(kt, qt, vt, src_pad, dst_pad)


def kernel(q, k, v, edge_index):
    b, n, _ = q.shape
    n_pad = ((n + 1 + NR * NS - 1) // (NR * NS)) * (NR * NS)
    e = edge_index.shape[1]
    e_pad = ((e + NS * CHUNK - 1) // (NS * CHUNK)) * (NS * CHUNK)

    def halves(x):
        x3 = jnp.concatenate([x.reshape(n, 2, HALF),
                              jnp.zeros((1, 2, HALF), jnp.float32)])
        return x3.transpose(1, 0, 2).reshape(2 * (n + 1), HALF)

    kt = halves(k.reshape(n, HIDDEN))
    qt = halves(q.reshape(n, HIDDEN))
    vt = halves(v.reshape(n, HIDDEN))

    src = edge_index[0].astype(jnp.int32)
    dst = edge_index[1].astype(jnp.int32)
    pad = e_pad - e
    src_pad = jnp.concatenate([src, jnp.full((pad,), n, jnp.int32)])
    dst_pad = jnp.concatenate([dst, jnp.full((pad,), n, jnp.int32)])

    out, _ = _sc_attention(n, n_pad, e_pad, kt, qt, vt, src_pad, dst_pad)
    x = jnp.concatenate([out[:n], out[n_pad:n_pad + n]], axis=1)
    return x.reshape(b, n, HIDDEN)

# --- scband reference (transcript-rebuilt; emitter-appended) ---
"""Pipeline reference for scband-core-attention-31327491457419 (READ-ONLY COPY).

The authoritative reference and input builder live on the scoring server;
editing this copy changes nothing except your own understanding.
"""

import jax, jax.numpy as jnp
import numpy as np
import math

HIDDEN_SIZE = 256
NUM_HEADS = 16
HEAD_DIM = HIDDEN_SIZE // NUM_HEADS
SCALE = math.sqrt(HEAD_DIM)
B = 1
N = 10000
E = 160000


def setup_inputs(seed: int = 0) -> dict:
    key = jax.random.key(seed)
    k1, k2, k3, k4 = jax.random.split(key, 4)
    q = jax.random.normal(k1, (B, N, HIDDEN_SIZE), dtype=jnp.float32)
    k = jax.random.normal(k2, (B, N, HIDDEN_SIZE), dtype=jnp.float32)
    v = jax.random.normal(k3, (B, N, HIDDEN_SIZE), dtype=jnp.float32)
    edge_index = jax.random.randint(k4, (2, E), 0, N).astype(jnp.int32)
    return {"q": q, "k": k, "v": v, "edge_index": edge_index}


def reference(q, k, v, edge_index):
    # sparse_attention_bias path with attn_bias=None (default forward path, attn_type='sparse')
    batch_size, s_len = q.shape[0], q.shape[1]
    qf = q.reshape(-1, NUM_HEADS, HEAD_DIM)
    kf = k.reshape(-1, NUM_HEADS, HEAD_DIM)
    vf = v.reshape(-1, NUM_HEADS, HEAD_DIM)
    src_idx = edge_index[0].astype(jnp.int32)
    dst_idx = edge_index[1].astype(jnp.int32)
    src = kf[src_idx]            # [E, H, dh] gather
    dest = qf[dst_idx]           # [E, H, dh] gather
    score = src * dest
    score = score / SCALE
    score = jnp.clip(jnp.sum(score, axis=-1, keepdims=True), -5.0, 5.0)  # [E, H, 1]
    score = jnp.exp(score)
    msg = vf[src_idx] * score    # [E, H, dh]
    wV = jnp.zeros_like(vf).at[dst_idx].add(msg)  # scatter-add
    Z = jnp.zeros((vf.shape[0], NUM_HEADS, 1), dtype=score.dtype).at[dst_idx].add(score)
    x = wV / (Z + 1e-06)
    x = x.reshape(batch_size, s_len, -1)
    return x

if __name__ == "__main__":
    import jax
    _d = setup_inputs()
    print(jax.jit(kernel)(*tuple(_d.values())))

</pallas_src>

<mosaic_0001>
#map = affine_map<(d0, d1) -> (0, 0)>
#map1 = affine_map<(d0, d1) -> (0)>
module attributes {stable_mosaic.version = 14 : i64} {
  func.func @attn(%arg0: i32, %arg1: i32, %arg2: memref<20002x128xf32, #tpu.memory_space<hbm>>, %arg3: memref<20002x128xf32, #tpu.memory_space<hbm>>, %arg4: memref<20002x128xf32, #tpu.memory_space<hbm>>, %arg5: memref<160768xi32, #tpu.memory_space<hbm>>, %arg6: memref<160768xi32, #tpu.memory_space<hbm>>, %arg7: memref<20480x128xf32, #tpu.memory_space<hbm>>, %arg8: memref<321536x16xf32, #tpu.memory_space<hbm>>, %arg9: memref<64xi32, #tpu.memory_space<vmem>>, %arg10: memref<64xi32, #tpu.memory_space<vmem>>, %arg11: memref<64xi32, #tpu.memory_space<vmem>>, %arg12: memref<64x128xf32, #tpu.memory_space<vmem>>, %arg13: memref<64x128xf32, #tpu.memory_space<vmem>>, %arg14: memref<64x128xf32, #tpu.memory_space<vmem>>, %arg15: memref<64x16xf32, #tpu.memory_space<vmem>>, %arg16: memref<16xi32, #tpu.memory_space<vmem>>, %arg17: memref<16x128xf32, #tpu.memory_space<vmem>>, %arg18: memref<16x128xf32, #tpu.memory_space<vmem>>, %arg19: memref<10240x128xf32, #tpu.memory_space<vmem_shared>>, %arg20: memref<!tpu.dma_semaphore, #tpu.memory_space<semaphore_mem>>) attributes {dimension_semantics = [#tpu.dimension_semantics<core_parallel>, #tpu.dimension_semantics<subcore_parallel>], iteration_bounds = array<i64: 2, 16>, scalar_prefetch = 0 : i64, scratch_operands = 12 : i64, tpu.core_type = #tpu.core_type<sc_vector_subcore>, window_params = [{transform_indices = #map}, {transform_indices = #map}, {transform_indices = #map}, {transform_indices = #map1}, {transform_indices = #map1}, {transform_indices = #map}, {transform_indices = #map}]} {
    %mul3A = arith.constant 10001 : i32
    %mul3A_0 = arith.muli %arg0, %mul3A : i32
    %iota3A = tpu.iota {dimensions = array<i32: 0>} : vector<16xi32>
    %broadcast_in_dim3A = arith.constant 0.000000e+00 : f32
    %broadcast_in_dim3A_1 = vector.broadcast %broadcast_in_dim3A : f32 to vector<16xf32>
    %swap3A = arith.constant 0 : i32
    %swap3A_2 = arith.index_cast %swap3A : i32 to index
    %swap3A_3 = arith.constant 0 : index
    %swap3A_4 = tpu.vector_load %arg18[%swap3A_2, %swap3A_3] {strides = array<i32>} : memref<16x128xf32, #tpu.memory_space<vmem>>, vector<16xf32>,
    tpu.vector_store %arg18[%swap3A_2, %swap3A_3], %broadcast_in_dim3A_1 {strides = array<i32>} : memref<16x128xf32, #tpu.memory_space<vmem>>, vector<16xf32>,
    %swap3A_5 = arith.constant 0 : i32
    %swap3A_6 = arith.index_cast %swap3A_5 : i32 to index
    %swap3A_7 = arith.constant 16 : index
    %swap3A_8 = tpu.vector_load %arg18[%swap3A_6, %swap3A_7] {strides = array<i32>} : memref<16x128xf32, #tpu.memory_space<vmem>>, vector<16xf32>,
    tpu.vector_store %arg18[%swap3A_6, %swap3A_7], %broadcast_in_dim3A_1 {strides = array<i32>} : memref<16x128xf32, #tpu.memory_space<vmem>>, vector<16xf32>,
    %swap3A_9 = arith.constant 0 : i32
    %swap3A_10 = arith.index_cast %swap3A_9 : i32 to index
    %swap3A_11 = arith.constant 32 : index
    %swap3A_12 = tpu.vector_load %arg18[%swap3A_10, %swap3A_11] {strides = array<i32>} : memref<16x128xf32, #tpu.memory_space<vmem>>, vector<16xf32>,
    tpu.vector_store %arg18[%swap3A_10, %swap3A_11], %broadcast_in_dim3A_1 {strides = array<i32>} : memref<16x128xf32, #tpu.memory_space<vmem>>, vector<16xf32>,
    %swap3A_13 = arith.constant 0 : i32
    %swap3A_14 = arith.index_cast %swap3A_13 : i32 to index
    %swap3A_15 = arith.constant 48 : index
    %swap3A_16 = tpu.vector_load %arg18[%swap3A_14, %swap3A_15] {strides = array<i32>} : memref<16x128xf32, #tpu.memory_space<vmem>>, vector<16xf32>,
    tpu.vector_store %arg18[%swap3A_14, %swap3A_15], %broadcast_in_dim3A_1 {strides = array<i32>} : memref<16x128xf32, #tpu.memory_space<vmem>>, vector<16xf32>,
    %swap3A_17 = arith.constant 0 : i32
    %swap3A_18 = arith.index_cast %swap3A_17 : i32 to index
    %swap3A_19 = arith.constant 64 : index
    %swap3A_20 = tpu.vector_load %arg18[%swap3A_18, %swap3A_19] {strides = array<i32>} : memref<16x128xf32, #tpu.memory_space<vmem>>, vector<16xf32>,
    tpu.vector_store %arg18[%swap3A_18, %swap3A_19], %broadcast_in_dim3A_1 {strides = array<i32>} : memref<16x128xf32, #tpu.memory_space<vmem>>, vector<16xf32>,
    %swap3A_21 = arith.constant 0 : i32
    %swap3A_22 = arith.index_cast %swap3A_21 : i32 to index
    %swap3A_23 = arith.constant 80 : index
    %swap3A_24 = tpu.vector_load %arg18[%swap3A_22, %swap3A_23] {strides = array<i32>} : memref<16x128xf32, #tpu.memory_space<vmem>>, vector<16xf32>,
    tpu.vector_store %arg18[%swap3A_22, %swap3A_23], %broadcast_in_dim3A_1 {strides = array<i32>} : memref<16x128xf32, #tpu.memory_space<vmem>>, vector<16xf32>,
    %swap3A_25 = arith.constant 0 : i32
    %swap3A_26 = arith.index_cast %swap3A_25 : i32 to index
    %swap3A_27 = arith.constant 96 : index
    %swap3A_28 = tpu.vector_load %arg18[%swap3A_26, %swap3A_27] {strides = array<i32>} : memref<16x128xf32, #tpu.memory_space<vmem>>, vector<16xf32>,
    tpu.vector_store %arg18[%swap3A_26, %swap3A_27], %broadcast_in_dim3A_1 {strides = array<i32>} : memref<16x128xf32, #tpu.memory_space<vmem>>, vector<16xf32>,
    %swap3A_29 = arith.constant 0 : i32
    %swap3A_30 = arith.index_cast %swap3A_29 : i32 to index
    %swap3A_31 = arith.constant 112 : index
    %swap3A_32 = tpu.vector_load %arg18[%swap3A_30, %swap3A_31] {strides = array<i32>} : memref<16x128xf32, #tpu.memory_space<vmem>>, vector<16xf32>,
    tpu.vector_store %arg18[%swap3A_30, %swap3A_31], %broadcast_in_dim3A_1 {strides = array<i32>} : memref<16x128xf32, #tpu.memory_space<vmem>>, vector<16xf32>,
    %swap3A_33 = arith.constant 1 : i32
    %swap3A_34 = arith.index_cast %swap3A_33 : i32 to index
    %swap3A_35 = arith.constant 0 : index
    %swap3A_36 = tpu.vector_load %arg18[%swap3A_34, %swap3A_35] {strides = array<i32>} : memref<16x128xf32, #tpu.memory_space<vmem>>, vector<16xf32>,
    tpu.vector_store %arg18[%swap3A_34, %swap3A_35], %broadcast_in_dim3A_1 {strides = array<i32>} : memref<16x128xf32, #tpu.memory_space<vmem>>, vector<16xf32>,
    %swap3A_37 = arith.constant 1 : i32
    %swap3A_38 = arith.index_cast %swap3A_37 : i32 to index
    %swap3A_39 = arith.constant 16 : index
    %swap3A_40 = tpu.vector_load %arg18[%swap3A_38, %swap3A_39] {strides = array<i32>} : memref<16x128xf32, #tpu.memory_space<vmem>>, vector<16xf32>,
    tpu.vector_store %arg18[%swap3A_38, %swap3A_39], %broadcast_in_dim3A_1 {strides = array<i32>} : memref<16x128xf32, #tpu.memory_space<vmem>>, vector<16xf32>,
    %swap3A_41 = arith.constant 1 : i32
    %swap3A_42 = arith.index_cast %swap3A_41 : i32 to index
    %swap3A_43 = arith.constant 32 : index
    %swap3A_44 = tpu.vector_load %arg18[%swap3A_42, %swap3A_43] {strides = array<i32>} : memref<16x128xf32, #tpu.memory_space<vmem>>, vector<16xf32>,
    tpu.vector_store %arg18[%swap3A_42, %swap3A_43], %broadcast_in_dim3A_1 {strides = array<i32>} : memref<16x128xf32, #tpu.memory_space<vmem>>, vector<16xf32>,
    %swap3A_45 = arith.constant 1 : i32
    %swap3A_46 = arith.index_cast %swap3A_45 : i32 to index
    %swap3A_47 = arith.constant 48 : index
    %swap3A_48 = tpu.vector_load %arg18[%swap3A_46, %swap3A_47] {strides = array<i32>} : memref<16x128xf32, #tpu.memory_space<vmem>>, vector<16xf32>,
    tpu.vector_store %arg18[%swap3A_46, %swap3A_47], %broadcast_in_dim3A_1 {strides = array<i32>} : memref<16x128xf32, #tpu.memory_space<vmem>>, vector<16xf32>,
    %swap3A_49 = arith.constant 1 : i32
    %swap3A_50 = arith.index_cast %swap3A_49 : i32 to index
    %swap3A_51 = arith.constant 64 : index
    %swap3A_52 = tpu.vector_load %arg18[%swap3A_50, %swap3A_51] {strides = array<i32>} : memref<16x128xf32, #tpu.memory_space<vmem>>, vector<16xf32>,
    tpu.vector_store %arg18[%swap3A_50, %swap3A_51], %broadcast_in_dim3A_1 {strides = array<i32>} : memref<16x128xf32, #tpu.memory_space<vmem>>, vector<16xf32>,
    %swap3A_53 = arith.constant 1 : i32
    %swap3A_54 = arith.index_cast %swap3A_53 : i32 to index
    %swap3A_55 = arith.constant 80 : index
    %swap3A_56 = tpu.vector_load %arg18[%swap3A_54, %swap3A_55] {strides = array<i32>} : memref<16x128xf32, #tpu.memory_space<vmem>>, vector<16xf32>,
    tpu.vector_store %arg18[%swap3A_54, %swap3A_55], %broadcast_in_dim3A_1 {strides = array<i32>} : memref<16x128xf32, #tpu.memory_space<vmem>>, vector<16xf32>,
    %swap3A_57 = arith.constant 1 : i32
    %swap3A_58 = arith.index_cast %swap3A_57 : i32 to index
    %swap3A_59 = arith.constant 96 : index
    %swap3A_60 = tpu.vector_load %arg18[%swap3A_58, %swap3A_59] {strides = array<i32>} : memref<16x128xf32, #tpu.memory_space<vmem>>, vector<16xf32>,
    tpu.vector_store %arg18[%swap3A_58, %swap3A_59], %broadcast_in_dim3A_1 {strides = array<i32>} : memref<16x128xf32, #tpu.memory_space<vmem>>, vector<16xf32>,
    %swap3A_61 = arith.constant 1 : i32
    %swap3A_62 = arith.index_cast %swap3A_61 : i32 to index
    %swap3A_63 = arith.constant 112 : index
    %swap3A_64 = tpu.vector_load %arg18[%swap3A_62, %swap3A_63] {strides = array<i32>} : memref<16x128xf32, #tpu.memory_space<vmem>>, vector<16xf32>,
    tpu.vector_store %arg18[%swap3A_62, %swap3A_63], %broadcast_in_dim3A_1 {strides = array<i32>} : memref<16x128xf32, #tpu.memory_space<vmem>>, vector<16xf32>,
    %swap3A_65 = arith.constant 2 : i32
    %swap3A_66 = arith.index_cast %swap3A_65 : i32 to index
    %swap3A_67 = arith.constant 0 : index
    %swap3A_68 = tpu.vector_load %arg18[%swap3A_66, %swap3A_67] {strides = array<i32>} : memref<16x128xf32, #tpu.memory_space<vmem>>, vector<16xf32>,
    tpu.vector_store %arg18[%swap3A_66, %swap3A_67], %broadcast_in_dim3A_1 {strides = array<i32>} : memref<16x128xf32, #tpu.memory_space<vmem>>, vector<16xf32>,
    %swap3A_69 = arith.constant 2 : i32
    %swap3A_70 = arith.index_cast %swap3A_69 : i32 to index
    %swap3A_71 = arith.constant 16 : index
    %swap3A_72 = tpu.vector_load %arg18[%swap3A_70, %swap3A_71] {strides = array<i32>} : memref<16x128xf32, #tpu.memory_space<vmem>>, vector<16xf32>,
    tpu.vector_store %arg18[%swap3A_70, %swap3A_71], %broadcast_in_dim3A_1 {strides = array<i32>} : memref<16x128xf32, #tpu.memory_space<vmem>>, vector<16xf32>,
    %swap3A_73 = arith.constant 2 : i32
    %swap3A_74 = arith.index_cast %swap3A_73 : i32 to index
    %swap3A_75 = arith.constant 32 : index
    %swap3A_76 = tpu.vector_load %arg18[%swap3A_74, %swap3A_75] {strides = array<i32>} : memref<16x128xf32, #tpu.memory_space<vmem>>, vector<16xf32>,
    tpu.vector_store %arg18[%swap3A_74, %swap3A_75], %broadcast_in_dim3A_1 {strides = array<i32>} : memref<16x128xf32, #tpu.memory_space<vmem>>, vector<16xf32>,
    %swap3A_77 = arith.constant 2 : i32
    %swap3A_78 = arith.index_cast %swap3A_77 : i32 to index
    %swap3A_79 = arith.constant 48 : index
    %swap3A_80 = tpu.vector_load %arg18[%swap3A_78, %swap3A_79] {strides = array<i32>} : memref<16x128xf32, #tpu.memory_space<vmem>>, vector<16xf32>,
    tpu.vector_store %arg18[%swap3A_78, %swap3A_79], %broadcast_in_dim3A_1 {strides = array<i32>} : memref<16x128xf32, #tpu.memory_space<vmem>>, vector<16xf32>,
    %swap3A_81 = arith.constant 2 : i32
    %swap3A_82 = arith.index_cast %swap3A_81 : i32 to index
    %swap3A_83 = arith.constant 64 : index
    %swap3A_84 = tpu.vector_load %arg18[%swap3A_82, %swap3A_83] {strides = array<i32>} : memref<16x128xf32, #tpu.memory_space<vmem>>, vector<16xf32>,
    tpu.vector_store %arg18[%swap3A_82, %swap3A_83], %broadcast_in_dim3A_1 {strides = array<i32>} : memref<16x128xf32, #tpu.memory_space<vmem>>, vector<16xf32>,
    %swap3A_85 = arith.constant 2 : i32
    %swap3A_86 = arith.index_cast %swap3A_85 : i32 to index
    %swap3A_87 = arith.constant 80 : index
    %swap3A_88 = tpu.vector_load %arg18[%swap3A_86, %swap3A_87] {strides = array<i32>} : memref<16x128xf32, #tpu.memory_space<vmem>>, vector<16xf32>,
    tpu.vector_store %arg18[%swap3A_86, %swap3A_87], %broadcast_in_dim3A_1 {strides = array<i32>} : memref<16x128xf32, #tpu.memory_space<vmem>>, vector<16xf32>,
    %swap3A_89 = arith.constant 2 : i32
    %swap3A_90 = arith.index_cast %swap3A_89 : i32 to index
    %swap3A_91 = arith.constant 96 : index
    %swap3A_92 = tpu.vector_load %arg18[%swap3A_90, %swap3A_91] {strides = array<i32>} : memref<16x128xf32, #tpu.memory_space<vmem>>, vector<16xf32>,
    tpu.vector_store %arg18[%swap3A_90, %swap3A_91], %broadcast_in_dim3A_1 {strides = array<i32>} : memref<16x128xf32, #tpu.memory_space<vmem>>, vector<16xf32>,
    %swap3A_93 = arith.constant 2 : i32
    %swap3A_94 = arith.index_cast %swap3A_93 : i32 to index
    %swap3A_95 = arith.constant 112 : index
    %swap3A_96 = tpu.vector_load %arg18[%swap3A_94, %swap3A_95] {strides = array<i32>} : memref<16x128xf32, #tpu.memory_space<vmem>>, vector<16xf32>,
    tpu.vector_store %arg18[%swap3A_94, %swap3A_95], %broadcast_in_dim3A_1 {strides = array<i32>} : memref<16x128xf32, #tpu.memory_space<vmem>>, vector<16xf32>,
    %swap3A_97 = arith.constant 3 : i32
    %swap3A_98 = arith.index_cast %swap3A_97 : i32 to index
    %swap3A_99 = arith.constant 0 : index
    %swap3A_100 = tpu.vector_load %arg18[%swap3A_98, %swap3A_99] {strides = array<i32>} : memref<16x128xf32, #tpu.memory_space<vmem>>, vector<16xf32>,
    tpu.vector_store %arg18[%swap3A_98, %swap3A_99], %broadcast_in_dim3A_1 {strides = array<i32>} : memref<16x128xf32, #tpu.memory_space<vmem>>, vector<16xf32>,
    %swap3A_101 = arith.constant 3 : i32
    %swap3A_102 = arith.index_cast %swap3A_101 : i32 to index
    %swap3A_103 = arith.constant 16 : index
    %swap3A_104 = tpu.vector_load %arg18[%swap3A_102, %swap3A_103] {strides = array<i32>} : memref<16x128xf32, #tpu.memory_space<vmem>>, vector<16xf32>,
    tpu.vector_store %arg18[%swap3A_102, %swap3A_103], %broadcast_in_dim3A_1 {strides = array<i32>} : memref<16x128xf32, #tpu.memory_space<vmem>>, vector<16xf32>,
    %swap3A_105 = arith.constant 3 : i32
    %swap3A_106 = arith.index_cast %swap3A_105 : i32 to index
    %swap3A_107 = arith.constant 32 : index
    %swap3A_108 = tpu.vector_load %arg18[%swap3A_106, %swap3A_107] {strides = array<i32>} : memref<16x128xf32, #tpu.memory_space<vmem>>, vector<16xf32>,
    tpu.vector_store %arg18[%swap3A_106, %swap3A_107], %broadcast_in_dim3A_1 {strides = array<i32>} : memref<16x128xf32, #tpu.memory_space<vmem>>, vector<16xf32>,
    %swap3A_109 = arith.constant 3 : i32
    %swap3A_110 = arith.index_cast %swap3A_109 : i32 to index
    %swap3A_111 = arith.constant 48 : index
    %swap3A_112 = tpu.vector_load %arg18[%swap3A_110, %swap3A_111] {strides = array<i32>} : memref<16x128xf32, #tpu.memory_space<vmem>>, vector<16xf32>,
    tpu.vector_store %arg18[%swap3A_110, %swap3A_111], %broadcast_in_dim3A_1 {strides = array<i32>} : memref<16x128xf32, #tpu.memory_space<vmem>>, vector<16xf32>,
    %swap3A_113 = arith.constant 3 : i32
    %swap3A_114 = arith.index_cast %swap3A_113 : i32 to index
    %swap3A_115 = arith.constant 64 : index
    %swap3A_116 = tpu.vector_load %arg18[%swap3A_114, %swap3A_115] {strides = array<i32>} : memref<16x128xf32, #tpu.memory_space<vmem>>, vector<16xf32>,
    tpu.vector_store %arg18[%swap3A_114, %swap3A_115], %broadcast_in_dim3A_1 {strides = array<i32>} : memref<16x128xf32, #tpu.memory_space<vmem>>, vector<16xf32>,
    %swap3A_117 = arith.constant 3 : i32
    %swap3A_118 = arith.index_cast %swap3A_117 : i32 to index
    %swap3A_119 = arith.constant 80 : index
    %swap3A_120 = tpu.vector_load %arg18[%swap3A_118, %swap3A_119] {strides = array<i32>} : memref<16x128xf32, #tpu.memory_space<vmem>>, vector<16xf32>,
    tpu.vector_store %arg18[%swap3A_118, %swap3A_119], %broadcast_in_dim3A_1 {strides = array<i32>} : memref<16x128xf32, #tpu.memory_space<vmem>>, vector<16xf32>,
    %swap3A_121 = arith.constant 3 : i32
    %swap3A_122 = arith.index_cast %swap3A_121 : i32 to index
    %swap3A_123 = arith.constant 96 : index
    %swap3A_124 = tpu.vector_load %arg18[%swap3A_122, %swap3A_123] {strides = array<i32>} : memref<16x128xf32, #tpu.memory_space<vmem>>, vector<16xf32>,
    tpu.vector_store %arg18[%swap3A_122, %swap3A_123], %broadcast_in_dim3A_1 {strides = array<i32>} : memref<16x128xf32, #tpu.memory_space<vmem>>, vector<16xf32>,
    %swap3A_125 = arith.constant 3 : i32
    %swap3A_126 = arith.index_cast %swap3A_125 : i32 to index
    %swap3A_127 = arith.constant 112 : index
    %swap3A_128 = tpu.vector_load %arg18[%swap3A_126, %swap3A_127] {strides = array<i32>} : memref<16x128xf32, #tpu.memory_space<vmem>>, vector<16xf32>,
    tpu.vector_store %arg18[%swap3A_126, %swap3A_127], %broadcast_in_dim3A_1 {strides = array<i32>} : memref<16x128xf32, #tpu.memory_space<vmem>>, vector<16xf32>,
    %swap3A_129 = arith.constant 4 : i32
    %swap3A_130 = arith.index_cast %swap3A_129 : i32 to index
    %swap3A_131 = arith.constant 0 : index
    %swap3A_132 = tpu.vector_load %arg18[%swap3A_130, %swap3A_131] {strides = array<i32>} : memref<16x128xf32, #tpu.memory_space<vmem>>, vector<16xf32>,
    tpu.vector_store %arg18[%swap3A_130, %swap3A_131], %broadcast_in_dim3A_1 {strides = array<i32>} : memref<16x128xf32, #tpu.memory_space<vmem>>, vector<16xf32>,
    %swap3A_133 = arith.constant 4 : i32
    %swap3A_134 = arith.index_cast %swap3A_133 : i32 to index
    %swap3A_135 = arith.constant 16 : index
    %swap3A_136 = tpu.vector_load %arg18[%swap3A_134, %swap3A_135] {strides = array<i32>} : memref<16x128xf32, #tpu.memory_space<vmem>>, vector<16xf32>,
    tpu.vector_store %arg18[%swap3A_134, %swap3A_135], %broadcast_in_dim3A_1 {strides = array<i32>} : memref<16x128xf32, #tpu.memory_space<vmem>>, vector<16xf32>,
    %swap3A_137 = arith.constant 4 : i32
    %swap3A_138 = arith.index_cast %swap3A_137 : i32 to index
    %swap3A_139 = arith.constant 32 : index
    %swap3A_140 = tpu.vector_load %arg18[%swap3A_138, %swap3A_139] {strides = array<i32>} : memref<16x128xf32, #tpu.memory_space<vmem>>, vector<16xf32>,
    tpu.vector_store %arg18[%swap3A_138, %swap3A_139], %broadcast_in_dim3A_1 {strides = array<i32>} : memref<16x128xf32, #tpu.memory_space<vmem>>, vector<16xf32>,
    %swap3A_141 = arith.constant 4 : i32
    %swap3A_142 = arith.index_cast %swap3A_141 : i32 to index
    %swap3A_143 = arith.constant 48 : index
    %swap3A_144 = tpu.vector_load %arg18[%swap3A_142, %swap3A_143] {strides = array<i32>} : memref<16x128xf32, #tpu.memory_space<vmem>>, vector<16xf32>,
    tpu.vector_store %arg18[%swap3A_142, %swap3A_143], %broadcast_in_dim3A_1 {strides = array<i32>} : memref<16x128xf32, #tpu.memory_space<vmem>>, vector<16xf32>,
    %swap3A_145 = arith.constant 4 : i32
    %swap3A_146 = arith.index_cast %swap3A_145 : i32 to index
    %swap3A_147 = arith.constant 64 : index
    %swap3A_148 = tpu.vector_load %arg18[%swap3A_146, %swap3A_147] {strides = array<i32>} : memref<16x128xf32, #tpu.memory_space<vmem>>, vector<16xf32>,
    tpu.vector_store %arg18[%swap3A_146, %swap3A_147], %broadcast_in_dim3A_1 {strides = array<i32>} : memref<16x128xf32, #tpu.memory_space<vmem>>, vector<16xf32>,
    %swap3A_149 = arith.constant 4 : i32
    %swap3A_150 = arith.index_cast %swap3A_149 : i32 to index
    %swap3A_151 = arith.constant 80 : index
    %swap3A_152 = tpu.vector_load %arg18[%swap3A_150, %swap3A_151] {strides = array<i32>} : memref<16x128xf32, #tpu.memory_space<vmem>>, vector<16xf32>,
    tpu.vector_store %arg18[%swap3A_150, %swap3A_151], %broadcast_in_dim3A_1 {strides = array<i32>} : memref<16x128xf32, #tpu.memory_space<vmem>>, vector<16xf32>,
    %swap3A_153 = arith.constant 4 : i32
    %swap3A_154 = arith.index_cast %swap3A_153 : i32 to index
    %swap3A_155 = arith.constant 96 : index
    %swap3A_156 = tpu.vector_load %arg18[%swap3A_154, %swap3A_155] {strides = array<i32>} : memref<16x128xf32, #tpu.memory_space<vmem>>, vector<16xf32>,
    tpu.vector_store %arg18[%swap3A_154, %swap3A_155], %broadcast_in_dim3A_1 {strides = array<i32>} : memref<16x128xf32, #tpu.memory_space<vmem>>, vector<16xf32>,
    %swap3A_157 = arith.constant 4 : i32
    %swap3A_158 = arith.index_cast %swap3A_157 : i32 to index
    %swap3A_159 = arith.constant 112 : index
    %swap3A_160 = tpu.vector_load %arg18[%swap3A_158, %swap3A_159] {strides = array<i32>} : memref<16x128xf32, #tpu.memory_space<vmem>>, vector<16xf32>,
    tpu.vector_store %arg18[%swap3A_158, %swap3A_159], %broadcast_in_dim3A_1 {strides = array<i32>} : memref<16x128xf32, #tpu.memory_space<vmem>>, vector<16xf32>,
    %swap3A_161 = arith.constant 5 : i32
    %swap3A_162 = arith.index_cast %swap3A_161 : i32 to index
    %swap3A_163 = arith.constant 0 : index
    %swap3A_164 = tpu.vector_load %arg18[%swap3A_162, %swap3A_163] {strides = array<i32>} : memref<16x128xf32, #tpu.memory_space<vmem>>, vector<16xf32>,
    tpu.vector_store %arg18[%swap3A_162, %swap3A_163], %broadcast_in_dim3A_1 {strides = array<i32>} : memref<16x128xf32, #tpu.memory_space<vmem>>, vector<16xf32>,
    %swap3A_165 = arith.constant 5 : i32
    %swap3A_166 = arith.index_cast %swap3A_165 : i32 to index
    %swap3A_167 = arith.constant 16 : index
    %swap3A_168 = tpu.vector_load %arg18[%swap3A_166, %swap3A_167] {strides = array<i32>} : memref<16x128xf32, #tpu.memory_space<vmem>>, vector<16xf32>,
    tpu.vector_store %arg18[%swap3A_166, %swap3A_167], %broadcast_in_dim3A_1 {strides = array<i32>} : memref<16x128xf32, #tpu.memory_space<vmem>>, vector<16xf32>,
    %swap3A_169 = arith.constant 5 : i32
    %swap3A_170 = arith.index_cast %swap3A_169 : i32 to index
    %swap3A_171 = arith.constant 32 : index
    %swap3A_172 = tpu.vector_load %arg18[%swap3A_170, %swap3A_171] {strides = array<i32>} : memref<16x128xf32, #tpu.memory_space<vmem>>, vector<16xf32>,
    tpu.vector_store %arg18[%swap3A_170, %swap3A_171], %broadcast_in_dim3A_1 {strides = array<i32>} : memref<16x128xf32, #tpu.memory_space<vmem>>, vector<16xf32>,
    %swap3A_173 = arith.constant 5 : i32
    %swap3A_174 = arith.index_cast %swap3A_173 : i32 to index
    %swap3A_175 = arith.constant 48 : index
    %swap3A_176 = tpu.vector_load %arg18[%swap3A_174, %swap3A_175] {strides = array<i32>} : memref<16x128xf32, #tpu.memory_space<vmem>>, vector<16xf32>,
    tpu.vector_store %arg18[%swap3A_174, %swap3A_175], %broadcast_in_dim3A_1 {strides = array<i32>} : memref<16x128xf32, #tpu.memory_space<vmem>>, vector<16xf32>,
    %swap3A_177 = arith.constant 5 : i32
    %swap3A_178 = arith.index_cast %swap3A_177 : i32 to index
    %swap3A_179 = arith.constant 64 : index
    %swap3A_180 = tpu.vector_load %arg18[%swap3A_178, %swap3A_179] {strides = array<i32>} : memref<16x128xf32, #tpu.memory_space<vmem>>, vector<16xf32>,
    tpu.vector_store %arg18[%swap3A_178, %swap3A_179], %broadcast_in_dim3A_1 {strides = array<i32>} : memref<16x128xf32, #tpu.memory_space<vmem>>, vector<16xf32>,
    %swap3A_181 = arith.constant 5 : i32
    %swap3A_182 = arith.index_cast %swap3A_181 : i32 to index
    %swap3A_183 = arith.constant 80 : index
    %swap3A_184 = tpu.vector_load %arg18[%swap3A_182, %swap3A_183] {strides = array<i32>} : memref<16x128xf32, #tpu.memory_space<vmem>>, vector<16xf32>,
    tpu.vector_store %arg18[%swap3A_182, %swap3A_183], %broadcast_in_dim3A_1 {strides = array<i32>} : memref<16x128xf32, #tpu.memory_space<vmem>>, vector<16xf32>,
    %swap3A_185 = arith.constant 5 : i32
    %swap3A_186 = arith.index_cast %swap3A_185 : i32 to index
    %swap3A_187 = arith.constant 96 : index
    %swap3A_188 = tpu.vector_load %arg18[%swap3A_186, %swap3A_187] {strides = array<i32>} : memref<16x128xf32, #tpu.memory_space<vmem>>, vector<16xf32>,
    tpu.vector_store %arg18[%swap3A_186, %swap3A_187], %broadcast_in_dim3A_1 {strides = array<i32>} : memref<16x128xf32, #tpu.memory_space<vmem>>, vector<16xf32>,
    %swap3A_189 = arith.constant 5 : i32
    %swap3A_190 = arith.index_cast %swap3A_189 : i32 to index
    %swap3A_191 = arith.constant 112 : index
    %swap3A_192 = tpu.vector_load %arg18[%swap3A_190, %swap3A_191] {strides = array<i32>} : memref<16x128xf32, #tpu.memory_space<vmem>>, vector<16xf32>,
    tpu.vector_store %arg18[%swap3A_190, %swap3A_191], %broadcast_in_dim3A_1 {strides = array<i32>} : memref<16x128xf32, #tpu.memory_space<vmem>>, vector<16xf32>,
    %swap3A_193 = arith.constant 6 : i32
    %swap3A_194 = arith.index_cast %swap3A_193 : i32 to index
    %swap3A_195 = arith.constant 0 : index
    %swap3A_196 = tpu.vector_load %arg18[%swap3A_194, %swap3A_195] {strides = array<i32>} : memref<16x128xf32, #tpu.memory_space<vmem>>, vector<16xf32>,
    tpu.vector_store %arg18[%swap3A_194, %swap3A_195], %broadcast_in_dim3A_1 {strides = array<i32>} : memref<16x128xf32, #tpu.memory_space<vmem>>, vector<16xf32>,
    %swap3A_197 = arith.constant 6 : i32
    %swap3A_198 = arith.index_cast %swap3A_197 : i32 to index
    %swap3A_199 = arith.constant 16 : index
    %swap3A_200 = tpu.vector_load %arg18[%swap3A_198, %swap3A_199] {strides = array<i32>} : memref<16x128xf32, #tpu.memory_space<vmem>>, vector<16xf32>,
    tpu.vector_store %arg18[%swap3A_198, %swap3A_199], %broadcast_in_dim3A_1 {strides = array<i32>} : memref<16x128xf32, #tpu.memory_space<vmem>>, vector<16xf32>,
    %swap3A_201 = arith.constant 6 : i32
    %swap3A_202 = arith.index_cast %swap3A_201 : i32 to index
    %swap3A_203 = arith.constant 32 : index
    %swap3A_204 = tpu.vector_load %arg18[%swap3A_202, %swap3A_203] {strides = array<i32>} : memref<16x128xf32, #tpu.memory_space<vmem>>, vector<16xf32>,
    tpu.vector_store %arg18[%swap3A_202, %swap3A_203], %broadcast_in_dim3A_1 {strides = array<i32>} : memref<16x128xf32, #tpu.memory_space<vmem>>, vector<16xf32>,
    %swap3A_205 = arith.constant 6 : i32
    %swap3A_206 = arith.index_cast %swap3A_205 : i32 to index
    %swap3A_207 = arith.constant 48 : index
    %swap3A_208 = tpu.vector_load %arg18[%swap3A_206, %swap3A_207] {strides = array<i32>} : memref<16x128xf32, #tpu.memory_space<vmem>>, vector<16xf32>,
    tpu.vector_store %arg18[%swap3A_206, %swap3A_207], %broadcast_in_dim3A_1 {strides = array<i32>} : memref<16x128xf32, #tpu.memory_space<vmem>>, vector<16xf32>,
    %swap3A_209 = arith.constant 6 : i32
    %swap3A_210 = arith.index_cast %swap3A_209 : i32 to index
    %swap3A_211 = arith.constant 64 : index
    %swap3A_212 = tpu.vector_load %arg18[%swap3A_210, %swap3A_211] {strides = array<i32>} : memref<16x128xf32, #tpu.memory_space<vmem>>, vector<16xf32>,
    tpu.vector_store %arg18[%swap3A_210, %swap3A_211], %broadcast_in_dim3A_1 {strides = array<i32>} : memref<16x128xf32, #tpu.memory_space<vmem>>, vector<16xf32>,
    %swap3A_213 = arith.constant 6 : i32
    %swap3A_214 = arith.index_cast %swap3A_213 : i32 to index
    %swap3A_215 = arith.constant 80 : index
    %swap3A_216 = tpu.vector_load %arg18[%swap3A_214, %swap3A_215] {strides = array<i32>} : memref<16x128xf32, #tpu.memory_space<vmem>>, vector<16xf32>,
    tpu.vector_store %arg18[%swap3A_214, %swap3A_215], %broadcast_in_dim3A_1 {strides = array<i32>} : memref<16x128xf32, #tpu.memory_space<vmem>>, vector<16xf32>,
    %swap3A_217 = arith.constant 6 : i32
    %swap3A_218 = arith.index_cast %swap3A_217 : i32 to index
    %swap3A_219 = arith.constant 96 : index
    %swap3A_220 = tpu.vector_load %arg18[%swap3A_218, %swap3A_219] {strides = array<i32>} : memref<16x128xf32, #tpu.memory_space<vmem>>, vector<16xf32>,
    tpu.vector_store %arg18[%swap3A_218, %swap3A_219], %broadcast_in_dim3A_1 {strides = array<i32>} : memref<16x128xf32, #tpu.memory_space<vmem>>, vector<16xf32>,
    %swap3A_221 = arith.constant 6 : i32
    %swap3A_222 = arith.index_cast %swap3A_221 : i32 to index
    %swap3A_223 = arith.constant 112 : index
    %swap3A_224 = tpu.vector_load %arg18[%swap3A_222, %swap3A_223] {strides = array<i32>} : memref<16x128xf32, #tpu.memory_space<vmem>>, vector<16xf32>,
    tpu.vector_store %arg18[%swap3A_222, %swap3A_223], %broadcast_in_dim3A_1 {strides = array<i32>} : memref<16x128xf32, #tpu.memory_space<vmem>>, vector<16xf32>,
    %swap3A_225 = arith.constant 7 : i32
    %swap3A_226 = arith.index_cast %swap3A_225 : i32 to index
    %swap3A_227 = arith.constant 0 : index
    %swap3A_228 = tpu.vector_load %arg18[%swap3A_226, %swap3A_227] {strides = array<i32>} : memref<16x128xf32, #tpu.memory_space<vmem>>, vector<16xf32>,
    tpu.vector_store %arg18[%swap3A_226, %swap3A_227], %broadcast_in_dim3A_1 {strides = array<i32>} : memref<16x128xf32, #tpu.memory_space<vmem>>, vector<16xf32>,
    %swap3A_229 = arith.constant 7 : i32
    %swap3A_230 = arith.index_cast %swap3A_229 : i32 to index
    %swap3A_231 = arith.constant 16 : index
    %swap3A_232 = tpu.vector_load %arg18[%swap3A_230, %swap3A_231] {strides = array<i32>} : memref<16x128xf32, #tpu.memory_space<vmem>>, vector<16xf32>,
    tpu.vector_store %arg18[%swap3A_230, %swap3A_231], %broadcast_in_dim3A_1 {strides = array<i32>} : memref<16x128xf32, #tpu.memory_space<vmem>>, vector<16xf32>,
    %swap3A_233 = arith.constant 7 : i32
    %swap3A_234 = arith.index_cast %swap3A_233 : i32 to index
    %swap3A_235 = arith.constant 32 : index
    %swap3A_236 = tpu.vector_load %arg18[%swap3A_234, %swap3A_235] {strides = array<i32>} : memref<16x128xf32, #tpu.memory_space<vmem>>, vector<16xf32>,
    tpu.vector_store %arg18[%swap3A_234, %swap3A_235], %broadcast_in_dim3A_1 {strides = array<i32>} : memref<16x128xf32, #tpu.memory_space<vmem>>, vector<16xf32>,
    %swap3A_237 = arith.constant 7 : i32
    %swap3A_238 = arith.index_cast %swap3A_237 : i32 to index
    %swap3A_239 = arith.constant 48 : index
    %swap3A_240 = tpu.vector_load %arg18[%swap3A_238, %swap3A_239] {strides = array<i32>} : memref<16x128xf32, #tpu.memory_space<vmem>>, vector<16xf32>,
    tpu.vector_store %arg18[%swap3A_238, %swap3A_239], %broadcast_in_dim3A_1 {strides = array<i32>} : memref<16x128xf32, #tpu.memory_space<vmem>>, vector<16xf32>,
    %swap3A_241 = arith.constant 7 : i32
    %swap3A_242 = arith.index_cast %swap3A_241 : i32 to index
    %swap3A_243 = arith.constant 64 : index
    %swap3A_244 = tpu.vector_load %arg18[%swap3A_242, %swap3A_243] {strides = array<i32>} : memref<16x128xf32, #tpu.memory_space<vmem>>, vector<16xf32>,
    tpu.vector_store %arg18[%swap3A_242, %swap3A_243], %broadcast_in_dim3A_1 {strides = array<i32>} : memref<16x128xf32, #tpu.memory_space<vmem>>, vector<16xf32>,
    %swap3A_245 = arith.constant 7 : i32
    %swap3A_246 = arith.index_cast %swap3A_245 : i32 to index
    %swap3A_247 = arith.constant 80 : index
    %swap3A_248 = tpu.vector_load %arg18[%swap3A_246, %swap3A_247] {strides = array<i32>} : memref<16x128xf32, #tpu.memory_space<vmem>>, vector<16xf32>,
    tpu.vector_store %arg18[%swap3A_246, %swap3A_247], %broadcast_in_dim3A_1 {strides = array<i32>} : memref<16x128xf32, #tpu.memory_space<vmem>>, vector<16xf32>,
    %swap3A_249 = arith.constant 7 : i32
    %swap3A_250 = arith.index_cast %swap3A_249 : i32 to index
    %swap3A_251 = arith.constant 96 : index
    %swap3A_252 = tpu.vector_load %arg18[%swap3A_250, %swap3A_251] {strides = array<i32>} : memref<16x128xf32, #tpu.memory_space<vmem>>, vector<16xf32>,
    tpu.vector_store %arg18[%swap3A_250, %swap3A_251], %broadcast_in_dim3A_1 {strides = array<i32>} : memref<16x128xf32, #tpu.memory_space<vmem>>, vector<16xf32>,
    %swap3A_253 = arith.constant 7 : i32
    %swap3A_254 = arith.index_cast %swap3A_253 : i32 to index
    %swap3A_255 = arith.constant 112 : index
    %swap3A_256 = tpu.vector_load %arg18[%swap3A_254, %swap3A_255] {strides = array<i32>} : memref<16x128xf32, #tpu.memory_space<vmem>>, vector<16xf32>,
    tpu.vector_store %arg18[%swap3A_254, %swap3A_255], %broadcast_in_dim3A_1 {strides = array<i32>} : memref<16x128xf32, #tpu.memory_space<vmem>>, vector<16xf32>,
    %swap3A_257 = arith.constant 8 : i32
    %swap3A_258 = arith.index_cast %swap3A_257 : i32 to index
    %swap3A_259 = arith.constant 0 : index
    %swap3A_260 = tpu.vector_load %arg18[%swap3A_258, %swap3A_259] {strides = array<i32>} : memref<16x128xf32, #tpu.memory_space<vmem>>, vector<16xf32>,
    tpu.vector_store %arg18[%swap3A_258, %swap3A_259], %broadcast_in_dim3A_1 {strides = array<i32>} : memref<16x128xf32, #tpu.memory_space<vmem>>, vector<16xf32>,
    %swap3A_261 = arith.constant 8 : i32
    %swap3A_262 = arith.index_cast %swap3A_261 : i32 to index
    %swap3A_263 = arith.constant 16 : index
    %swap3A_264 = tpu.vector_load %arg18[%swap3A_262, %swap3A_263] {strides = array<i32>} : memref<16x128xf32, #tpu.memory_space<vmem>>, vector<16xf32>,
    tpu.vector_store %arg18[%swap3A_262, %swap3A_263], %broadcast_in_dim3A_1 {strides = array<i32>} : memref<16x128xf32, #tpu.memory_space<vmem>>, vector<16xf32>,
    %swap3A_265 = arith.constant 8 : i32
    %swap3A_266 = arith.index_cast %swap3A_265 : i32 to index
    %swap3A_267 = arith.constant 32 : index
    %swap3A_268 = tpu.vector_load %arg18[%swap3A_266, %swap3A_267] {strides = array<i32>} : memref<16x128xf32, #tpu.memory_space<vmem>>, vector<16xf32>,
    tpu.vector_store %arg18[%swap3A_266, %swap3A_267], %broadcast_in_dim3A_1 {strides = array<i32>} : memref<16x128xf32, #tpu.memory_space<vmem>>, vector<16xf32>,
    %swap3A_269 = arith.constant 8 : i32
    %swap3A_270 = arith.index_cast %swap3A_269 : i32 to index
    %swap3A_271 = arith.constant 48 : index
    %swap3A_272 = tpu.vector_load %arg18[%swap3A_270, %swap3A_271] {strides = array<i32>} : memref<16x128xf32, #tpu.memory_space<vmem>>, vector<16xf32>,
    tpu.vector_store %arg18[%swap3A_270, %swap3A_271], %broadcast_in_dim3A_1 {strides = array<i32>} : memref<16x128xf32, #tpu.memory_space<vmem>>, vector<16xf32>,
    %swap3A_273 = arith.constant 8 : i32
    %swap3A_274 = arith.index_cast %swap3A_273 : i32 to index
    %swap3A_275 = arith.constant 64 : index
    %swap3A_276 = tpu.vector_load %arg18[%swap3A_274, %swap3A_275] {strides = array<i32>} : memref<16x128xf32, #tpu.memory_space<vmem>>, vector<16xf32>,
    tpu.vector_store %arg18[%swap3A_274, %swap3A_275], %broadcast_in_dim3A_1 {strides = array<i32>} : memref<16x128xf32, #tpu.memory_space<vmem>>, vector<16xf32>,
    %swap3A_277 = arith.constant 8 : i32
    %swap3A_278 = arith.index_cast %swap3A_277 : i32 to index
    %swap3A_279 = arith.constant 80 : index
    %swap3A_280 = tpu.vector_load %arg18[%swap3A_278, %swap3A_279] {strides = array<i32>} : memref<16x128xf32, #tpu.memory_space<vmem>>, vector<16xf32>,
    tpu.vector_store %arg18[%swap3A_278, %swap3A_279], %broadcast_in_dim3A_1 {strides = array<i32>} : memref<16x128xf32, #tpu.memory_space<vmem>>, vector<16xf32>,
    %swap3A_281 = arith.constant 8 : i32
    %swap3A_282 = arith.index_cast %swap3A_281 : i32 to index
    %swap3A_283 = arith.constant 96 : index
    %swap3A_284 = tpu.vector_load %arg18[%swap3A_282, %swap3A_283] {strides = array<i32>} : memref<16x128xf32, #tpu.memory_space<vmem>>, vector<16xf32>,
    tpu.vector_store %arg18[%swap3A_282, %swap3A_283], %broadcast_in_dim3A_1 {strides = array<i32>} : memref<16x128xf32, #tpu.memory_space<vmem>>, vector<16xf32>,
    %swap3A_285 = arith.constant 8 : i32
    %swap3A_286 = arith.index_cast %swap3A_285 : i32 to index
    %swap3A_287 = arith.constant 112 : index
    %swap3A_288 = tpu.vector_load %arg18[%swap3A_286, %swap3A_287] {strides = array<i32>} : memref<16x128xf32, #tpu.memory_space<vmem>>, vector<16xf32>,
    tpu.vector_store %arg18[%swap3A_286, %swap3A_287], %broadcast_in_dim3A_1 {strides = array<i32>} : memref<16x128xf32, #tpu.memory_space<vmem>>, vector<16xf32>,
    %swap3A_289 = arith.constant 9 : i32
    %swap3A_290 = arith.index_cast %swap3A_289 : i32 to index
    %swap3A_291 = arith.constant 0 : index
    %swap3A_292 = tpu.vector_load %arg18[%swap3A_290, %swap3A_291] {strides = array<i32>} : memref<16x128xf32, #tpu.memory_space<vmem>>, vector<16xf32>,
    tpu.vector_store %arg18[%swap3A_290, %swap3A_291], %broadcast_in_dim3A_1 {strides = array<i32>} : memref<16x128xf32, #tpu.memory_space<vmem>>, vector<16xf32>,
    %swap3A_293 = arith.constant 9 : i32
    %swap3A_294 = arith.index_cast %swap3A_293 : i32 to index
    %swap3A_295 = arith.constant 16 : index
    %swap3A_296 = tpu.vector_load %arg18[%swap3A_294, %swap3A_295] {strides = array<i32>} : memref<16x128xf32, #tpu.memory_space<vmem>>, vector<16xf32>,
    tpu.vector_store %arg18[%swap3A_294, %swap3A_295], %broadcast_in_dim3A_1 {strides = array<i32>} : memref<16x128xf32, #tpu.memory_space<vmem>>, vector<16xf32>,
    %swap3A_297 = arith.constant 9 : i32
    %swap3A_298 = arith.index_cast %swap3A_297 : i32 to index
    %swap3A_299 = arith.constant 32 : index
    %swap3A_300 = tpu.vector_load %arg18[%swap3A_298, %swap3A_299] {strides = array<i32>} : memref<16x128xf32, #tpu.memory_space<vmem>>, vector<16xf32>,
    tpu.vector_store %arg18[%swap3A_298, %swap3A_299], %broadcast_in_dim3A_1 {strides = array<i32>} : memref<16x128xf32, #tpu.memory_space<vmem>>, vector<16xf32>,
    %swap3A_301 = arith.constant 9 : i32
    %swap3A_302 = arith.index_cast %swap3A_301 : i32 to index
    %swap3A_303 = arith.constant 48 : index
    %swap3A_304 = tpu.vector_load %arg18[%swap3A_302, %swap3A_303] {strides = array<i32>} : memref<16x128xf32, #tpu.memory_space<vmem>>, vector<16xf32>,
    tpu.vector_store %arg18[%swap3A_302, %swap3A_303], %broadcast_in_dim3A_1 {strides = array<i32>} : memref<16x128xf32, #tpu.memory_space<vmem>>, vector<16xf32>,
    %swap3A_305 = arith.constant 9 : i32
    %swap3A_306 = arith.index_cast %swap3A_305 : i32 to index
    %swap3A_307 = arith.constant 64 : index
    %swap3A_308 = tpu.vector_load %arg18[%swap3A_306, %swap3A_307] {strides = array<i32>} : memref<16x128xf32, #tpu.memory_space<vmem>>, vector<16xf32>,
    tpu.vector_store %arg18[%swap3A_306, %swap3A_307], %broadcast_in_dim3A_1 {strides = array<i32>} : memref<16x128xf32, #tpu.memory_space<vmem>>, vector<16xf32>,
    %swap3A_309 = arith.constant 9 : i32
    %swap3A_310 = arith.index_cast %swap3A_309 : i32 to index
    %swap3A_311 = arith.constant 80 : index
    %swap3A_312 = tpu.vector_load %arg18[%swap3A_310, %swap3A_311] {strides = array<i32>} : memref<16x128xf32, #tpu.memory_space<vmem>>, vector<16xf32>,
    tpu.vector_store %arg18[%swap3A_310, %swap3A_311], %broadcast_in_dim3A_1 {strides = array<i32>} : memref<16x128xf32, #tpu.memory_space<vmem>>, vector<16xf32>,
    %swap3A_313 = arith.constant 9 : i32
    %swap3A_314 = arith.index_cast %swap3A_313 : i32 to index
    %swap3A_315 = arith.constant 96 : index
    %swap3A_316 = tpu.vector_load %arg18[%swap3A_314, %swap3A_315] {strides = array<i32>} : memref<16x128xf32, #tpu.memory_space<vmem>>, vector<16xf32>,
    tpu.vector_store %arg18[%swap3A_314, %swap3A_315], %broadcast_in_dim3A_1 {strides = array<i32>} : memref<16x128xf32, #tpu.memory_space<vmem>>, vector<16xf32>,
    %swap3A_317 = arith.constant 9 : i32
    %swap3A_318 = arith.index_cast %swap3A_317 : i32 to index
    %swap3A_319 = arith.constant 112 : index
    %swap3A_320 = tpu.vector_load %arg18[%swap3A_318, %swap3A_319] {strides = array<i32>} : memref<16x128xf32, #tpu.memory_space<vmem>>, vector<16xf32>,
    tpu.vector_store %arg18[%swap3A_318, %swap3A_319], %broadcast_in_dim3A_1 {strides = array<i32>} : memref<16x128xf32, #tpu.memory_space<vmem>>, vector<16xf32>,
    %swap3A_321 = arith.constant 10 : i32
    %swap3A_322 = arith.index_cast %swap3A_321 : i32 to index
    %swap3A_323 = arith.constant 0 : index
    %swap3A_324 = tpu.vector_load %arg18[%swap3A_322, %swap3A_323] {strides = array<i32>} : memref<16x128xf32, #tpu.memory_space<vmem>>, vector<16xf32>,
    tpu.vector_store %arg18[%swap3A_322, %swap3A_323], %broadcast_in_dim3A_1 {strides = array<i32>} : memref<16x128xf32, #tpu.memory_space<vmem>>, vector<16xf32>,
    %swap3A_325 = arith.constant 10 : i32
    %swap3A_326 = arith.index_cast %swap3A_325 : i32 to index
    %swap3A_327 = arith.constant 16 : index
    %swap3A_328 = tpu.vector_load %arg18[%swap3A_326, %swap3A_327] {strides = array<i32>} : memref<16x128xf32, #tpu.memory_space<vmem>>, vector<16xf32>,
    tpu.vector_store %arg18[%swap3A_326, %swap3A_327], %broadcast_in_dim3A_1 {strides = array<i32>} : memref<16x128xf32, #tpu.memory_space<vmem>>, vector<16xf32>,
    %swap3A_329 = arith.constant 10 : i32
    %swap3A_330 = arith.index_cast %swap3A_329 : i32 to index
    %swap3A_331 = arith.constant 32 : index
    %swap3A_332 = tpu.vector_load %arg18[%swap3A_330, %swap3A_331] {strides = array<i32>} : memref<16x128xf32, #tpu.memory_space<vmem>>, vector<16xf32>,
    tpu.vector_store %arg18[%swap3A_330, %swap3A_331], %broadcast_in_dim3A_1 {strides = array<i32>} : memref<16x128xf32, #tpu.memory_space<vmem>>, vector<16xf32>,
    %swap3A_333 = arith.constant 10 : i32
    %swap3A_334 = arith.index_cast %swap3A_333 : i32 to index
    %swap3A_335 = arith.constant 48 : index
    %swap3A_336 = tpu.vector_load %arg18[%swap3A_334, %swap3A_335] {strides = array<i32>} : memref<16x128xf32, #tpu.memory_space<vmem>>, vector<16xf32>,
    tpu.vector_store %arg18[%swap3A_334, %swap3A_335], %broadcast_in_dim3A_1 {strides = array<i32>} : memref<16x128xf32, #tpu.memory_space<vmem>>, vector<16xf32>,
    %swap3A_337 = arith.constant 10 : i32
    %swap3A_338 = arith.index_cast %swap3A_337 : i32 to index
    %swap3A_339 = arith.constant 64 : index
    %swap3A_340 = tpu.vector_load %arg18[%swap3A_338, %swap3A_339] {strides = array<i32>} : memref<16x128xf32, #tpu.memory_space<vmem>>, vector<16xf32>,
    tpu.vector_store %arg18[%swap3A_338, %swap3A_339], %broadcast_in_dim3A_1 {strides = array<i32>} : memref<16x128xf32, #tpu.memory_space<vmem>>, vector<16xf32>,
    %swap3A_341 = arith.constant 10 : i32
    %swap3A_342 = arith.index_cast %swap3A_341 : i32 to index
    %swap3A_343 = arith.constant 80 : index
    %swap3A_344 = tpu.vector_load %arg18[%swap3A_342, %swap3A_343] {strides = array<i32>} : memref<16x128xf32, #tpu.memory_space<vmem>>, vector<16xf32>,
    tpu.vector_store %arg18[%swap3A_342, %swap3A_343], %broadcast_in_dim3A_1 {strides = array<i32>} : memref<16x128xf32, #tpu.memory_space<vmem>>, vector<16xf32>,
    %swap3A_345 = arith.constant 10 : i32
    %swap3A_346 = arith.index_cast %swap3A_345 : i32 to index
    %swap3A_347 = arith.constant 96 : index
    %swap3A_348 = tpu.vector_load %arg18[%swap3A_346, %swap3A_347] {strides = array<i32>} : memref<16x128xf32, #tpu.memory_space<vmem>>, vector<16xf32>,
    tpu.vector_store %arg18[%swap3A_346, %swap3A_347], %broadcast_in_dim3A_1 {strides = array<i32>} : memref<16x128xf32, #tpu.memory_space<vmem>>, vector<16xf32>,
    %swap3A_349 = arith.constant 10 : i32
    %swap3A_350 = arith.index_cast %swap3A_349 : i32 to index
    %swap3A_351 = arith.constant 112 : index
    %swap3A_352 = tpu.vector_load %arg18[%swap3A_350, %swap3A_351] {strides = array<i32>} : memref<16x128xf32, #tpu.memory_space<vmem>>, vector<16xf32>,
    tpu.vector_store %arg18[%swap3A_350, %swap3A_351], %broadcast_in_dim3A_1 {strides = array<i32>} : memref<16x128xf32, #tpu.memory_space<vmem>>, vector<16xf32>,
    %swap3A_353 = arith.constant 11 : i32
    %swap3A_354 = arith.index_cast %swap3A_353 : i32 to index
    %swap3A_355 = arith.constant 0 : index
    %swap3A_356 = tpu.vector_load %arg18[%swap3A_354, %swap3A_355] {strides = array<i32>} : memref<16x128xf32, #tpu.memory_space<vmem>>, vector<16xf32>,
    tpu.vector_store %arg18[%swap3A_354, %swap3A_355], %broadcast_in_dim3A_1 {strides = array<i32>} : memref<16x128xf32, #tpu.memory_space<vmem>>, vector<16xf32>,
    %swap3A_357 = arith.constant 11 : i32
    %swap3A_358 = arith.index_cast %swap3A_357 : i32 to index
    %swap3A_359 = arith.constant 16 : index
    %swap3A_360 = tpu.vector_load %arg18[%swap3A_358, %swap3A_359] {strides = array<i32>} : memref<16x128xf32, #tpu.memory_space<vmem>>, vector<16xf32>,
    tpu.vector_store %arg18[%swap3A_358, %swap3A_359], %broadcast_in_dim3A_1 {strides = array<i32>} : memref<16x128xf32, #tpu.memory_space<vmem>>, vector<16xf32>,
    %swap3A_361 = arith.constant 11 : i32
    %swap3A_362 = arith.index_cast %swap3A_361 : i32 to index
    %swap3A_363 = arith.constant 32 : index
    %swap3A_364 = tpu.vector_load %arg18[%swap3A_362, %swap3A_363] {strides = array<i32>} : memref<16x128xf32, #tpu.memory_space<vmem>>, vector<16xf32>,
    tpu.vector_store %arg18[%swap3A_362, %swap3A_363], %broadcast_in_dim3A_1 {strides = array<i32>} : memref<16x128xf32, #tpu.memory_space<vmem>>, vector<16xf32>,
    %swap3A_365 = arith.constant 11 : i32
    %swap3A_366 = arith.index_cast %swap3A_365 : i32 to index
    %swap3A_367 = arith.constant 48 : index
    %swap3A_368 = tpu.vector_load %arg18[%swap3A_366, %swap3A_367] {strides = array<i32>} : memref<16x128xf32, #tpu.memory_space<vmem>>, vector<16xf32>,
    tpu.vector_store %arg18[%swap3A_366, %swap3A_367], %broadcast_in_dim3A_1 {strides = array<i32>} : memref<16x128xf32, #tpu.memory_space<vmem>>, vector<16xf32>,
    %swap3A_369 = arith.constant 11 : i32
    %swap3A_370 = arith.index_cast %swap3A_369 : i32 to index
    %swap3A_371 = arith.constant 64 : index
    %swap3A_372 = tpu.vector_load %arg18[%swap3A_370, %swap3A_371] {strides = array<i32>} : memref<16x128xf32, #tpu.memory_space<vmem>>, vector<16xf32>,
    tpu.vector_store %arg18[%swap3A_370, %swap3A_371], %broadcast_in_dim3A_1 {strides = array<i32>} : memref<16x128xf32, #tpu.memory_space<vmem>>, vector<16xf32>,
    %swap3A_373 = arith.constant 11 : i32
    %swap3A_374 = arith.index_cast %swap3A_373 : i32 to index
    %swap3A_375 = arith.constant 80 : index
    %swap3A_376 = tpu.vector_load %arg18[%swap3A_374, %swap3A_375] {strides = array<i32>} : memref<16x128xf32, #tpu.memory_space<vmem>>, vector<16xf32>,
    tpu.vector_store %arg18[%swap3A_374, %swap3A_375], %broadcast_in_dim3A_1 {strides = array<i32>} : memref<16x128xf32, #tpu.memory_space<vmem>>, vector<16xf32>,
    %swap3A_377 = arith.constant 11 : i32
    %swap3A_378 = arith.index_cast %swap3A_377 : i32 to index
    %swap3A_379 = arith.constant 96 : index
    %swap3A_380 = tpu.vector_load %arg18[%swap3A_378, %swap3A_379] {strides = array<i32>} : memref<16x128xf32, #tpu.memory_space<vmem>>, vector<16xf32>,
    tpu.vector_store %arg18[%swap3A_378, %swap3A_379], %broadcast_in_dim3A_1 {strides = array<i32>} : memref<16x128xf32, #tpu.memory_space<vmem>>, vector<16xf32>,
    %swap3A_381 = arith.constant 11 : i32
    %swap3A_382 = arith.index_cast %swap3A_381 : i32 to index
    %swap3A_383 = arith.constant 112 : index
    %swap3A_384 = tpu.vector_load %arg18[%swap3A_382, %swap3A_383] {strides = array<i32>} : memref<16x128xf32, #tpu.memory_space<vmem>>, vector<16xf32>,
    tpu.vector_store %arg18[%swap3A_382, %swap3A_383], %broadcast_in_dim3A_1 {strides = array<i32>} : memref<16x128xf32, #tpu.memory_space<vmem>>, vector<16xf32>,
    %swap3A_385 = arith.constant 12 : i32
    %swap3A_386 = arith.index_cast %swap3A_385 : i32 to index
    %swap3A_387 = arith.constant 0 : index
    %swap3A_388 = tpu.vector_load %arg18[%swap3A_386, %swap3A_387] {strides = array<i32>} : memref<16x128xf32, #tpu.memory_space<vmem>>, vector<16xf32>,
    tpu.vector_store %arg18[%swap3A_386, %swap3A_387], %broadcast_in_dim3A_1 {strides = array<i32>} : memref<16x128xf32, #tpu.memory_space<vmem>>, vector<16xf32>,
    %swap3A_389 = arith.constant 12 : i32
    %swap3A_390 = arith.index_cast %swap3A_389 : i32 to index
    %swap3A_391 = arith.constant 16 : index
    %swap3A_392 = tpu.vector_load %arg18[%swap3A_390, %swap3A_391] {strides = array<i32>} : memref<16x128xf32, #tpu.memory_space<vmem>>, vector<16xf32>,
    tpu.vector_store %arg18[%swap3A_390, %swap3A_391], %broadcast_in_dim3A_1 {strides = array<i32>} : memref<16x128xf32, #tpu.memory_space<vmem>>, vector<16xf32>,
    %swap3A_393 = arith.constant 12 : i32
    %swap3A_394 = arith.index_cast %swap3A_393 : i32 to index
    %swap3A_395 = arith.constant 32 : index
    %swap3A_396 = tpu.vector_load %arg18[%swap3A_394, %swap3A_395] {strides = array<i32>} : memref<16x128xf32, #tpu.memory_space<vmem>>, vector<16xf32>,
    tpu.vector_store %arg18[%swap3A_394, %swap3A_395], %broadcast_in_dim3A_1 {strides = array<i32>} : memref<16x128xf32, #tpu.memory_space<vmem>>, vector<16xf32>,
    %swap3A_397 = arith.constant 12 : i32
    %swap3A_398 = arith.index_cast %swap3A_397 : i32 to index
    %swap3A_399 = arith.constant 48 : index
    %swap3A_400 = tpu.vector_load %arg18[%swap3A_398, %swap3A_399] {strides = array<i32>} : memref<16x128xf32, #tpu.memory_space<vmem>>, vector<16xf32>,
    tpu.vector_store %arg18[%swap3A_398, %swap3A_399], %broadcast_in_dim3A_1 {strides = array<i32>} : memref<16x128xf32, #tpu.memory_space<vmem>>, vector<16xf32>,
    %swap3A_401 = arith.constant 12 : i32
    %swap3A_402 = arith.index_cast %swap3A_401 : i32 to index
    %swap3A_403 = arith.constant 64 : index
    %swap3A_404 = tpu.vector_load %arg18[%swap3A_402, %swap3A_403] {strides = array<i32>} : memref<16x128xf32, #tpu.memory_space<vmem>>, vector<16xf32>,
    tpu.vector_store %arg18[%swap3A_402, %swap3A_403], %broadcast_in_dim3A_1 {strides = array<i32>} : memref<16x128xf32, #tpu.memory_space<vmem>>, vector<16xf32>,
    %swap3A_405 = arith.constant 12 : i32
    %swap3A_406 = arith.index_cast %swap3A_405 : i32 to index
    %swap3A_407 = arith.constant 80 : index
    %swap3A_408 = tpu.vector_load %arg18[%swap3A_406, %swap3A_407] {strides = array<i32>} : memref<16x128xf32, #tpu.memory_space<vmem>>, vector<16xf32>,
    tpu.vector_store %arg18[%swap3A_406, %swap3A_407], %broadcast_in_dim3A_1 {strides = array<i32>} : memref<16x128xf32, #tpu.memory_space<vmem>>, vector<16xf32>,
    %swap3A_409 = arith.constant 12 : i32
    %swap3A_410 = arith.index_cast %swap3A_409 : i32 to index
    %swap3A_411 = arith.constant 96 : index
    %swap3A_412 = tpu.vector_load %arg18[%swap3A_410, %swap3A_411] {strides = array<i32>} : memref<16x128xf32, #tpu.memory_space<vmem>>, vector<16xf32>,
    tpu.vector_store %arg18[%swap3A_410, %swap3A_411], %broadcast_in_dim3A_1 {strides = array<i32>} : memref<16x128xf32, #tpu.memory_space<vmem>>, vector<16xf32>,
    %swap3A_413 = arith.constant 12 : i32
    %swap3A_414 = arith.index_cast %swap3A_413 : i32 to index
    %swap3A_415 = arith.constant 112 : index
    %swap3A_416 = tpu.vector_load %arg18[%swap3A_414, %swap3A_415] {strides = array<i32>} : memref<16x128xf32, #tpu.memory_space<vmem>>, vector<16xf32>,
    tpu.vector_store %arg18[%swap3A_414, %swap3A_415], %broadcast_in_dim3A_1 {strides = array<i32>} : memref<16x128xf32, #tpu.memory_space<vmem>>, vector<16xf32>,
    %swap3A_417 = arith.constant 13 : i32
    %swap3A_418 = arith.index_cast %swap3A_417 : i32 to index
    %swap3A_419 = arith.constant 0 : index
    %swap3A_420 = tpu.vector_load %arg18[%swap3A_418, %swap3A_419] {strides = array<i32>} : memref<16x128xf32, #tpu.memory_space<vmem>>, vector<16xf32>,
    tpu.vector_store %arg18[%swap3A_418, %swap3A_419], %broadcast_in_dim3A_1 {strides = array<i32>} : memref<16x128xf32, #tpu.memory_space<vmem>>, vector<16xf32>,
    %swap3A_421 = arith.constant 13 : i32
    %swap3A_422 = arith.index_cast %swap3A_421 : i32 to index
    %swap3A_423 = arith.constant 16 : index
    %swap3A_424 = tpu.vector_load %arg18[%swap3A_422, %swap3A_423] {strides = array<i32>} : memref<16x128xf32, #tpu.memory_space<vmem>>, vector<16xf32>,
    tpu.vector_store %arg18[%swap3A_422, %swap3A_423], %broadcast_in_dim3A_1 {strides = array<i32>} : memref<16x128xf32, #tpu.memory_space<vmem>>, vector<16xf32>,
    %swap3A_425 = arith.constant 13 : i32
    %swap3A_426 = arith.index_cast %swap3A_425 : i32 to index
    %swap3A_427 = arith.constant 32 : index
    %swap3A_428 = tpu.vector_load %arg18[%swap3A_426, %swap3A_427] {strides = array<i32>} : memref<16x128xf32, #tpu.memory_space<vmem>>, vector<16xf32>,
    tpu.vector_store %arg18[%swap3A_426, %swap3A_427], %broadcast_in_dim3A_1 {strides = array<i32>} : memref<16x128xf32, #tpu.memory_space<vmem>>, vector<16xf32>,
    %swap3A_429 = arith.constant 13 : i32
    %swap3A_430 = arith.index_cast %swap3A_429 : i32 to index
    %swap3A_431 = arith.constant 48 : index
    %swap3A_432 = tpu.vector_load %arg18[%swap3A_430, %swap3A_431] {strides = array<i32>} : memref<16x128xf32, #tpu.memory_space<vmem>>, vector<16xf32>,
    tpu.vector_store %arg18[%swap3A_430, %swap3A_431], %broadcast_in_dim3A_1 {strides = array<i32>} : memref<16x128xf32, #tpu.memory_space<vmem>>, vector<16xf32>,
    %swap3A_433 = arith.constant 13 : i32
    %swap3A_434 = arith.index_cast %swap3A_433 : i32 to index
    %swap3A_435 = arith.constant 64 : index
    %swap3A_436 = tpu.vector_load %arg18[%swap3A_434, %swap3A_435] {strides = array<i32>} : memref<16x128xf32, #tpu.memory_space<vmem>>, vector<16xf32>,
    tpu.vector_store %arg18[%swap3A_434, %swap3A_435], %broadcast_in_dim3A_1 {strides = array<i32>} : memref<16x128xf32, #tpu.memory_space<vmem>>, vector<16xf32>,
    %swap3A_437 = arith.constant 13 : i32
    %swap3A_438 = arith.index_cast %swap3A_437 : i32 to index
    %swap3A_439 = arith.constant 80 : index
    %swap3A_440 = tpu.vector_load %arg18[%swap3A_438, %swap3A_439] {strides = array<i32>} : memref<16x128xf32, #tpu.memory_space<vmem>>, vector<16xf32>,
    tpu.vector_store %arg18[%swap3A_438, %swap3A_439], %broadcast_in_dim3A_1 {strides = array<i32>} : memref<16x128xf32, #tpu.memory_space<vmem>>, vector<16xf32>,
    %swap3A_441 = arith.constant 13 : i32
    %swap3A_442 = arith.index_cast %swap3A_441 : i32 to index
    %swap3A_443 = arith.constant 96 : index
    %swap3A_444 = tpu.vector_load %arg18[%swap3A_442, %swap3A_443] {strides = array<i32>} : memref<16x128xf32, #tpu.memory_space<vmem>>, vector<16xf32>,
    tpu.vector_store %arg18[%swap3A_442, %swap3A_443], %broadcast_in_dim3A_1 {strides = array<i32>} : memref<16x128xf32, #tpu.memory_space<vmem>>, vector<16xf32>,
    %swap3A_445 = arith.constant 13 : i32
    %swap3A_446 = arith.index_cast %swap3A_445 : i32 to index
    %swap3A_447 = arith.constant 112 : index
    %swap3A_448 = tpu.vector_load %arg18[%swap3A_446, %swap3A_447] {strides = array<i32>} : memref<16x128xf32, #tpu.memory_space<vmem>>, vector<16xf32>,
    tpu.vector_store %arg18[%swap3A_446, %swap3A_447], %broadcast_in_dim3A_1 {strides = array<i32>} : memref<16x128xf32, #tpu.memory_space<vmem>>, vector<16xf32>,
    %swap3A_449 = arith.constant 14 : i32
    %swap3A_450 = arith.index_cast %swap3A_449 : i32 to index
    %swap3A_451 = arith.constant 0 : index
    %swap3A_452 = tpu.vector_load %arg18[%swap3A_450, %swap3A_451] {strides = array<i32>} : memref<16x128xf32, #tpu.memory_space<vmem>>, vector<16xf32>,
    tpu.vector_store %arg18[%swap3A_450, %swap3A_451], %broadcast_in_dim3A_1 {strides = array<i32>} : memref<16x128xf32, #tpu.memory_space<vmem>>, vector<16xf32>,
    %swap3A_453 = arith.constant 14 : i32
    %swap3A_454 = arith.index_cast %swap3A_453 : i32 to index
    %swap3A_455 = arith.constant 16 : index
    %swap3A_456 = tpu.vector_load %arg18[%swap3A_454, %swap3A_455] {strides = array<i32>} : memref<16x128xf32, #tpu.memory_space<vmem>>, vector<16xf32>,
    tpu.vector_store %arg18[%swap3A_454, %swap3A_455], %broadcast_in_dim3A_1 {strides = array<i32>} : memref<16x128xf32, #tpu.memory_space<vmem>>, vector<16xf32>,
    %swap3A_457 = arith.constant 14 : i32
    %swap3A_458 = arith.index_cast %swap3A_457 : i32 to index
    %swap3A_459 = arith.constant 32 : index
    %swap3A_460 = tpu.vector_load %arg18[%swap3A_458, %swap3A_459] {strides = array<i32>} : memref<16x128xf32, #tpu.memory_space<vmem>>, vector<16xf32>,
    tpu.vector_store %arg18[%swap3A_458, %swap3A_459], %broadcast_in_dim3A_1 {strides = array<i32>} : memref<16x128xf32, #tpu.memory_space<vmem>>, vector<16xf32>,
    %swap3A_461 = arith.constant 14 : i32
    %swap3A_462 = arith.index_cast %swap3A_461 : i32 to index
    %swap3A_463 = arith.constant 48 : index
    %swap3A_464 = tpu.vector_load %arg18[%swap3A_462, %swap3A_463] {strides = array<i32>} : memref<16x128xf32, #tpu.memory_space<vmem>>, vector<16xf32>,
    tpu.vector_store %arg18[%swap3A_462, %swap3A_463], %broadcast_in_dim3A_1 {strides = array<i32>} : memref<16x128xf32, #tpu.memory_space<vmem>>, vector<16xf32>,
    %swap3A_465 = arith.constant 14 : i32
    %swap3A_466 = arith.index_cast %swap3A_465 : i32 to index
    %swap3A_467 = arith.constant 64 : index
    %swap3A_468 = tpu.vector_load %arg18[%swap3A_466, %swap3A_467] {strides = array<i32>} : memref<16x128xf32, #tpu.memory_space<vmem>>, vector<16xf32>,
    tpu.vector_store %arg18[%swap3A_466, %swap3A_467], %broadcast_in_dim3A_1 {strides = array<i32>} : memref<16x128xf32, #tpu.memory_space<vmem>>, vector<16xf32>,
    %swap3A_469 = arith.constant 14 : i32
    %swap3A_470 = arith.index_cast %swap3A_469 : i32 to index
    %swap3A_471 = arith.constant 80 : index
    %swap3A_472 = tpu.vector_load %arg18[%swap3A_470, %swap3A_471] {strides = array<i32>} : memref<16x128xf32, #tpu.memory_space<vmem>>, vector<16xf32>,
    tpu.vector_store %arg18[%swap3A_470, %swap3A_471], %broadcast_in_dim3A_1 {strides = array<i32>} : memref<16x128xf32, #tpu.memory_space<vmem>>, vector<16xf32>,
    %swap3A_473 = arith.constant 14 : i32
    %swap3A_474 = arith.index_cast %swap3A_473 : i32 to index
    %swap3A_475 = arith.constant 96 : index
    %swap3A_476 = tpu.vector_load %arg18[%swap3A_474, %swap3A_475] {strides = array<i32>} : memref<16x128xf32, #tpu.memory_space<vmem>>, vector<16xf32>,
    tpu.vector_store %arg18[%swap3A_474, %swap3A_475], %broadcast_in_dim3A_1 {strides = array<i32>} : memref<16x128xf32, #tpu.memory_space<vmem>>, vector<16xf32>,
    %swap3A_477 = arith.constant 14 : i32
    %swap3A_478 = arith.index_cast %swap3A_477 : i32 to index
    %swap3A_479 = arith.constant 112 : index
    %swap3A_480 = tpu.vector_load %arg18[%swap3A_478, %swap3A_479] {strides = array<i32>} : memref<16x128xf32, #tpu.memory_space<vmem>>, vector<16xf32>,
    tpu.vector_store %arg18[%swap3A_478, %swap3A_479], %broadcast_in_dim3A_1 {strides = array<i32>} : memref<16x128xf32, #tpu.memory_space<vmem>>, vector<16xf32>,
    %swap3A_481 = arith.constant 15 : i32
    %swap3A_482 = arith.index_cast %swap3A_481 : i32 to index
    %swap3A_483 = arith.constant 0 : index
    %swap3A_484 = tpu.vector_load %arg18[%swap3A_482, %swap3A_483] {strides = array<i32>} : memref<16x128xf32, #tpu.memory_space<vmem>>, vector<16xf32>,
    tpu.vector_store %arg18[%swap3A_482, %swap3A_483], %broadcast_in_dim3A_1 {strides = array<i32>} : memref<16x128xf32, #tpu.memory_space<vmem>>, vector<16xf32>,
    %swap3A_485 = arith.constant 15 : i32
    %swap3A_486 = arith.index_cast %swap3A_485 : i32 to index
    %swap3A_487 = arith.constant 16 : index
    %swap3A_488 = tpu.vector_load %arg18[%swap3A_486, %swap3A_487] {strides = array<i32>} : memref<16x128xf32, #tpu.memory_space<vmem>>, vector<16xf32>,
    tpu.vector_store %arg18[%swap3A_486, %swap3A_487], %broadcast_in_dim3A_1 {strides = array<i32>} : memref<16x128xf32, #tpu.memory_space<vmem>>, vector<16xf32>,
    %swap3A_489 = arith.constant 15 : i32
    %swap3A_490 = arith.index_cast %swap3A_489 : i32 to index
    %swap3A_491 = arith.constant 32 : index
    %swap3A_492 = tpu.vector_load %arg18[%swap3A_490, %swap3A_491] {strides = array<i32>} : memref<16x128xf32, #tpu.memory_space<vmem>>, vector<16xf32>,
    tpu.vector_store %arg18[%swap3A_490, %swap3A_491], %broadcast_in_dim3A_1 {strides = array<i32>} : memref<16x128xf32, #tpu.memory_space<vmem>>, vector<16xf32>,
    %swap3A_493 = arith.constant 15 : i32
    %swap3A_494 = arith.index_cast %swap3A_493 : i32 to index
    %swap3A_495 = arith.constant 48 : index
    %swap3A_496 = tpu.vector_load %arg18[%swap3A_494, %swap3A_495] {strides = array<i32>} : memref<16x128xf32, #tpu.memory_space<vmem>>, vector<16xf32>,
    tpu.vector_store %arg18[%swap3A_494, %swap3A_495], %broadcast_in_dim3A_1 {strides = array<i32>} : memref<16x128xf32, #tpu.memory_space<vmem>>, vector<16xf32>,
    %swap3A_497 = arith.constant 15 : i32
    %swap3A_498 = arith.index_cast %swap3A_497 : i32 to index
    %swap3A_499 = arith.constant 64 : index
    %swap3A_500 = tpu.vector_load %arg18[%swap3A_498, %swap3A_499] {strides = array<i32>} : memref<16x128xf32, #tpu.memory_space<vmem>>, vector<16xf32>,
    tpu.vector_store %arg18[%swap3A_498, %swap3A_499], %broadcast_in_dim3A_1 {strides = array<i32>} : memref<16x128xf32, #tpu.memory_space<vmem>>, vector<16xf32>,
    %swap3A_501 = arith.constant 15 : i32
    %swap3A_502 = arith.index_cast %swap3A_501 : i32 to index
    %swap3A_503 = arith.constant 80 : index
    %swap3A_504 = tpu.vector_load %arg18[%swap3A_502, %swap3A_503] {strides = array<i32>} : memref<16x128xf32, #tpu.memory_space<vmem>>, vector<16xf32>,
    tpu.vector_store %arg18[%swap3A_502, %swap3A_503], %broadcast_in_dim3A_1 {strides = array<i32>} : memref<16x128xf32, #tpu.memory_space<vmem>>, vector<16xf32>,
    %swap3A_505 = arith.constant 15 : i32
    %swap3A_506 = arith.index_cast %swap3A_505 : i32 to index
    %swap3A_507 = arith.constant 96 : index
    %swap3A_508 = tpu.vector_load %arg18[%swap3A_506, %swap3A_507] {strides = array<i32>} : memref<16x128xf32, #tpu.memory_space<vmem>>, vector<16xf32>,
    tpu.vector_store %arg18[%swap3A_506, %swap3A_507], %broadcast_in_dim3A_1 {strides = array<i32>} : memref<16x128xf32, #tpu.memory_space<vmem>>, vector<16xf32>,
    %swap3A_509 = arith.constant 15 : i32
    %swap3A_510 = arith.index_cast %swap3A_509 : i32 to index
    %swap3A_511 = arith.constant 112 : index
    %swap3A_512 = tpu.vector_load %arg18[%swap3A_510, %swap3A_511] {strides = array<i32>} : memref<16x128xf32, #tpu.memory_space<vmem>>, vector<16xf32>,
    tpu.vector_store %arg18[%swap3A_510, %swap3A_511], %broadcast_in_dim3A_1 {strides = array<i32>} : memref<16x128xf32, #tpu.memory_space<vmem>>, vector<16xf32>,
    %scan3A = arith.constant 0 : i32
    %scan3A_513 = arith.constant 40 : i32
    %scan3A_514 = arith.addi %scan3A, %scan3A_513 : i32
    %scan3A_515 = arith.constant 1 : i32
    scf.for %scan3A_545 = %scan3A to %scan3A_514 step %scan3A_515  : i32 {
      %mul3A_546 = arith.constant 1 : i32
      %mul3A_547 = arith.muli %scan3A_545, %mul3A_546 : i32
      %add3A = arith.constant 0 : i32
      %add3A_548 = arith.addi %add3A, %mul3A_547 : i32
      %mul3A_549 = arith.constant 640 : i32
      %mul3A_550 = arith.muli %arg1, %mul3A_549 : i32
      %mul3A_551 = arith.constant 16 : i32
      %mul3A_552 = arith.muli %add3A_548, %mul3A_551 : i32
      %add3A_553 = arith.addi %mul3A_550, %mul3A_552 : i32
      %add3A_554 = vector.broadcast %add3A_553 : i32 to vector<16xi32>
      %add3A_555 = arith.addi %add3A_554, %iota3A : vector<16xi32>
      %swap3A_556 = arith.constant 0 : index
      %swap3A_557 = tpu.vector_load %arg16[%swap3A_556] {strides = array<i32>} : memref<16xi32, #tpu.memory_space<vmem>>, vector<16xi32>,
      tpu.vector_store %arg16[%swap3A_556], %add3A_555 {strides = array<i32>} : memref<16xi32, #tpu.memory_space<vmem>>, vector<16xi32>,
      %dma_start3A = arith.constant 0 : i32
      %dma_start3A_558 = arith.constant 0 : i32
      %dma_start3A_559 = tpu.memref_slice %arg19[%dma_start3A, %dma_start3A_558] : memref<10240x128xf32, #tpu.memory_space<vmem_shared>> -> memref<10240x128xf32, #tpu.memory_space<vmem_shared>>
      tpu.enqueue_indirect_dma source(%arg18 : memref<16x128xf32, #tpu.memory_space<vmem>>) target(%dma_start3A_559 : memref<10240x128xf32, #tpu.memory_space<vmem_shared>>) offsets(%arg16 : memref<16xi32, #tpu.memory_space<vmem>>) semaphore(%arg20 : memref<!tpu.dma_semaphore, #tpu.memory_space<semaphore_mem>>)
      %dma_wait3A = arith.constant 0 : i32
      %dma_wait3A_560 = arith.constant 0 : i32
      %dma_wait3A_561 = tpu.memref_slice %arg19[%dma_wait3A, %dma_wait3A_560] : memref<10240x128xf32, #tpu.memory_space<vmem_shared>> -> memref<10240x128xf32, #tpu.memory_space<vmem_shared>>
      tpu.wait_indirect_dma semaphore(%arg20 : memref<!tpu.dma_semaphore, #tpu.memory_space<semaphore_mem>>) src(%arg18 : memref<16x128xf32, #tpu.memory_space<vmem>>) dst(%dma_wait3A_561 : memref<10240x128xf32, #tpu.memory_space<vmem_shared>>)
    }
    %scan3A_516 = arith.constant 40 : i32
    %barrier3A = arith.constant 0 : index
    tpu.barrier barrier_id(%barrier3A)
    %scan3A_517 = arith.constant 0 : i32
    %scan3A_518 = arith.constant 157 : i32
    %scan3A_519 = arith.addi %scan3A_517, %scan3A_518 : i32
    %scan3A_520 = arith.constant 1 : i32
    scf.for %scan3A_545 = %scan3A_517 to %scan3A_519 step %scan3A_520  : i32 {
      %mul3A_546 = arith.constant 1 : i32
      %mul3A_547 = arith.muli %scan3A_545, %mul3A_546 : i32
      %add3A = arith.constant 0 : i32
      %add3A_548 = arith.addi %add3A, %mul3A_547 : i32
      %mul3A_549 = arith.constant 10048 : i32
      %mul3A_550 = arith.muli %arg1, %mul3A_549 : i32
      %mul3A_551 = arith.constant 64 : i32
      %mul3A_552 = arith.muli %add3A_548, %mul3A_551 : i32
      %add3A_553 = arith.addi %mul3A_550, %mul3A_552 : i32
      "tpu.region"() ({
        %run_scoped3A = tpu.sem_alloc : memref<!tpu.dma_semaphore, #tpu.memory_space<semaphore_mem>>
        %dma_start3A_631 = tpu.memref_slice %arg5[%add3A_553] : memref<160768xi32, #tpu.memory_space<hbm>> -> memref<64xi32, #tpu.memory_space<hbm>>
        %dma_start3A_632 = tpu.memref_slice %arg5[%add3A_553] : memref<160768xi32, #tpu.memory_space<hbm>> -> memref<64xi32, #tpu.memory_space<hbm>>
        tpu.enqueue_dma source(%dma_start3A_632 : memref<64xi32, #tpu.memory_space<hbm>>) target(%arg9 : memref<64xi32, #tpu.memory_space<vmem>>) target_semaphore(%run_scoped3A : memref<!tpu.dma_semaphore, #tpu.memory_space<semaphore_mem>>)
        %dma_wait3A_633 = tpu.memref_slice %arg5[%add3A_553] : memref<160768xi32, #tpu.memory_space<hbm>> -> memref<64xi32, #tpu.memory_space<hbm>>
        %dma_wait3A_634 = tpu.memref_slice %arg5[%add3A_553] : memref<160768xi32, #tpu.memory_space<hbm>> -> memref<64xi32, #tpu.memory_space<hbm>>
        tpu.wait_dma2 semaphore(%run_scoped3A : memref<!tpu.dma_semaphore, #tpu.memory_space<semaphore_mem>>) src(%dma_wait3A_634 : memref<64xi32, #tpu.memory_space<hbm>>) dst(%arg9 : memref<64xi32, #tpu.memory_space<vmem>>)
        tpu.yield
      }) : () -> ()
      "tpu.region"() ({
        %run_scoped3A = tpu.sem_alloc : memref<!tpu.dma_semaphore, #tpu.memory_space<semaphore_mem>>
        %dma_start3A_631 = tpu.memref_slice %arg6[%add3A_553] : memref<160768xi32, #tpu.memory_space<hbm>> -> memref<64xi32, #tpu.memory_space<hbm>>
        %dma_start3A_632 = tpu.memref_slice %arg6[%add3A_553] : memref<160768xi32, #tpu.memory_space<hbm>> -> memref<64xi32, #tpu.memory_space<hbm>>
        tpu.enqueue_dma source(%dma_start3A_632 : memref<64xi32, #tpu.memory_space<hbm>>) target(%arg10 : memref<64xi32, #tpu.memory_space<vmem>>) target_semaphore(%run_scoped3A : memref<!tpu.dma_semaphore, #tpu.memory_space<semaphore_mem>>)
        %dma_wait3A_633 = tpu.memref_slice %arg6[%add3A_553] : memref<160768xi32, #tpu.memory_space<hbm>> -> memref<64xi32, #tpu.memory_space<hbm>>
        %dma_wait3A_634 = tpu.memref_slice %arg6[%add3A_553] : memref<160768xi32, #tpu.memory_space<hbm>> -> memref<64xi32, #tpu.memory_space<hbm>>
        tpu.wait_dma2 semaphore(%run_scoped3A : memref<!tpu.dma_semaphore, #tpu.memory_space<semaphore_mem>>) src(%dma_wait3A_634 : memref<64xi32, #tpu.memory_space<hbm>>) dst(%arg10 : memref<64xi32, #tpu.memory_space<vmem>>)
        tpu.yield
      }) : () -> ()
      %get3A = arith.constant 0 : index
      %get3A_554 = tpu.vector_load %arg9[%get3A] {strides = array<i32>} : memref<64xi32, #tpu.memory_space<vmem>>, vector<16xi32>,
      %add3A_555 = vector.broadcast %mul3A_0 : i32 to vector<16xi32>
      %add3A_556 = arith.addi %get3A_554, %add3A_555 : vector<16xi32>
      %swap3A_557 = arith.constant 0 : index
      %swap3A_558 = tpu.vector_load %arg9[%swap3A_557] {strides = array<i32>} : memref<64xi32, #tpu.memory_space<vmem>>, vector<16xi32>,
      tpu.vector_store %arg9[%swap3A_557], %add3A_556 {strides = array<i32>} : memref<64xi32, #tpu.memory_space<vmem>>, vector<16xi32>,
      %get3A_559 = arith.constant 0 : index
      %get3A_560 = tpu.vector_load %arg10[%get3A_559] {strides = array<i32>} : memref<64xi32, #tpu.memory_space<vmem>>, vector<16xi32>,
      %add3A_561 = vector.broadcast %mul3A_0 : i32 to vector<16xi32>
      %add3A_562 = arith.addi %get3A_560, %add3A_561 : vector<16xi32>
      %swap3A_563 = arith.constant 0 : index
      %swap3A_564 = tpu.vector_load %arg11[%swap3A_563] {strides = array<i32>} : memref<64xi32, #tpu.memory_space<vmem>>, vector<16xi32>,
      tpu.vector_store %arg11[%swap3A_563], %add3A_562 {strides = array<i32>} : memref<64xi32, #tpu.memory_space<vmem>>, vector<16xi32>,
      %get3A_565 = arith.constant 16 : index
      %get3A_566 = tpu.vector_load %arg9[%get3A_565] {strides = array<i32>} : memref<64xi32, #tpu.memory_space<vmem>>, vector<16xi32>,
      %add3A_567 = vector.broadcast %mul3A_0 : i32 to vector<16xi32>
      %add3A_568 = arith.addi %get3A_566, %add3A_567 : vector<16xi32>
      %swap3A_569 = arith.constant 16 : index
      %swap3A_570 = tpu.vector_load %arg9[%swap3A_569] {strides = array<i32>} : memref<64xi32, #tpu.memory_space<vmem>>, vector<16xi32>,
      tpu.vector_store %arg9[%swap3A_569], %add3A_568 {strides = array<i32>} : memref<64xi32, #tpu.memory_space<vmem>>, vector<16xi32>,
      %get3A_571 = arith.constant 16 : index
      %get3A_572 = tpu.vector_load %arg10[%get3A_571] {strides = array<i32>} : memref<64xi32, #tpu.memory_space<vmem>>, vector<16xi32>,
      %add3A_573 = vector.broadcast %mul3A_0 : i32 to vector<16xi32>
      %add3A_574 = arith.addi %get3A_572, %add3A_573 : vector<16xi32>
      %swap3A_575 = arith.constant 16 : index
      %swap3A_576 = tpu.vector_load %arg11[%swap3A_575] {strides = array<i32>} : memref<64xi32, #tpu.memory_space<vmem>>, vector<16xi32>,
      tpu.vector_store %arg11[%swap3A_575], %add3A_574 {strides = array<i32>} : memref<64xi32, #tpu.memory_space<vmem>>, vector<16xi32>,
      %get3A_577 = arith.constant 32 : index
      %get3A_578 = tpu.vector_load %arg9[%get3A_577] {strides = array<i32>} : memref<64xi32, #tpu.memory_space<vmem>>, vector<16xi32>,
      %add3A_579 = vector.broadcast %mul3A_0 : i32 to vector<16xi32>
      %add3A_580 = arith.addi %get3A_578, %add3A_579 : vector<16xi32>
      %swap3A_581 = arith.constant 32 : index
      %swap3A_582 = tpu.vector_load %arg9[%swap3A_581] {strides = array<i32>} : memref<64xi32, #tpu.memory_space<vmem>>, vector<16xi32>,
      tpu.vector_store %arg9[%swap3A_581], %add3A_580 {strides = array<i32>} : memref<64xi32, #tpu.memory_space<vmem>>, vector<16xi32>,
      %get3A_583 = arith.constant 32 : index
      %get3A_584 = tpu.vector_load %arg10[%get3A_583] {strides = array<i32>} : memref<64xi32, #tpu.memory_space<vmem>>, vector<16xi32>,
      %add3A_585 = vector.broadcast %mul3A_0 : i32 to vector<16xi32>
      %add3A_586 = arith.addi %get3A_584, %add3A_585 : vector<16xi32>
      %swap3A_587 = arith.constant 32 : index
      %swap3A_588 = tpu.vector_load %arg11[%swap3A_587] {strides = array<i32>} : memref<64xi32, #tpu.memory_space<vmem>>, vector<16xi32>,
      tpu.vector_store %arg11[%swap3A_587], %add3A_586 {strides = array<i32>} : memref<64xi32, #tpu.memory_space<vmem>>, vector<16xi32>,
      %get3A_589 = arith.constant 48 : index
      %get3A_590 = tpu.vector_load %arg9[%get3A_589] {strides = array<i32>} : memref<64xi32, #tpu.memory_space<vmem>>, vector<16xi32>,
      %add3A_591 = vector.broadcast %mul3A_0 : i32 to vector<16xi32>
      %add3A_592 = arith.addi %get3A_590, %add3A_591 : vector<16xi32>
      %swap3A_593 = arith.constant 48 : index
      %swap3A_594 = tpu.vector_load %arg9[%swap3A_593] {strides = array<i32>} : memref<64xi32, #tpu.memory_space<vmem>>, vector<16xi32>,
      tpu.vector_store %arg9[%swap3A_593], %add3A_592 {strides = array<i32>} : memref<64xi32, #tpu.memory_space<vmem>>, vector<16xi32>,
      %get3A_595 = arith.constant 48 : index
      %get3A_596 = tpu.vector_load %arg10[%get3A_595] {strides = array<i32>} : memref<64xi32, #tpu.memory_space<vmem>>, vector<16xi32>,
      %add3A_597 = vector.broadcast %mul3A_0 : i32 to vector<16xi32>
      %add3A_598 = arith.addi %get3A_596, %add3A_597 : vector<16xi32>
      %swap3A_599 = arith.constant 48 : index
      %swap3A_600 = tpu.vector_load %arg11[%swap3A_599] {strides = array<i32>} : memref<64xi32, #tpu.memory_space<vmem>>, vector<16xi32>,
      tpu.vector_store %arg11[%swap3A_599], %add3A_598 {strides = array<i32>} : memref<64xi32, #tpu.memory_space<vmem>>, vector<16xi32>,
      %dma_start3A = arith.constant 0 : i32
      %dma_start3A_601 = arith.constant 0 : i32
      %dma_start3A_602 = tpu.memref_slice %arg2[%dma_start3A, %dma_start3A_601] : memref<20002x128xf32, #tpu.memory_space<hbm>> -> memref<20002x128xf32, #tpu.memory_space<hbm>>
      tpu.enqueue_indirect_dma source(%dma_start3A_602 : memref<20002x128xf32, #tpu.memory_space<hbm>>) target(%arg12 : memref<64x128xf32, #tpu.memory_space<vmem>>) offsets(%arg9 : memref<64xi32, #tpu.memory_space<vmem>>) semaphore(%arg20 : memref<!tpu.dma_semaphore, #tpu.memory_space<semaphore_mem>>)
      %dma_start3A_603 = arith.constant 0 : i32
      %dma_start3A_604 = arith.constant 0 : i32
      %dma_start3A_605 = tpu.memref_slice %arg3[%dma_start3A_603, %dma_start3A_604] : memref<20002x128xf32, #tpu.memory_space<hbm>> -> memref<20002x128xf32, #tpu.memory_space<hbm>>
      tpu.enqueue_indirect_dma source(%dma_start3A_605 : memref<20002x128xf32, #tpu.memory_space<hbm>>) target(%arg13 : memref<64x128xf32, #tpu.memory_space<vmem>>) offsets(%arg11 : memref<64xi32, #tpu.memory_space<vmem>>) semaphore(%arg20 : memref<!tpu.dma_semaphore, #tpu.memory_space<semaphore_mem>>)
      %dma_start3A_606 = arith.constant 0 : i32
      %dma_start3A_607 = arith.constant 0 : i32
      %dma_start3A_608 = tpu.memref_slice %arg4[%dma_start3A_606, %dma_start3A_607] : memref<20002x128xf32, #tpu.memory_space<hbm>> -> memref<20002x128xf32, #tpu.memory_space<hbm>>
      tpu.enqueue_indirect_dma source(%dma_start3A_608 : memref<20002x128xf32, #tpu.memory_space<hbm>>) target(%arg14 : memref<64x128xf32, #tpu.memory_space<vmem>>) offsets(%arg9 : memref<64xi32, #tpu.memory_space<vmem>>) semaphore(%arg20 : memref<!tpu.dma_semaphore, #tpu.memory_space<semaphore_mem>>)
      %dma_wait3A = arith.constant 0 : i32
      %dma_wait3A_609 = arith.constant 0 : i32
      %dma_wait3A_610 = tpu.memref_slice %arg2[%dma_wait3A, %dma_wait3A_609] : memref<20002x128xf32, #tpu.memory_space<hbm>> -> memref<20002x128xf32, #tpu.memory_space<hbm>>
      tpu.wait_indirect_dma semaphore(%arg20 : memref<!tpu.dma_semaphore, #tpu.memory_space<semaphore_mem>>) src(%dma_wait3A_610 : memref<20002x128xf32, #tpu.memory_space<hbm>>) dst(%arg12 : memref<64x128xf32, #tpu.memory_space<vmem>>)
      %dma_wait3A_611 = arith.constant 0 : i32
      %dma_wait3A_612 = arith.constant 0 : i32
      %dma_wait3A_613 = tpu.memref_slice %arg3[%dma_wait3A_611, %dma_wait3A_612] : memref<20002x128xf32, #tpu.memory_space<hbm>> -> memref<20002x128xf32, #tpu.memory_space<hbm>>
      tpu.wait_indirect_dma semaphore(%arg20 : memref<!tpu.dma_semaphore, #tpu.memory_space<semaphore_mem>>) src(%dma_wait3A_613 : memref<20002x128xf32, #tpu.memory_space<hbm>>) dst(%arg13 : memref<64x128xf32, #tpu.memory_space<vmem>>)
      %dma_wait3A_614 = arith.constant 0 : i32
      %dma_wait3A_615 = arith.constant 0 : i32
      %dma_wait3A_616 = tpu.memref_slice %arg4[%dma_wait3A_614, %dma_wait3A_615] : memref<20002x128xf32, #tpu.memory_space<hbm>> -> memref<20002x128xf32, #tpu.memory_space<hbm>>
      tpu.wait_indirect_dma semaphore(%arg20 : memref<!tpu.dma_semaphore, #tpu.memory_space<semaphore_mem>>) src(%dma_wait3A_616 : memref<20002x128xf32, #tpu.memory_space<hbm>>) dst(%arg14 : memref<64x128xf32, #tpu.memory_space<vmem>>)
      %scan3A_617 = arith.constant 0 : i32
      %scan3A_618 = arith.constant 64 : i32
      %scan3A_619 = arith.addi %scan3A_617, %scan3A_618 : i32
      %scan3A_620 = arith.constant 2 : i32
      scf.for %scan3A_631 = %scan3A_617 to %scan3A_619 step %scan3A_620  : i32 {
        %mul3A_632 = arith.constant 1 : i32
        %mul3A_633 = arith.muli %scan3A_631, %mul3A_632 : i32
        %add3A_634 = arith.constant 0 : i32
        %add3A_635 = arith.addi %add3A_634, %mul3A_633 : i32
        %get3A_636 = arith.index_cast %add3A_635 : i32 to index
        %get3A_637 = arith.constant 0 : index
        %get3A_638 = tpu.vector_load %arg12[%get3A_636, %get3A_637] {strides = array<i32>} : memref<64x128xf32, #tpu.memory_space<vmem>>, vector<16xf32>,
        %get3A_639 = arith.index_cast %add3A_635 : i32 to index
        %get3A_640 = arith.constant 0 : index
        %get3A_641 = tpu.vector_load %arg13[%get3A_639, %get3A_640] {strides = array<i32>} : memref<64x128xf32, #tpu.memory_space<vmem>>, vector<16xf32>,
        %mul3A_642 = arith.mulf %get3A_638, %get3A_641 : vector<16xf32>
        %reduce_sum3A = arith.constant true
        %reduce_sum3A_643 = vector.broadcast %reduce_sum3A : i1 to vector<16xi1>
        %reduce_sum3A_644 = tpu.scan <sum>, %mul3A_642 masked %reduce_sum3A_643 : vector<16xf32>, vector<16xi1> -> vector<16xf32>
        %reduce_sum3A_645 = vector.extract %reduce_sum3A_644[15] : f32 from vector<16xf32>
        %eq3A = arith.constant 0 : i32
        %eq3A_646 = vector.broadcast %eq3A : i32 to vector<16xi32>
        %eq3A_647 = arith.cmpi eq, %iota3A, %eq3A_646 : vector<16xi32>
        %jit3A = arith.constant 0.000000e+00 : f32
        %broadcast_in_dim3A_648 = vector.broadcast %reduce_sum3A_645 : f32 to vector<16xf32>
        %broadcast_in_dim3A_649 = vector.broadcast %jit3A : f32 to vector<16xf32>
        %select_n3A = arith.select %eq3A_647, %broadcast_in_dim3A_648, %broadcast_in_dim3A_649 : vector<16xi1>, vector<16xf32>
        %get3A_650 = arith.index_cast %add3A_635 : i32 to index
        %get3A_651 = arith.constant 16 : index
        %get3A_652 = tpu.vector_load %arg12[%get3A_650, %get3A_651] {strides = array<i32>} : memref<64x128xf32, #tpu.memory_space<vmem>>, vector<16xf32>,
        %get3A_653 = arith.index_cast %add3A_635 : i32 to index
        %get3A_654 = arith.constant 16 : index
        %get3A_655 = tpu.vector_load %arg13[%get3A_653, %get3A_654] {strides = array<i32>} : memref<64x128xf32, #tpu.memory_space<vmem>>, vector<16xf32>,
        %mul3A_656 = arith.mulf %get3A_652, %get3A_655 : vector<16xf32>
        %reduce_sum3A_657 = arith.constant true
        %reduce_sum3A_658 = vector.broadcast %reduce_sum3A_657 : i1 to vector<16xi1>
        %reduce_sum3A_659 = tpu.scan <sum>, %mul3A_656 masked %reduce_sum3A_658 : vector<16xf32>, vector<16xi1> -> vector<16xf32>
        %reduce_sum3A_660 = vector.extract %reduce_sum3A_659[15] : f32 from vector<16xf32>
        %eq3A_661 = arith.constant 1 : i32
        %eq3A_662 = vector.broadcast %eq3A_661 : i32 to vector<16xi32>
        %eq3A_663 = arith.cmpi eq, %iota3A, %eq3A_662 : vector<16xi32>
        %jit3A_664 = arith.constant 0.000000e+00 : f32
        %broadcast_in_dim3A_665 = vector.broadcast %reduce_sum3A_660 : f32 to vector<16xf32>
        %broadcast_in_dim3A_666 = vector.broadcast %jit3A_664 : f32 to vector<16xf32>
        %select_n3A_667 = arith.select %eq3A_663, %broadcast_in_dim3A_665, %broadcast_in_dim3A_666 : vector<16xi1>, vector<16xf32>
        %add3A_668 = arith.addf %select_n3A, %select_n3A_667 : vector<16xf32>
        %get3A_669 = arith.index_cast %add3A_635 : i32 to index
        %get3A_670 = arith.constant 32 : index
        %get3A_671 = tpu.vector_load %arg12[%get3A_669, %get3A_670] {strides = array<i32>} : memref<64x128xf32, #tpu.memory_space<vmem>>, vector<16xf32>,
        %get3A_672 = arith.index_cast %add3A_635 : i32 to index
        %get3A_673 = arith.constant 32 : index
        %get3A_674 = tpu.vector_load %arg13[%get3A_672, %get3A_673] {strides = array<i32>} : memref<64x128xf32, #tpu.memory_space<vmem>>, vector<16xf32>,
        %mul3A_675 = arith.mulf %get3A_671, %get3A_674 : vector<16xf32>
        %reduce_sum3A_676 = arith.constant true
        %reduce_sum3A_677 = vector.broadcast %reduce_sum3A_676 : i1 to vector<16xi1>
        %reduce_sum3A_678 = tpu.scan <sum>, %mul3A_675 masked %reduce_sum3A_677 : vector<16xf32>, vector<16xi1> -> vector<16xf32>
        %reduce_sum3A_679 = vector.extract %reduce_sum3A_678[15] : f32 from vector<16xf32>
        %eq3A_680 = arith.constant 2 : i32
        %eq3A_681 = vector.broadcast %eq3A_680 : i32 to vector<16xi32>
        %eq3A_682 = arith.cmpi eq, %iota3A, %eq3A_681 : vector<16xi32>
        %jit3A_683 = arith.constant 0.000000e+00 : f32
        %broadcast_in_dim3A_684 = vector.broadcast %reduce_sum3A_679 : f32 to vector<16xf32>
        %broadcast_in_dim3A_685 = vector.broadcast %jit3A_683 : f32 to vector<16xf32>
        %select_n3A_686 = arith.select %eq3A_682, %broadcast_in_dim3A_684, %broadcast_in_dim3A_685 : vector<16xi1>, vector<16xf32>
        %add3A_687 = arith.addf %add3A_668, %select_n3A_686 : vector<16xf32>
        %get3A_688 = arith.index_cast %add3A_635 : i32 to index
        %get3A_689 = arith.constant 48 : index
        %get3A_690 = tpu.vector_load %arg12[%get3A_688, %get3A_689] {strides = array<i32>} : memref<64x128xf32, #tpu.memory_space<vmem>>, vector<16xf32>,
        %get3A_691 = arith.index_cast %add3A_635 : i32 to index
        %get3A_692 = arith.constant 48 : index
        %get3A_693 = tpu.vector_load %arg13[%get3A_691, %get3A_692] {strides = array<i32>} : memref<64x128xf32, #tpu.memory_space<vmem>>, vector<16xf32>,
        %mul3A_694 = arith.mulf %get3A_690, %get3A_693 : vector<16xf32>
        %reduce_sum3A_695 = arith.constant true
        %reduce_sum3A_696 = vector.broadcast %reduce_sum3A_695 : i1 to vector<16xi1>
        %reduce_sum3A_697 = tpu.scan <sum>, %mul3A_694 masked %reduce_sum3A_696 : vector<16xf32>, vector<16xi1> -> vector<16xf32>
        %reduce_sum3A_698 = vector.extract %reduce_sum3A_697[15] : f32 from vector<16xf32>
        %eq3A_699 = arith.constant 3 : i32
        %eq3A_700 = vector.broadcast %eq3A_699 : i32 to vector<16xi32>
        %eq3A_701 = arith.cmpi eq, %iota3A, %eq3A_700 : vector<16xi32>
        %jit3A_702 = arith.constant 0.000000e+00 : f32
        %broadcast_in_dim3A_703 = vector.broadcast %reduce_sum3A_698 : f32 to vector<16xf32>
        %broadcast_in_dim3A_704 = vector.broadcast %jit3A_702 : f32 to vector<16xf32>
        %select_n3A_705 = arith.select %eq3A_701, %broadcast_in_dim3A_703, %broadcast_in_dim3A_704 : vector<16xi1>, vector<16xf32>
        %add3A_706 = arith.addf %add3A_687, %select_n3A_705 : vector<16xf32>
        %get3A_707 = arith.index_cast %add3A_635 : i32 to index
        %get3A_708 = arith.constant 64 : index
        %get3A_709 = tpu.vector_load %arg12[%get3A_707, %get3A_708] {strides = array<i32>} : memref<64x128xf32, #tpu.memory_space<vmem>>, vector<16xf32>,
        %get3A_710 = arith.index_cast %add3A_635 : i32 to index
        %get3A_711 = arith.constant 64 : index
        %get3A_712 = tpu.vector_load %arg13[%get3A_710, %get3A_711] {strides = array<i32>} : memref<64x128xf32, #tpu.memory_space<vmem>>, vector<16xf32>,
        %mul3A_713 = arith.mulf %get3A_709, %get3A_712 : vector<16xf32>
        %reduce_sum3A_714 = arith.constant true
        %reduce_sum3A_715 = vector.broadcast %reduce_sum3A_714 : i1 to vector<16xi1>
        %reduce_sum3A_716 = tpu.scan <sum>, %mul3A_713 masked %reduce_sum3A_715 : vector<16xf32>, vector<16xi1> -> vector<16xf32>
        %reduce_sum3A_717 = vector.extract %reduce_sum3A_716[15] : f32 from vector<16xf32>
        %eq3A_718 = arith.constant 4 : i32
        %eq3A_719 = vector.broadcast %eq3A_718 : i32 to vector<16xi32>
        %eq3A_720 = arith.cmpi eq, %iota3A, %eq3A_719 : vector<16xi32>
        %jit3A_721 = arith.constant 0.000000e+00 : f32
        %broadcast_in_dim3A_722 = vector.broadcast %reduce_sum3A_717 : f32 to vector<16xf32>
        %broadcast_in_dim3A_723 = vector.broadcast %jit3A_721 : f32 to vector<16xf32>
        %select_n3A_724 = arith.select %eq3A_720, %broadcast_in_dim3A_722, %broadcast_in_dim3A_723 : vector<16xi1>, vector<16xf32>
        %add3A_725 = arith.addf %add3A_706, %select_n3A_724 : vector<16xf32>
        %get3A_726 = arith.index_cast %add3A_635 : i32 to index
        %get3A_727 = arith.constant 80 : index
        %get3A_728 = tpu.vector_load %arg12[%get3A_726, %get3A_727] {strides = array<i32>} : memref<64x128xf32, #tpu.memory_space<vmem>>, vector<16xf32>,
        %get3A_729 = arith.index_cast %add3A_635 : i32 to index
        %get3A_730 = arith.constant 80 : index
        %get3A_731 = tpu.vector_load %arg13[%get3A_729, %get3A_730] {strides = array<i32>} : memref<64x128xf32, #tpu.memory_space<vmem>>, vector<16xf32>,
        %mul3A_732 = arith.mulf %get3A_728, %get3A_731 : vector<16xf32>
        %reduce_sum3A_733 = arith.constant true
        %reduce_sum3A_734 = vector.broadcast %reduce_sum3A_733 : i1 to vector<16xi1>
        %reduce_sum3A_735 = tpu.scan <sum>, %mul3A_732 masked %reduce_sum3A_734 : vector<16xf32>, vector<16xi1> -> vector<16xf32>
        %reduce_sum3A_736 = vector.extract %reduce_sum3A_735[15] : f32 from vector<16xf32>
        %eq3A_737 = arith.constant 5 : i32
        %eq3A_738 = vector.broadcast %eq3A_737 : i32 to vector<16xi32>
        %eq3A_739 = arith.cmpi eq, %iota3A, %eq3A_738 : vector<16xi32>
        %jit3A_740 = arith.constant 0.000000e+00 : f32
        %broadcast_in_dim3A_741 = vector.broadcast %reduce_sum3A_736 : f32 to vector<16xf32>
        %broadcast_in_dim3A_742 = vector.broadcast %jit3A_740 : f32 to vector<16xf32>
        %select_n3A_743 = arith.select %eq3A_739, %broadcast_in_dim3A_741, %broadcast_in_dim3A_742 : vector<16xi1>, vector<16xf32>
        %add3A_744 = arith.addf %add3A_725, %select_n3A_743 : vector<16xf32>
        %get3A_745 = arith.index_cast %add3A_635 : i32 to index
        %get3A_746 = arith.constant 96 : index
        %get3A_747 = tpu.vector_load %arg12[%get3A_745, %get3A_746] {strides = array<i32>} : memref<64x128xf32, #tpu.memory_space<vmem>>, vector<16xf32>,
        %get3A_748 = arith.index_cast %add3A_635 : i32 to index
        %get3A_749 = arith.constant 96 : index
        %get3A_750 = tpu.vector_load %arg13[%get3A_748, %get3A_749] {strides = array<i32>} : memref<64x128xf32, #tpu.memory_space<vmem>>, vector<16xf32>,
        %mul3A_751 = arith.mulf %get3A_747, %get3A_750 : vector<16xf32>
        %reduce_sum3A_752 = arith.constant true
        %reduce_sum3A_753 = vector.broadcast %reduce_sum3A_752 : i1 to vector<16xi1>
        %reduce_sum3A_754 = tpu.scan <sum>, %mul3A_751 masked %reduce_sum3A_753 : vector<16xf32>, vector<16xi1> -> vector<16xf32>
        %reduce_sum3A_755 = vector.extract %reduce_sum3A_754[15] : f32 from vector<16xf32>
        %eq3A_756 = arith.constant 6 : i32
        %eq3A_757 = vector.broadcast %eq3A_756 : i32 to vector<16xi32>
        %eq3A_758 = arith.cmpi eq, %iota3A, %eq3A_757 : vector<16xi32>
        %jit3A_759 = arith.constant 0.000000e+00 : f32
        %broadcast_in_dim3A_760 = vector.broadcast %reduce_sum3A_755 : f32 to vector<16xf32>
        %broadcast_in_dim3A_761 = vector.broadcast %jit3A_759 : f32 to vector<16xf32>
        %select_n3A_762 = arith.select %eq3A_758, %broadcast_in_dim3A_760, %broadcast_in_dim3A_761 : vector<16xi1>, vector<16xf32>
        %add3A_763 = arith.addf %add3A_744, %select_n3A_762 : vector<16xf32>
        %get3A_764 = arith.index_cast %add3A_635 : i32 to index
        %get3A_765 = arith.constant 112 : index
        %get3A_766 = tpu.vector_load %arg12[%get3A_764, %get3A_765] {strides = array<i32>} : memref<64x128xf32, #tpu.memory_space<vmem>>, vector<16xf32>,
        %get3A_767 = arith.index_cast %add3A_635 : i32 to index
        %get3A_768 = arith.constant 112 : index
        %get3A_769 = tpu.vector_load %arg13[%get3A_767, %get3A_768] {strides = array<i32>} : memref<64x128xf32, #tpu.memory_space<vmem>>, vector<16xf32>,
        %mul3A_770 = arith.mulf %get3A_766, %get3A_769 : vector<16xf32>
        %reduce_sum3A_771 = arith.constant true
        %reduce_sum3A_772 = vector.broadcast %reduce_sum3A_771 : i1 to vector<16xi1>
        %reduce_sum3A_773 = tpu.scan <sum>, %mul3A_770 masked %reduce_sum3A_772 : vector<16xf32>, vector<16xi1> -> vector<16xf32>
        %reduce_sum3A_774 = vector.extract %reduce_sum3A_773[15] : f32 from vector<16xf32>
        %eq3A_775 = arith.constant 7 : i32
        %eq3A_776 = vector.broadcast %eq3A_775 : i32 to vector<16xi32>
        %eq3A_777 = arith.cmpi eq, %iota3A, %eq3A_776 : vector<16xi32>
        %jit3A_778 = arith.constant 0.000000e+00 : f32
        %broadcast_in_dim3A_779 = vector.broadcast %reduce_sum3A_774 : f32 to vector<16xf32>
        %broadcast_in_dim3A_780 = vector.broadcast %jit3A_778 : f32 to vector<16xf32>
        %select_n3A_781 = arith.select %eq3A_777, %broadcast_in_dim3A_779, %broadcast_in_dim3A_780 : vector<16xi1>, vector<16xf32>
        %add3A_782 = arith.addf %add3A_763, %select_n3A_781 : vector<16xf32>
        %mul3A_783 = arith.constant 2.500000e-01 : f32
        %mul3A_784 = vector.broadcast %mul3A_783 : f32 to vector<16xf32>
        %mul3A_785 = arith.mulf %add3A_782, %mul3A_784 : vector<16xf32>
        %jit3A_786 = arith.constant -5.000000e+00 : f32
        %jit3A_787 = arith.constant 5.000000e+00 : f32
        %max3A = vector.broadcast %jit3A_786 : f32 to vector<16xf32>
        %max3A_788 = arith.maximumf %max3A, %mul3A_785 : vector<16xf32>
        %min3A = vector.broadcast %jit3A_787 : f32 to vector<16xf32>
        %min3A_789 = arith.minimumf %min3A, %max3A_788 : vector<16xf32>
        %exp3A = math.exp %min3A_789 : vector<16xf32>
        %swap3A_790 = arith.index_cast %add3A_635 : i32 to index
        %swap3A_791 = arith.constant 0 : index
        %swap3A_792 = tpu.vector_load %arg15[%swap3A_790, %swap3A_791] {strides = array<i32>} : memref<64x16xf32, #tpu.memory_space<vmem>>, vector<16xf32>,
        tpu.vector_store %arg15[%swap3A_790, %swap3A_791], %exp3A {strides = array<i32>} : memref<64x16xf32, #tpu.memory_space<vmem>>, vector<16xf32>,
        %get3A_793 = arith.index_cast %add3A_635 : i32 to index
        %get3A_794 = arith.constant 0 : index
        %get3A_795 = tpu.vector_load %arg14[%get3A_793, %get3A_794] {strides = array<i32>} : memref<64x128xf32, #tpu.memory_space<vmem>>, vector<16xf32>,
        %slice3A = vector.extract_strided_slice %exp3A {offsets = [0], sizes = [1], strides = [1]} : vector<16xf32> to vector<1xf32>
        %squeeze3A = vector.extract %slice3A[0] : f32 from vector<1xf32>
        %mul3A_796 = vector.broadcast %squeeze3A : f32 to vector<16xf32>
        %mul3A_797 = arith.mulf %get3A_795, %mul3A_796 : vector<16xf32>
        %swap3A_798 = arith.index_cast %add3A_635 : i32 to index
        %swap3A_799 = arith.constant 0 : index
        %swap3A_800 = tpu.vector_load %arg14[%swap3A_798, %swap3A_799] {strides = array<i32>} : memref<64x128xf32, #tpu.memory_space<vmem>>, vector<16xf32>,
        tpu.vector_store %arg14[%swap3A_798, %swap3A_799], %mul3A_797 {strides = array<i32>} : memref<64x128xf32, #tpu.memory_space<vmem>>, vector<16xf32>,
        %get3A_801 = arith.index_cast %add3A_635 : i32 to index
        %get3A_802 = arith.constant 16 : index
        %get3A_803 = tpu.vector_load %arg14[%get3A_801, %get3A_802] {strides = array<i32>} : memref<64x128xf32, #tpu.memory_space<vmem>>, vector<16xf32>,
        %slice3A_804 = vector.extract_strided_slice %exp3A {offsets = [1], sizes = [1], strides = [1]} : vector<16xf32> to vector<1xf32>
        %squeeze3A_805 = vector.extract %slice3A_804[0] : f32 from vector<1xf32>
        %mul3A_806 = vector.broadcast %squeeze3A_805 : f32 to vector<16xf32>
        %mul3A_807 = arith.mulf %get3A_803, %mul3A_806 : vector<16xf32>
        %swap3A_808 = arith.index_cast %add3A_635 : i32 to index
        %swap3A_809 = arith.constant 16 : index
        %swap3A_810 = tpu.vector_load %arg14[%swap3A_808, %swap3A_809] {strides = array<i32>} : memref<64x128xf32, #tpu.memory_space<vmem>>, vector<16xf32>,
        tpu.vector_store %arg14[%swap3A_808, %swap3A_809], %mul3A_807 {strides = array<i32>} : memref<64x128xf32, #tpu.memory_space<vmem>>, vector<16xf32>,
        %get3A_811 = arith.index_cast %add3A_635 : i32 to index
        %get3A_812 = arith.constant 32 : index
        %get3A_813 = tpu.vector_load %arg14[%get3A_811, %get3A_812] {strides = array<i32>} : memref<64x128xf32, #tpu.memory_space<vmem>>, vector<16xf32>,
        %slice3A_814 = vector.extract_strided_slice %exp3A {offsets = [2], sizes = [1], strides = [1]} : vector<16xf32> to vector<1xf32>
        %squeeze3A_815 = vector.extract %slice3A_814[0] : f32 from vector<1xf32>
        %mul3A_816 = vector.broadcast %squeeze3A_815 : f32 to vector<16xf32>
        %mul3A_817 = arith.mulf %get3A_813, %mul3A_816 : vector<16xf32>
        %swap3A_818 = arith.index_cast %add3A_635 : i32 to index
        %swap3A_819 = arith.constant 32 : index
        %swap3A_820 = tpu.vector_load %arg14[%swap3A_818, %swap3A_819] {strides = array<i32>} : memref<64x128xf32, #tpu.memory_space<vmem>>, vector<16xf32>,
        tpu.vector_store %arg14[%swap3A_818, %swap3A_819], %mul3A_817 {strides = array<i32>} : memref<64x128xf32, #tpu.memory_space<vmem>>, vector<16xf32>,
        %get3A_821 = arith.index_cast %add3A_635 : i32 to index
        %get3A_822 = arith.constant 48 : index
        %get3A_823 = tpu.vector_load %arg14[%get3A_821, %get3A_822] {strides = array<i32>} : memref<64x128xf32, #tpu.memory_space<vmem>>, vector<16xf32>,
        %slice3A_824 = vector.extract_strided_slice %exp3A {offsets = [3], sizes = [1], strides = [1]} : vector<16xf32> to vector<1xf32>
        %squeeze3A_825 = vector.extract %slice3A_824[0] : f32 from vector<1xf32>
        %mul3A_826 = vector.broadcast %squeeze3A_825 : f32 to vector<16xf32>
        %mul3A_827 = arith.mulf %get3A_823, %mul3A_826 : vector<16xf32>
        %swap3A_828 = arith.index_cast %add3A_635 : i32 to index
        %swap3A_829 = arith.constant 48 : index
        %swap3A_830 = tpu.vector_load %arg14[%swap3A_828, %swap3A_829] {strides = array<i32>} : memref<64x128xf32, #tpu.memory_space<vmem>>, vector<16xf32>,
        tpu.vector_store %arg14[%swap3A_828, %swap3A_829], %mul3A_827 {strides = array<i32>} : memref<64x128xf32, #tpu.memory_space<vmem>>, vector<16xf32>,
        %get3A_831 = arith.index_cast %add3A_635 : i32 to index
        %get3A_832 = arith.constant 64 : index
        %get3A_833 = tpu.vector_load %arg14[%get3A_831, %get3A_832] {strides = array<i32>} : memref<64x128xf32, #tpu.memory_space<vmem>>, vector<16xf32>,
        %slice3A_834 = vector.extract_strided_slice %exp3A {offsets = [4], sizes = [1], strides = [1]} : vector<16xf32> to vector<1xf32>
        %squeeze3A_835 = vector.extract %slice3A_834[0] : f32 from vector<1xf32>
        %mul3A_836 = vector.broadcast %squeeze3A_835 : f32 to vector<16xf32>
        %mul3A_837 = arith.mulf %get3A_833, %mul3A_836 : vector<16xf32>
        %swap3A_838 = arith.index_cast %add3A_635 : i32 to index
        %swap3A_839 = arith.constant 64 : index
        %swap3A_840 = tpu.vector_load %arg14[%swap3A_838, %swap3A_839] {strides = array<i32>} : memref<64x128xf32, #tpu.memory_space<vmem>>, vector<16xf32>,
        tpu.vector_store %arg14[%swap3A_838, %swap3A_839], %mul3A_837 {strides = array<i32>} : memref<64x128xf32, #tpu.memory_space<vmem>>, vector<16xf32>,
        %get3A_841 = arith.index_cast %add3A_635 : i32 to index
        %get3A_842 = arith.constant 80 : index
        %get3A_843 = tpu.vector_load %arg14[%get3A_841, %get3A_842] {strides = array<i32>} : memref<64x128xf32, #tpu.memory_space<vmem>>, vector<16xf32>,
        %slice3A_844 = vector.extract_strided_slice %exp3A {offsets = [5], sizes = [1], strides = [1]} : vector<16xf32> to vector<1xf32>
        %squeeze3A_845 = vector.extract %slice3A_844[0] : f32 from vector<1xf32>
        %mul3A_846 = vector.broadcast %squeeze3A_845 : f32 to vector<16xf32>
        %mul3A_847 = arith.mulf %get3A_843, %mul3A_846 : vector<16xf32>
        %swap3A_848 = arith.index_cast %add3A_635 : i32 to index
        %swap3A_849 = arith.constant 80 : index
        %swap3A_850 = tpu.vector_load %arg14[%swap3A_848, %swap3A_849] {strides = array<i32>} : memref<64x128xf32, #tpu.memory_space<vmem>>, vector<16xf32>,
        tpu.vector_store %arg14[%swap3A_848, %swap3A_849], %mul3A_847 {strides = array<i32>} : memref<64x128xf32, #tpu.memory_space<vmem>>, vector<16xf32>,
        %get3A_851 = arith.index_cast %add3A_635 : i32 to index
        %get3A_852 = arith.constant 96 : index
        %get3A_853 = tpu.vector_load %arg14[%get3A_851, %get3A_852] {strides = array<i32>} : memref<64x128xf32, #tpu.memory_space<vmem>>, vector<16xf32>,
        %slice3A_854 = vector.extract_strided_slice %exp3A {offsets = [6], sizes = [1], strides = [1]} : vector<16xf32> to vector<1xf32>
        %squeeze3A_855 = vector.extract %slice3A_854[0] : f32 from vector<1xf32>
        %mul3A_856 = vector.broadcast %squeeze3A_855 : f32 to vector<16xf32>
        %mul3A_857 = arith.mulf %get3A_853, %mul3A_856 : vector<16xf32>
        %swap3A_858 = arith.index_cast %add3A_635 : i32 to index
        %swap3A_859 = arith.constant 96 : index
        %swap3A_860 = tpu.vector_load %arg14[%swap3A_858, %swap3A_859] {strides = array<i32>} : memref<64x128xf32, #tpu.memory_space<vmem>>, vector<16xf32>,
        tpu.vector_store %arg14[%swap3A_858, %swap3A_859], %mul3A_857 {strides = array<i32>} : memref<64x128xf32, #tpu.memory_space<vmem>>, vector<16xf32>,
        %get3A_861 = arith.index_cast %add3A_635 : i32 to index
        %get3A_862 = arith.constant 112 : index
        %get3A_863 = tpu.vector_load %arg14[%get3A_861, %get3A_862] {strides = array<i32>} : memref<64x128xf32, #tpu.memory_space<vmem>>, vector<16xf32>,
        %slice3A_864 = vector.extract_strided_slice %exp3A {offsets = [7], sizes = [1], strides = [1]} : vector<16xf32> to vector<1xf32>
        %squeeze3A_865 = vector.extract %slice3A_864[0] : f32 from vector<1xf32>
        %mul3A_866 = vector.broadcast %squeeze3A_865 : f32 to vector<16xf32>
        %mul3A_867 = arith.mulf %get3A_863, %mul3A_866 : vector<16xf32>
        %swap3A_868 = arith.index_cast %add3A_635 : i32 to index
        %swap3A_869 = arith.constant 112 : index
        %swap3A_870 = tpu.vector_load %arg14[%swap3A_868, %swap3A_869] {strides = array<i32>} : memref<64x128xf32, #tpu.memory_space<vmem>>, vector<16xf32>,
        tpu.vector_store %arg14[%swap3A_868, %swap3A_869], %mul3A_867 {strides = array<i32>} : memref<64x128xf32, #tpu.memory_space<vmem>>, vector<16xf32>,
        %scan3A_871 = arith.constant 1 : i32
        %scan3A_872 = arith.addi %scan3A_631, %scan3A_871 : i32
        %mul3A_873 = arith.constant 1 : i32
        %mul3A_874 = arith.muli %scan3A_872, %mul3A_873 : i32
        %add3A_875 = arith.constant 0 : i32
        %add3A_876 = arith.addi %add3A_875, %mul3A_874 : i32
        %get3A_877 = arith.index_cast %add3A_876 : i32 to index
        %get3A_878 = arith.constant 0 : index
        %get3A_879 = tpu.vector_load %arg12[%get3A_877, %get3A_878] {strides = array<i32>} : memref<64x128xf32, #tpu.memory_space<vmem>>, vector<16xf32>,
        %get3A_880 = arith.index_cast %add3A_876 : i32 to index
        %get3A_881 = arith.constant 0 : index
        %get3A_882 = tpu.vector_load %arg13[%get3A_880, %get3A_881] {strides = array<i32>} : memref<64x128xf32, #tpu.memory_space<vmem>>, vector<16xf32>,
        %mul3A_883 = arith.mulf %get3A_879, %get3A_882 : vector<16xf32>
        %reduce_sum3A_884 = arith.constant true
        %reduce_sum3A_885 = vector.broadcast %reduce_sum3A_884 : i1 to vector<16xi1>
        %reduce_sum3A_886 = tpu.scan <sum>, %mul3A_883 masked %reduce_sum3A_885 : vector<16xf32>, vector<16xi1> -> vector<16xf32>
        %reduce_sum3A_887 = vector.extract %reduce_sum3A_886[15] : f32 from vector<16xf32>
        %eq3A_888 = arith.constant 0 : i32
        %eq3A_889 = vector.broadcast %eq3A_888 : i32 to vector<16xi32>
        %eq3A_890 = arith.cmpi eq, %iota3A, %eq3A_889 : vector<16xi32>
        %jit3A_891 = arith.constant 0.000000e+00 : f32
        %broadcast_in_dim3A_892 = vector.broadcast %reduce_sum3A_887 : f32 to vector<16xf32>
        %broadcast_in_dim3A_893 = vector.broadcast %jit3A_891 : f32 to vector<16xf32>
        %select_n3A_894 = arith.select %eq3A_890, %broadcast_in_dim3A_892, %broadcast_in_dim3A_893 : vector<16xi1>, vector<16xf32>
        %get3A_895 = arith.index_cast %add3A_876 : i32 to index
        %get3A_896 = arith.constant 16 : index
        %get3A_897 = tpu.vector_load %arg12[%get3A_895, %get3A_896] {strides = array<i32>} : memref<64x128xf32, #tpu.memory_space<vmem>>, vector<16xf32>,
        %get3A_898 = arith.index_cast %add3A_876 : i32 to index
        %get3A_899 = arith.constant 16 : index
        %get3A_900 = tpu.vector_load %arg13[%get3A_898, %get3A_899] {strides = array<i32>} : memref<64x128xf32, #tpu.memory_space<vmem>>, vector<16xf32>,
        %mul3A_901 = arith.mulf %get3A_897, %get3A_900 : vector<16xf32>
        %reduce_sum3A_902 = arith.constant true
        %reduce_sum3A_903 = vector.broadcast %reduce_sum3A_902 : i1 to vector<16xi1>
        %reduce_sum3A_904 = tpu.scan <sum>, %mul3A_901 masked %reduce_sum3A_903 : vector<16xf32>, vector<16xi1> -> vector<16xf32>
        %reduce_sum3A_905 = vector.extract %reduce_sum3A_904[15] : f32 from vector<16xf32>
        %eq3A_906 = arith.constant 1 : i32
        %eq3A_907 = vector.broadcast %eq3A_906 : i32 to vector<16xi32>
        %eq3A_908 = arith.cmpi eq, %iota3A, %eq3A_907 : vector<16xi32>
        %jit3A_909 = arith.constant 0.000000e+00 : f32
        %broadcast_in_dim3A_910 = vector.broadcast %reduce_sum3A_905 : f32 to vector<16xf32>
        %broadcast_in_dim3A_911 = vector.broadcast %jit3A_909 : f32 to vector<16xf32>
        %select_n3A_912 = arith.select %eq3A_908, %broadcast_in_dim3A_910, %broadcast_in_dim3A_911 : vector<16xi1>, vector<16xf32>
        %add3A_913 = arith.addf %select_n3A_894, %select_n3A_912 : vector<16xf32>
        %get3A_914 = arith.index_cast %add3A_876 : i32 to index
        %get3A_915 = arith.constant 32 : index
        %get3A_916 = tpu.vector_load %arg12[%get3A_914, %get3A_915] {strides = array<i32>} : memref<64x128xf32, #tpu.memory_space<vmem>>, vector<16xf32>,
        %get3A_917 = arith.index_cast %add3A_876 : i32 to index
        %get3A_918 = arith.constant 32 : index
        %get3A_919 = tpu.vector_load %arg13[%get3A_917, %get3A_918] {strides = array<i32>} : memref<64x128xf32, #tpu.memory_space<vmem>>, vector<16xf32>,
        %mul3A_920 = arith.mulf %get3A_916, %get3A_919 : vector<16xf32>
        %reduce_sum3A_921 = arith.constant true
        %reduce_sum3A_922 = vector.broadcast %reduce_sum3A_921 : i1 to vector<16xi1>
        %reduce_sum3A_923 = tpu.scan <sum>, %mul3A_920 masked %reduce_sum3A_922 : vector<16xf32>, vector<16xi1> -> vector<16xf32>
        %reduce_sum3A_924 = vector.extract %reduce_sum3A_923[15] : f32 from vector<16xf32>
        %eq3A_925 = arith.constant 2 : i32
        %eq3A_926 = vector.broadcast %eq3A_925 : i32 to vector<16xi32>
        %eq3A_927 = arith.cmpi eq, %iota3A, %eq3A_926 : vector<16xi32>
        %jit3A_928 = arith.constant 0.000000e+00 : f32
        %broadcast_in_dim3A_929 = vector.broadcast %reduce_sum3A_924 : f32 to vector<16xf32>
        %broadcast_in_dim3A_930 = vector.broadcast %jit3A_928 : f32 to vector<16xf32>
        %select_n3A_931 = arith.select %eq3A_927, %broadcast_in_dim3A_929, %broadcast_in_dim3A_930 : vector<16xi1>, vector<16xf32>
        %add3A_932 = arith.addf %add3A_913, %select_n3A_931 : vector<16xf32>
        %get3A_933 = arith.index_cast %add3A_876 : i32 to index
        %get3A_934 = arith.constant 48 : index
        %get3A_935 = tpu.vector_load %arg12[%get3A_933, %get3A_934] {strides = array<i32>} : memref<64x128xf32, #tpu.memory_space<vmem>>, vector<16xf32>,
        %get3A_936 = arith.index_cast %add3A_876 : i32 to index
        %get3A_937 = arith.constant 48 : index
        %get3A_938 = tpu.vector_load %arg13[%get3A_936, %get3A_937] {strides = array<i32>} : memref<64x128xf32, #tpu.memory_space<vmem>>, vector<16xf32>,
        %mul3A_939 = arith.mulf %get3A_935, %get3A_938 : vector<16xf32>
        %reduce_sum3A_940 = arith.constant true
        %reduce_sum3A_941 = vector.broadcast %reduce_sum3A_940 : i1 to vector<16xi1>
        %reduce_sum3A_942 = tpu.scan <sum>, %mul3A_939 masked %reduce_sum3A_941 : vector<16xf32>, vector<16xi1> -> vector<16xf32>
        %reduce_sum3A_943 = vector.extract %reduce_sum3A_942[15] : f32 from vector<16xf32>
        %eq3A_944 = arith.constant 3 : i32
        %eq3A_945 = vector.broadcast %eq3A_944 : i32 to vector<16xi32>
        %eq3A_946 = arith.cmpi eq, %iota3A, %eq3A_945 : vector<16xi32>
        %jit3A_947 = arith.constant 0.000000e+00 : f32
        %broadcast_in_dim3A_948 = vector.broadcast %reduce_sum3A_943 : f32 to vector<16xf32>
        %broadcast_in_dim3A_949 = vector.broadcast %jit3A_947 : f32 to vector<16xf32>
        %select_n3A_950 = arith.select %eq3A_946, %broadcast_in_dim3A_948, %broadcast_in_dim3A_949 : vector<16xi1>, vector<16xf32>
        %add3A_951 = arith.addf %add3A_932, %select_n3A_950 : vector<16xf32>
        %get3A_952 = arith.index_cast %add3A_876 : i32 to index
        %get3A_953 = arith.constant 64 : index
        %get3A_954 = tpu.vector_load %arg12[%get3A_952, %get3A_953] {strides = array<i32>} : memref<64x128xf32, #tpu.memory_space<vmem>>, vector<16xf32>,
        %get3A_955 = arith.index_cast %add3A_876 : i32 to index
        %get3A_956 = arith.constant 64 : index
        %get3A_957 = tpu.vector_load %arg13[%get3A_955, %get3A_956] {strides = array<i32>} : memref<64x128xf32, #tpu.memory_space<vmem>>, vector<16xf32>,
        %mul3A_958 = arith.mulf %get3A_954, %get3A_957 : vector<16xf32>
        %reduce_sum3A_959 = arith.constant true
        %reduce_sum3A_960 = vector.broadcast %reduce_sum3A_959 : i1 to vector<16xi1>
        %reduce_sum3A_961 = tpu.scan <sum>, %mul3A_958 masked %reduce_sum3A_960 : vector<16xf32>, vector<16xi1> -> vector<16xf32>
        %reduce_sum3A_962 = vector.extract %reduce_sum3A_961[15] : f32 from vector<16xf32>
        %eq3A_963 = arith.constant 4 : i32
        %eq3A_964 = vector.broadcast %eq3A_963 : i32 to vector<16xi32>
        %eq3A_965 = arith.cmpi eq, %iota3A, %eq3A_964 : vector<16xi32>
        %jit3A_966 = arith.constant 0.000000e+00 : f32
        %broadcast_in_dim3A_967 = vector.broadcast %reduce_sum3A_962 : f32 to vector<16xf32>
        %broadcast_in_dim3A_968 = vector.broadcast %jit3A_966 : f32 to vector<16xf32>
        %select_n3A_969 = arith.select %eq3A_965, %broadcast_in_dim3A_967, %broadcast_in_dim3A_968 : vector<16xi1>, vector<16xf32>
        %add3A_970 = arith.addf %add3A_951, %select_n3A_969 : vector<16xf32>
        %get3A_971 = arith.index_cast %add3A_876 : i32 to index
        %get3A_972 = arith.constant 80 : index
        %get3A_973 = tpu.vector_load %arg12[%get3A_971, %get3A_972] {strides = array<i32>} : memref<64x128xf32, #tpu.memory_space<vmem>>, vector<16xf32>,
        %get3A_974 = arith.index_cast %add3A_876 : i32 to index
        %get3A_975 = arith.constant 80 : index
        %get3A_976 = tpu.vector_load %arg13[%get3A_974, %get3A_975] {strides = array<i32>} : memref<64x128xf32, #tpu.memory_space<vmem>>, vector<16xf32>,
        %mul3A_977 = arith.mulf %get3A_973, %get3A_976 : vector<16xf32>
        %reduce_sum3A_978 = arith.constant true
        %reduce_sum3A_979 = vector.broadcast %reduce_sum3A_978 : i1 to vector<16xi1>
        %reduce_sum3A_980 = tpu.scan <sum>, %mul3A_977 masked %reduce_sum3A_979 : vector<16xf32>, vector<16xi1> -> vector<16xf32>
        %reduce_sum3A_981 = vector.extract %reduce_sum3A_980[15] : f32 from vector<16xf32>
        %eq3A_982 = arith.constant 5 : i32
        %eq3A_983 = vector.broadcast %eq3A_982 : i32 to vector<16xi32>
        %eq3A_984 = arith.cmpi eq, %iota3A, %eq3A_983 : vector<16xi32>
        %jit3A_985 = arith.constant 0.000000e+00 : f32
        %broadcast_in_dim3A_986 = vector.broadcast %reduce_sum3A_981 : f32 to vector<16xf32>
        %broadcast_in_dim3A_987 = vector.broadcast %jit3A_985 : f32 to vector<16xf32>
        %select_n3A_988 = arith.select %eq3A_984, %broadcast_in_dim3A_986, %broadcast_in_dim3A_987 : vector<16xi1>, vector<16xf32>
        %add3A_989 = arith.addf %add3A_970, %select_n3A_988 : vector<16xf32>
        %get3A_990 = arith.index_cast %add3A_876 : i32 to index
        %get3A_991 = arith.constant 96 : index
        %get3A_992 = tpu.vector_load %arg12[%get3A_990, %get3A_991] {strides = array<i32>} : memref<64x128xf32, #tpu.memory_space<vmem>>, vector<16xf32>,
        %get3A_993 = arith.index_cast %add3A_876 : i32 to index
        %get3A_994 = arith.constant 96 : index
        %get3A_995 = tpu.vector_load %arg13[%get3A_993, %get3A_994] {strides = array<i32>} : memref<64x128xf32, #tpu.memory_space<vmem>>, vector<16xf32>,
        %mul3A_996 = arith.mulf %get3A_992, %get3A_995 : vector<16xf32>
        %reduce_sum3A_997 = arith.constant true
        %reduce_sum3A_998 = vector.broadcast %reduce_sum3A_997 : i1 to vector<16xi1>
        %reduce_sum3A_999 = tpu.scan <sum>, %mul3A_996 masked %reduce_sum3A_998 : vector<16xf32>, vector<16xi1> -> vector<16xf32>
        %reduce_sum3A_1000 = vector.extract %reduce_sum3A_999[15] : f32 from vector<16xf32>
        %eq3A_1001 = arith.constant 6 : i32
        %eq3A_1002 = vector.broadcast %eq3A_1001 : i32 to vector<16xi32>
        %eq3A_1003 = arith.cmpi eq, %iota3A, %eq3A_1002 : vector<16xi32>
        %jit3A_1004 = arith.constant 0.000000e+00 : f32
        %broadcast_in_dim3A_1005 = vector.broadcast %reduce_sum3A_1000 : f32 to vector<16xf32>
        %broadcast_in_dim3A_1006 = vector.broadcast %jit3A_1004 : f32 to vector<16xf32>
        %select_n3A_1007 = arith.select %eq3A_1003, %broadcast_in_dim3A_1005, %broadcast_in_dim3A_1006 : vector<16xi1>, vector<16xf32>
        %add3A_1008 = arith.addf %add3A_989, %select_n3A_1007 : vector<16xf32>
        %get3A_1009 = arith.index_cast %add3A_876 : i32 to index
        %get3A_1010 = arith.constant 112 : index
        %get3A_1011 = tpu.vector_load %arg12[%get3A_1009, %get3A_1010] {strides = array<i32>} : memref<64x128xf32, #tpu.memory_space<vmem>>, vector<16xf32>,
        %get3A_1012 = arith.index_cast %add3A_876 : i32 to index
        %get3A_1013 = arith.constant 112 : index
        %get3A_1014 = tpu.vector_load %arg13[%get3A_1012, %get3A_1013] {strides = array<i32>} : memref<64x128xf32, #tpu.memory_space<vmem>>, vector<16xf32>,
        %mul3A_1015 = arith.mulf %get3A_1011, %get3A_1014 : vector<16xf32>
        %reduce_sum3A_1016 = arith.constant true
        %reduce_sum3A_1017 = vector.broadcast %reduce_sum3A_1016 : i1 to vector<16xi1>
        %reduce_sum3A_1018 = tpu.scan <sum>, %mul3A_1015 masked %reduce_sum3A_1017 : vector<16xf32>, vector<16xi1> -> vector<16xf32>
        %reduce_sum3A_1019 = vector.extract %reduce_sum3A_1018[15] : f32 from vector<16xf32>
        %eq3A_1020 = arith.constant 7 : i32
        %eq3A_1021 = vector.broadcast %eq3A_1020 : i32 to vector<16xi32>
        %eq3A_1022 = arith.cmpi eq, %iota3A, %eq3A_1021 : vector<16xi32>
        %jit3A_1023 = arith.constant 0.000000e+00 : f32
        %broadcast_in_dim3A_1024 = vector.broadcast %reduce_sum3A_1019 : f32 to vector<16xf32>
        %broadcast_in_dim3A_1025 = vector.broadcast %jit3A_1023 : f32 to vector<16xf32>
        %select_n3A_1026 = arith.select %eq3A_1022, %broadcast_in_dim3A_1024, %broadcast_in_dim3A_1025 : vector<16xi1>, vector<16xf32>
        %add3A_1027 = arith.addf %add3A_1008, %select_n3A_1026 : vector<16xf32>
        %mul3A_1028 = arith.constant 2.500000e-01 : f32
        %mul3A_1029 = vector.broadcast %mul3A_1028 : f32 to vector<16xf32>
        %mul3A_1030 = arith.mulf %add3A_1027, %mul3A_1029 : vector<16xf32>
        %jit3A_1031 = arith.constant -5.000000e+00 : f32
        %jit3A_1032 = arith.constant 5.000000e+00 : f32
        %max3A_1033 = vector.broadcast %jit3A_1031 : f32 to vector<16xf32>
        %max3A_1034 = arith.maximumf %max3A_1033, %mul3A_1030 : vector<16xf32>
        %min3A_1035 = vector.broadcast %jit3A_1032 : f32 to vector<16xf32>
        %min3A_1036 = arith.minimumf %min3A_1035, %max3A_1034 : vector<16xf32>
        %exp3A_1037 = math.exp %min3A_1036 : vector<16xf32>
        %swap3A_1038 = arith.index_cast %add3A_876 : i32 to index
        %swap3A_1039 = arith.constant 0 : index
        %swap3A_1040 = tpu.vector_load %arg15[%swap3A_1038, %swap3A_1039] {strides = array<i32>} : memref<64x16xf32, #tpu.memory_space<vmem>>, vector<16xf32>,
        tpu.vector_store %arg15[%swap3A_1038, %swap3A_1039], %exp3A_1037 {strides = array<i32>} : memref<64x16xf32, #tpu.memory_space<vmem>>, vector<16xf32>,
        %get3A_1041 = arith.index_cast %add3A_876 : i32 to index
        %get3A_1042 = arith.constant 0 : index
        %get3A_1043 = tpu.vector_load %arg14[%get3A_1041, %get3A_1042] {strides = array<i32>} : memref<64x128xf32, #tpu.memory_space<vmem>>, vector<16xf32>,
        %slice3A_1044 = vector.extract_strided_slice %exp3A_1037 {offsets = [0], sizes = [1], strides = [1]} : vector<16xf32> to vector<1xf32>
        %squeeze3A_1045 = vector.extract %slice3A_1044[0] : f32 from vector<1xf32>
        %mul3A_1046 = vector.broadcast %squeeze3A_1045 : f32 to vector<16xf32>
        %mul3A_1047 = arith.mulf %get3A_1043, %mul3A_1046 : vector<16xf32>
        %swap3A_1048 = arith.index_cast %add3A_876 : i32 to index
        %swap3A_1049 = arith.constant 0 : index
        %swap3A_1050 = tpu.vector_load %arg14[%swap3A_1048, %swap3A_1049] {strides = array<i32>} : memref<64x128xf32, #tpu.memory_space<vmem>>, vector<16xf32>,
        tpu.vector_store %arg14[%swap3A_1048, %swap3A_1049], %mul3A_1047 {strides = array<i32>} : memref<64x128xf32, #tpu.memory_space<vmem>>, vector<16xf32>,
        %get3A_1051 = arith.index_cast %add3A_876 : i32 to index
        %get3A_1052 = arith.constant 16 : index
        %get3A_1053 = tpu.vector_load %arg14[%get3A_1051, %get3A_1052] {strides = array<i32>} : memref<64x128xf32, #tpu.memory_space<vmem>>, vector<16xf32>,
        %slice3A_1054 = vector.extract_strided_slice %exp3A_1037 {offsets = [1], sizes = [1], strides = [1]} : vector<16xf32> to vector<1xf32>
        %squeeze3A_1055 = vector.extract %slice3A_1054[0] : f32 from vector<1xf32>
        %mul3A_1056 = vector.broadcast %squeeze3A_1055 : f32 to vector<16xf32>
        %mul3A_1057 = arith.mulf %get3A_1053, %mul3A_1056 : vector<16xf32>
        %swap3A_1058 = arith.index_cast %add3A_876 : i32 to index
        %swap3A_1059 = arith.constant 16 : index
        %swap3A_1060 = tpu.vector_load %arg14[%swap3A_1058, %swap3A_1059] {strides = array<i32>} : memref<64x128xf32, #tpu.memory_space<vmem>>, vector<16xf32>,
        tpu.vector_store %arg14[%swap3A_1058, %swap3A_1059], %mul3A_1057 {strides = array<i32>} : memref<64x128xf32, #tpu.memory_space<vmem>>, vector<16xf32>,
        %get3A_1061 = arith.index_cast %add3A_876 : i32 to index
        %get3A_1062 = arith.constant 32 : index
        %get3A_1063 = tpu.vector_load %arg14[%get3A_1061, %get3A_1062] {strides = array<i32>} : memref<64x128xf32, #tpu.memory_space<vmem>>, vector<16xf32>,
        %slice3A_1064 = vector.extract_strided_slice %exp3A_1037 {offsets = [2], sizes = [1], strides = [1]} : vector<16xf32> to vector<1xf32>
        %squeeze3A_1065 = vector.extract %slice3A_1064[0] : f32 from vector<1xf32>
        %mul3A_1066 = vector.broadcast %squeeze3A_1065 : f32 to vector<16xf32>
        %mul3A_1067 = arith.mulf %get3A_1063, %mul3A_1066 : vector<16xf32>
        %swap3A_1068 = arith.index_cast %add3A_876 : i32 to index
        %swap3A_1069 = arith.constant 32 : index
        %swap3A_1070 = tpu.vector_load %arg14[%swap3A_1068, %swap3A_1069] {strides = array<i32>} : memref<64x128xf32, #tpu.memory_space<vmem>>, vector<16xf32>,
        tpu.vector_store %arg14[%swap3A_1068, %swap3A_1069], %mul3A_1067 {strides = array<i32>} : memref<64x128xf32, #tpu.memory_space<vmem>>, vector<16xf32>,
        %get3A_1071 = arith.index_cast %add3A_876 : i32 to index
        %get3A_1072 = arith.constant 48 : index
        %get3A_1073 = tpu.vector_load %arg14[%get3A_1071, %get3A_1072] {strides = array<i32>} : memref<64x128xf32, #tpu.memory_space<vmem>>, vector<16xf32>,
        %slice3A_1074 = vector.extract_strided_slice %exp3A_1037 {offsets = [3], sizes = [1], strides = [1]} : vector<16xf32> to vector<1xf32>
        %squeeze3A_1075 = vector.extract %slice3A_1074[0] : f32 from vector<1xf32>
        %mul3A_1076 = vector.broadcast %squeeze3A_1075 : f32 to vector<16xf32>
        %mul3A_1077 = arith.mulf %get3A_1073, %mul3A_1076 : vector<16xf32>
        %swap3A_1078 = arith.index_cast %add3A_876 : i32 to index
        %swap3A_1079 = arith.constant 48 : index
        %swap3A_1080 = tpu.vector_load %arg14[%swap3A_1078, %swap3A_1079] {strides = array<i32>} : memref<64x128xf32, #tpu.memory_space<vmem>>, vector<16xf32>,
        tpu.vector_store %arg14[%swap3A_1078, %swap3A_1079], %mul3A_1077 {strides = array<i32>} : memref<64x128xf32, #tpu.memory_space<vmem>>, vector<16xf32>,
        %get3A_1081 = arith.index_cast %add3A_876 : i32 to index
        %get3A_1082 = arith.constant 64 : index
        %get3A_1083 = tpu.vector_load %arg14[%get3A_1081, %get3A_1082] {strides = array<i32>} : memref<64x128xf32, #tpu.memory_space<vmem>>, vector<16xf32>,
        %slice3A_1084 = vector.extract_strided_slice %exp3A_1037 {offsets = [4], sizes = [1], strides = [1]} : vector<16xf32> to vector<1xf32>
        %squeeze3A_1085 = vector.extract %slice3A_1084[0] : f32 from vector<1xf32>
        %mul3A_1086 = vector.broadcast %squeeze3A_1085 : f32 to vector<16xf32>
        %mul3A_1087 = arith.mulf %get3A_1083, %mul3A_1086 : vector<16xf32>
        %swap3A_1088 = arith.index_cast %add3A_876 : i32 to index
        %swap3A_1089 = arith.constant 64 : index
        %swap3A_1090 = tpu.vector_load %arg14[%swap3A_1088, %swap3A_1089] {strides = array<i32>} : memref<64x128xf32, #tpu.memory_space<vmem>>, vector<16xf32>,
        tpu.vector_store %arg14[%swap3A_1088, %swap3A_1089], %mul3A_1087 {strides = array<i32>} : memref<64x128xf32, #tpu.memory_space<vmem>>, vector<16xf32>,
        %get3A_1091 = arith.index_cast %add3A_876 : i32 to index
        %get3A_1092 = arith.constant 80 : index
        %get3A_1093 = tpu.vector_load %arg14[%get3A_1091, %get3A_1092] {strides = array<i32>} : memref<64x128xf32, #tpu.memory_space<vmem>>, vector<16xf32>,
        %slice3A_1094 = vector.extract_strided_slice %exp3A_1037 {offsets = [5], sizes = [1], strides = [1]} : vector<16xf32> to vector<1xf32>
        %squeeze3A_1095 = vector.extract %slice3A_1094[0] : f32 from vector<1xf32>
        %mul3A_1096 = vector.broadcast %squeeze3A_1095 : f32 to vector<16xf32>
        %mul3A_1097 = arith.mulf %get3A_1093, %mul3A_1096 : vector<16xf32>
        %swap3A_1098 = arith.index_cast %add3A_876 : i32 to index
        %swap3A_1099 = arith.constant 80 : index
        %swap3A_1100 = tpu.vector_load %arg14[%swap3A_1098, %swap3A_1099] {strides = array<i32>} : memref<64x128xf32, #tpu.memory_space<vmem>>, vector<16xf32>,
        tpu.vector_store %arg14[%swap3A_1098, %swap3A_1099], %mul3A_1097 {strides = array<i32>} : memref<64x128xf32, #tpu.memory_space<vmem>>, vector<16xf32>,
        %get3A_1101 = arith.index_cast %add3A_876 : i32 to index
        %get3A_1102 = arith.constant 96 : index
        %get3A_1103 = tpu.vector_load %arg14[%get3A_1101, %get3A_1102] {strides = array<i32>} : memref<64x128xf32, #tpu.memory_space<vmem>>, vector<16xf32>,
        %slice3A_1104 = vector.extract_strided_slice %exp3A_1037 {offsets = [6], sizes = [1], strides = [1]} : vector<16xf32> to vector<1xf32>
        %squeeze3A_1105 = vector.extract %slice3A_1104[0] : f32 from vector<1xf32>
        %mul3A_1106 = vector.broadcast %squeeze3A_1105 : f32 to vector<16xf32>
        %mul3A_1107 = arith.mulf %get3A_1103, %mul3A_1106 : vector<16xf32>
        %swap3A_1108 = arith.index_cast %add3A_876 : i32 to index
        %swap3A_1109 = arith.constant 96 : index
        %swap3A_1110 = tpu.vector_load %arg14[%swap3A_1108, %swap3A_1109] {strides = array<i32>} : memref<64x128xf32, #tpu.memory_space<vmem>>, vector<16xf32>,
        tpu.vector_store %arg14[%swap3A_1108, %swap3A_1109], %mul3A_1107 {strides = array<i32>} : memref<64x128xf32, #tpu.memory_space<vmem>>, vector<16xf32>,
        %get3A_1111 = arith.index_cast %add3A_876 : i32 to index
        %get3A_1112 = arith.constant 112 : index
        %get3A_1113 = tpu.vector_load %arg14[%get3A_1111, %get3A_1112] {strides = array<i32>} : memref<64x128xf32, #tpu.memory_space<vmem>>, vector<16xf32>,
        %slice3A_1114 = vector.extract_strided_slice %exp3A_1037 {offsets = [7], sizes = [1], strides = [1]} : vector<16xf32> to vector<1xf32>
        %squeeze3A_1115 = vector.extract %slice3A_1114[0] : f32 from vector<1xf32>
        %mul3A_1116 = vector.broadcast %squeeze3A_1115 : f32 to vector<16xf32>
        %mul3A_1117 = arith.mulf %get3A_1113, %mul3A_1116 : vector<16xf32>
        %swap3A_1118 = arith.index_cast %add3A_876 : i32 to index
        %swap3A_1119 = arith.constant 112 : index
        %swap3A_1120 = tpu.vector_load %arg14[%swap3A_1118, %swap3A_1119] {strides = array<i32>} : memref<64x128xf32, #tpu.memory_space<vmem>>, vector<16xf32>,
        tpu.vector_store %arg14[%swap3A_1118, %swap3A_1119], %mul3A_1117 {strides = array<i32>} : memref<64x128xf32, #tpu.memory_space<vmem>>, vector<16xf32>,
      }
      %scan3A_621 = arith.constant 64 : i32
      %dma_start3A_622 = arith.constant 0 : i32
      %dma_start3A_623 = arith.constant 0 : i32
      %dma_start3A_624 = tpu.memref_slice %arg19[%dma_start3A_622, %dma_start3A_623] : memref<10240x128xf32, #tpu.memory_space<vmem_shared>> -> memref<10240x128xf32, #tpu.memory_space<vmem_shared>>
      tpu.enqueue_indirect_dma source(%arg14 : memref<64x128xf32, #tpu.memory_space<vmem>>) target(%dma_start3A_624 : memref<10240x128xf32, #tpu.memory_space<vmem_shared>>) offsets(%arg10 : memref<64xi32, #tpu.memory_space<vmem>>) semaphore(%arg20 : memref<!tpu.dma_semaphore, #tpu.memory_space<semaphore_mem>>) {add = true}
      %dma_wait3A_625 = arith.constant 0 : i32
      %dma_wait3A_626 = arith.constant 0 : i32
      %dma_wait3A_627 = tpu.memref_slice %arg19[%dma_wait3A_625, %dma_wait3A_626] : memref<10240x128xf32, #tpu.memory_space<vmem_shared>> -> memref<10240x128xf32, #tpu.memory_space<vmem_shared>>
      tpu.wait_indirect_dma semaphore(%arg20 : memref<!tpu.dma_semaphore, #tpu.memory_space<semaphore_mem>>) src(%arg14 : memref<64x128xf32, #tpu.memory_space<vmem>>) dst(%dma_wait3A_627 : memref<10240x128xf32, #tpu.memory_space<vmem_shared>>)
      %mul3A_628 = arith.constant 160768 : i32
      %mul3A_629 = arith.muli %arg0, %mul3A_628 : i32
      %add3A_630 = arith.addi %mul3A_629, %add3A_553 : i32
      "tpu.region"() ({
        %run_scoped3A = tpu.sem_alloc : memref<!tpu.dma_semaphore, #tpu.memory_space<semaphore_mem>>
        %dma_start3A_631 = arith.constant 0 : i32
        %dma_start3A_632 = tpu.memref_slice %arg8[%add3A_630, %dma_start3A_631] : memref<321536x16xf32, #tpu.memory_space<hbm>> -> memref<64x16xf32, #tpu.memory_space<hbm>>
        %dma_start3A_633 = arith.constant 0 : i32
        %dma_start3A_634 = tpu.memref_slice %arg8[%add3A_630, %dma_start3A_633] : memref<321536x16xf32, #tpu.memory_space<hbm>> -> memref<64x16xf32, #tpu.memory_space<hbm>>
        tpu.enqueue_dma source(%arg15 : memref<64x16xf32, #tpu.memory_space<vmem>>) target(%dma_start3A_634 : memref<64x16xf32, #tpu.memory_space<hbm>>) target_semaphore(%run_scoped3A : memref<!tpu.dma_semaphore, #tpu.memory_space<semaphore_mem>>)
        %dma_wait3A_635 = arith.constant 0 : i32
        %dma_wait3A_636 = tpu.memref_slice %arg8[%add3A_630, %dma_wait3A_635] : memref<321536x16xf32, #tpu.memory_space<hbm>> -> memref<64x16xf32, #tpu.memory_space<hbm>>
        %dma_wait3A_637 = arith.constant 0 : i32
        %dma_wait3A_638 = tpu.memref_slice %arg8[%add3A_630, %dma_wait3A_637] : memref<321536x16xf32, #tpu.memory_space<hbm>> -> memref<64x16xf32, #tpu.memory_space<hbm>>
        tpu.wait_dma2 semaphore(%run_scoped3A : memref<!tpu.dma_semaphore, #tpu.memory_space<semaphore_mem>>) src(%arg15 : memref<64x16xf32, #tpu.memory_space<vmem>>) dst(%dma_wait3A_638 : memref<64x16xf32, #tpu.memory_space<hbm>>)
        tpu.yield
      }) : () -> ()
    }
    %scan3A_521 = arith.constant 157 : i32
    %barrier3A_522 = arith.constant 0 : index
    tpu.barrier barrier_id(%barrier3A_522)
    %scan3A_523 = arith.constant 0 : i32
    %scan3A_524 = arith.constant 40 : i32
    %scan3A_525 = arith.addi %scan3A_523, %scan3A_524 : i32
    %scan3A_526 = arith.constant 1 : i32
    scf.for %scan3A_545 = %scan3A_523 to %scan3A_525 step %scan3A_526  : i32 {
      %mul3A_546 = arith.constant 1 : i32
      %mul3A_547 = arith.muli %scan3A_545, %mul3A_546 : i32
      %add3A = arith.constant 0 : i32
      %add3A_548 = arith.addi %add3A, %mul3A_547 : i32
      %mul3A_549 = arith.constant 640 : i32
      %mul3A_550 = arith.muli %arg1, %mul3A_549 : i32
      %mul3A_551 = arith.constant 16 : i32
      %mul3A_552 = arith.muli %add3A_548, %mul3A_551 : i32
      %add3A_553 = arith.addi %mul3A_550, %mul3A_552 : i32
      %add3A_554 = vector.broadcast %add3A_553 : i32 to vector<16xi32>
      %add3A_555 = arith.addi %add3A_554, %iota3A : vector<16xi32>
      %swap3A_556 = arith.constant 0 : index
      %swap3A_557 = tpu.vector_load %arg16[%swap3A_556] {strides = array<i32>} : memref<16xi32, #tpu.memory_space<vmem>>, vector<16xi32>,
      tpu.vector_store %arg16[%swap3A_556], %add3A_555 {strides = array<i32>} : memref<16xi32, #tpu.memory_space<vmem>>, vector<16xi32>,
      %dma_start3A = arith.constant 0 : i32
      %dma_start3A_558 = arith.constant 0 : i32
      %dma_start3A_559 = tpu.memref_slice %arg19[%dma_start3A, %dma_start3A_558] : memref<10240x128xf32, #tpu.memory_space<vmem_shared>> -> memref<10240x128xf32, #tpu.memory_space<vmem_shared>>
      tpu.enqueue_indirect_dma source(%dma_start3A_559 : memref<10240x128xf32, #tpu.memory_space<vmem_shared>>) target(%arg17 : memref<16x128xf32, #tpu.memory_space<vmem>>) offsets(%arg16 : memref<16xi32, #tpu.memory_space<vmem>>) semaphore(%arg20 : memref<!tpu.dma_semaphore, #tpu.memory_space<semaphore_mem>>)
      %dma_wait3A = arith.constant 0 : i32
      %dma_wait3A_560 = arith.constant 0 : i32
      %dma_wait3A_561 = tpu.memref_slice %arg19[%dma_wait3A, %dma_wait3A_560] : memref<10240x128xf32, #tpu.memory_space<vmem_shared>> -> memref<10240x128xf32, #tpu.memory_space<vmem_shared>>
      tpu.wait_indirect_dma semaphore(%arg20 : memref<!tpu.dma_semaphore, #tpu.memory_space<semaphore_mem>>) src(%dma_wait3A_561 : memref<10240x128xf32, #tpu.memory_space<vmem_shared>>) dst(%arg17 : memref<16x128xf32, #tpu.memory_space<vmem>>)
      %mul3A_562 = arith.constant 10240 : i32
      %mul3A_563 = arith.muli %arg0, %mul3A_562 : i32
      %add3A_564 = arith.addi %mul3A_563, %add3A_553 : i32
      "tpu.region"() ({
        %run_scoped3A = tpu.sem_alloc : memref<!tpu.dma_semaphore, #tpu.memory_space<semaphore_mem>>
        %dma_start3A_565 = arith.constant 0 : i32
        %dma_start3A_566 = tpu.memref_slice %arg7[%add3A_564, %dma_start3A_565] : memref<20480x128xf32, #tpu.memory_space<hbm>> -> memref<16x128xf32, #tpu.memory_space<hbm>>
        %dma_start3A_567 = arith.constant 0 : i32
        %dma_start3A_568 = tpu.memref_slice %arg7[%add3A_564, %dma_start3A_567] : memref<20480x128xf32, #tpu.memory_space<hbm>> -> memref<16x128xf32, #tpu.memory_space<hbm>>
        tpu.enqueue_dma source(%arg17 : memref<16x128xf32, #tpu.memory_space<vmem>>) target(%dma_start3A_568 : memref<16x128xf32, #tpu.memory_space<hbm>>) target_semaphore(%run_scoped3A : memref<!tpu.dma_semaphore, #tpu.memory_space<semaphore_mem>>)
        %dma_wait3A_569 = arith.constant 0 : i32
        %dma_wait3A_570 = tpu.memref_slice %arg7[%add3A_564, %dma_wait3A_569] : memref<20480x128xf32, #tpu.memory_space<hbm>> -> memref<16x128xf32, #tpu.memory_space<hbm>>
        %dma_wait3A_571 = arith.constant 0 : i32
        %dma_wait3A_572 = tpu.memref_slice %arg7[%add3A_564, %dma_wait3A_571] : memref<20480x128xf32, #tpu.memory_space<hbm>> -> memref<16x128xf32, #tpu.memory_space<hbm>>
        tpu.wait_dma2 semaphore(%run_scoped3A : memref<!tpu.dma_semaphore, #tpu.memory_space<semaphore_mem>>) src(%arg17 : memref<16x128xf32, #tpu.memory_space<vmem>>) dst(%dma_wait3A_572 : memref<16x128xf32, #tpu.memory_space<hbm>>)
        tpu.yield
      }) : () -> ()
    }
    %scan3A_527 = arith.constant 40 : i32
    %scan3A_528 = arith.constant 0 : i32
    %scan3A_529 = arith.constant 40 : i32
    %scan3A_530 = arith.addi %scan3A_528, %scan3A_529 : i32
    %scan3A_531 = arith.constant 1 : i32
    scf.for %scan3A_545 = %scan3A_528 to %scan3A_530 step %scan3A_531  : i32 {
      %mul3A_546 = arith.constant 1 : i32
      %mul3A_547 = arith.muli %scan3A_545, %mul3A_546 : i32
      %add3A = arith.constant 0 : i32
      %add3A_548 = arith.addi %add3A, %mul3A_547 : i32
      %mul3A_549 = arith.constant 640 : i32
      %mul3A_550 = arith.muli %arg1, %mul3A_549 : i32
      %mul3A_551 = arith.constant 16 : i32
      %mul3A_552 = arith.muli %add3A_548, %mul3A_551 : i32
      %add3A_553 = arith.addi %mul3A_550, %mul3A_552 : i32
      %add3A_554 = vector.broadcast %add3A_553 : i32 to vector<16xi32>
      %add3A_555 = arith.addi %add3A_554, %iota3A : vector<16xi32>
      %swap3A_556 = arith.constant 0 : index
      %swap3A_557 = tpu.vector_load %arg16[%swap3A_556] {strides = array<i32>} : memref<16xi32, #tpu.memory_space<vmem>>, vector<16xi32>,
      tpu.vector_store %arg16[%swap3A_556], %add3A_555 {strides = array<i32>} : memref<16xi32, #tpu.memory_space<vmem>>, vector<16xi32>,
      %dma_start3A = arith.constant 0 : i32
      %dma_start3A_558 = arith.constant 0 : i32
      %dma_start3A_559 = tpu.memref_slice %arg19[%dma_start3A, %dma_start3A_558] : memref<10240x128xf32, #tpu.memory_space<vmem_shared>> -> memref<10240x128xf32, #tpu.memory_space<vmem_shared>>
      tpu.enqueue_indirect_dma source(%arg18 : memref<16x128xf32, #tpu.memory_space<vmem>>) target(%dma_start3A_559 : memref<10240x128xf32, #tpu.memory_space<vmem_shared>>) offsets(%arg16 : memref<16xi32, #tpu.memory_space<vmem>>) semaphore(%arg20 : memref<!tpu.dma_semaphore, #tpu.memory_space<semaphore_mem>>)
      %dma_wait3A = arith.constant 0 : i32
      %dma_wait3A_560 = arith.constant 0 : i32
      %dma_wait3A_561 = tpu.memref_slice %arg19[%dma_wait3A, %dma_wait3A_560] : memref<10240x128xf32, #tpu.memory_space<vmem_shared>> -> memref<10240x128xf32, #tpu.memory_space<vmem_shared>>
      tpu.wait_indirect_dma semaphore(%arg20 : memref<!tpu.dma_semaphore, #tpu.memory_space<semaphore_mem>>) src(%arg18 : memref<16x128xf32, #tpu.memory_space<vmem>>) dst(%dma_wait3A_561 : memref<10240x128xf32, #tpu.memory_space<vmem_shared>>)
    }
    %scan3A_532 = arith.constant 40 : i32
    %barrier3A_533 = arith.constant 0 : index
    tpu.barrier barrier_id(%barrier3A_533)
    %scan3A_534 = arith.constant 0 : i32
    %scan3A_535 = arith.constant 157 : i32
    %scan3A_536 = arith.addi %scan3A_534, %scan3A_535 : i32
    %scan3A_537 = arith.constant 1 : i32
    scf.for %scan3A_545 = %scan3A_534 to %scan3A_536 step %scan3A_537  : i32 {
      %mul3A_546 = arith.constant 1 : i32
      %mul3A_547 = arith.muli %scan3A_545, %mul3A_546 : i32
      %add3A = arith.constant 0 : i32
      %add3A_548 = arith.addi %add3A, %mul3A_547 : i32
      %mul3A_549 = arith.constant 10048 : i32
      %mul3A_550 = arith.muli %arg1, %mul3A_549 : i32
      %mul3A_551 = arith.constant 64 : i32
      %mul3A_552 = arith.muli %add3A_548, %mul3A_551 : i32
      %add3A_553 = arith.addi %mul3A_550, %mul3A_552 : i32
      "tpu.region"() ({
        %run_scoped3A = tpu.sem_alloc : memref<!tpu.dma_semaphore, #tpu.memory_space<semaphore_mem>>
        %dma_start3A_566 = tpu.memref_slice %arg6[%add3A_553] : memref<160768xi32, #tpu.memory_space<hbm>> -> memref<64xi32, #tpu.memory_space<hbm>>
        %dma_start3A_567 = tpu.memref_slice %arg6[%add3A_553] : memref<160768xi32, #tpu.memory_space<hbm>> -> memref<64xi32, #tpu.memory_space<hbm>>
        tpu.enqueue_dma source(%dma_start3A_567 : memref<64xi32, #tpu.memory_space<hbm>>) target(%arg10 : memref<64xi32, #tpu.memory_space<vmem>>) target_semaphore(%run_scoped3A : memref<!tpu.dma_semaphore, #tpu.memory_space<semaphore_mem>>)
        %dma_wait3A_568 = tpu.memref_slice %arg6[%add3A_553] : memref<160768xi32, #tpu.memory_space<hbm>> -> memref<64xi32, #tpu.memory_space<hbm>>
        %dma_wait3A_569 = tpu.memref_slice %arg6[%add3A_553] : memref<160768xi32, #tpu.memory_space<hbm>> -> memref<64xi32, #tpu.memory_space<hbm>>
        tpu.wait_dma2 semaphore(%run_scoped3A : memref<!tpu.dma_semaphore, #tpu.memory_space<semaphore_mem>>) src(%dma_wait3A_569 : memref<64xi32, #tpu.memory_space<hbm>>) dst(%arg10 : memref<64xi32, #tpu.memory_space<vmem>>)
        tpu.yield
      }) : () -> ()
      %mul3A_554 = arith.constant 160768 : i32
      %mul3A_555 = arith.muli %arg0, %mul3A_554 : i32
      %add3A_556 = arith.addi %mul3A_555, %add3A_553 : i32
      "tpu.region"() ({
        %run_scoped3A = tpu.sem_alloc : memref<!tpu.dma_semaphore, #tpu.memory_space<semaphore_mem>>
        %dma_start3A_566 = arith.constant 0 : i32
        %dma_start3A_567 = tpu.memref_slice %arg8[%add3A_556, %dma_start3A_566] : memref<321536x16xf32, #tpu.memory_space<hbm>> -> memref<64x16xf32, #tpu.memory_space<hbm>>
        %dma_start3A_568 = arith.constant 0 : i32
        %dma_start3A_569 = tpu.memref_slice %arg8[%add3A_556, %dma_start3A_568] : memref<321536x16xf32, #tpu.memory_space<hbm>> -> memref<64x16xf32, #tpu.memory_space<hbm>>
        tpu.enqueue_dma source(%dma_start3A_569 : memref<64x16xf32, #tpu.memory_space<hbm>>) target(%arg15 : memref<64x16xf32, #tpu.memory_space<vmem>>) target_semaphore(%run_scoped3A : memref<!tpu.dma_semaphore, #tpu.memory_space<semaphore_mem>>)
        %dma_wait3A_570 = arith.constant 0 : i32
        %dma_wait3A_571 = tpu.memref_slice %arg8[%add3A_556, %dma_wait3A_570] : memref<321536x16xf32, #tpu.memory_space<hbm>> -> memref<64x16xf32, #tpu.memory_space<hbm>>
        %dma_wait3A_572 = arith.constant 0 : i32
        %dma_wait3A_573 = tpu.memref_slice %arg8[%add3A_556, %dma_wait3A_572] : memref<321536x16xf32, #tpu.memory_space<hbm>> -> memref<64x16xf32, #tpu.memory_space<hbm>>
        tpu.wait_dma2 semaphore(%run_scoped3A : memref<!tpu.dma_semaphore, #tpu.memory_space<semaphore_mem>>) src(%dma_wait3A_573 : memref<64x16xf32, #tpu.memory_space<hbm>>) dst(%arg15 : memref<64x16xf32, #tpu.memory_space<vmem>>)
        tpu.yield
      }) : () -> ()
      %scan3A_557 = arith.constant 0 : i32
      %scan3A_558 = arith.constant 64 : i32
      %scan3A_559 = arith.addi %scan3A_557, %scan3A_558 : i32
      %scan3A_560 = arith.constant 2 : i32
      scf.for %scan3A_566 = %scan3A_557 to %scan3A_559 step %scan3A_560  : i32 {
        %mul3A_567 = arith.constant 1 : i32
        %mul3A_568 = arith.muli %scan3A_566, %mul3A_567 : i32
        %add3A_569 = arith.constant 0 : i32
        %add3A_570 = arith.addi %add3A_569, %mul3A_568 : i32
        %get3A = arith.index_cast %add3A_570 : i32 to index
        %get3A_571 = arith.constant 0 : index
        %get3A_572 = tpu.vector_load %arg15[%get3A, %get3A_571] {strides = array<i32>} : memref<64x16xf32, #tpu.memory_space<vmem>>, vector<16xf32>,
        %slice3A = vector.extract_strided_slice %get3A_572 {offsets = [0], sizes = [1], strides = [1]} : vector<16xf32> to vector<1xf32>
        %squeeze3A = vector.extract %slice3A[0] : f32 from vector<1xf32>
        %add3A_573 = vector.broadcast %squeeze3A : f32 to vector<16xf32>
        %add3A_574 = arith.addf %add3A_573, %broadcast_in_dim3A_1 : vector<16xf32>
        %swap3A_575 = arith.index_cast %add3A_570 : i32 to index
        %swap3A_576 = arith.constant 0 : index
        %swap3A_577 = tpu.vector_load %arg14[%swap3A_575, %swap3A_576] {strides = array<i32>} : memref<64x128xf32, #tpu.memory_space<vmem>>, vector<16xf32>,
        tpu.vector_store %arg14[%swap3A_575, %swap3A_576], %add3A_574 {strides = array<i32>} : memref<64x128xf32, #tpu.memory_space<vmem>>, vector<16xf32>,
        %slice3A_578 = vector.extract_strided_slice %get3A_572 {offsets = [1], sizes = [1], strides = [1]} : vector<16xf32> to vector<1xf32>
        %squeeze3A_579 = vector.extract %slice3A_578[0] : f32 from vector<1xf32>
        %add3A_580 = vector.broadcast %squeeze3A_579 : f32 to vector<16xf32>
        %add3A_581 = arith.addf %add3A_580, %broadcast_in_dim3A_1 : vector<16xf32>
        %swap3A_582 = arith.index_cast %add3A_570 : i32 to index
        %swap3A_583 = arith.constant 16 : index
        %swap3A_584 = tpu.vector_load %arg14[%swap3A_582, %swap3A_583] {strides = array<i32>} : memref<64x128xf32, #tpu.memory_space<vmem>>, vector<16xf32>,
        tpu.vector_store %arg14[%swap3A_582, %swap3A_583], %add3A_581 {strides = array<i32>} : memref<64x128xf32, #tpu.memory_space<vmem>>, vector<16xf32>,
        %slice3A_585 = vector.extract_strided_slice %get3A_572 {offsets = [2], sizes = [1], strides = [1]} : vector<16xf32> to vector<1xf32>
        %squeeze3A_586 = vector.extract %slice3A_585[0] : f32 from vector<1xf32>
        %add3A_587 = vector.broadcast %squeeze3A_586 : f32 to vector<16xf32>
        %add3A_588 = arith.addf %add3A_587, %broadcast_in_dim3A_1 : vector<16xf32>
        %swap3A_589 = arith.index_cast %add3A_570 : i32 to index
        %swap3A_590 = arith.constant 32 : index
        %swap3A_591 = tpu.vector_load %arg14[%swap3A_589, %swap3A_590] {strides = array<i32>} : memref<64x128xf32, #tpu.memory_space<vmem>>, vector<16xf32>,
        tpu.vector_store %arg14[%swap3A_589, %swap3A_590], %add3A_588 {strides = array<i32>} : memref<64x128xf32, #tpu.memory_space<vmem>>, vector<16xf32>,
        %slice3A_592 = vector.extract_strided_slice %get3A_572 {offsets = [3], sizes = [1], strides = [1]} : vector<16xf32> to vector<1xf32>
        %squeeze3A_593 = vector.extract %slice3A_592[0] : f32 from vector<1xf32>
        %add3A_594 = vector.broadcast %squeeze3A_593 : f32 to vector<16xf32>
        %add3A_595 = arith.addf %add3A_594, %broadcast_in_dim3A_1 : vector<16xf32>
        %swap3A_596 = arith.index_cast %add3A_570 : i32 to index
        %swap3A_597 = arith.constant 48 : index
        %swap3A_598 = tpu.vector_load %arg14[%swap3A_596, %swap3A_597] {strides = array<i32>} : memref<64x128xf32, #tpu.memory_space<vmem>>, vector<16xf32>,
        tpu.vector_store %arg14[%swap3A_596, %swap3A_597], %add3A_595 {strides = array<i32>} : memref<64x128xf32, #tpu.memory_space<vmem>>, vector<16xf32>,
        %slice3A_599 = vector.extract_strided_slice %get3A_572 {offsets = [4], sizes = [1], strides = [1]} : vector<16xf32> to vector<1xf32>
        %squeeze3A_600 = vector.extract %slice3A_599[0] : f32 from vector<1xf32>
        %add3A_601 = vector.broadcast %squeeze3A_600 : f32 to vector<16xf32>
        %add3A_602 = arith.addf %add3A_601, %broadcast_in_dim3A_1 : vector<16xf32>
        %swap3A_603 = arith.index_cast %add3A_570 : i32 to index
        %swap3A_604 = arith.constant 64 : index
        %swap3A_605 = tpu.vector_load %arg14[%swap3A_603, %swap3A_604] {strides = array<i32>} : memref<64x128xf32, #tpu.memory_space<vmem>>, vector<16xf32>,
        tpu.vector_store %arg14[%swap3A_603, %swap3A_604], %add3A_602 {strides = array<i32>} : memref<64x128xf32, #tpu.memory_space<vmem>>, vector<16xf32>,
        %slice3A_606 = vector.extract_strided_slice %get3A_572 {offsets = [5], sizes = [1], strides = [1]} : vector<16xf32> to vector<1xf32>
        %squeeze3A_607 = vector.extract %slice3A_606[0] : f32 from vector<1xf32>
        %add3A_608 = vector.broadcast %squeeze3A_607 : f32 to vector<16xf32>
        %add3A_609 = arith.addf %add3A_608, %broadcast_in_dim3A_1 : vector<16xf32>
        %swap3A_610 = arith.index_cast %add3A_570 : i32 to index
        %swap3A_611 = arith.constant 80 : index
        %swap3A_612 = tpu.vector_load %arg14[%swap3A_610, %swap3A_611] {strides = array<i32>} : memref<64x128xf32, #tpu.memory_space<vmem>>, vector<16xf32>,
        tpu.vector_store %arg14[%swap3A_610, %swap3A_611], %add3A_609 {strides = array<i32>} : memref<64x128xf32, #tpu.memory_space<vmem>>, vector<16xf32>,
        %slice3A_613 = vector.extract_strided_slice %get3A_572 {offsets = [6], sizes = [1], strides = [1]} : vector<16xf32> to vector<1xf32>
        %squeeze3A_614 = vector.extract %slice3A_613[0] : f32 from vector<1xf32>
        %add3A_615 = vector.broadcast %squeeze3A_614 : f32 to vector<16xf32>
        %add3A_616 = arith.addf %add3A_615, %broadcast_in_dim3A_1 : vector<16xf32>
        %swap3A_617 = arith.index_cast %add3A_570 : i32 to index
        %swap3A_618 = arith.constant 96 : index
        %swap3A_619 = tpu.vector_load %arg14[%swap3A_617, %swap3A_618] {strides = array<i32>} : memref<64x128xf32, #tpu.memory_space<vmem>>, vector<16xf32>,
        tpu.vector_store %arg14[%swap3A_617, %swap3A_618], %add3A_616 {strides = array<i32>} : memref<64x128xf32, #tpu.memory_space<vmem>>, vector<16xf32>,
        %slice3A_620 = vector.extract_strided_slice %get3A_572 {offsets = [7], sizes = [1], strides = [1]} : vector<16xf32> to vector<1xf32>
        %squeeze3A_621 = vector.extract %slice3A_620[0] : f32 from vector<1xf32>
        %add3A_622 = vector.broadcast %squeeze3A_621 : f32 to vector<16xf32>
        %add3A_623 = arith.addf %add3A_622, %broadcast_in_dim3A_1 : vector<16xf32>
        %swap3A_624 = arith.index_cast %add3A_570 : i32 to index
        %swap3A_625 = arith.constant 112 : index
        %swap3A_626 = tpu.vector_load %arg14[%swap3A_624, %swap3A_625] {strides = array<i32>} : memref<64x128xf32, #tpu.memory_space<vmem>>, vector<16xf32>,
        tpu.vector_store %arg14[%swap3A_624, %swap3A_625], %add3A_623 {strides = array<i32>} : memref<64x128xf32, #tpu.memory_space<vmem>>, vector<16xf32>,
        %scan3A_627 = arith.constant 1 : i32
        %scan3A_628 = arith.addi %scan3A_566, %scan3A_627 : i32
        %mul3A_629 = arith.constant 1 : i32
        %mul3A_630 = arith.muli %scan3A_628, %mul3A_629 : i32
        %add3A_631 = arith.constant 0 : i32
        %add3A_632 = arith.addi %add3A_631, %mul3A_630 : i32
        %get3A_633 = arith.index_cast %add3A_632 : i32 to index
        %get3A_634 = arith.constant 0 : index
        %get3A_635 = tpu.vector_load %arg15[%get3A_633, %get3A_634] {strides = array<i32>} : memref<64x16xf32, #tpu.memory_space<vmem>>, vector<16xf32>,
        %slice3A_636 = vector.extract_strided_slice %get3A_635 {offsets = [0], sizes = [1], strides = [1]} : vector<16xf32> to vector<1xf32>
        %squeeze3A_637 = vector.extract %slice3A_636[0] : f32 from vector<1xf32>
        %add3A_638 = vector.broadcast %squeeze3A_637 : f32 to vector<16xf32>
        %add3A_639 = arith.addf %add3A_638, %broadcast_in_dim3A_1 : vector<16xf32>
        %swap3A_640 = arith.index_cast %add3A_632 : i32 to index
        %swap3A_641 = arith.constant 0 : index
        %swap3A_642 = tpu.vector_load %arg14[%swap3A_640, %swap3A_641] {strides = array<i32>} : memref<64x128xf32, #tpu.memory_space<vmem>>, vector<16xf32>,
        tpu.vector_store %arg14[%swap3A_640, %swap3A_641], %add3A_639 {strides = array<i32>} : memref<64x128xf32, #tpu.memory_space<vmem>>, vector<16xf32>,
        %slice3A_643 = vector.extract_strided_slice %get3A_635 {offsets = [1], sizes = [1], strides = [1]} : vector<16xf32> to vector<1xf32>
        %squeeze3A_644 = vector.extract %slice3A_643[0] : f32 from vector<1xf32>
        %add3A_645 = vector.broadcast %squeeze3A_644 : f32 to vector<16xf32>
        %add3A_646 = arith.addf %add3A_645, %broadcast_in_dim3A_1 : vector<16xf32>
        %swap3A_647 = arith.index_cast %add3A_632 : i32 to index
        %swap3A_648 = arith.constant 16 : index
        %swap3A_649 = tpu.vector_load %arg14[%swap3A_647, %swap3A_648] {strides = array<i32>} : memref<64x128xf32, #tpu.memory_space<vmem>>, vector<16xf32>,
        tpu.vector_store %arg14[%swap3A_647, %swap3A_648], %add3A_646 {strides = array<i32>} : memref<64x128xf32, #tpu.memory_space<vmem>>, vector<16xf32>,
        %slice3A_650 = vector.extract_strided_slice %get3A_635 {offsets = [2], sizes = [1], strides = [1]} : vector<16xf32> to vector<1xf32>
        %squeeze3A_651 = vector.extract %slice3A_650[0] : f32 from vector<1xf32>
        %add3A_652 = vector.broadcast %squeeze3A_651 : f32 to vector<16xf32>
        %add3A_653 = arith.addf %add3A_652, %broadcast_in_dim3A_1 : vector<16xf32>
        %swap3A_654 = arith.index_cast %add3A_632 : i32 to index
        %swap3A_655 = arith.constant 32 : index
        %swap3A_656 = tpu.vector_load %arg14[%swap3A_654, %swap3A_655] {strides = array<i32>} : memref<64x128xf32, #tpu.memory_space<vmem>>, vector<16xf32>,
        tpu.vector_store %arg14[%swap3A_654, %swap3A_655], %add3A_653 {strides = array<i32>} : memref<64x128xf32, #tpu.memory_space<vmem>>, vector<16xf32>,
        %slice3A_657 = vector.extract_strided_slice %get3A_635 {offsets = [3], sizes = [1], strides = [1]} : vector<16xf32> to vector<1xf32>
        %squeeze3A_658 = vector.extract %slice3A_657[0] : f32 from vector<1xf32>
        %add3A_659 = vector.broadcast %squeeze3A_658 : f32 to vector<16xf32>
        %add3A_660 = arith.addf %add3A_659, %broadcast_in_dim3A_1 : vector<16xf32>
        %swap3A_661 = arith.index_cast %add3A_632 : i32 to index
        %swap3A_662 = arith.constant 48 : index
        %swap3A_663 = tpu.vector_load %arg14[%swap3A_661, %swap3A_662] {strides = array<i32>} : memref<64x128xf32, #tpu.memory_space<vmem>>, vector<16xf32>,
        tpu.vector_store %arg14[%swap3A_661, %swap3A_662], %add3A_660 {strides = array<i32>} : memref<64x128xf32, #tpu.memory_space<vmem>>, vector<16xf32>,
        %slice3A_664 = vector.extract_strided_slice %get3A_635 {offsets = [4], sizes = [1], strides = [1]} : vector<16xf32> to vector<1xf32>
        %squeeze3A_665 = vector.extract %slice3A_664[0] : f32 from vector<1xf32>
        %add3A_666 = vector.broadcast %squeeze3A_665 : f32 to vector<16xf32>
        %add3A_667 = arith.addf %add3A_666, %broadcast_in_dim3A_1 : vector<16xf32>
        %swap3A_668 = arith.index_cast %add3A_632 : i32 to index
        %swap3A_669 = arith.constant 64 : index
        %swap3A_670 = tpu.vector_load %arg14[%swap3A_668, %swap3A_669] {strides = array<i32>} : memref<64x128xf32, #tpu.memory_space<vmem>>, vector<16xf32>,
        tpu.vector_store %arg14[%swap3A_668, %swap3A_669], %add3A_667 {strides = array<i32>} : memref<64x128xf32, #tpu.memory_space<vmem>>, vector<16xf32>,
        %slice3A_671 = vector.extract_strided_slice %get3A_635 {offsets = [5], sizes = [1], strides = [1]} : vector<16xf32> to vector<1xf32>
        %squeeze3A_672 = vector.extract %slice3A_671[0] : f32 from vector<1xf32>
        %add3A_673 = vector.broadcast %squeeze3A_672 : f32 to vector<16xf32>
        %add3A_674 = arith.addf %add3A_673, %broadcast_in_dim3A_1 : vector<16xf32>
        %swap3A_675 = arith.index_cast %add3A_632 : i32 to index
        %swap3A_676 = arith.constant 80 : index
        %swap3A_677 = tpu.vector_load %arg14[%swap3A_675, %swap3A_676] {strides = array<i32>} : memref<64x128xf32, #tpu.memory_space<vmem>>, vector<16xf32>,
        tpu.vector_store %arg14[%swap3A_675, %swap3A_676], %add3A_674 {strides = array<i32>} : memref<64x128xf32, #tpu.memory_space<vmem>>, vector<16xf32>,
        %slice3A_678 = vector.extract_strided_slice %get3A_635 {offsets = [6], sizes = [1], strides = [1]} : vector<16xf32> to vector<1xf32>
        %squeeze3A_679 = vector.extract %slice3A_678[0] : f32 from vector<1xf32>
        %add3A_680 = vector.broadcast %squeeze3A_679 : f32 to vector<16xf32>
        %add3A_681 = arith.addf %add3A_680, %broadcast_in_dim3A_1 : vector<16xf32>
        %swap3A_682 = arith.index_cast %add3A_632 : i32 to index
        %swap3A_683 = arith.constant 96 : index
        %swap3A_684 = tpu.vector_load %arg14[%swap3A_682, %swap3A_683] {strides = array<i32>} : memref<64x128xf32, #tpu.memory_space<vmem>>, vector<16xf32>,
        tpu.vector_store %arg14[%swap3A_682, %swap3A_683], %add3A_681 {strides = array<i32>} : memref<64x128xf32, #tpu.memory_space<vmem>>, vector<16xf32>,
        %slice3A_685 = vector.extract_strided_slice %get3A_635 {offsets = [7], sizes = [1], strides = [1]} : vector<16xf32> to vector<1xf32>
        %squeeze3A_686 = vector.extract %slice3A_685[0] : f32 from vector<1xf32>
        %add3A_687 = vector.broadcast %squeeze3A_686 : f32 to vector<16xf32>
        %add3A_688 = arith.addf %add3A_687, %broadcast_in_dim3A_1 : vector<16xf32>
        %swap3A_689 = arith.index_cast %add3A_632 : i32 to index
        %swap3A_690 = arith.constant 112 : index
        %swap3A_691 = tpu.vector_load %arg14[%swap3A_689, %swap3A_690] {strides = array<i32>} : memref<64x128xf32, #tpu.memory_space<vmem>>, vector<16xf32>,
        tpu.vector_store %arg14[%swap3A_689, %swap3A_690], %add3A_688 {strides = array<i32>} : memref<64x128xf32, #tpu.memory_space<vmem>>, vector<16xf32>,
      }
      %scan3A_561 = arith.constant 64 : i32
      %dma_start3A = arith.constant 0 : i32
      %dma_start3A_562 = arith.constant 0 : i32
      %dma_start3A_563 = tpu.memref_slice %arg19[%dma_start3A, %dma_start3A_562] : memref<10240x128xf32, #tpu.memory_space<vmem_shared>> -> memref<10240x128xf32, #tpu.memory_space<vmem_shared>>
      tpu.enqueue_indirect_dma source(%arg14 : memref<64x128xf32, #tpu.memory_space<vmem>>) target(%dma_start3A_563 : memref<10240x128xf32, #tpu.memory_space<vmem_shared>>) offsets(%arg10 : memref<64xi32, #tpu.memory_space<vmem>>) semaphore(%arg20 : memref<!tpu.dma_semaphore, #tpu.memory_space<semaphore_mem>>) {add = true}
      %dma_wait3A = arith.constant 0 : i32
      %dma_wait3A_564 = arith.constant 0 : i32
      %dma_wait3A_565 = tpu.memref_slice %arg19[%dma_wait3A, %dma_wait3A_564] : memref<10240x128xf32, #tpu.memory_space<vmem_shared>> -> memref<10240x128xf32, #tpu.memory_space<vmem_shared>>
      tpu.wait_indirect_dma semaphore(%arg20 : memref<!tpu.dma_semaphore, #tpu.memory_space<semaphore_mem>>) src(%arg14 : memref<64x128xf32, #tpu.memory_space<vmem>>) dst(%dma_wait3A_565 : memref<10240x128xf32, #tpu.memory_space<vmem_shared>>)
    }
    %scan3A_538 = arith.constant 157 : i32
    %barrier3A_539 = arith.constant 0 : index
    tpu.barrier barrier_id(%barrier3A_539)
    %scan3A_540 = arith.constant 0 : i32
    %scan3A_541 = arith.constant 40 : i32
    %scan3A_542 = arith.addi %scan3A_540, %scan3A_541 : i32
    %scan3A_543 = arith.constant 1 : i32
    scf.for %scan3A_545 = %scan3A_540 to %scan3A_542 step %scan3A_543  : i32 {
      %mul3A_546 = arith.constant 1 : i32
      %mul3A_547 = arith.muli %scan3A_545, %mul3A_546 : i32
      %add3A = arith.constant 0 : i32
      %add3A_548 = arith.addi %add3A, %mul3A_547 : i32
      %mul3A_549 = arith.constant 640 : i32
      %mul3A_550 = arith.muli %arg1, %mul3A_549 : i32
      %mul3A_551 = arith.constant 16 : i32
      %mul3A_552 = arith.muli %add3A_548, %mul3A_551 : i32
      %add3A_553 = arith.addi %mul3A_550, %mul3A_552 : i32
      %add3A_554 = vector.broadcast %add3A_553 : i32 to vector<16xi32>
      %add3A_555 = arith.addi %add3A_554, %iota3A : vector<16xi32>
      %swap3A_556 = arith.constant 0 : index
      %swap3A_557 = tpu.vector_load %arg16[%swap3A_556] {strides = array<i32>} : memref<16xi32, #tpu.memory_space<vmem>>, vector<16xi32>,
      tpu.vector_store %arg16[%swap3A_556], %add3A_555 {strides = array<i32>} : memref<16xi32, #tpu.memory_space<vmem>>, vector<16xi32>,
      %dma_start3A = arith.constant 0 : i32
      %dma_start3A_558 = arith.constant 0 : i32
      %dma_start3A_559 = tpu.memref_slice %arg19[%dma_start3A, %dma_start3A_558] : memref<10240x128xf32, #tpu.memory_space<vmem_shared>> -> memref<10240x128xf32, #tpu.memory_space<vmem_shared>>
      tpu.enqueue_indirect_dma source(%dma_start3A_559 : memref<10240x128xf32, #tpu.memory_space<vmem_shared>>) target(%arg18 : memref<16x128xf32, #tpu.memory_space<vmem>>) offsets(%arg16 : memref<16xi32, #tpu.memory_space<vmem>>) semaphore(%arg20 : memref<!tpu.dma_semaphore, #tpu.memory_space<semaphore_mem>>)
      %mul3A_560 = arith.constant 10240 : i32
      %mul3A_561 = arith.muli %arg0, %mul3A_560 : i32
      %add3A_562 = arith.addi %mul3A_561, %add3A_553 : i32
      "tpu.region"() ({
        %run_scoped3A = tpu.sem_alloc : memref<!tpu.dma_semaphore, #tpu.memory_space<semaphore_mem>>
        %dma_start3A_2614 = arith.constant 0 : i32
        %dma_start3A_2615 = tpu.memref_slice %arg7[%add3A_562, %dma_start3A_2614] : memref<20480x128xf32, #tpu.memory_space<hbm>> -> memref<16x128xf32, #tpu.memory_space<hbm>>
        %dma_start3A_2616 = arith.constant 0 : i32
        %dma_start3A_2617 = tpu.memref_slice %arg7[%add3A_562, %dma_start3A_2616] : memref<20480x128xf32, #tpu.memory_space<hbm>> -> memref<16x128xf32, #tpu.memory_space<hbm>>
        tpu.enqueue_dma source(%dma_start3A_2617 : memref<16x128xf32, #tpu.memory_space<hbm>>) target(%arg17 : memref<16x128xf32, #tpu.memory_space<vmem>>) target_semaphore(%run_scoped3A : memref<!tpu.dma_semaphore, #tpu.memory_space<semaphore_mem>>)
        %dma_wait3A_2618 = arith.constant 0 : i32
        %dma_wait3A_2619 = tpu.memref_slice %arg7[%add3A_562, %dma_wait3A_2618] : memref<20480x128xf32, #tpu.memory_space<hbm>> -> memref<16x128xf32, #tpu.memory_space<hbm>>
        %dma_wait3A_2620 = arith.constant 0 : i32
        %dma_wait3A_2621 = tpu.memref_slice %arg7[%add3A_562, %dma_wait3A_2620] : memref<20480x128xf32, #tpu.memory_space<hbm>> -> memref<16x128xf32, #tpu.memory_space<hbm>>
        tpu.wait_dma2 semaphore(%run_scoped3A : memref<!tpu.dma_semaphore, #tpu.memory_space<semaphore_mem>>) src(%dma_wait3A_2621 : memref<16x128xf32, #tpu.memory_space<hbm>>) dst(%arg17 : memref<16x128xf32, #tpu.memory_space<vmem>>)
        tpu.yield
      }) : () -> ()
      %dma_wait3A = arith.constant 0 : i32
      %dma_wait3A_563 = arith.constant 0 : i32
      %dma_wait3A_564 = tpu.memref_slice %arg19[%dma_wait3A, %dma_wait3A_563] : memref<10240x128xf32, #tpu.memory_space<vmem_shared>> -> memref<10240x128xf32, #tpu.memory_space<vmem_shared>>
      tpu.wait_indirect_dma semaphore(%arg20 : memref<!tpu.dma_semaphore, #tpu.memory_space<semaphore_mem>>) src(%dma_wait3A_564 : memref<10240x128xf32, #tpu.memory_space<vmem_shared>>) dst(%arg18 : memref<16x128xf32, #tpu.memory_space<vmem>>)
      %get3A = arith.constant 0 : i32
      %get3A_565 = arith.index_cast %get3A : i32 to index
      %get3A_566 = arith.constant 0 : index
      %get3A_567 = tpu.vector_load %arg17[%get3A_565, %get3A_566] {strides = array<i32>} : memref<16x128xf32, #tpu.memory_space<vmem>>, vector<16xf32>,
      %get3A_568 = arith.constant 0 : i32
      %get3A_569 = arith.index_cast %get3A_568 : i32 to index
      %get3A_570 = arith.constant 0 : index
      %get3A_571 = tpu.vector_load %arg18[%get3A_569, %get3A_570] {strides = array<i32>} : memref<16x128xf32, #tpu.memory_space<vmem>>, vector<16xf32>,
      %add3A_572 = arith.constant 9.99999997E-7 : f32
      %add3A_573 = vector.broadcast %add3A_572 : f32 to vector<16xf32>
      %add3A_574 = arith.addf %get3A_571, %add3A_573 : vector<16xf32>
      %div3A = arith.divf %get3A_567, %add3A_574 : vector<16xf32>
      %swap3A_575 = arith.constant 0 : i32
      %swap3A_576 = arith.index_cast %swap3A_575 : i32 to index
      %swap3A_577 = arith.constant 0 : index
      %swap3A_578 = tpu.vector_load %arg17[%swap3A_576, %swap3A_577] {strides = array<i32>} : memref<16x128xf32, #tpu.memory_space<vmem>>, vector<16xf32>,
      tpu.vector_store %arg17[%swap3A_576, %swap3A_577], %div3A {strides = array<i32>} : memref<16x128xf32, #tpu.memory_space<vmem>>, vector<16xf32>,
      %get3A_579 = arith.constant 0 : i32
      %get3A_580 = arith.index_cast %get3A_579 : i32 to index
      %get3A_581 = arith.constant 16 : index
      %get3A_582 = tpu.vector_load %arg17[%get3A_580, %get3A_581] {strides = array<i32>} : memref<16x128xf32, #tpu.memory_space<vmem>>, vector<16xf32>,
      %get3A_583 = arith.constant 0 : i32
      %get3A_584 = arith.index_cast %get3A_583 : i32 to index
      %get3A_585 = arith.constant 16 : index
      %get3A_586 = tpu.vector_load %arg18[%get3A_584, %get3A_585] {strides = array<i32>} : memref<16x128xf32, #tpu.memory_space<vmem>>, vector<16xf32>,
      %add3A_587 = arith.constant 9.99999997E-7 : f32
      %add3A_588 = vector.broadcast %add3A_587 : f32 to vector<16xf32>
      %add3A_589 = arith.addf %get3A_586, %add3A_588 : vector<16xf32>
      %div3A_590 = arith.divf %get3A_582, %add3A_589 : vector<16xf32>
      %swap3A_591 = arith.constant 0 : i32
      %swap3A_592 = arith.index_cast %swap3A_591 : i32 to index
      %swap3A_593 = arith.constant 16 : index
      %swap3A_594 = tpu.vector_load %arg17[%swap3A_592, %swap3A_593] {strides = array<i32>} : memref<16x128xf32, #tpu.memory_space<vmem>>, vector<16xf32>,
      tpu.vector_store %arg17[%swap3A_592, %swap3A_593], %div3A_590 {strides = array<i32>} : memref<16x128xf32, #tpu.memory_space<vmem>>, vector<16xf32>,
      %get3A_595 = arith.constant 0 : i32
      %get3A_596 = arith.index_cast %get3A_595 : i32 to index
      %get3A_597 = arith.constant 32 : index
      %get3A_598 = tpu.vector_load %arg17[%get3A_596, %get3A_597] {strides = array<i32>} : memref<16x128xf32, #tpu.memory_space<vmem>>, vector<16xf32>,
      %get3A_599 = arith.constant 0 : i32
      %get3A_600 = arith.index_cast %get3A_599 : i32 to index
      %get3A_601 = arith.constant 32 : index
      %get3A_602 = tpu.vector_load %arg18[%get3A_600, %get3A_601] {strides = array<i32>} : memref<16x128xf32, #tpu.memory_space<vmem>>, vector<16xf32>,
      %add3A_603 = arith.constant 9.99999997E-7 : f32
      %add3A_604 = vector.broadcast %add3A_603 : f32 to vector<16xf32>
      %add3A_605 = arith.addf %get3A_602, %add3A_604 : vector<16xf32>
      %div3A_606 = arith.divf %get3A_598, %add3A_605 : vector<16xf32>
      %swap3A_607 = arith.constant 0 : i32
      %swap3A_608 = arith.index_cast %swap3A_607 : i32 to index
      %swap3A_609 = arith.constant 32 : index
      %swap3A_610 = tpu.vector_load %arg17[%swap3A_608, %swap3A_609] {strides = array<i32>} : memref<16x128xf32, #tpu.memory_space<vmem>>, vector<16xf32>,
      tpu.vector_store %arg17[%swap3A_608, %swap3A_609], %div3A_606 {strides = array<i32>} : memref<16x128xf32, #tpu.memory_space<vmem>>, vector<16xf32>,
      %get3A_611 = arith.constant 0 : i32
      %get3A_612 = arith.index_cast %get3A_611 : i32 to index
      %get3A_613 = arith.constant 48 : index
      %get3A_614 = tpu.vector_load %arg17[%get3A_612, %get3A_613] {strides = array<i32>} : memref<16x128xf32, #tpu.memory_space<vmem>>, vector<16xf32>,
      %get3A_615 = arith.constant 0 : i32
      %get3A_616 = arith.index_cast %get3A_615 : i32 to index
      %get3A_617 = arith.constant 48 : index
      %get3A_618 = tpu.vector_load %arg18[%get3A_616, %get3A_617] {strides = array<i32>} : memref<16x128xf32, #tpu.memory_space<vmem>>, vector<16xf32>,
      %add3A_619 = arith.constant 9.99999997E-7 : f32
      %add3A_620 = vector.broadcast %add3A_619 : f32 to vector<16xf32>
      %add3A_621 = arith.addf %get3A_618, %add3A_620 : vector<16xf32>
      %div3A_622 = arith.divf %get3A_614, %add3A_621 : vector<16xf32>
      %swap3A_623 = arith.constant 0 : i32
      %swap3A_624 = arith.index_cast %swap3A_623 : i32 to index
      %swap3A_625 = arith.constant 48 : index
      %swap3A_626 = tpu.vector_load %arg17[%swap3A_624, %swap3A_625] {strides = array<i32>} : memref<16x128xf32, #tpu.memory_space<vmem>>, vector<16xf32>,
      tpu.vector_store %arg17[%swap3A_624, %swap3A_625], %div3A_622 {strides = array<i32>} : memref<16x128xf32, #tpu.memory_space<vmem>>, vector<16xf32>,
      %get3A_627 = arith.constant 0 : i32
      %get3A_628 = arith.index_cast %get3A_627 : i32 to index
      %get3A_629 = arith.constant 64 : index
      %get3A_630 = tpu.vector_load %arg17[%get3A_628, %get3A_629] {strides = array<i32>} : memref<16x128xf32, #tpu.memory_space<vmem>>, vector<16xf32>,
      %get3A_631 = arith.constant 0 : i32
      %get3A_632 = arith.index_cast %get3A_631 : i32 to index
      %get3A_633 = arith.constant 64 : index
      %get3A_634 = tpu.vector_load %arg18[%get3A_632, %get3A_633] {strides = array<i32>} : memref<16x128xf32, #tpu.memory_space<vmem>>, vector<16xf32>,
      %add3A_635 = arith.constant 9.99999997E-7 : f32
      %add3A_636 = vector.broadcast %add3A_635 : f32 to vector<16xf32>
      %add3A_637 = arith.addf %get3A_634, %add3A_636 : vector<16xf32>
      %div3A_638 = arith.divf %get3A_630, %add3A_637 : vector<16xf32>
      %swap3A_639 = arith.constant 0 : i32
      %swap3A_640 = arith.index_cast %swap3A_639 : i32 to index
      %swap3A_641 = arith.constant 64 : index
      %swap3A_642 = tpu.vector_load %arg17[%swap3A_640, %swap3A_641] {strides = array<i32>} : memref<16x128xf32, #tpu.memory_space<vmem>>, vector<16xf32>,
      tpu.vector_store %arg17[%swap3A_640, %swap3A_641], %div3A_638 {strides = array<i32>} : memref<16x128xf32, #tpu.memory_space<vmem>>, vector<16xf32>,
      %get3A_643 = arith.constant 0 : i32
      %get3A_644 = arith.index_cast %get3A_643 : i32 to index
      %get3A_645 = arith.constant 80 : index
      %get3A_646 = tpu.vector_load %arg17[%get3A_644, %get3A_645] {strides = array<i32>} : memref<16x128xf32, #tpu.memory_space<vmem>>, vector<16xf32>,
      %get3A_647 = arith.constant 0 : i32
      %get3A_648 = arith.index_cast %get3A_647 : i32 to index
      %get3A_649 = arith.constant 80 : index
      %get3A_650 = tpu.vector_load %arg18[%get3A_648, %get3A_649] {strides = array<i32>} : memref<16x128xf32, #tpu.memory_space<vmem>>, vector<16xf32>,
      %add3A_651 = arith.constant 9.99999997E-7 : f32
      %add3A_652 = vector.broadcast %add3A_651 : f32 to vector<16xf32>
      %add3A_653 = arith.addf %get3A_650, %add3A_652 : vector<16xf32>
      %div3A_654 = arith.divf %get3A_646, %add3A_653 : vector<16xf32>
      %swap3A_655 = arith.constant 0 : i32
      %swap3A_656 = arith.index_cast %swap3A_655 : i32 to index
      %swap3A_657 = arith.constant 80 : index
      %swap3A_658 = tpu.vector_load %arg17[%swap3A_656, %swap3A_657] {strides = array<i32>} : memref<16x128xf32, #tpu.memory_space<vmem>>, vector<16xf32>,
      tpu.vector_store %arg17[%swap3A_656, %swap3A_657], %div3A_654 {strides = array<i32>} : memref<16x128xf32, #tpu.memory_space<vmem>>, vector<16xf32>,
      %get3A_659 = arith.constant 0 : i32
      %get3A_660 = arith.index_cast %get3A_659 : i32 to index
      %get3A_661 = arith.constant 96 : index
      %get3A_662 = tpu.vector_load %arg17[%get3A_660, %get3A_661] {strides = array<i32>} : memref<16x128xf32, #tpu.memory_space<vmem>>, vector<16xf32>,
      %get3A_663 = arith.constant 0 : i32
      %get3A_664 = arith.index_cast %get3A_663 : i32 to index
      %get3A_665 = arith.constant 96 : index
      %get3A_666 = tpu.vector_load %arg18[%get3A_664, %get3A_665] {strides = array<i32>} : memref<16x128xf32, #tpu.memory_space<vmem>>, vector<16xf32>,
      %add3A_667 = arith.constant 9.99999997E-7 : f32
      %add3A_668 = vector.broadcast %add3A_667 : f32 to vector<16xf32>
      %add3A_669 = arith.addf %get3A_666, %add3A_668 : vector<16xf32>
      %div3A_670 = arith.divf %get3A_662, %add3A_669 : vector<16xf32>
      %swap3A_671 = arith.constant 0 : i32
      %swap3A_672 = arith.index_cast %swap3A_671 : i32 to index
      %swap3A_673 = arith.constant 96 : index
      %swap3A_674 = tpu.vector_load %arg17[%swap3A_672, %swap3A_673] {strides = array<i32>} : memref<16x128xf32, #tpu.memory_space<vmem>>, vector<16xf32>,
      tpu.vector_store %arg17[%swap3A_672, %swap3A_673], %div3A_670 {strides = array<i32>} : memref<16x128xf32, #tpu.memory_space<vmem>>, vector<16xf32>,
      %get3A_675 = arith.constant 0 : i32
      %get3A_676 = arith.index_cast %get3A_675 : i32 to index
      %get3A_677 = arith.constant 112 : index
      %get3A_678 = tpu.vector_load %arg17[%get3A_676, %get3A_677] {strides = array<i32>} : memref<16x128xf32, #tpu.memory_space<vmem>>, vector<16xf32>,
      %get3A_679 = arith.constant 0 : i32
      %get3A_680 = arith.index_cast %get3A_679 : i32 to index
      %get3A_681 = arith.constant 112 : index
      %get3A_682 = tpu.vector_load %arg18[%get3A_680, %get3A_681] {strides = array<i32>} : memref<16x128xf32, #tpu.memory_space<vmem>>, vector<16xf32>,
      %add3A_683 = arith.constant 9.99999997E-7 : f32
      %add3A_684 = vector.broadcast %add3A_683 : f32 to vector<16xf32>
      %add3A_685 = arith.addf %get3A_682, %add3A_684 : vector<16xf32>
      %div3A_686 = arith.divf %get3A_678, %add3A_685 : vector<16xf32>
      %swap3A_687 = arith.constant 0 : i32
      %swap3A_688 = arith.index_cast %swap3A_687 : i32 to index
      %swap3A_689 = arith.constant 112 : index
      %swap3A_690 = tpu.vector_load %arg17[%swap3A_688, %swap3A_689] {strides = array<i32>} : memref<16x128xf32, #tpu.memory_space<vmem>>, vector<16xf32>,
      tpu.vector_store %arg17[%swap3A_688, %swap3A_689], %div3A_686 {strides = array<i32>} : memref<16x128xf32, #tpu.memory_space<vmem>>, vector<16xf32>,
      %get3A_691 = arith.constant 1 : i32
      %get3A_692 = arith.index_cast %get3A_691 : i32 to index
      %get3A_693 = arith.constant 0 : index
      %get3A_694 = tpu.vector_load %arg17[%get3A_692, %get3A_693] {strides = array<i32>} : memref<16x128xf32, #tpu.memory_space<vmem>>, vector<16xf32>,
      %get3A_695 = arith.constant 1 : i32
      %get3A_696 = arith.index_cast %get3A_695 : i32 to index
      %get3A_697 = arith.constant 0 : index
      %get3A_698 = tpu.vector_load %arg18[%get3A_696, %get3A_697] {strides = array<i32>} : memref<16x128xf32, #tpu.memory_space<vmem>>, vector<16xf32>,
      %add3A_699 = arith.constant 9.99999997E-7 : f32
      %add3A_700 = vector.broadcast %add3A_699 : f32 to vector<16xf32>
      %add3A_701 = arith.addf %get3A_698, %add3A_700 : vector<16xf32>
      %div3A_702 = arith.divf %get3A_694, %add3A_701 : vector<16xf32>
      %swap3A_703 = arith.constant 1 : i32
      %swap3A_704 = arith.index_cast %swap3A_703 : i32 to index
      %swap3A_705 = arith.constant 0 : index
      %swap3A_706 = tpu.vector_load %arg17[%swap3A_704, %swap3A_705] {strides = array<i32>} : memref<16x128xf32, #tpu.memory_space<vmem>>, vector<16xf32>,
      tpu.vector_store %arg17[%swap3A_704, %swap3A_705], %div3A_702 {strides = array<i32>} : memref<16x128xf32, #tpu.memory_space<vmem>>, vector<16xf32>,
      %get3A_707 = arith.constant 1 : i32
      %get3A_708 = arith.index_cast %get3A_707 : i32 to index
      %get3A_709 = arith.constant 16 : index
      %get3A_710 = tpu.vector_load %arg17[%get3A_708, %get3A_709] {strides = array<i32>} : memref<16x128xf32, #tpu.memory_space<vmem>>, vector<16xf32>,
      %get3A_711 = arith.constant 1 : i32
      %get3A_712 = arith.index_cast %get3A_711 : i32 to index
      %get3A_713 = arith.constant 16 : index
      %get3A_714 = tpu.vector_load %arg18[%get3A_712, %get3A_713] {strides = array<i32>} : memref<16x128xf32, #tpu.memory_space<vmem>>, vector<16xf32>,
      %add3A_715 = arith.constant 9.99999997E-7 : f32
      %add3A_716 = vector.broadcast %add3A_715 : f32 to vector<16xf32>
      %add3A_717 = arith.addf %get3A_714, %add3A_716 : vector<16xf32>
      %div3A_718 = arith.divf %get3A_710, %add3A_717 : vector<16xf32>
      %swap3A_719 = arith.constant 1 : i32
      %swap3A_720 = arith.index_cast %swap3A_719 : i32 to index
      %swap3A_721 = arith.constant 16 : index
      %swap3A_722 = tpu.vector_load %arg17[%swap3A_720, %swap3A_721] {strides = array<i32>} : memref<16x128xf32, #tpu.memory_space<vmem>>, vector<16xf32>,
      tpu.vector_store %arg17[%swap3A_720, %swap3A_721], %div3A_718 {strides = array<i32>} : memref<16x128xf32, #tpu.memory_space<vmem>>, vector<16xf32>,
      %get3A_723 = arith.constant 1 : i32
      %get3A_724 = arith.index_cast %get3A_723 : i32 to index
      %get3A_725 = arith.constant 32 : index
      %get3A_726 = tpu.vector_load %arg17[%get3A_724, %get3A_725] {strides = array<i32>} : memref<16x128xf32, #tpu.memory_space<vmem>>, vector<16xf32>,
      %get3A_727 = arith.constant 1 : i32
      %get3A_728 = arith.index_cast %get3A_727 : i32 to index
      %get3A_729 = arith.constant 32 : index
      %get3A_730 = tpu.vector_load %arg18[%get3A_728, %get3A_729] {strides = array<i32>} : memref<16x128xf32, #tpu.memory_space<vmem>>, vector<16xf32>,
      %add3A_731 = arith.constant 9.99999997E-7 : f32
      %add3A_732 = vector.broadcast %add3A_731 : f32 to vector<16xf32>
      %add3A_733 = arith.addf %get3A_730, %add3A_732 : vector<16xf32>
      %div3A_734 = arith.divf %get3A_726, %add3A_733 : vector<16xf32>
      %swap3A_735 = arith.constant 1 : i32
      %swap3A_736 = arith.index_cast %swap3A_735 : i32 to index
      %swap3A_737 = arith.constant 32 : index
      %swap3A_738 = tpu.vector_load %arg17[%swap3A_736, %swap3A_737] {strides = array<i32>} : memref<16x128xf32, #tpu.memory_space<vmem>>, vector<16xf32>,
      tpu.vector_store %arg17[%swap3A_736, %swap3A_737], %div3A_734 {strides = array<i32>} : memref<16x128xf32, #tpu.memory_space<vmem>>, vector<16xf32>,
      %get3A_739 = arith.constant 1 : i32
      %get3A_740 = arith.index_cast %get3A_739 : i32 to index
      %get3A_741 = arith.constant 48 : index
      %get3A_742 = tpu.vector_load %arg17[%get3A_740, %get3A_741] {strides = array<i32>} : memref<16x128xf32, #tpu.memory_space<vmem>>, vector<16xf32>,
      %get3A_743 = arith.constant 1 : i32
      %get3A_744 = arith.index_cast %get3A_743 : i32 to index
      %get3A_745 = arith.constant 48 : index
      %get3A_746 = tpu.vector_load %arg18[%get3A_744, %get3A_745] {strides = array<i32>} : memref<16x128xf32, #tpu.memory_space<vmem>>, vector<16xf32>,
      %add3A_747 = arith.constant 9.99999997E-7 : f32
      %add3A_748 = vector.broadcast %add3A_747 : f32 to vector<16xf32>
      %add3A_749 = arith.addf %get3A_746, %add3A_748 : vector<16xf32>
      %div3A_750 = arith.divf %get3A_742, %add3A_749 : vector<16xf32>
      %swap3A_751 = arith.constant 1 : i32
      %swap3A_752 = arith.index_cast %swap3A_751 : i32 to index
      %swap3A_753 = arith.constant 48 : index
      %swap3A_754 = tpu.vector_load %arg17[%swap3A_752, %swap3A_753] {strides = array<i32>} : memref<16x128xf32, #tpu.memory_space<vmem>>, vector<16xf32>,
      tpu.vector_store %arg17[%swap3A_752, %swap3A_753], %div3A_750 {strides = array<i32>} : memref<16x128xf32, #tpu.memory_space<vmem>>, vector<16xf32>,
      %get3A_755 = arith.constant 1 : i32
      %get3A_756 = arith.index_cast %get3A_755 : i32 to index
      %get3A_757 = arith.constant 64 : index
      %get3A_758 = tpu.vector_load %arg17[%get3A_756, %get3A_757] {strides = array<i32>} : memref<16x128xf32, #tpu.memory_space<vmem>>, vector<16xf32>,
      %get3A_759 = arith.constant 1 : i32
      %get3A_760 = arith.index_cast %get3A_759 : i32 to index
      %get3A_761 = arith.constant 64 : index
      %get3A_762 = tpu.vector_load %arg18[%get3A_760, %get3A_761] {strides = array<i32>} : memref<16x128xf32, #tpu.memory_space<vmem>>, vector<16xf32>,
      %add3A_763 = arith.constant 9.99999997E-7 : f32
      %add3A_764 = vector.broadcast %add3A_763 : f32 to vector<16xf32>
      %add3A_765 = arith.addf %get3A_762, %add3A_764 : vector<16xf32>
      %div3A_766 = arith.divf %get3A_758, %add3A_765 : vector<16xf32>
      %swap3A_767 = arith.constant 1 : i32
      %swap3A_768 = arith.index_cast %swap3A_767 : i32 to index
      %swap3A_769 = arith.constant 64 : index
      %swap3A_770 = tpu.vector_load %arg17[%swap3A_768, %swap3A_769] {strides = array<i32>} : memref<16x128xf32, #tpu.memory_space<vmem>>, vector<16xf32>,
      tpu.vector_store %arg17[%swap3A_768, %swap3A_769], %div3A_766 {strides = array<i32>} : memref<16x128xf32, #tpu.memory_space<vmem>>, vector<16xf32>,
      %get3A_771 = arith.constant 1 : i32
      %get3A_772 = arith.index_cast %get3A_771 : i32 to index
      %get3A_773 = arith.constant 80 : index
      %get3A_774 = tpu.vector_load %arg17[%get3A_772, %get3A_773] {strides = array<i32>} : memref<16x128xf32, #tpu.memory_space<vmem>>, vector<16xf32>,
      %get3A_775 = arith.constant 1 : i32
      %get3A_776 = arith.index_cast %get3A_775 : i32 to index
      %get3A_777 = arith.constant 80 : index
      %get3A_778 = tpu.vector_load %arg18[%get3A_776, %get3A_777] {strides = array<i32>} : memref<16x128xf32, #tpu.memory_space<vmem>>, vector<16xf32>,
      %add3A_779 = arith.constant 9.99999997E-7 : f32
      %add3A_780 = vector.broadcast %add3A_779 : f32 to vector<16xf32>
      %add3A_781 = arith.addf %get3A_778, %add3A_780 : vector<16xf32>
      %div3A_782 = arith.divf %get3A_774, %add3A_781 : vector<16xf32>
      %swap3A_783 = arith.constant 1 : i32
      %swap3A_784 = arith.index_cast %swap3A_783 : i32 to index
      %swap3A_785 = arith.constant 80 : index
      %swap3A_786 = tpu.vector_load %arg17[%swap3A_784, %swap3A_785] {strides = array<i32>} : memref<16x128xf32, #tpu.memory_space<vmem>>, vector<16xf32>,
      tpu.vector_store %arg17[%swap3A_784, %swap3A_785], %div3A_782 {strides = array<i32>} : memref<16x128xf32, #tpu.memory_space<vmem>>, vector<16xf32>,
      %get3A_787 = arith.constant 1 : i32
      %get3A_788 = arith.index_cast %get3A_787 : i32 to index
      %get3A_789 = arith.constant 96 : index
      %get3A_790 = tpu.vector_load %arg17[%get3A_788, %get3A_789] {strides = array<i32>} : memref<16x128xf32, #tpu.memory_space<vmem>>, vector<16xf32>,
      %get3A_791 = arith.constant 1 : i32
      %get3A_792 = arith.index_cast %get3A_791 : i32 to index
      %get3A_793 = arith.constant 96 : index
      %get3A_794 = tpu.vector_load %arg18[%get3A_792, %get3A_793] {strides = array<i32>} : memref<16x128xf32, #tpu.memory_space<vmem>>, vector<16xf32>,
      %add3A_795 = arith.constant 9.99999997E-7 : f32
      %add3A_796 = vector.broadcast %add3A_795 : f32 to vector<16xf32>
      %add3A_797 = arith.addf %get3A_794, %add3A_796 : vector<16xf32>
      %div3A_798 = arith.divf %get3A_790, %add3A_797 : vector<16xf32>
      %swap3A_799 = arith.constant 1 : i32
      %swap3A_800 = arith.index_cast %swap3A_799 : i32 to index
      %swap3A_801 = arith.constant 96 : index
      %swap3A_802 = tpu.vector_load %arg17[%swap3A_800, %swap3A_801] {strides = array<i32>} : memref<16x128xf32, #tpu.memory_space<vmem>>, vector<16xf32>,
      tpu.vector_store %arg17[%swap3A_800, %swap3A_801], %div3A_798 {strides = array<i32>} : memref<16x128xf32, #tpu.memory_space<vmem>>, vector<16xf32>,
      %get3A_803 = arith.constant 1 : i32
      %get3A_804 = arith.index_cast %get3A_803 : i32 to index
      %get3A_805 = arith.constant 112 : index
      %get3A_806 = tpu.vector_load %arg17[%get3A_804, %get3A_805] {strides = array<i32>} : memref<16x128xf32, #tpu.memory_space<vmem>>, vector<16xf32>,
      %get3A_807 = arith.constant 1 : i32
      %get3A_808 = arith.index_cast %get3A_807 : i32 to index
      %get3A_809 = arith.constant 112 : index
      %get3A_810 = tpu.vector_load %arg18[%get3A_808, %get3A_809] {strides = array<i32>} : memref<16x128xf32, #tpu.memory_space<vmem>>, vector<16xf32>,
      %add3A_811 = arith.constant 9.99999997E-7 : f32
      %add3A_812 = vector.broadcast %add3A_811 : f32 to vector<16xf32>
      %add3A_813 = arith.addf %get3A_810, %add3A_812 : vector<16xf32>
      %div3A_814 = arith.divf %get3A_806, %add3A_813 : vector<16xf32>
      %swap3A_815 = arith.constant 1 : i32
      %swap3A_816 = arith.index_cast %swap3A_815 : i32 to index
      %swap3A_817 = arith.constant 112 : index
      %swap3A_818 = tpu.vector_load %arg17[%swap3A_816, %swap3A_817] {strides = array<i32>} : memref<16x128xf32, #tpu.memory_space<vmem>>, vector<16xf32>,
      tpu.vector_store %arg17[%swap3A_816, %swap3A_817], %div3A_814 {strides = array<i32>} : memref<16x128xf32, #tpu.memory_space<vmem>>, vector<16xf32>,
      %get3A_819 = arith.constant 2 : i32
      %get3A_820 = arith.index_cast %get3A_819 : i32 to index
      %get3A_821 = arith.constant 0 : index
      %get3A_822 = tpu.vector_load %arg17[%get3A_820, %get3A_821] {strides = array<i32>} : memref<16x128xf32, #tpu.memory_space<vmem>>, vector<16xf32>,
      %get3A_823 = arith.constant 2 : i32
      %get3A_824 = arith.index_cast %get3A_823 : i32 to index
      %get3A_825 = arith.constant 0 : index
      %get3A_826 = tpu.vector_load %arg18[%get3A_824, %get3A_825] {strides = array<i32>} : memref<16x128xf32, #tpu.memory_space<vmem>>, vector<16xf32>,
      %add3A_827 = arith.constant 9.99999997E-7 : f32
      %add3A_828 = vector.broadcast %add3A_827 : f32 to vector<16xf32>
      %add3A_829 = arith.addf %get3A_826, %add3A_828 : vector<16xf32>
      %div3A_830 = arith.divf %get3A_822, %add3A_829 : vector<16xf32>
      %swap3A_831 = arith.constant 2 : i32
      %swap3A_832 = arith.index_cast %swap3A_831 : i32 to index
      %swap3A_833 = arith.constant 0 : index
      %swap3A_834 = tpu.vector_load %arg17[%swap3A_832, %swap3A_833] {strides = array<i32>} : memref<16x128xf32, #tpu.memory_space<vmem>>, vector<16xf32>,
      tpu.vector_store %arg17[%swap3A_832, %swap3A_833], %div3A_830 {strides = array<i32>} : memref<16x128xf32, #tpu.memory_space<vmem>>, vector<16xf32>,
      %get3A_835 = arith.constant 2 : i32
      %get3A_836 = arith.index_cast %get3A_835 : i32 to index
      %get3A_837 = arith.constant 16 : index
      %get3A_838 = tpu.vector_load %arg17[%get3A_836, %get3A_837] {strides = array<i32>} : memref<16x128xf32, #tpu.memory_space<vmem>>, vector<16xf32>,
      %get3A_839 = arith.constant 2 : i32
      %get3A_840 = arith.index_cast %get3A_839 : i32 to index
      %get3A_841 = arith.constant 16 : index
      %get3A_842 = tpu.vector_load %arg18[%get3A_840, %get3A_841] {strides = array<i32>} : memref<16x128xf32, #tpu.memory_space<vmem>>, vector<16xf32>,
      %add3A_843 = arith.constant 9.99999997E-7 : f32
      %add3A_844 = vector.broadcast %add3A_843 : f32 to vector<16xf32>
      %add3A_845 = arith.addf %get3A_842, %add3A_844 : vector<16xf32>
      %div3A_846 = arith.divf %get3A_838, %add3A_845 : vector<16xf32>
      %swap3A_847 = arith.constant 2 : i32
      %swap3A_848 = arith.index_cast %swap3A_847 : i32 to index
      %swap3A_849 = arith.constant 16 : index
      %swap3A_850 = tpu.vector_load %arg17[%swap3A_848, %swap3A_849] {strides = array<i32>} : memref<16x128xf32, #tpu.memory_space<vmem>>, vector<16xf32>,
      tpu.vector_store %arg17[%swap3A_848, %swap3A_849], %div3A_846 {strides = array<i32>} : memref<16x128xf32, #tpu.memory_space<vmem>>, vector<16xf32>,
      %get3A_851 = arith.constant 2 : i32
      %get3A_852 = arith.index_cast %get3A_851 : i32 to index
      %get3A_853 = arith.constant 32 : index
      %get3A_854 = tpu.vector_load %arg17[%get3A_852, %get3A_853] {strides = array<i32>} : memref<16x128xf32, #tpu.memory_space<vmem>>, vector<16xf32>,
      %get3A_855 = arith.constant 2 : i32
      %get3A_856 = arith.index_cast %get3A_855 : i32 to index
      %get3A_857 = arith.constant 32 : index
      %get3A_858 = tpu.vector_load %arg18[%get3A_856, %get3A_857] {strides = array<i32>} : memref<16x128xf32, #tpu.memory_space<vmem>>, vector<16xf32>,
      %add3A_859 = arith.constant 9.99999997E-7 : f32
      %add3A_860 = vector.broadcast %add3A_859 : f32 to vector<16xf32>
      %add3A_861 = arith.addf %get3A_858, %add3A_860 : vector<16xf32>
      %div3A_862 = arith.divf %get3A_854, %add3A_861 : vector<16xf32>
      %swap3A_863 = arith.constant 2 : i32
      %swap3A_864 = arith.index_cast %swap3A_863 : i32 to index
      %swap3A_865 = arith.constant 32 : index
      %swap3A_866 = tpu.vector_load %arg17[%swap3A_864, %swap3A_865] {strides = array<i32>} : memref<16x128xf32, #tpu.memory_space<vmem>>, vector<16xf32>,
      tpu.vector_store %arg17[%swap3A_864, %swap3A_865], %div3A_862 {strides = array<i32>} : memref<16x128xf32, #tpu.memory_space<vmem>>, vector<16xf32>,
      %get3A_867 = arith.constant 2 : i32
      %get3A_868 = arith.index_cast %get3A_867 : i32 to index
      %get3A_869 = arith.constant 48 : index
      %get3A_870 = tpu.vector_load %arg17[%get3A_868, %get3A_869] {strides = array<i32>} : memref<16x128xf32, #tpu.memory_space<vmem>>, vector<16xf32>,
      %get3A_871 = arith.constant 2 : i32
      %get3A_872 = arith.index_cast %get3A_871 : i32 to index
      %get3A_873 = arith.constant 48 : index
      %get3A_874 = tpu.vector_load %arg18[%get3A_872, %get3A_873] {strides = array<i32>} : memref<16x128xf32, #tpu.memory_space<vmem>>, vector<16xf32>,
      %add3A_875 = arith.constant 9.99999997E-7 : f32
      %add3A_876 = vector.broadcast %add3A_875 : f32 to vector<16xf32>
      %add3A_877 = arith.addf %get3A_874, %add3A_876 : vector<16xf32>
      %div3A_878 = arith.divf %get3A_870, %add3A_877 : vector<16xf32>
      %swap3A_879 = arith.constant 2 : i32
      %swap3A_880 = arith.index_cast %swap3A_879 : i32 to index
      %swap3A_881 = arith.constant 48 : index
      %swap3A_882 = tpu.vector_load %arg17[%swap3A_880, %swap3A_881] {strides = array<i32>} : memref<16x128xf32, #tpu.memory_space<vmem>>, vector<16xf32>,
      tpu.vector_store %arg17[%swap3A_880, %swap3A_881], %div3A_878 {strides = array<i32>} : memref<16x128xf32, #tpu.memory_space<vmem>>, vector<16xf32>,
      %get3A_883 = arith.constant 2 : i32
      %get3A_884 = arith.index_cast %get3A_883 : i32 to index
      %get3A_885 = arith.constant 64 : index
      %get3A_886 = tpu.vector_load %arg17[%get3A_884, %get3A_885] {strides = array<i32>} : memref<16x128xf32, #tpu.memory_space<vmem>>, vector<16xf32>,
      %get3A_887 = arith.constant 2 : i32
      %get3A_888 = arith.index_cast %get3A_887 : i32 to index
      %get3A_889 = arith.constant 64 : index
      %get3A_890 = tpu.vector_load %arg18[%get3A_888, %get3A_889] {strides = array<i32>} : memref<16x128xf32, #tpu.memory_space<vmem>>, vector<16xf32>,
      %add3A_891 = arith.constant 9.99999997E-7 : f32
      %add3A_892 = vector.broadcast %add3A_891 : f32 to vector<16xf32>
      %add3A_893 = arith.addf %get3A_890, %add3A_892 : vector<16xf32>
      %div3A_894 = arith.divf %get3A_886, %add3A_893 : vector<16xf32>
      %swap3A_895 = arith.constant 2 : i32
      %swap3A_896 = arith.index_cast %swap3A_895 : i32 to index
      %swap3A_897 = arith.constant 64 : index
      %swap3A_898 = tpu.vector_load %arg17[%swap3A_896, %swap3A_897] {strides = array<i32>} : memref<16x128xf32, #tpu.memory_space<vmem>>, vector<16xf32>,
      tpu.vector_store %arg17[%swap3A_896, %swap3A_897], %div3A_894 {strides = array<i32>} : memref<16x128xf32, #tpu.memory_space<vmem>>, vector<16xf32>,
      %get3A_899 = arith.constant 2 : i32
      %get3A_900 = arith.index_cast %get3A_899 : i32 to index
      %get3A_901 = arith.constant 80 : index
      %get3A_902 = tpu.vector_load %arg17[%get3A_900, %get3A_901] {strides = array<i32>} : memref<16x128xf32, #tpu.memory_space<vmem>>, vector<16xf32>,
      %get3A_903 = arith.constant 2 : i32
      %get3A_904 = arith.index_cast %get3A_903 : i32 to index
      %get3A_905 = arith.constant 80 : index
      %get3A_906 = tpu.vector_load %arg18[%get3A_904, %get3A_905] {strides = array<i32>} : memref<16x128xf32, #tpu.memory_space<vmem>>, vector<16xf32>,
      %add3A_907 = arith.constant 9.99999997E-7 : f32
      %add3A_908 = vector.broadcast %add3A_907 : f32 to vector<16xf32>
      %add3A_909 = arith.addf %get3A_906, %add3A_908 : vector<16xf32>
      %div3A_910 = arith.divf %get3A_902, %add3A_909 : vector<16xf32>
      %swap3A_911 = arith.constant 2 : i32
      %swap3A_912 = arith.index_cast %swap3A_911 : i32 to index
      %swap3A_913 = arith.constant 80 : index
      %swap3A_914 = tpu.vector_load %arg17[%swap3A_912, %swap3A_913] {strides = array<i32>} : memref<16x128xf32, #tpu.memory_space<vmem>>, vector<16xf32>,
      tpu.vector_store %arg17[%swap3A_912, %swap3A_913], %div3A_910 {strides = array<i32>} : memref<16x128xf32, #tpu.memory_space<vmem>>, vector<16xf32>,
      %get3A_915 = arith.constant 2 : i32
      %get3A_916 = arith.index_cast %get3A_915 : i32 to index
      %get3A_917 = arith.constant 96 : index
      %get3A_918 = tpu.vector_load %arg17[%get3A_916, %get3A_917] {strides = array<i32>} : memref<16x128xf32, #tpu.memory_space<vmem>>, vector<16xf32>,
      %get3A_919 = arith.constant 2 : i32
      %get3A_920 = arith.index_cast %get3A_919 : i32 to index
      %get3A_921 = arith.constant 96 : index
      %get3A_922 = tpu.vector_load %arg18[%get3A_920, %get3A_921] {strides = array<i32>} : memref<16x128xf32, #tpu.memory_space<vmem>>, vector<16xf32>,
      %add3A_923 = arith.constant 9.99999997E-7 : f32
      %add3A_924 = vector.broadcast %add3A_923 : f32 to vector<16xf32>
      %add3A_925 = arith.addf %get3A_922, %add3A_924 : vector<16xf32>
      %div3A_926 = arith.divf %get3A_918, %add3A_925 : vector<16xf32>
      %swap3A_927 = arith.constant 2 : i32
      %swap3A_928 = arith.index_cast %swap3A_927 : i32 to index
      %swap3A_929 = arith.constant 96 : index
      %swap3A_930 = tpu.vector_load %arg17[%swap3A_928, %swap3A_929] {strides = array<i32>} : memref<16x128xf32, #tpu.memory_space<vmem>>, vector<16xf32>,
      tpu.vector_store %arg17[%swap3A_928, %swap3A_929], %div3A_926 {strides = array<i32>} : memref<16x128xf32, #tpu.memory_space<vmem>>, vector<16xf32>,
      %get3A_931 = arith.constant 2 : i32
      %get3A_932 = arith.index_cast %get3A_931 : i32 to index
      %get3A_933 = arith.constant 112 : index
      %get3A_934 = tpu.vector_load %arg17[%get3A_932, %get3A_933] {strides = array<i32>} : memref<16x128xf32, #tpu.memory_space<vmem>>, vector<16xf32>,
      %get3A_935 = arith.constant 2 : i32
      %get3A_936 = arith.index_cast %get3A_935 : i32 to index
      %get3A_937 = arith.constant 112 : index
      %get3A_938 = tpu.vector_load %arg18[%get3A_936, %get3A_937] {strides = array<i32>} : memref<16x128xf32, #tpu.memory_space<vmem>>, vector<16xf32>,
      %add3A_939 = arith.constant 9.99999997E-7 : f32
      %add3A_940 = vector.broadcast %add3A_939 : f32 to vector<16xf32>
      %add3A_941 = arith.addf %get3A_938, %add3A_940 : vector<16xf32>
      %div3A_942 = arith.divf %get3A_934, %add3A_941 : vector<16xf32>
      %swap3A_943 = arith.constant 2 : i32
      %swap3A_944 = arith.index_cast %swap3A_943 : i32 to index
      %swap3A_945 = arith.constant 112 : index
      %swap3A_946 = tpu.vector_load %arg17[%swap3A_944, %swap3A_945] {strides = array<i32>} : memref<16x128xf32, #tpu.memory_space<vmem>>, vector<16xf32>,
      tpu.vector_store %arg17[%swap3A_944, %swap3A_945], %div3A_942 {strides = array<i32>} : memref<16x128xf32, #tpu.memory_space<vmem>>, vector<16xf32>,
      %get3A_947 = arith.constant 3 : i32
      %get3A_948 = arith.index_cast %get3A_947 : i32 to index
      %get3A_949 = arith.constant 0 : index
      %get3A_950 = tpu.vector_load %arg17[%get3A_948, %get3A_949] {strides = array<i32>} : memref<16x128xf32, #tpu.memory_space<vmem>>, vector<16xf32>,
      %get3A_951 = arith.constant 3 : i32
      %get3A_952 = arith.index_cast %get3A_951 : i32 to index
      %get3A_953 = arith.constant 0 : index
      %get3A_954 = tpu.vector_load %arg18[%get3A_952, %get3A_953] {strides = array<i32>} : memref<16x128xf32, #tpu.memory_space<vmem>>, vector<16xf32>,
      %add3A_955 = arith.constant 9.99999997E-7 : f32
      %add3A_956 = vector.broadcast %add3A_955 : f32 to vector<16xf32>
      %add3A_957 = arith.addf %get3A_954, %add3A_956 : vector<16xf32>
      %div3A_958 = arith.divf %get3A_950, %add3A_957 : vector<16xf32>
      %swap3A_959 = arith.constant 3 : i32
      %swap3A_960 = arith.index_cast %swap3A_959 : i32 to index
      %swap3A_961 = arith.constant 0 : index
      %swap3A_962 = tpu.vector_load %arg17[%swap3A_960, %swap3A_961] {strides = array<i32>} : memref<16x128xf32, #tpu.memory_space<vmem>>, vector<16xf32>,
      tpu.vector_store %arg17[%swap3A_960, %swap3A_961], %div3A_958 {strides = array<i32>} : memref<16x128xf32, #tpu.memory_space<vmem>>, vector<16xf32>,
      %get3A_963 = arith.constant 3 : i32
      %get3A_964 = arith.index_cast %get3A_963 : i32 to index
      %get3A_965 = arith.constant 16 : index
      %get3A_966 = tpu.vector_load %arg17[%get3A_964, %get3A_965] {strides = array<i32>} : memref<16x128xf32, #tpu.memory_space<vmem>>, vector<16xf32>,
      %get3A_967 = arith.constant 3 : i32
      %get3A_968 = arith.index_cast %get3A_967 : i32 to index
      %get3A_969 = arith.constant 16 : index
      %get3A_970 = tpu.vector_load %arg18[%get3A_968, %get3A_969] {strides = array<i32>} : memref<16x128xf32, #tpu.memory_space<vmem>>, vector<16xf32>,
      %add3A_971 = arith.constant 9.99999997E-7 : f32
      %add3A_972 = vector.broadcast %add3A_971 : f32 to vector<16xf32>
      %add3A_973 = arith.addf %get3A_970, %add3A_972 : vector<16xf32>
      %div3A_974 = arith.divf %get3A_966, %add3A_973 : vector<16xf32>
      %swap3A_975 = arith.constant 3 : i32
      %swap3A_976 = arith.index_cast %swap3A_975 : i32 to index
      %swap3A_977 = arith.constant 16 : index
      %swap3A_978 = tpu.vector_load %arg17[%swap3A_976, %swap3A_977] {strides = array<i32>} : memref<16x128xf32, #tpu.memory_space<vmem>>, vector<16xf32>,
      tpu.vector_store %arg17[%swap3A_976, %swap3A_977], %div3A_974 {strides = array<i32>} : memref<16x128xf32, #tpu.memory_space<vmem>>, vector<16xf32>,
      %get3A_979 = arith.constant 3 : i32
      %get3A_980 = arith.index_cast %get3A_979 : i32 to index
      %get3A_981 = arith.constant 32 : index
      %get3A_982 = tpu.vector_load %arg17[%get3A_980, %get3A_981] {strides = array<i32>} : memref<16x128xf32, #tpu.memory_space<vmem>>, vector<16xf32>,
      %get3A_983 = arith.constant 3 : i32
      %get3A_984 = arith.index_cast %get3A_983 : i32 to index
      %get3A_985 = arith.constant 32 : index
      %get3A_986 = tpu.vector_load %arg18[%get3A_984, %get3A_985] {strides = array<i32>} : memref<16x128xf32, #tpu.memory_space<vmem>>, vector<16xf32>,
      %add3A_987 = arith.constant 9.99999997E-7 : f32
      %add3A_988 = vector.broadcast %add3A_987 : f32 to vector<16xf32>
      %add3A_989 = arith.addf %get3A_986, %add3A_988 : vector<16xf32>
      %div3A_990 = arith.divf %get3A_982, %add3A_989 : vector<16xf32>
      %swap3A_991 = arith.constant 3 : i32
      %swap3A_992 = arith.index_cast %swap3A_991 : i32 to index
      %swap3A_993 = arith.constant 32 : index
      %swap3A_994 = tpu.vector_load %arg17[%swap3A_992, %swap3A_993] {strides = array<i32>} : memref<16x128xf32, #tpu.memory_space<vmem>>, vector<16xf32>,
      tpu.vector_store %arg17[%swap3A_992, %swap3A_993], %div3A_990 {strides = array<i32>} : memref<16x128xf32, #tpu.memory_space<vmem>>, vector<16xf32>,
      %get3A_995 = arith.constant 3 : i32
      %get3A_996 = arith.index_cast %get3A_995 : i32 to index
      %get3A_997 = arith.constant 48 : index
      %get3A_998 = tpu.vector_load %arg17[%get3A_996, %get3A_997] {strides = array<i32>} : memref<16x128xf32, #tpu.memory_space<vmem>>, vector<16xf32>,
      %get3A_999 = arith.constant 3 : i32
      %get3A_1000 = arith.index_cast %get3A_999 : i32 to index
      %get3A_1001 = arith.constant 48 : index
      %get3A_1002 = tpu.vector_load %arg18[%get3A_1000, %get3A_1001] {strides = array<i32>} : memref<16x128xf32, #tpu.memory_space<vmem>>, vector<16xf32>,
      %add3A_1003 = arith.constant 9.99999997E-7 : f32
      %add3A_1004 = vector.broadcast %add3A_1003 : f32 to vector<16xf32>
      %add3A_1005 = arith.addf %get3A_1002, %add3A_1004 : vector<16xf32>
      %div3A_1006 = arith.divf %get3A_998, %add3A_1005 : vector<16xf32>
      %swap3A_1007 = arith.constant 3 : i32
      %swap3A_1008 = arith.index_cast %swap3A_1007 : i32 to index
      %swap3A_1009 = arith.constant 48 : index
      %swap3A_1010 = tpu.vector_load %arg17[%swap3A_1008, %swap3A_1009] {strides = array<i32>} : memref<16x128xf32, #tpu.memory_space<vmem>>, vector<16xf32>,
      tpu.vector_store %arg17[%swap3A_1008, %swap3A_1009], %div3A_1006 {strides = array<i32>} : memref<16x128xf32, #tpu.memory_space<vmem>>, vector<16xf32>,
      %get3A_1011 = arith.constant 3 : i32
      %get3A_1012 = arith.index_cast %get3A_1011 : i32 to index
      %get3A_1013 = arith.constant 64 : index
      %get3A_1014 = tpu.vector_load %arg17[%get3A_1012, %get3A_1013] {strides = array<i32>} : memref<16x128xf32, #tpu.memory_space<vmem>>, vector<16xf32>,
      %get3A_1015 = arith.constant 3 : i32
      %get3A_1016 = arith.index_cast %get3A_1015 : i32 to index
      %get3A_1017 = arith.constant 64 : index
      %get3A_1018 = tpu.vector_load %arg18[%get3A_1016, %get3A_1017] {strides = array<i32>} : memref<16x128xf32, #tpu.memory_space<vmem>>, vector<16xf32>,
      %add3A_1019 = arith.constant 9.99999997E-7 : f32
      %add3A_1020 = vector.broadcast %add3A_1019 : f32 to vector<16xf32>
      %add3A_1021 = arith.addf %get3A_1018, %add3A_1020 : vector<16xf32>
      %div3A_1022 = arith.divf %get3A_1014, %add3A_1021 : vector<16xf32>
      %swap3A_1023 = arith.constant 3 : i32
      %swap3A_1024 = arith.index_cast %swap3A_1023 : i32 to index
      %swap3A_1025 = arith.constant 64 : index
      %swap3A_1026 = tpu.vector_load %arg17[%swap3A_1024, %swap3A_1025] {strides = array<i32>} : memref<16x128xf32, #tpu.memory_space<vmem>>, vector<16xf32>,
      tpu.vector_store %arg17[%swap3A_1024, %swap3A_1025], %div3A_1022 {strides = array<i32>} : memref<16x128xf32, #tpu.memory_space<vmem>>, vector<16xf32>,
      %get3A_1027 = arith.constant 3 : i32
      %get3A_1028 = arith.index_cast %get3A_1027 : i32 to index
      %get3A_1029 = arith.constant 80 : index
      %get3A_1030 = tpu.vector_load %arg17[%get3A_1028, %get3A_1029] {strides = array<i32>} : memref<16x128xf32, #tpu.memory_space<vmem>>, vector<16xf32>,
      %get3A_1031 = arith.constant 3 : i32
      %get3A_1032 = arith.index_cast %get3A_1031 : i32 to index
      %get3A_1033 = arith.constant 80 : index
      %get3A_1034 = tpu.vector_load %arg18[%get3A_1032, %get3A_1033] {strides = array<i32>} : memref<16x128xf32, #tpu.memory_space<vmem>>, vector<16xf32>,
      %add3A_1035 = arith.constant 9.99999997E-7 : f32
      %add3A_1036 = vector.broadcast %add3A_1035 : f32 to vector<16xf32>
      %add3A_1037 = arith.addf %get3A_1034, %add3A_1036 : vector<16xf32>
      %div3A_1038 = arith.divf %get3A_1030, %add3A_1037 : vector<16xf32>
      %swap3A_1039 = arith.constant 3 : i32
      %swap3A_1040 = arith.index_cast %swap3A_1039 : i32 to index
      %swap3A_1041 = arith.constant 80 : index
      %swap3A_1042 = tpu.vector_load %arg17[%swap3A_1040, %swap3A_1041] {strides = array<i32>} : memref<16x128xf32, #tpu.memory_space<vmem>>, vector<16xf32>,
      tpu.vector_store %arg17[%swap3A_1040, %swap3A_1041], %div3A_1038 {strides = array<i32>} : memref<16x128xf32, #tpu.memory_space<vmem>>, vector<16xf32>,
      %get3A_1043 = arith.constant 3 : i32
      %get3A_1044 = arith.index_cast %get3A_1043 : i32 to index
      %get3A_1045 = arith.constant 96 : index
      %get3A_1046 = tpu.vector_load %arg17[%get3A_1044, %get3A_1045] {strides = array<i32>} : memref<16x128xf32, #tpu.memory_space<vmem>>, vector<16xf32>,
      %get3A_1047 = arith.constant 3 : i32
      %get3A_1048 = arith.index_cast %get3A_1047 : i32 to index
      %get3A_1049 = arith.constant 96 : index
      %get3A_1050 = tpu.vector_load %arg18[%get3A_1048, %get3A_1049] {strides = array<i32>} : memref<16x128xf32, #tpu.memory_space<vmem>>, vector<16xf32>,
      %add3A_1051 = arith.constant 9.99999997E-7 : f32
      %add3A_1052 = vector.broadcast %add3A_1051 : f32 to vector<16xf32>
      %add3A_1053 = arith.addf %get3A_1050, %add3A_1052 : vector<16xf32>
      %div3A_1054 = arith.divf %get3A_1046, %add3A_1053 : vector<16xf32>
      %swap3A_1055 = arith.constant 3 : i32
      %swap3A_1056 = arith.index_cast %swap3A_1055 : i32 to index
      %swap3A_1057 = arith.constant 96 : index
      %swap3A_1058 = tpu.vector_load %arg17[%swap3A_1056, %swap3A_1057] {strides = array<i32>} : memref<16x128xf32, #tpu.memory_space<vmem>>, vector<16xf32>,
      tpu.vector_store %arg17[%swap3A_1056, %swap3A_1057], %div3A_1054 {strides = array<i32>} : memref<16x128xf32, #tpu.memory_space<vmem>>, vector<16xf32>,
      %get3A_1059 = arith.constant 3 : i32
      %get3A_1060 = arith.index_cast %get3A_1059 : i32 to index
      %get3A_1061 = arith.constant 112 : index
      %get3A_1062 = tpu.vector_load %arg17[%get3A_1060, %get3A_1061] {strides = array<i32>} : memref<16x128xf32, #tpu.memory_space<vmem>>, vector<16xf32>,
      %get3A_1063 = arith.constant 3 : i32
      %get3A_1064 = arith.index_cast %get3A_1063 : i32 to index
      %get3A_1065 = arith.constant 112 : index
      %get3A_1066 = tpu.vector_load %arg18[%get3A_1064, %get3A_1065] {strides = array<i32>} : memref<16x128xf32, #tpu.memory_space<vmem>>, vector<16xf32>,
      %add3A_1067 = arith.constant 9.99999997E-7 : f32
      %add3A_1068 = vector.broadcast %add3A_1067 : f32 to vector<16xf32>
      %add3A_1069 = arith.addf %get3A_1066, %add3A_1068 : vector<16xf32>
      %div3A_1070 = arith.divf %get3A_1062, %add3A_1069 : vector<16xf32>
      %swap3A_1071 = arith.constant 3 : i32
      %swap3A_1072 = arith.index_cast %swap3A_1071 : i32 to index
      %swap3A_1073 = arith.constant 112 : index
      %swap3A_1074 = tpu.vector_load %arg17[%swap3A_1072, %swap3A_1073] {strides = array<i32>} : memref<16x128xf32, #tpu.memory_space<vmem>>, vector<16xf32>,
      tpu.vector_store %arg17[%swap3A_1072, %swap3A_1073], %div3A_1070 {strides = array<i32>} : memref<16x128xf32, #tpu.memory_space<vmem>>, vector<16xf32>,
      %get3A_1075 = arith.constant 4 : i32
      %get3A_1076 = arith.index_cast %get3A_1075 : i32 to index
      %get3A_1077 = arith.constant 0 : index
      %get3A_1078 = tpu.vector_load %arg17[%get3A_1076, %get3A_1077] {strides = array<i32>} : memref<16x128xf32, #tpu.memory_space<vmem>>, vector<16xf32>,
      %get3A_1079 = arith.constant 4 : i32
      %get3A_1080 = arith.index_cast %get3A_1079 : i32 to index
      %get3A_1081 = arith.constant 0 : index
      %get3A_1082 = tpu.vector_load %arg18[%get3A_1080, %get3A_1081] {strides = array<i32>} : memref<16x128xf32, #tpu.memory_space<vmem>>, vector<16xf32>,
      %add3A_1083 = arith.constant 9.99999997E-7 : f32
      %add3A_1084 = vector.broadcast %add3A_1083 : f32 to vector<16xf32>
      %add3A_1085 = arith.addf %get3A_1082, %add3A_1084 : vector<16xf32>
      %div3A_1086 = arith.divf %get3A_1078, %add3A_1085 : vector<16xf32>
      %swap3A_1087 = arith.constant 4 : i32
      %swap3A_1088 = arith.index_cast %swap3A_1087 : i32 to index
      %swap3A_1089 = arith.constant 0 : index
      %swap3A_1090 = tpu.vector_load %arg17[%swap3A_1088, %swap3A_1089] {strides = array<i32>} : memref<16x128xf32, #tpu.memory_space<vmem>>, vector<16xf32>,
      tpu.vector_store %arg17[%swap3A_1088, %swap3A_1089], %div3A_1086 {strides = array<i32>} : memref<16x128xf32, #tpu.memory_space<vmem>>, vector<16xf32>,
      %get3A_1091 = arith.constant 4 : i32
      %get3A_1092 = arith.index_cast %get3A_1091 : i32 to index
      %get3A_1093 = arith.constant 16 : index
      %get3A_1094 = tpu.vector_load %arg17[%get3A_1092, %get3A_1093] {strides = array<i32>} : memref<16x128xf32, #tpu.memory_space<vmem>>, vector<16xf32>,
      %get3A_1095 = arith.constant 4 : i32
      %get3A_1096 = arith.index_cast %get3A_1095 : i32 to index
      %get3A_1097 = arith.constant 16 : index
      %get3A_1098 = tpu.vector_load %arg18[%get3A_1096, %get3A_1097] {strides = array<i32>} : memref<16x128xf32, #tpu.memory_space<vmem>>, vector<16xf32>,
      %add3A_1099 = arith.constant 9.99999997E-7 : f32
      %add3A_1100 = vector.broadcast %add3A_1099 : f32 to vector<16xf32>
      %add3A_1101 = arith.addf %get3A_1098, %add3A_1100 : vector<16xf32>
      %div3A_1102 = arith.divf %get3A_1094, %add3A_1101 : vector<16xf32>
      %swap3A_1103 = arith.constant 4 : i32
      %swap3A_1104 = arith.index_cast %swap3A_1103 : i32 to index
      %swap3A_1105 = arith.constant 16 : index
      %swap3A_1106 = tpu.vector_load %arg17[%swap3A_1104, %swap3A_1105] {strides = array<i32>} : memref<16x128xf32, #tpu.memory_space<vmem>>, vector<16xf32>,
      tpu.vector_store %arg17[%swap3A_1104, %swap3A_1105], %div3A_1102 {strides = array<i32>} : memref<16x128xf32, #tpu.memory_space<vmem>>, vector<16xf32>,
      %get3A_1107 = arith.constant 4 : i32
      %get3A_1108 = arith.index_cast %get3A_1107 : i32 to index
      %get3A_1109 = arith.constant 32 : index
      %get3A_1110 = tpu.vector_load %arg17[%get3A_1108, %get3A_1109] {strides = array<i32>} : memref<16x128xf32, #tpu.memory_space<vmem>>, vector<16xf32>,
      %get3A_1111 = arith.constant 4 : i32
      %get3A_1112 = arith.index_cast %get3A_1111 : i32 to index
      %get3A_1113 = arith.constant 32 : index
      %get3A_1114 = tpu.vector_load %arg18[%get3A_1112, %get3A_1113] {strides = array<i32>} : memref<16x128xf32, #tpu.memory_space<vmem>>, vector<16xf32>,
      %add3A_1115 = arith.constant 9.99999997E-7 : f32
      %add3A_1116 = vector.broadcast %add3A_1115 : f32 to vector<16xf32>
      %add3A_1117 = arith.addf %get3A_1114, %add3A_1116 : vector<16xf32>
      %div3A_1118 = arith.divf %get3A_1110, %add3A_1117 : vector<16xf32>
      %swap3A_1119 = arith.constant 4 : i32
      %swap3A_1120 = arith.index_cast %swap3A_1119 : i32 to index
      %swap3A_1121 = arith.constant 32 : index
      %swap3A_1122 = tpu.vector_load %arg17[%swap3A_1120, %swap3A_1121] {strides = array<i32>} : memref<16x128xf32, #tpu.memory_space<vmem>>, vector<16xf32>,
      tpu.vector_store %arg17[%swap3A_1120, %swap3A_1121], %div3A_1118 {strides = array<i32>} : memref<16x128xf32, #tpu.memory_space<vmem>>, vector<16xf32>,
      %get3A_1123 = arith.constant 4 : i32
      %get3A_1124 = arith.index_cast %get3A_1123 : i32 to index
      %get3A_1125 = arith.constant 48 : index
      %get3A_1126 = tpu.vector_load %arg17[%get3A_1124, %get3A_1125] {strides = array<i32>} : memref<16x128xf32, #tpu.memory_space<vmem>>, vector<16xf32>,
      %get3A_1127 = arith.constant 4 : i32
      %get3A_1128 = arith.index_cast %get3A_1127 : i32 to index
      %get3A_1129 = arith.constant 48 : index
      %get3A_1130 = tpu.vector_load %arg18[%get3A_1128, %get3A_1129] {strides = array<i32>} : memref<16x128xf32, #tpu.memory_space<vmem>>, vector<16xf32>,
      %add3A_1131 = arith.constant 9.99999997E-7 : f32
      %add3A_1132 = vector.broadcast %add3A_1131 : f32 to vector<16xf32>
      %add3A_1133 = arith.addf %get3A_1130, %add3A_1132 : vector<16xf32>
      %div3A_1134 = arith.divf %get3A_1126, %add3A_1133 : vector<16xf32>
      %swap3A_1135 = arith.constant 4 : i32
      %swap3A_1136 = arith.index_cast %swap3A_1135 : i32 to index
      %swap3A_1137 = arith.constant 48 : index
      %swap3A_1138 = tpu.vector_load %arg17[%swap3A_1136, %swap3A_1137] {strides = array<i32>} : memref<16x128xf32, #tpu.memory_space<vmem>>, vector<16xf32>,
      tpu.vector_store %arg17[%swap3A_1136, %swap3A_1137], %div3A_1134 {strides = array<i32>} : memref<16x128xf32, #tpu.memory_space<vmem>>, vector<16xf32>,
      %get3A_1139 = arith.constant 4 : i32
      %get3A_1140 = arith.index_cast %get3A_1139 : i32 to index
      %get3A_1141 = arith.constant 64 : index
      %get3A_1142 = tpu.vector_load %arg17[%get3A_1140, %get3A_1141] {strides = array<i32>} : memref<16x128xf32, #tpu.memory_space<vmem>>, vector<16xf32>,
      %get3A_1143 = arith.constant 4 : i32
      %get3A_1144 = arith.index_cast %get3A_1143 : i32 to index
      %get3A_1145 = arith.constant 64 : index
      %get3A_1146 = tpu.vector_load %arg18[%get3A_1144, %get3A_1145] {strides = array<i32>} : memref<16x128xf32, #tpu.memory_space<vmem>>, vector<16xf32>,
      %add3A_1147 = arith.constant 9.99999997E-7 : f32
      %add3A_1148 = vector.broadcast %add3A_1147 : f32 to vector<16xf32>
      %add3A_1149 = arith.addf %get3A_1146, %add3A_1148 : vector<16xf32>
      %div3A_1150 = arith.divf %get3A_1142, %add3A_1149 : vector<16xf32>
      %swap3A_1151 = arith.constant 4 : i32
      %swap3A_1152 = arith.index_cast %swap3A_1151 : i32 to index
      %swap3A_1153 = arith.constant 64 : index
      %swap3A_1154 = tpu.vector_load %arg17[%swap3A_1152, %swap3A_1153] {strides = array<i32>} : memref<16x128xf32, #tpu.memory_space<vmem>>, vector<16xf32>,
      tpu.vector_store %arg17[%swap3A_1152, %swap3A_1153], %div3A_1150 {strides = array<i32>} : memref<16x128xf32, #tpu.memory_space<vmem>>, vector<16xf32>,
      %get3A_1155 = arith.constant 4 : i32
      %get3A_1156 = arith.index_cast %get3A_1155 : i32 to index
      %get3A_1157 = arith.constant 80 : index
      %get3A_1158 = tpu.vector_load %arg17[%get3A_1156, %get3A_1157] {strides = array<i32>} : memref<16x128xf32, #tpu.memory_space<vmem>>, vector<16xf32>,
      %get3A_1159 = arith.constant 4 : i32
      %get3A_1160 = arith.index_cast %get3A_1159 : i32 to index
      %get3A_1161 = arith.constant 80 : index
      %get3A_1162 = tpu.vector_load %arg18[%get3A_1160, %get3A_1161] {strides = array<i32>} : memref<16x128xf32, #tpu.memory_space<vmem>>, vector<16xf32>,
      %add3A_1163 = arith.constant 9.99999997E-7 : f32
      %add3A_1164 = vector.broadcast %add3A_1163 : f32 to vector<16xf32>
      %add3A_1165 = arith.addf %get3A_1162, %add3A_1164 : vector<16xf32>
      %div3A_1166 = arith.divf %get3A_1158, %add3A_1165 : vector<16xf32>
      %swap3A_1167 = arith.constant 4 : i32
      %swap3A_1168 = arith.index_cast %swap3A_1167 : i32 to index
      %swap3A_1169 = arith.constant 80 : index
      %swap3A_1170 = tpu.vector_load %arg17[%swap3A_1168, %swap3A_1169] {strides = array<i32>} : memref<16x128xf32, #tpu.memory_space<vmem>>, vector<16xf32>,
      tpu.vector_store %arg17[%swap3A_1168, %swap3A_1169], %div3A_1166 {strides = array<i32>} : memref<16x128xf32, #tpu.memory_space<vmem>>, vector<16xf32>,
      %get3A_1171 = arith.constant 4 : i32
      %get3A_1172 = arith.index_cast %get3A_1171 : i32 to index
      %get3A_1173 = arith.constant 96 : index
      %get3A_1174 = tpu.vector_load %arg17[%get3A_1172, %get3A_1173] {strides = array<i32>} : memref<16x128xf32, #tpu.memory_space<vmem>>, vector<16xf32>,
      %get3A_1175 = arith.constant 4 : i32
      %get3A_1176 = arith.index_cast %get3A_1175 : i32 to index
      %get3A_1177 = arith.constant 96 : index
      %get3A_1178 = tpu.vector_load %arg18[%get3A_1176, %get3A_1177] {strides = array<i32>} : memref<16x128xf32, #tpu.memory_space<vmem>>, vector<16xf32>,
      %add3A_1179 = arith.constant 9.99999997E-7 : f32
      %add3A_1180 = vector.broadcast %add3A_1179 : f32 to vector<16xf32>
      %add3A_1181 = arith.addf %get3A_1178, %add3A_1180 : vector<16xf32>
      %div3A_1182 = arith.divf %get3A_1174, %add3A_1181 : vector<16xf32>
      %swap3A_1183 = arith.constant 4 : i32
      %swap3A_1184 = arith.index_cast %swap3A_1183 : i32 to index
      %swap3A_1185 = arith.constant 96 : index
      %swap3A_1186 = tpu.vector_load %arg17[%swap3A_1184, %swap3A_1185] {strides = array<i32>} : memref<16x128xf32, #tpu.memory_space<vmem>>, vector<16xf32>,
      tpu.vector_store %arg17[%swap3A_1184, %swap3A_1185], %div3A_1182 {strides = array<i32>} : memref<16x128xf32, #tpu.memory_space<vmem>>, vector<16xf32>,
      %get3A_1187 = arith.constant 4 : i32
      %get3A_1188 = arith.index_cast %get3A_1187 : i32 to index
      %get3A_1189 = arith.constant 112 : index
      %get3A_1190 = tpu.vector_load %arg17[%get3A_1188, %get3A_1189] {strides = array<i32>} : memref<16x128xf32, #tpu.memory_space<vmem>>, vector<16xf32>,
      %get3A_1191 = arith.constant 4 : i32
      %get3A_1192 = arith.index_cast %get3A_1191 : i32 to index
      %get3A_1193 = arith.constant 112 : index
      %get3A_1194 = tpu.vector_load %arg18[%get3A_1192, %get3A_1193] {strides = array<i32>} : memref<16x128xf32, #tpu.memory_space<vmem>>, vector<16xf32>,
      %add3A_1195 = arith.constant 9.99999997E-7 : f32
      %add3A_1196 = vector.broadcast %add3A_1195 : f32 to vector<16xf32>
      %add3A_1197 = arith.addf %get3A_1194, %add3A_1196 : vector<16xf32>
      %div3A_1198 = arith.divf %get3A_1190, %add3A_1197 : vector<16xf32>
      %swap3A_1199 = arith.constant 4 : i32
      %swap3A_1200 = arith.index_cast %swap3A_1199 : i32 to index
      %swap3A_1201 = arith.constant 112 : index
      %swap3A_1202 = tpu.vector_load %arg17[%swap3A_1200, %swap3A_1201] {strides = array<i32>} : memref<16x128xf32, #tpu.memory_space<vmem>>, vector<16xf32>,
      tpu.vector_store %arg17[%swap3A_1200, %swap3A_1201], %div3A_1198 {strides = array<i32>} : memref<16x128xf32, #tpu.memory_space<vmem>>, vector<16xf32>,
      %get3A_1203 = arith.constant 5 : i32
      %get3A_1204 = arith.index_cast %get3A_1203 : i32 to index
      %get3A_1205 = arith.constant 0 : index
      %get3A_1206 = tpu.vector_load %arg17[%get3A_1204, %get3A_1205] {strides = array<i32>} : memref<16x128xf32, #tpu.memory_space<vmem>>, vector<16xf32>,
      %get3A_1207 = arith.constant 5 : i32
      %get3A_1208 = arith.index_cast %get3A_1207 : i32 to index
      %get3A_1209 = arith.constant 0 : index
      %get3A_1210 = tpu.vector_load %arg18[%get3A_1208, %get3A_1209] {strides = array<i32>} : memref<16x128xf32, #tpu.memory_space<vmem>>, vector<16xf32>,
      %add3A_1211 = arith.constant 9.99999997E-7 : f32
      %add3A_1212 = vector.broadcast %add3A_1211 : f32 to vector<16xf32>
      %add3A_1213 = arith.addf %get3A_1210, %add3A_1212 : vector<16xf32>
      %div3A_1214 = arith.divf %get3A_1206, %add3A_1213 : vector<16xf32>
      %swap3A_1215 = arith.constant 5 : i32
      %swap3A_1216 = arith.index_cast %swap3A_1215 : i32 to index
      %swap3A_1217 = arith.constant 0 : index
      %swap3A_1218 = tpu.vector_load %arg17[%swap3A_1216, %swap3A_1217] {strides = array<i32>} : memref<16x128xf32, #tpu.memory_space<vmem>>, vector<16xf32>,
      tpu.vector_store %arg17[%swap3A_1216, %swap3A_1217], %div3A_1214 {strides = array<i32>} : memref<16x128xf32, #tpu.memory_space<vmem>>, vector<16xf32>,
      %get3A_1219 = arith.constant 5 : i32
      %get3A_1220 = arith.index_cast %get3A_1219 : i32 to index
      %get3A_1221 = arith.constant 16 : index
      %get3A_1222 = tpu.vector_load %arg17[%get3A_1220, %get3A_1221] {strides = array<i32>} : memref<16x128xf32, #tpu.memory_space<vmem>>, vector<16xf32>,
      %get3A_1223 = arith.constant 5 : i32
      %get3A_1224 = arith.index_cast %get3A_1223 : i32 to index
      %get3A_1225 = arith.constant 16 : index
      %get3A_1226 = tpu.vector_load %arg18[%get3A_1224, %get3A_1225] {strides = array<i32>} : memref<16x128xf32, #tpu.memory_space<vmem>>, vector<16xf32>,
      %add3A_1227 = arith.constant 9.99999997E-7 : f32
      %add3A_1228 = vector.broadcast %add3A_1227 : f32 to vector<16xf32>
      %add3A_1229 = arith.addf %get3A_1226, %add3A_1228 : vector<16xf32>
      %div3A_1230 = arith.divf %get3A_1222, %add3A_1229 : vector<16xf32>
      %swap3A_1231 = arith.constant 5 : i32
      %swap3A_1232 = arith.index_cast %swap3A_1231 : i32 to index
      %swap3A_1233 = arith.constant 16 : index
      %swap3A_1234 = tpu.vector_load %arg17[%swap3A_1232, %swap3A_1233] {strides = array<i32>} : memref<16x128xf32, #tpu.memory_space<vmem>>, vector<16xf32>,
      tpu.vector_store %arg17[%swap3A_1232, %swap3A_1233], %div3A_1230 {strides = array<i32>} : memref<16x128xf32, #tpu.memory_space<vmem>>, vector<16xf32>,
      %get3A_1235 = arith.constant 5 : i32
      %get3A_1236 = arith.index_cast %get3A_1235 : i32 to index
      %get3A_1237 = arith.constant 32 : index
      %get3A_1238 = tpu.vector_load %arg17[%get3A_1236, %get3A_1237] {strides = array<i32>} : memref<16x128xf32, #tpu.memory_space<vmem>>, vector<16xf32>,
      %get3A_1239 = arith.constant 5 : i32
      %get3A_1240 = arith.index_cast %get3A_1239 : i32 to index
      %get3A_1241 = arith.constant 32 : index
      %get3A_1242 = tpu.vector_load %arg18[%get3A_1240, %get3A_1241] {strides = array<i32>} : memref<16x128xf32, #tpu.memory_space<vmem>>, vector<16xf32>,
      %add3A_1243 = arith.constant 9.99999997E-7 : f32
      %add3A_1244 = vector.broadcast %add3A_1243 : f32 to vector<16xf32>
      %add3A_1245 = arith.addf %get3A_1242, %add3A_1244 : vector<16xf32>
      %div3A_1246 = arith.divf %get3A_1238, %add3A_1245 : vector<16xf32>
      %swap3A_1247 = arith.constant 5 : i32
      %swap3A_1248 = arith.index_cast %swap3A_1247 : i32 to index
      %swap3A_1249 = arith.constant 32 : index
      %swap3A_1250 = tpu.vector_load %arg17[%swap3A_1248, %swap3A_1249] {strides = array<i32>} : memref<16x128xf32, #tpu.memory_space<vmem>>, vector<16xf32>,
      tpu.vector_store %arg17[%swap3A_1248, %swap3A_1249], %div3A_1246 {strides = array<i32>} : memref<16x128xf32, #tpu.memory_space<vmem>>, vector<16xf32>,
      %get3A_1251 = arith.constant 5 : i32
      %get3A_1252 = arith.index_cast %get3A_1251 : i32 to index
      %get3A_1253 = arith.constant 48 : index
      %get3A_1254 = tpu.vector_load %arg17[%get3A_1252, %get3A_1253] {strides = array<i32>} : memref<16x128xf32, #tpu.memory_space<vmem>>, vector<16xf32>,
      %get3A_1255 = arith.constant 5 : i32
      %get3A_1256 = arith.index_cast %get3A_1255 : i32 to index
      %get3A_1257 = arith.constant 48 : index
      %get3A_1258 = tpu.vector_load %arg18[%get3A_1256, %get3A_1257] {strides = array<i32>} : memref<16x128xf32, #tpu.memory_space<vmem>>, vector<16xf32>,
      %add3A_1259 = arith.constant 9.99999997E-7 : f32
      %add3A_1260 = vector.broadcast %add3A_1259 : f32 to vector<16xf32>
      %add3A_1261 = arith.addf %get3A_1258, %add3A_1260 : vector<16xf32>
      %div3A_1262 = arith.divf %get3A_1254, %add3A_1261 : vector<16xf32>
      %swap3A_1263 = arith.constant 5 : i32
      %swap3A_1264 = arith.index_cast %swap3A_1263 : i32 to index
      %swap3A_1265 = arith.constant 48 : index
      %swap3A_1266 = tpu.vector_load %arg17[%swap3A_1264, %swap3A_1265] {strides = array<i32>} : memref<16x128xf32, #tpu.memory_space<vmem>>, vector<16xf32>,
      tpu.vector_store %arg17[%swap3A_1264, %swap3A_1265], %div3A_1262 {strides = array<i32>} : memref<16x128xf32, #tpu.memory_space<vmem>>, vector<16xf32>,
      %get3A_1267 = arith.constant 5 : i32
      %get3A_1268 = arith.index_cast %get3A_1267 : i32 to index
      %get3A_1269 = arith.constant 64 : index
      %get3A_1270 = tpu.vector_load %arg17[%get3A_1268, %get3A_1269] {strides = array<i32>} : memref<16x128xf32, #tpu.memory_space<vmem>>, vector<16xf32>,
      %get3A_1271 = arith.constant 5 : i32
      %get3A_1272 = arith.index_cast %get3A_1271 : i32 to index
      %get3A_1273 = arith.constant 64 : index
      %get3A_1274 = tpu.vector_load %arg18[%get3A_1272, %get3A_1273] {strides = array<i32>} : memref<16x128xf32, #tpu.memory_space<vmem>>, vector<16xf32>,
      %add3A_1275 = arith.constant 9.99999997E-7 : f32
      %add3A_1276 = vector.broadcast %add3A_1275 : f32 to vector<16xf32>
      %add3A_1277 = arith.addf %get3A_1274, %add3A_1276 : vector<16xf32>
      %div3A_1278 = arith.divf %get3A_1270, %add3A_1277 : vector<16xf32>
      %swap3A_1279 = arith.constant 5 : i32
      %swap3A_1280 = arith.index_cast %swap3A_1279 : i32 to index
      %swap3A_1281 = arith.constant 64 : index
      %swap3A_1282 = tpu.vector_load %arg17[%swap3A_1280, %swap3A_1281] {strides = array<i32>} : memref<16x128xf32, #tpu.memory_space<vmem>>, vector<16xf32>,
      tpu.vector_store %arg17[%swap3A_1280, %swap3A_1281], %div3A_1278 {strides = array<i32>} : memref<16x128xf32, #tpu.memory_space<vmem>>, vector<16xf32>,
      %get3A_1283 = arith.constant 5 : i32
      %get3A_1284 = arith.index_cast %get3A_1283 : i32 to index
      %get3A_1285 = arith.constant 80 : index
      %get3A_1286 = tpu.vector_load %arg17[%get3A_1284, %get3A_1285] {strides = array<i32>} : memref<16x128xf32, #tpu.memory_space<vmem>>, vector<16xf32>,
      %get3A_1287 = arith.constant 5 : i32
      %get3A_1288 = arith.index_cast %get3A_1287 : i32 to index
      %get3A_1289 = arith.constant 80 : index
      %get3A_1290 = tpu.vector_load %arg18[%get3A_1288, %get3A_1289] {strides = array<i32>} : memref<16x128xf32, #tpu.memory_space<vmem>>, vector<16xf32>,
      %add3A_1291 = arith.constant 9.99999997E-7 : f32
      %add3A_1292 = vector.broadcast %add3A_1291 : f32 to vector<16xf32>
      %add3A_1293 = arith.addf %get3A_1290, %add3A_1292 : vector<16xf32>
      %div3A_1294 = arith.divf %get3A_1286, %add3A_1293 : vector<16xf32>
      %swap3A_1295 = arith.constant 5 : i32
      %swap3A_1296 = arith.index_cast %swap3A_1295 : i32 to index
      %swap3A_1297 = arith.constant 80 : index
      %swap3A_1298 = tpu.vector_load %arg17[%swap3A_1296, %swap3A_1297] {strides = array<i32>} : memref<16x128xf32, #tpu.memory_space<vmem>>, vector<16xf32>,
      tpu.vector_store %arg17[%swap3A_1296, %swap3A_1297], %div3A_1294 {strides = array<i32>} : memref<16x128xf32, #tpu.memory_space<vmem>>, vector<16xf32>,
      %get3A_1299 = arith.constant 5 : i32
      %get3A_1300 = arith.index_cast %get3A_1299 : i32 to index
      %get3A_1301 = arith.constant 96 : index
      %get3A_1302 = tpu.vector_load %arg17[%get3A_1300, %get3A_1301] {strides = array<i32>} : memref<16x128xf32, #tpu.memory_space<vmem>>, vector<16xf32>,
      %get3A_1303 = arith.constant 5 : i32
      %get3A_1304 = arith.index_cast %get3A_1303 : i32 to index
      %get3A_1305 = arith.constant 96 : index
      %get3A_1306 = tpu.vector_load %arg18[%get3A_1304, %get3A_1305] {strides = array<i32>} : memref<16x128xf32, #tpu.memory_space<vmem>>, vector<16xf32>,
      %add3A_1307 = arith.constant 9.99999997E-7 : f32
      %add3A_1308 = vector.broadcast %add3A_1307 : f32 to vector<16xf32>
      %add3A_1309 = arith.addf %get3A_1306, %add3A_1308 : vector<16xf32>
      %div3A_1310 = arith.divf %get3A_1302, %add3A_1309 : vector<16xf32>
      %swap3A_1311 = arith.constant 5 : i32
      %swap3A_1312 = arith.index_cast %swap3A_1311 : i32 to index
      %swap3A_1313 = arith.constant 96 : index
      %swap3A_1314 = tpu.vector_load %arg17[%swap3A_1312, %swap3A_1313] {strides = array<i32>} : memref<16x128xf32, #tpu.memory_space<vmem>>, vector<16xf32>,
      tpu.vector_store %arg17[%swap3A_1312, %swap3A_1313], %div3A_1310 {strides = array<i32>} : memref<16x128xf32, #tpu.memory_space<vmem>>, vector<16xf32>,
      %get3A_1315 = arith.constant 5 : i32
      %get3A_1316 = arith.index_cast %get3A_1315 : i32 to index
      %get3A_1317 = arith.constant 112 : index
      %get3A_1318 = tpu.vector_load %arg17[%get3A_1316, %get3A_1317] {strides = array<i32>} : memref<16x128xf32, #tpu.memory_space<vmem>>, vector<16xf32>,
      %get3A_1319 = arith.constant 5 : i32
      %get3A_1320 = arith.index_cast %get3A_1319 : i32 to index
      %get3A_1321 = arith.constant 112 : index
      %get3A_1322 = tpu.vector_load %arg18[%get3A_1320, %get3A_1321] {strides = array<i32>} : memref<16x128xf32, #tpu.memory_space<vmem>>, vector<16xf32>,
      %add3A_1323 = arith.constant 9.99999997E-7 : f32
      %add3A_1324 = vector.broadcast %add3A_1323 : f32 to vector<16xf32>
      %add3A_1325 = arith.addf %get3A_1322, %add3A_1324 : vector<16xf32>
      %div3A_1326 = arith.divf %get3A_1318, %add3A_1325 : vector<16xf32>
      %swap3A_1327 = arith.constant 5 : i32
      %swap3A_1328 = arith.index_cast %swap3A_1327 : i32 to index
      %swap3A_1329 = arith.constant 112 : index
      %swap3A_1330 = tpu.vector_load %arg17[%swap3A_1328, %swap3A_1329] {strides = array<i32>} : memref<16x128xf32, #tpu.memory_space<vmem>>, vector<16xf32>,
      tpu.vector_store %arg17[%swap3A_1328, %swap3A_1329], %div3A_1326 {strides = array<i32>} : memref<16x128xf32, #tpu.memory_space<vmem>>, vector<16xf32>,
      %get3A_1331 = arith.constant 6 : i32
      %get3A_1332 = arith.index_cast %get3A_1331 : i32 to index
      %get3A_1333 = arith.constant 0 : index
      %get3A_1334 = tpu.vector_load %arg17[%get3A_1332, %get3A_1333] {strides = array<i32>} : memref<16x128xf32, #tpu.memory_space<vmem>>, vector<16xf32>,
      %get3A_1335 = arith.constant 6 : i32
      %get3A_1336 = arith.index_cast %get3A_1335 : i32 to index
      %get3A_1337 = arith.constant 0 : index
      %get3A_1338 = tpu.vector_load %arg18[%get3A_1336, %get3A_1337] {strides = array<i32>} : memref<16x128xf32, #tpu.memory_space<vmem>>, vector<16xf32>,
      %add3A_1339 = arith.constant 9.99999997E-7 : f32
      %add3A_1340 = vector.broadcast %add3A_1339 : f32 to vector<16xf32>
      %add3A_1341 = arith.addf %get3A_1338, %add3A_1340 : vector<16xf32>
      %div3A_1342 = arith.divf %get3A_1334, %add3A_1341 : vector<16xf32>
      %swap3A_1343 = arith.constant 6 : i32
      %swap3A_1344 = arith.index_cast %swap3A_1343 : i32 to index
      %swap3A_1345 = arith.constant 0 : index
      %swap3A_1346 = tpu.vector_load %arg17[%swap3A_1344, %swap3A_1345] {strides = array<i32>} : memref<16x128xf32, #tpu.memory_space<vmem>>, vector<16xf32>,
      tpu.vector_store %arg17[%swap3A_1344, %swap3A_1345], %div3A_1342 {strides = array<i32>} : memref<16x128xf32, #tpu.memory_space<vmem>>, vector<16xf32>,
      %get3A_1347 = arith.constant 6 : i32
      %get3A_1348 = arith.index_cast %get3A_1347 : i32 to index
      %get3A_1349 = arith.constant 16 : index
      %get3A_1350 = tpu.vector_load %arg17[%get3A_1348, %get3A_1349] {strides = array<i32>} : memref<16x128xf32, #tpu.memory_space<vmem>>, vector<16xf32>,
      %get3A_1351 = arith.constant 6 : i32
      %get3A_1352 = arith.index_cast %get3A_1351 : i32 to index
      %get3A_1353 = arith.constant 16 : index
      %get3A_1354 = tpu.vector_load %arg18[%get3A_1352, %get3A_1353] {strides = array<i32>} : memref<16x128xf32, #tpu.memory_space<vmem>>, vector<16xf32>,
      %add3A_1355 = arith.constant 9.99999997E-7 : f32
      %add3A_1356 = vector.broadcast %add3A_1355 : f32 to vector<16xf32>
      %add3A_1357 = arith.addf %get3A_1354, %add3A_1356 : vector<16xf32>
      %div3A_1358 = arith.divf %get3A_1350, %add3A_1357 : vector<16xf32>
      %swap3A_1359 = arith.constant 6 : i32
      %swap3A_1360 = arith.index_cast %swap3A_1359 : i32 to index
      %swap3A_1361 = arith.constant 16 : index
      %swap3A_1362 = tpu.vector_load %arg17[%swap3A_1360, %swap3A_1361] {strides = array<i32>} : memref<16x128xf32, #tpu.memory_space<vmem>>, vector<16xf32>,
      tpu.vector_store %arg17[%swap3A_1360, %swap3A_1361], %div3A_1358 {strides = array<i32>} : memref<16x128xf32, #tpu.memory_space<vmem>>, vector<16xf32>,
      %get3A_1363 = arith.constant 6 : i32
      %get3A_1364 = arith.index_cast %get3A_1363 : i32 to index
      %get3A_1365 = arith.constant 32 : index
      %get3A_1366 = tpu.vector_load %arg17[%get3A_1364, %get3A_1365] {strides = array<i32>} : memref<16x128xf32, #tpu.memory_space<vmem>>, vector<16xf32>,
      %get3A_1367 = arith.constant 6 : i32
      %get3A_1368 = arith.index_cast %get3A_1367 : i32 to index
      %get3A_1369 = arith.constant 32 : index
      %get3A_1370 = tpu.vector_load %arg18[%get3A_1368, %get3A_1369] {strides = array<i32>} : memref<16x128xf32, #tpu.memory_space<vmem>>, vector<16xf32>,
      %add3A_1371 = arith.constant 9.99999997E-7 : f32
      %add3A_1372 = vector.broadcast %add3A_1371 : f32 to vector<16xf32>
      %add3A_1373 = arith.addf %get3A_1370, %add3A_1372 : vector<16xf32>
      %div3A_1374 = arith.divf %get3A_1366, %add3A_1373 : vector<16xf32>
      %swap3A_1375 = arith.constant 6 : i32
      %swap3A_1376 = arith.index_cast %swap3A_1375 : i32 to index
      %swap3A_1377 = arith.constant 32 : index
      %swap3A_1378 = tpu.vector_load %arg17[%swap3A_1376, %swap3A_1377] {strides = array<i32>} : memref<16x128xf32, #tpu.memory_space<vmem>>, vector<16xf32>,
      tpu.vector_store %arg17[%swap3A_1376, %swap3A_1377], %div3A_1374 {strides = array<i32>} : memref<16x128xf32, #tpu.memory_space<vmem>>, vector<16xf32>,
      %get3A_1379 = arith.constant 6 : i32
      %get3A_1380 = arith.index_cast %get3A_1379 : i32 to index
      %get3A_1381 = arith.constant 48 : index
      %get3A_1382 = tpu.vector_load %arg17[%get3A_1380, %get3A_1381] {strides = array<i32>} : memref<16x128xf32, #tpu.memory_space<vmem>>, vector<16xf32>,
      %get3A_1383 = arith.constant 6 : i32
      %get3A_1384 = arith.index_cast %get3A_1383 : i32 to index
      %get3A_1385 = arith.constant 48 : index
      %get3A_1386 = tpu.vector_load %arg18[%get3A_1384, %get3A_1385] {strides = array<i32>} : memref<16x128xf32, #tpu.memory_space<vmem>>, vector<16xf32>,
      %add3A_1387 = arith.constant 9.99999997E-7 : f32
      %add3A_1388 = vector.broadcast %add3A_1387 : f32 to vector<16xf32>
      %add3A_1389 = arith.addf %get3A_1386, %add3A_1388 : vector<16xf32>
      %div3A_1390 = arith.divf %get3A_1382, %add3A_1389 : vector<16xf32>
      %swap3A_1391 = arith.constant 6 : i32
      %swap3A_1392 = arith.index_cast %swap3A_1391 : i32 to index
      %swap3A_1393 = arith.constant 48 : index
      %swap3A_1394 = tpu.vector_load %arg17[%swap3A_1392, %swap3A_1393] {strides = array<i32>} : memref<16x128xf32, #tpu.memory_space<vmem>>, vector<16xf32>,
      tpu.vector_store %arg17[%swap3A_1392, %swap3A_1393], %div3A_1390 {strides = array<i32>} : memref<16x128xf32, #tpu.memory_space<vmem>>, vector<16xf32>,
      %get3A_1395 = arith.constant 6 : i32
      %get3A_1396 = arith.index_cast %get3A_1395 : i32 to index
      %get3A_1397 = arith.constant 64 : index
      %get3A_1398 = tpu.vector_load %arg17[%get3A_1396, %get3A_1397] {strides = array<i32>} : memref<16x128xf32, #tpu.memory_space<vmem>>, vector<16xf32>,
      %get3A_1399 = arith.constant 6 : i32
      %get3A_1400 = arith.index_cast %get3A_1399 : i32 to index
      %get3A_1401 = arith.constant 64 : index
      %get3A_1402 = tpu.vector_load %arg18[%get3A_1400, %get3A_1401] {strides = array<i32>} : memref<16x128xf32, #tpu.memory_space<vmem>>, vector<16xf32>,
      %add3A_1403 = arith.constant 9.99999997E-7 : f32
      %add3A_1404 = vector.broadcast %add3A_1403 : f32 to vector<16xf32>
      %add3A_1405 = arith.addf %get3A_1402, %add3A_1404 : vector<16xf32>
      %div3A_1406 = arith.divf %get3A_1398, %add3A_1405 : vector<16xf32>
      %swap3A_1407 = arith.constant 6 : i32
      %swap3A_1408 = arith.index_cast %swap3A_1407 : i32 to index
      %swap3A_1409 = arith.constant 64 : index
      %swap3A_1410 = tpu.vector_load %arg17[%swap3A_1408, %swap3A_1409] {strides = array<i32>} : memref<16x128xf32, #tpu.memory_space<vmem>>, vector<16xf32>,
      tpu.vector_store %arg17[%swap3A_1408, %swap3A_1409], %div3A_1406 {strides = array<i32>} : memref<16x128xf32, #tpu.memory_space<vmem>>, vector<16xf32>,
      %get3A_1411 = arith.constant 6 : i32
      %get3A_1412 = arith.index_cast %get3A_1411 : i32 to index
      %get3A_1413 = arith.constant 80 : index
      %get3A_1414 = tpu.vector_load %arg17[%get3A_1412, %get3A_1413] {strides = array<i32>} : memref<16x128xf32, #tpu.memory_space<vmem>>, vector<16xf32>,
      %get3A_1415 = arith.constant 6 : i32
      %get3A_1416 = arith.index_cast %get3A_1415 : i32 to index
      %get3A_1417 = arith.constant 80 : index
      %get3A_1418 = tpu.vector_load %arg18[%get3A_1416, %get3A_1417] {strides = array<i32>} : memref<16x128xf32, #tpu.memory_space<vmem>>, vector<16xf32>,
      %add3A_1419 = arith.constant 9.99999997E-7 : f32
      %add3A_1420 = vector.broadcast %add3A_1419 : f32 to vector<16xf32>
      %add3A_1421 = arith.addf %get3A_1418, %add3A_1420 : vector<16xf32>
      %div3A_1422 = arith.divf %get3A_1414, %add3A_1421 : vector<16xf32>
      %swap3A_1423 = arith.constant 6 : i32
      %swap3A_1424 = arith.index_cast %swap3A_1423 : i32 to index
      %swap3A_1425 = arith.constant 80 : index
      %swap3A_1426 = tpu.vector_load %arg17[%swap3A_1424, %swap3A_1425] {strides = array<i32>} : memref<16x128xf32, #tpu.memory_space<vmem>>, vector<16xf32>,
      tpu.vector_store %arg17[%swap3A_1424, %swap3A_1425], %div3A_1422 {strides = array<i32>} : memref<16x128xf32, #tpu.memory_space<vmem>>, vector<16xf32>,
      %get3A_1427 = arith.constant 6 : i32
      %get3A_1428 = arith.index_cast %get3A_1427 : i32 to index
      %get3A_1429 = arith.constant 96 : index
      %get3A_1430 = tpu.vector_load %arg17[%get3A_1428, %get3A_1429] {strides = array<i32>} : memref<16x128xf32, #tpu.memory_space<vmem>>, vector<16xf32>,
      %get3A_1431 = arith.constant 6 : i32
      %get3A_1432 = arith.index_cast %get3A_1431 : i32 to index
      %get3A_1433 = arith.constant 96 : index
      %get3A_1434 = tpu.vector_load %arg18[%get3A_1432, %get3A_1433] {strides = array<i32>} : memref<16x128xf32, #tpu.memory_space<vmem>>, vector<16xf32>,
      %add3A_1435 = arith.constant 9.99999997E-7 : f32
      %add3A_1436 = vector.broadcast %add3A_1435 : f32 to vector<16xf32>
      %add3A_1437 = arith.addf %get3A_1434, %add3A_1436 : vector<16xf32>
      %div3A_1438 = arith.divf %get3A_1430, %add3A_1437 : vector<16xf32>
      %swap3A_1439 = arith.constant 6 : i32
      %swap3A_1440 = arith.index_cast %swap3A_1439 : i32 to index
      %swap3A_1441 = arith.constant 96 : index
      %swap3A_1442 = tpu.vector_load %arg17[%swap3A_1440, %swap3A_1441] {strides = array<i32>} : memref<16x128xf32, #tpu.memory_space<vmem>>, vector<16xf32>,
      tpu.vector_store %arg17[%swap3A_1440, %swap3A_1441], %div3A_1438 {strides = array<i32>} : memref<16x128xf32, #tpu.memory_space<vmem>>, vector<16xf32>,
      %get3A_1443 = arith.constant 6 : i32
      %get3A_1444 = arith.index_cast %get3A_1443 : i32 to index
      %get3A_1445 = arith.constant 112 : index
      %get3A_1446 = tpu.vector_load %arg17[%get3A_1444, %get3A_1445] {strides = array<i32>} : memref<16x128xf32, #tpu.memory_space<vmem>>, vector<16xf32>,
      %get3A_1447 = arith.constant 6 : i32
      %get3A_1448 = arith.index_cast %get3A_1447 : i32 to index
      %get3A_1449 = arith.constant 112 : index
      %get3A_1450 = tpu.vector_load %arg18[%get3A_1448, %get3A_1449] {strides = array<i32>} : memref<16x128xf32, #tpu.memory_space<vmem>>, vector<16xf32>,
      %add3A_1451 = arith.constant 9.99999997E-7 : f32
      %add3A_1452 = vector.broadcast %add3A_1451 : f32 to vector<16xf32>
      %add3A_1453 = arith.addf %get3A_1450, %add3A_1452 : vector<16xf32>
      %div3A_1454 = arith.divf %get3A_1446, %add3A_1453 : vector<16xf32>
      %swap3A_1455 = arith.constant 6 : i32
      %swap3A_1456 = arith.index_cast %swap3A_1455 : i32 to index
      %swap3A_1457 = arith.constant 112 : index
      %swap3A_1458 = tpu.vector_load %arg17[%swap3A_1456, %swap3A_1457] {strides = array<i32>} : memref<16x128xf32, #tpu.memory_space<vmem>>, vector<16xf32>,
      tpu.vector_store %arg17[%swap3A_1456, %swap3A_1457], %div3A_1454 {strides = array<i32>} : memref<16x128xf32, #tpu.memory_space<vmem>>, vector<16xf32>,
      %get3A_1459 = arith.constant 7 : i32
      %get3A_1460 = arith.index_cast %get3A_1459 : i32 to index
      %get3A_1461 = arith.constant 0 : index
      %get3A_1462 = tpu.vector_load %arg17[%get3A_1460, %get3A_1461] {strides = array<i32>} : memref<16x128xf32, #tpu.memory_space<vmem>>, vector<16xf32>,
      %get3A_1463 = arith.constant 7 : i32
      %get3A_1464 = arith.index_cast %get3A_1463 : i32 to index
      %get3A_1465 = arith.constant 0 : index
      %get3A_1466 = tpu.vector_load %arg18[%get3A_1464, %get3A_1465] {strides = array<i32>} : memref<16x128xf32, #tpu.memory_space<vmem>>, vector<16xf32>,
      %add3A_1467 = arith.constant 9.99999997E-7 : f32
      %add3A_1468 = vector.broadcast %add3A_1467 : f32 to vector<16xf32>
      %add3A_1469 = arith.addf %get3A_1466, %add3A_1468 : vector<16xf32>
      %div3A_1470 = arith.divf %get3A_1462, %add3A_1469 : vector<16xf32>
      %swap3A_1471 = arith.constant 7 : i32
      %swap3A_1472 = arith.index_cast %swap3A_1471 : i32 to index
      %swap3A_1473 = arith.constant 0 : index
      %swap3A_1474 = tpu.vector_load %arg17[%swap3A_1472, %swap3A_1473] {strides = array<i32>} : memref<16x128xf32, #tpu.memory_space<vmem>>, vector<16xf32>,
      tpu.vector_store %arg17[%swap3A_1472, %swap3A_1473], %div3A_1470 {strides = array<i32>} : memref<16x128xf32, #tpu.memory_space<vmem>>, vector<16xf32>,
      %get3A_1475 = arith.constant 7 : i32
      %get3A_1476 = arith.index_cast %get3A_1475 : i32 to index
      %get3A_1477 = arith.constant 16 : index
      %get3A_1478 = tpu.vector_load %arg17[%get3A_1476, %get3A_1477] {strides = array<i32>} : memref<16x128xf32, #tpu.memory_space<vmem>>, vector<16xf32>,
      %get3A_1479 = arith.constant 7 : i32
      %get3A_1480 = arith.index_cast %get3A_1479 : i32 to index
      %get3A_1481 = arith.constant 16 : index
      %get3A_1482 = tpu.vector_load %arg18[%get3A_1480, %get3A_1481] {strides = array<i32>} : memref<16x128xf32, #tpu.memory_space<vmem>>, vector<16xf32>,
      %add3A_1483 = arith.constant 9.99999997E-7 : f32
      %add3A_1484 = vector.broadcast %add3A_1483 : f32 to vector<16xf32>
      %add3A_1485 = arith.addf %get3A_1482, %add3A_1484 : vector<16xf32>
      %div3A_1486 = arith.divf %get3A_1478, %add3A_1485 : vector<16xf32>
      %swap3A_1487 = arith.constant 7 : i32
      %swap3A_1488 = arith.index_cast %swap3A_1487 : i32 to index
      %swap3A_1489 = arith.constant 16 : index
      %swap3A_1490 = tpu.vector_load %arg17[%swap3A_1488, %swap3A_1489] {strides = array<i32>} : memref<16x128xf32, #tpu.memory_space<vmem>>, vector<16xf32>,
      tpu.vector_store %arg17[%swap3A_1488, %swap3A_1489], %div3A_1486 {strides = array<i32>} : memref<16x128xf32, #tpu.memory_space<vmem>>, vector<16xf32>,
      %get3A_1491 = arith.constant 7 : i32
      %get3A_1492 = arith.index_cast %get3A_1491 : i32 to index
      %get3A_1493 = arith.constant 32 : index
      %get3A_1494 = tpu.vector_load %arg17[%get3A_1492, %get3A_1493] {strides = array<i32>} : memref<16x128xf32, #tpu.memory_space<vmem>>, vector<16xf32>,
      %get3A_1495 = arith.constant 7 : i32
      %get3A_1496 = arith.index_cast %get3A_1495 : i32 to index
      %get3A_1497 = arith.constant 32 : index
      %get3A_1498 = tpu.vector_load %arg18[%get3A_1496, %get3A_1497] {strides = array<i32>} : memref<16x128xf32, #tpu.memory_space<vmem>>, vector<16xf32>,
      %add3A_1499 = arith.constant 9.99999997E-7 : f32
      %add3A_1500 = vector.broadcast %add3A_1499 : f32 to vector<16xf32>
      %add3A_1501 = arith.addf %get3A_1498, %add3A_1500 : vector<16xf32>
      %div3A_1502 = arith.divf %get3A_1494, %add3A_1501 : vector<16xf32>
      %swap3A_1503 = arith.constant 7 : i32
      %swap3A_1504 = arith.index_cast %swap3A_1503 : i32 to index
      %swap3A_1505 = arith.constant 32 : index
      %swap3A_1506 = tpu.vector_load %arg17[%swap3A_1504, %swap3A_1505] {strides = array<i32>} : memref<16x128xf32, #tpu.memory_space<vmem>>, vector<16xf32>,
      tpu.vector_store %arg17[%swap3A_1504, %swap3A_1505], %div3A_1502 {strides = array<i32>} : memref<16x128xf32, #tpu.memory_space<vmem>>, vector<16xf32>,
      %get3A_1507 = arith.constant 7 : i32
      %get3A_1508 = arith.index_cast %get3A_1507 : i32 to index
      %get3A_1509 = arith.constant 48 : index
      %get3A_1510 = tpu.vector_load %arg17[%get3A_1508, %get3A_1509] {strides = array<i32>} : memref<16x128xf32, #tpu.memory_space<vmem>>, vector<16xf32>,
      %get3A_1511 = arith.constant 7 : i32
      %get3A_1512 = arith.index_cast %get3A_1511 : i32 to index
      %get3A_1513 = arith.constant 48 : index
      %get3A_1514 = tpu.vector_load %arg18[%get3A_1512, %get3A_1513] {strides = array<i32>} : memref<16x128xf32, #tpu.memory_space<vmem>>, vector<16xf32>,
      %add3A_1515 = arith.constant 9.99999997E-7 : f32
      %add3A_1516 = vector.broadcast %add3A_1515 : f32 to vector<16xf32>
      %add3A_1517 = arith.addf %get3A_1514, %add3A_1516 : vector<16xf32>
      %div3A_1518 = arith.divf %get3A_1510, %add3A_1517 : vector<16xf32>
      %swap3A_1519 = arith.constant 7 : i32
      %swap3A_1520 = arith.index_cast %swap3A_1519 : i32 to index
      %swap3A_1521 = arith.constant 48 : index
      %swap3A_1522 = tpu.vector_load %arg17[%swap3A_1520, %swap3A_1521] {strides = array<i32>} : memref<16x128xf32, #tpu.memory_space<vmem>>, vector<16xf32>,
      tpu.vector_store %arg17[%swap3A_1520, %swap3A_1521], %div3A_1518 {strides = array<i32>} : memref<16x128xf32, #tpu.memory_space<vmem>>, vector<16xf32>,
      %get3A_1523 = arith.constant 7 : i32
      %get3A_1524 = arith.index_cast %get3A_1523 : i32 to index
      %get3A_1525 = arith.constant 64 : index
      %get3A_1526 = tpu.vector_load %arg17[%get3A_1524, %get3A_1525] {strides = array<i32>} : memref<16x128xf32, #tpu.memory_space<vmem>>, vector<16xf32>,
      %get3A_1527 = arith.constant 7 : i32
      %get3A_1528 = arith.index_cast %get3A_1527 : i32 to index
      %get3A_1529 = arith.constant 64 : index
      %get3A_1530 = tpu.vector_load %arg18[%get3A_1528, %get3A_1529] {strides = array<i32>} : memref<16x128xf32, #tpu.memory_space<vmem>>, vector<16xf32>,
      %add3A_1531 = arith.constant 9.99999997E-7 : f32
      %add3A_1532 = vector.broadcast %add3A_1531 : f32 to vector<16xf32>
      %add3A_1533 = arith.addf %get3A_1530, %add3A_1532 : vector<16xf32>
      %div3A_1534 = arith.divf %get3A_1526, %add3A_1533 : vector<16xf32>
      %swap3A_1535 = arith.constant 7 : i32
      %swap3A_1536 = arith.index_cast %swap3A_1535 : i32 to index
      %swap3A_1537 = arith.constant 64 : index
      %swap3A_1538 = tpu.vector_load %arg17[%swap3A_1536, %swap3A_1537] {strides = array<i32>} : memref<16x128xf32, #tpu.memory_space<vmem>>, vector<16xf32>,
      tpu.vector_store %arg17[%swap3A_1536, %swap3A_1537], %div3A_1534 {strides = array<i32>} : memref<16x128xf32, #tpu.memory_space<vmem>>, vector<16xf32>,
      %get3A_1539 = arith.constant 7 : i32
      %get3A_1540 = arith.index_cast %get3A_1539 : i32 to index
      %get3A_1541 = arith.constant 80 : index
      %get3A_1542 = tpu.vector_load %arg17[%get3A_1540, %get3A_1541] {strides = array<i32>} : memref<16x128xf32, #tpu.memory_space<vmem>>, vector<16xf32>,
      %get3A_1543 = arith.constant 7 : i32
      %get3A_1544 = arith.index_cast %get3A_1543 : i32 to index
      %get3A_1545 = arith.constant 80 : index
      %get3A_1546 = tpu.vector_load %arg18[%get3A_1544, %get3A_1545] {strides = array<i32>} : memref<16x128xf32, #tpu.memory_space<vmem>>, vector<16xf32>,
      %add3A_1547 = arith.constant 9.99999997E-7 : f32
      %add3A_1548 = vector.broadcast %add3A_1547 : f32 to vector<16xf32>
      %add3A_1549 = arith.addf %get3A_1546, %add3A_1548 : vector<16xf32>
      %div3A_1550 = arith.divf %get3A_1542, %add3A_1549 : vector<16xf32>
      %swap3A_1551 = arith.constant 7 : i32
      %swap3A_1552 = arith.index_cast %swap3A_1551 : i32 to index
      %swap3A_1553 = arith.constant 80 : index
      %swap3A_1554 = tpu.vector_load %arg17[%swap3A_1552, %swap3A_1553] {strides = array<i32>} : memref<16x128xf32, #tpu.memory_space<vmem>>, vector<16xf32>,
      tpu.vector_store %arg17[%swap3A_1552, %swap3A_1553], %div3A_1550 {strides = array<i32>} : memref<16x128xf32, #tpu.memory_space<vmem>>, vector<16xf32>,
      %get3A_1555 = arith.constant 7 : i32
      %get3A_1556 = arith.index_cast %get3A_1555 : i32 to index
      %get3A_1557 = arith.constant 96 : index
      %get3A_1558 = tpu.vector_load %arg17[%get3A_1556, %get3A_1557] {strides = array<i32>} : memref<16x128xf32, #tpu.memory_space<vmem>>, vector<16xf32>,
      %get3A_1559 = arith.constant 7 : i32
      %get3A_1560 = arith.index_cast %get3A_1559 : i32 to index
      %get3A_1561 = arith.constant 96 : index
      %get3A_1562 = tpu.vector_load %arg18[%get3A_1560, %get3A_1561] {strides = array<i32>} : memref<16x128xf32, #tpu.memory_space<vmem>>, vector<16xf32>,
      %add3A_1563 = arith.constant 9.99999997E-7 : f32
      %add3A_1564 = vector.broadcast %add3A_1563 : f32 to vector<16xf32>
      %add3A_1565 = arith.addf %get3A_1562, %add3A_1564 : vector<16xf32>
      %div3A_1566 = arith.divf %get3A_1558, %add3A_1565 : vector<16xf32>
      %swap3A_1567 = arith.constant 7 : i32
      %swap3A_1568 = arith.index_cast %swap3A_1567 : i32 to index
      %swap3A_1569 = arith.constant 96 : index
      %swap3A_1570 = tpu.vector_load %arg17[%swap3A_1568, %swap3A_1569] {strides = array<i32>} : memref<16x128xf32, #tpu.memory_space<vmem>>, vector<16xf32>,
      tpu.vector_store %arg17[%swap3A_1568, %swap3A_1569], %div3A_1566 {strides = array<i32>} : memref<16x128xf32, #tpu.memory_space<vmem>>, vector<16xf32>,
      %get3A_1571 = arith.constant 7 : i32
      %get3A_1572 = arith.index_cast %get3A_1571 : i32 to index
      %get3A_1573 = arith.constant 112 : index
      %get3A_1574 = tpu.vector_load %arg17[%get3A_1572, %get3A_1573] {strides = array<i32>} : memref<16x128xf32, #tpu.memory_space<vmem>>, vector<16xf32>,
      %get3A_1575 = arith.constant 7 : i32
      %get3A_1576 = arith.index_cast %get3A_1575 : i32 to index
      %get3A_1577 = arith.constant 112 : index
      %get3A_1578 = tpu.vector_load %arg18[%get3A_1576, %get3A_1577] {strides = array<i32>} : memref<16x128xf32, #tpu.memory_space<vmem>>, vector<16xf32>,
      %add3A_1579 = arith.constant 9.99999997E-7 : f32
      %add3A_1580 = vector.broadcast %add3A_1579 : f32 to vector<16xf32>
      %add3A_1581 = arith.addf %get3A_1578, %add3A_1580 : vector<16xf32>
      %div3A_1582 = arith.divf %get3A_1574, %add3A_1581 : vector<16xf32>
      %swap3A_1583 = arith.constant 7 : i32
      %swap3A_1584 = arith.index_cast %swap3A_1583 : i32 to index
      %swap3A_1585 = arith.constant 112 : index
      %swap3A_1586 = tpu.vector_load %arg17[%swap3A_1584, %swap3A_1585] {strides = array<i32>} : memref<16x128xf32, #tpu.memory_space<vmem>>, vector<16xf32>,
      tpu.vector_store %arg17[%swap3A_1584, %swap3A_1585], %div3A_1582 {strides = array<i32>} : memref<16x128xf32, #tpu.memory_space<vmem>>, vector<16xf32>,
      %get3A_1587 = arith.constant 8 : i32
      %get3A_1588 = arith.index_cast %get3A_1587 : i32 to index
      %get3A_1589 = arith.constant 0 : index
      %get3A_1590 = tpu.vector_load %arg17[%get3A_1588, %get3A_1589] {strides = array<i32>} : memref<16x128xf32, #tpu.memory_space<vmem>>, vector<16xf32>,
      %get3A_1591 = arith.constant 8 : i32
      %get3A_1592 = arith.index_cast %get3A_1591 : i32 to index
      %get3A_1593 = arith.constant 0 : index
      %get3A_1594 = tpu.vector_load %arg18[%get3A_1592, %get3A_1593] {strides = array<i32>} : memref<16x128xf32, #tpu.memory_space<vmem>>, vector<16xf32>,
      %add3A_1595 = arith.constant 9.99999997E-7 : f32
      %add3A_1596 = vector.broadcast %add3A_1595 : f32 to vector<16xf32>
      %add3A_1597 = arith.addf %get3A_1594, %add3A_1596 : vector<16xf32>
      %div3A_1598 = arith.divf %get3A_1590, %add3A_1597 : vector<16xf32>
      %swap3A_1599 = arith.constant 8 : i32
      %swap3A_1600 = arith.index_cast %swap3A_1599 : i32 to index
      %swap3A_1601 = arith.constant 0 : index
      %swap3A_1602 = tpu.vector_load %arg17[%swap3A_1600, %swap3A_1601] {strides = array<i32>} : memref<16x128xf32, #tpu.memory_space<vmem>>, vector<16xf32>,
      tpu.vector_store %arg17[%swap3A_1600, %swap3A_1601], %div3A_1598 {strides = array<i32>} : memref<16x128xf32, #tpu.memory_space<vmem>>, vector<16xf32>,
      %get3A_1603 = arith.constant 8 : i32
      %get3A_1604 = arith.index_cast %get3A_1603 : i32 to index
      %get3A_1605 = arith.constant 16 : index
      %get3A_1606 = tpu.vector_load %arg17[%get3A_1604, %get3A_1605] {strides = array<i32>} : memref<16x128xf32, #tpu.memory_space<vmem>>, vector<16xf32>,
      %get3A_1607 = arith.constant 8 : i32
      %get3A_1608 = arith.index_cast %get3A_1607 : i32 to index
      %get3A_1609 = arith.constant 16 : index
      %get3A_1610 = tpu.vector_load %arg18[%get3A_1608, %get3A_1609] {strides = array<i32>} : memref<16x128xf32, #tpu.memory_space<vmem>>, vector<16xf32>,
      %add3A_1611 = arith.constant 9.99999997E-7 : f32
      %add3A_1612 = vector.broadcast %add3A_1611 : f32 to vector<16xf32>
      %add3A_1613 = arith.addf %get3A_1610, %add3A_1612 : vector<16xf32>
      %div3A_1614 = arith.divf %get3A_1606, %add3A_1613 : vector<16xf32>
      %swap3A_1615 = arith.constant 8 : i32
      %swap3A_1616 = arith.index_cast %swap3A_1615 : i32 to index
      %swap3A_1617 = arith.constant 16 : index
      %swap3A_1618 = tpu.vector_load %arg17[%swap3A_1616, %swap3A_1617] {strides = array<i32>} : memref<16x128xf32, #tpu.memory_space<vmem>>, vector<16xf32>,
      tpu.vector_store %arg17[%swap3A_1616, %swap3A_1617], %div3A_1614 {strides = array<i32>} : memref<16x128xf32, #tpu.memory_space<vmem>>, vector<16xf32>,
      %get3A_1619 = arith.constant 8 : i32
      %get3A_1620 = arith.index_cast %get3A_1619 : i32 to index
      %get3A_1621 = arith.constant 32 : index
      %get3A_1622 = tpu.vector_load %arg17[%get3A_1620, %get3A_1621] {strides = array<i32>} : memref<16x128xf32, #tpu.memory_space<vmem>>, vector<16xf32>,
      %get3A_1623 = arith.constant 8 : i32
      %get3A_1624 = arith.index_cast %get3A_1623 : i32 to index
      %get3A_1625 = arith.constant 32 : index
      %get3A_1626 = tpu.vector_load %arg18[%get3A_1624, %get3A_1625] {strides = array<i32>} : memref<16x128xf32, #tpu.memory_space<vmem>>, vector<16xf32>,
      %add3A_1627 = arith.constant 9.99999997E-7 : f32
      %add3A_1628 = vector.broadcast %add3A_1627 : f32 to vector<16xf32>
      %add3A_1629 = arith.addf %get3A_1626, %add3A_1628 : vector<16xf32>
      %div3A_1630 = arith.divf %get3A_1622, %add3A_1629 : vector<16xf32>
      %swap3A_1631 = arith.constant 8 : i32
      %swap3A_1632 = arith.index_cast %swap3A_1631 : i32 to index
      %swap3A_1633 = arith.constant 32 : index
      %swap3A_1634 = tpu.vector_load %arg17[%swap3A_1632, %swap3A_1633] {strides = array<i32>} : memref<16x128xf32, #tpu.memory_space<vmem>>, vector<16xf32>,
      tpu.vector_store %arg17[%swap3A_1632, %swap3A_1633], %div3A_1630 {strides = array<i32>} : memref<16x128xf32, #tpu.memory_space<vmem>>, vector<16xf32>,
      %get3A_1635 = arith.constant 8 : i32
      %get3A_1636 = arith.index_cast %get3A_1635 : i32 to index
      %get3A_1637 = arith.constant 48 : index
      %get3A_1638 = tpu.vector_load %arg17[%get3A_1636, %get3A_1637] {strides = array<i32>} : memref<16x128xf32, #tpu.memory_space<vmem>>, vector<16xf32>,
      %get3A_1639 = arith.constant 8 : i32
      %get3A_1640 = arith.index_cast %get3A_1639 : i32 to index
      %get3A_1641 = arith.constant 48 : index
      %get3A_1642 = tpu.vector_load %arg18[%get3A_1640, %get3A_1641] {strides = array<i32>} : memref<16x128xf32, #tpu.memory_space<vmem>>, vector<16xf32>,
      %add3A_1643 = arith.constant 9.99999997E-7 : f32
      %add3A_1644 = vector.broadcast %add3A_1643 : f32 to vector<16xf32>
      %add3A_1645 = arith.addf %get3A_1642, %add3A_1644 : vector<16xf32>
      %div3A_1646 = arith.divf %get3A_1638, %add3A_1645 : vector<16xf32>
      %swap3A_1647 = arith.constant 8 : i32
      %swap3A_1648 = arith.index_cast %swap3A_1647 : i32 to index
      %swap3A_1649 = arith.constant 48 : index
      %swap3A_1650 = tpu.vector_load %arg17[%swap3A_1648, %swap3A_1649] {strides = array<i32>} : memref<16x128xf32, #tpu.memory_space<vmem>>, vector<16xf32>,
      tpu.vector_store %arg17[%swap3A_1648, %swap3A_1649], %div3A_1646 {strides = array<i32>} : memref<16x128xf32, #tpu.memory_space<vmem>>, vector<16xf32>,
      %get3A_1651 = arith.constant 8 : i32
      %get3A_1652 = arith.index_cast %get3A_1651 : i32 to index
      %get3A_1653 = arith.constant 64 : index
      %get3A_1654 = tpu.vector_load %arg17[%get3A_1652, %get3A_1653] {strides = array<i32>} : memref<16x128xf32, #tpu.memory_space<vmem>>, vector<16xf32>,
      %get3A_1655 = arith.constant 8 : i32
      %get3A_1656 = arith.index_cast %get3A_1655 : i32 to index
      %get3A_1657 = arith.constant 64 : index
      %get3A_1658 = tpu.vector_load %arg18[%get3A_1656, %get3A_1657] {strides = array<i32>} : memref<16x128xf32, #tpu.memory_space<vmem>>, vector<16xf32>,
      %add3A_1659 = arith.constant 9.99999997E-7 : f32
      %add3A_1660 = vector.broadcast %add3A_1659 : f32 to vector<16xf32>
      %add3A_1661 = arith.addf %get3A_1658, %add3A_1660 : vector<16xf32>
      %div3A_1662 = arith.divf %get3A_1654, %add3A_1661 : vector<16xf32>
      %swap3A_1663 = arith.constant 8 : i32
      %swap3A_1664 = arith.index_cast %swap3A_1663 : i32 to index
      %swap3A_1665 = arith.constant 64 : index
      %swap3A_1666 = tpu.vector_load %arg17[%swap3A_1664, %swap3A_1665] {strides = array<i32>} : memref<16x128xf32, #tpu.memory_space<vmem>>, vector<16xf32>,
      tpu.vector_store %arg17[%swap3A_1664, %swap3A_1665], %div3A_1662 {strides = array<i32>} : memref<16x128xf32, #tpu.memory_space<vmem>>, vector<16xf32>,
      %get3A_1667 = arith.constant 8 : i32
      %get3A_1668 = arith.index_cast %get3A_1667 : i32 to index
      %get3A_1669 = arith.constant 80 : index
      %get3A_1670 = tpu.vector_load %arg17[%get3A_1668, %get3A_1669] {strides = array<i32>} : memref<16x128xf32, #tpu.memory_space<vmem>>, vector<16xf32>,
      %get3A_1671 = arith.constant 8 : i32
      %get3A_1672 = arith.index_cast %get3A_1671 : i32 to index
      %get3A_1673 = arith.constant 80 : index
      %get3A_1674 = tpu.vector_load %arg18[%get3A_1672, %get3A_1673] {strides = array<i32>} : memref<16x128xf32, #tpu.memory_space<vmem>>, vector<16xf32>,
      %add3A_1675 = arith.constant 9.99999997E-7 : f32
      %add3A_1676 = vector.broadcast %add3A_1675 : f32 to vector<16xf32>
      %add3A_1677 = arith.addf %get3A_1674, %add3A_1676 : vector<16xf32>
      %div3A_1678 = arith.divf %get3A_1670, %add3A_1677 : vector<16xf32>
      %swap3A_1679 = arith.constant 8 : i32
      %swap3A_1680 = arith.index_cast %swap3A_1679 : i32 to index
      %swap3A_1681 = arith.constant 80 : index
      %swap3A_1682 = tpu.vector_load %arg17[%swap3A_1680, %swap3A_1681] {strides = array<i32>} : memref<16x128xf32, #tpu.memory_space<vmem>>, vector<16xf32>,
      tpu.vector_store %arg17[%swap3A_1680, %swap3A_1681], %div3A_1678 {strides = array<i32>} : memref<16x128xf32, #tpu.memory_space<vmem>>, vector<16xf32>,
      %get3A_1683 = arith.constant 8 : i32
      %get3A_1684 = arith.index_cast %get3A_1683 : i32 to index
      %get3A_1685 = arith.constant 96 : index
      %get3A_1686 = tpu.vector_load %arg17[%get3A_1684, %get3A_1685] {strides = array<i32>} : memref<16x128xf32, #tpu.memory_space<vmem>>, vector<16xf32>,
      %get3A_1687 = arith.constant 8 : i32
      %get3A_1688 = arith.index_cast %get3A_1687 : i32 to index
      %get3A_1689 = arith.constant 96 : index
      %get3A_1690 = tpu.vector_load %arg18[%get3A_1688, %get3A_1689] {strides = array<i32>} : memref<16x128xf32, #tpu.memory_space<vmem>>, vector<16xf32>,
      %add3A_1691 = arith.constant 9.99999997E-7 : f32
      %add3A_1692 = vector.broadcast %add3A_1691 : f32 to vector<16xf32>
      %add3A_1693 = arith.addf %get3A_1690, %add3A_1692 : vector<16xf32>
      %div3A_1694 = arith.divf %get3A_1686, %add3A_1693 : vector<16xf32>
      %swap3A_1695 = arith.constant 8 : i32
      %swap3A_1696 = arith.index_cast %swap3A_1695 : i32 to index
      %swap3A_1697 = arith.constant 96 : index
      %swap3A_1698 = tpu.vector_load %arg17[%swap3A_1696, %swap3A_1697] {strides = array<i32>} : memref<16x128xf32, #tpu.memory_space<vmem>>, vector<16xf32>,
      tpu.vector_store %arg17[%swap3A_1696, %swap3A_1697], %div3A_1694 {strides = array<i32>} : memref<16x128xf32, #tpu.memory_space<vmem>>, vector<16xf32>,
      %get3A_1699 = arith.constant 8 : i32
      %get3A_1700 = arith.index_cast %get3A_1699 : i32 to index
      %get3A_1701 = arith.constant 112 : index
      %get3A_1702 = tpu.vector_load %arg17[%get3A_1700, %get3A_1701] {strides = array<i32>} : memref<16x128xf32, #tpu.memory_space<vmem>>, vector<16xf32>,
      %get3A_1703 = arith.constant 8 : i32
      %get3A_1704 = arith.index_cast %get3A_1703 : i32 to index
      %get3A_1705 = arith.constant 112 : index
      %get3A_1706 = tpu.vector_load %arg18[%get3A_1704, %get3A_1705] {strides = array<i32>} : memref<16x128xf32, #tpu.memory_space<vmem>>, vector<16xf32>,
      %add3A_1707 = arith.constant 9.99999997E-7 : f32
      %add3A_1708 = vector.broadcast %add3A_1707 : f32 to vector<16xf32>
      %add3A_1709 = arith.addf %get3A_1706, %add3A_1708 : vector<16xf32>
      %div3A_1710 = arith.divf %get3A_1702, %add3A_1709 : vector<16xf32>
      %swap3A_1711 = arith.constant 8 : i32
      %swap3A_1712 = arith.index_cast %swap3A_1711 : i32 to index
      %swap3A_1713 = arith.constant 112 : index
      %swap3A_1714 = tpu.vector_load %arg17[%swap3A_1712, %swap3A_1713] {strides = array<i32>} : memref<16x128xf32, #tpu.memory_space<vmem>>, vector<16xf32>,
      tpu.vector_store %arg17[%swap3A_1712, %swap3A_1713], %div3A_1710 {strides = array<i32>} : memref<16x128xf32, #tpu.memory_space<vmem>>, vector<16xf32>,
      %get3A_1715 = arith.constant 9 : i32
      %get3A_1716 = arith.index_cast %get3A_1715 : i32 to index
      %get3A_1717 = arith.constant 0 : index
      %get3A_1718 = tpu.vector_load %arg17[%get3A_1716, %get3A_1717] {strides = array<i32>} : memref<16x128xf32, #tpu.memory_space<vmem>>, vector<16xf32>,
      %get3A_1719 = arith.constant 9 : i32
      %get3A_1720 = arith.index_cast %get3A_1719 : i32 to index
      %get3A_1721 = arith.constant 0 : index
      %get3A_1722 = tpu.vector_load %arg18[%get3A_1720, %get3A_1721] {strides = array<i32>} : memref<16x128xf32, #tpu.memory_space<vmem>>, vector<16xf32>,
      %add3A_1723 = arith.constant 9.99999997E-7 : f32
      %add3A_1724 = vector.broadcast %add3A_1723 : f32 to vector<16xf32>
      %add3A_1725 = arith.addf %get3A_1722, %add3A_1724 : vector<16xf32>
      %div3A_1726 = arith.divf %get3A_1718, %add3A_1725 : vector<16xf32>
      %swap3A_1727 = arith.constant 9 : i32
      %swap3A_1728 = arith.index_cast %swap3A_1727 : i32 to index
      %swap3A_1729 = arith.constant 0 : index
      %swap3A_1730 = tpu.vector_load %arg17[%swap3A_1728, %swap3A_1729] {strides = array<i32>} : memref<16x128xf32, #tpu.memory_space<vmem>>, vector<16xf32>,
      tpu.vector_store %arg17[%swap3A_1728, %swap3A_1729], %div3A_1726 {strides = array<i32>} : memref<16x128xf32, #tpu.memory_space<vmem>>, vector<16xf32>,
      %get3A_1731 = arith.constant 9 : i32
      %get3A_1732 = arith.index_cast %get3A_1731 : i32 to index
      %get3A_1733 = arith.constant 16 : index
      %get3A_1734 = tpu.vector_load %arg17[%get3A_1732, %get3A_1733] {strides = array<i32>} : memref<16x128xf32, #tpu.memory_space<vmem>>, vector<16xf32>,
      %get3A_1735 = arith.constant 9 : i32
      %get3A_1736 = arith.index_cast %get3A_1735 : i32 to index
      %get3A_1737 = arith.constant 16 : index
      %get3A_1738 = tpu.vector_load %arg18[%get3A_1736, %get3A_1737] {strides = array<i32>} : memref<16x128xf32, #tpu.memory_space<vmem>>, vector<16xf32>,
      %add3A_1739 = arith.constant 9.99999997E-7 : f32
      %add3A_1740 = vector.broadcast %add3A_1739 : f32 to vector<16xf32>
      %add3A_1741 = arith.addf %get3A_1738, %add3A_1740 : vector<16xf32>
      %div3A_1742 = arith.divf %get3A_1734, %add3A_1741 : vector<16xf32>
      %swap3A_1743 = arith.constant 9 : i32
      %swap3A_1744 = arith.index_cast %swap3A_1743 : i32 to index
      %swap3A_1745 = arith.constant 16 : index
      %swap3A_1746 = tpu.vector_load %arg17[%swap3A_1744, %swap3A_1745] {strides = array<i32>} : memref<16x128xf32, #tpu.memory_space<vmem>>, vector<16xf32>,
      tpu.vector_store %arg17[%swap3A_1744, %swap3A_1745], %div3A_1742 {strides = array<i32>} : memref<16x128xf32, #tpu.memory_space<vmem>>, vector<16xf32>,
      %get3A_1747 = arith.constant 9 : i32
      %get3A_1748 = arith.index_cast %get3A_1747 : i32 to index
      %get3A_1749 = arith.constant 32 : index
      %get3A_1750 = tpu.vector_load %arg17[%get3A_1748, %get3A_1749] {strides = array<i32>} : memref<16x128xf32, #tpu.memory_space<vmem>>, vector<16xf32>,
      %get3A_1751 = arith.constant 9 : i32
      %get3A_1752 = arith.index_cast %get3A_1751 : i32 to index
      %get3A_1753 = arith.constant 32 : index
      %get3A_1754 = tpu.vector_load %arg18[%get3A_1752, %get3A_1753] {strides = array<i32>} : memref<16x128xf32, #tpu.memory_space<vmem>>, vector<16xf32>,
      %add3A_1755 = arith.constant 9.99999997E-7 : f32
      %add3A_1756 = vector.broadcast %add3A_1755 : f32 to vector<16xf32>
      %add3A_1757 = arith.addf %get3A_1754, %add3A_1756 : vector<16xf32>
      %div3A_1758 = arith.divf %get3A_1750, %add3A_1757 : vector<16xf32>
      %swap3A_1759 = arith.constant 9 : i32
      %swap3A_1760 = arith.index_cast %swap3A_1759 : i32 to index
      %swap3A_1761 = arith.constant 32 : index
      %swap3A_1762 = tpu.vector_load %arg17[%swap3A_1760, %swap3A_1761] {strides = array<i32>} : memref<16x128xf32, #tpu.memory_space<vmem>>, vector<16xf32>,
      tpu.vector_store %arg17[%swap3A_1760, %swap3A_1761], %div3A_1758 {strides = array<i32>} : memref<16x128xf32, #tpu.memory_space<vmem>>, vector<16xf32>,
      %get3A_1763 = arith.constant 9 : i32
      %get3A_1764 = arith.index_cast %get3A_1763 : i32 to index
      %get3A_1765 = arith.constant 48 : index
      %get3A_1766 = tpu.vector_load %arg17[%get3A_1764, %get3A_1765] {strides = array<i32>} : memref<16x128xf32, #tpu.memory_space<vmem>>, vector<16xf32>,
      %get3A_1767 = arith.constant 9 : i32
      %get3A_1768 = arith.index_cast %get3A_1767 : i32 to index
      %get3A_1769 = arith.constant 48 : index
      %get3A_1770 = tpu.vector_load %arg18[%get3A_1768, %get3A_1769] {strides = array<i32>} : memref<16x128xf32, #tpu.memory_space<vmem>>, vector<16xf32>,
      %add3A_1771 = arith.constant 9.99999997E-7 : f32
      %add3A_1772 = vector.broadcast %add3A_1771 : f32 to vector<16xf32>
      %add3A_1773 = arith.addf %get3A_1770, %add3A_1772 : vector<16xf32>
      %div3A_1774 = arith.divf %get3A_1766, %add3A_1773 : vector<16xf32>
      %swap3A_1775 = arith.constant 9 : i32
      %swap3A_1776 = arith.index_cast %swap3A_1775 : i32 to index
      %swap3A_1777 = arith.constant 48 : index
      %swap3A_1778 = tpu.vector_load %arg17[%swap3A_1776, %swap3A_1777] {strides = array<i32>} : memref<16x128xf32, #tpu.memory_space<vmem>>, vector<16xf32>,
      tpu.vector_store %arg17[%swap3A_1776, %swap3A_1777], %div3A_1774 {strides = array<i32>} : memref<16x128xf32, #tpu.memory_space<vmem>>, vector<16xf32>,
      %get3A_1779 = arith.constant 9 : i32
      %get3A_1780 = arith.index_cast %get3A_1779 : i32 to index
      %get3A_1781 = arith.constant 64 : index
      %get3A_1782 = tpu.vector_load %arg17[%get3A_1780, %get3A_1781] {strides = array<i32>} : memref<16x128xf32, #tpu.memory_space<vmem>>, vector<16xf32>,
      %get3A_1783 = arith.constant 9 : i32
      %get3A_1784 = arith.index_cast %get3A_1783 : i32 to index
      %get3A_1785 = arith.constant 64 : index
      %get3A_1786 = tpu.vector_load %arg18[%get3A_1784, %get3A_1785] {strides = array<i32>} : memref<16x128xf32, #tpu.memory_space<vmem>>, vector<16xf32>,
      %add3A_1787 = arith.constant 9.99999997E-7 : f32
      %add3A_1788 = vector.broadcast %add3A_1787 : f32 to vector<16xf32>
      %add3A_1789 = arith.addf %get3A_1786, %add3A_1788 : vector<16xf32>
      %div3A_1790 = arith.divf %get3A_1782, %add3A_1789 : vector<16xf32>
      %swap3A_1791 = arith.constant 9 : i32
      %swap3A_1792 = arith.index_cast %swap3A_1791 : i32 to index
      %swap3A_1793 = arith.constant 64 : index
      %swap3A_1794 = tpu.vector_load %arg17[%swap3A_1792, %swap3A_1793] {strides = array<i32>} : memref<16x128xf32, #tpu.memory_space<vmem>>, vector<16xf32>,
      tpu.vector_store %arg17[%swap3A_1792, %swap3A_1793], %div3A_1790 {strides = array<i32>} : memref<16x128xf32, #tpu.memory_space<vmem>>, vector<16xf32>,
      %get3A_1795 = arith.constant 9 : i32
      %get3A_1796 = arith.index_cast %get3A_1795 : i32 to index
      %get3A_1797 = arith.constant 80 : index
      %get3A_1798 = tpu.vector_load %arg17[%get3A_1796, %get3A_1797] {strides = array<i32>} : memref<16x128xf32, #tpu.memory_space<vmem>>, vector<16xf32>,
      %get3A_1799 = arith.constant 9 : i32
      %get3A_1800 = arith.index_cast %get3A_1799 : i32 to index
      %get3A_1801 = arith.constant 80 : index
      %get3A_1802 = tpu.vector_load %arg18[%get3A_1800, %get3A_1801] {strides = array<i32>} : memref<16x128xf32, #tpu.memory_space<vmem>>, vector<16xf32>,
      %add3A_1803 = arith.constant 9.99999997E-7 : f32
      %add3A_1804 = vector.broadcast %add3A_1803 : f32 to vector<16xf32>
      %add3A_1805 = arith.addf %get3A_1802, %add3A_1804 : vector<16xf32>
      %div3A_1806 = arith.divf %get3A_1798, %add3A_1805 : vector<16xf32>
      %swap3A_1807 = arith.constant 9 : i32
      %swap3A_1808 = arith.index_cast %swap3A_1807 : i32 to index
      %swap3A_1809 = arith.constant 80 : index
      %swap3A_1810 = tpu.vector_load %arg17[%swap3A_1808, %swap3A_1809] {strides = array<i32>} : memref<16x128xf32, #tpu.memory_space<vmem>>, vector<16xf32>,
      tpu.vector_store %arg17[%swap3A_1808, %swap3A_1809], %div3A_1806 {strides = array<i32>} : memref<16x128xf32, #tpu.memory_space<vmem>>, vector<16xf32>,
      %get3A_1811 = arith.constant 9 : i32
      %get3A_1812 = arith.index_cast %get3A_1811 : i32 to index
      %get3A_1813 = arith.constant 96 : index
      %get3A_1814 = tpu.vector_load %arg17[%get3A_1812, %get3A_1813] {strides = array<i32>} : memref<16x128xf32, #tpu.memory_space<vmem>>, vector<16xf32>,
      %get3A_1815 = arith.constant 9 : i32
      %get3A_1816 = arith.index_cast %get3A_1815 : i32 to index
      %get3A_1817 = arith.constant 96 : index
      %get3A_1818 = tpu.vector_load %arg18[%get3A_1816, %get3A_1817] {strides = array<i32>} : memref<16x128xf32, #tpu.memory_space<vmem>>, vector<16xf32>,
      %add3A_1819 = arith.constant 9.99999997E-7 : f32
      %add3A_1820 = vector.broadcast %add3A_1819 : f32 to vector<16xf32>
      %add3A_1821 = arith.addf %get3A_1818, %add3A_1820 : vector<16xf32>
      %div3A_1822 = arith.divf %get3A_1814, %add3A_1821 : vector<16xf32>
      %swap3A_1823 = arith.constant 9 : i32
      %swap3A_1824 = arith.index_cast %swap3A_1823 : i32 to index
      %swap3A_1825 = arith.constant 96 : index
      %swap3A_1826 = tpu.vector_load %arg17[%swap3A_1824, %swap3A_1825] {strides = array<i32>} : memref<16x128xf32, #tpu.memory_space<vmem>>, vector<16xf32>,
      tpu.vector_store %arg17[%swap3A_1824, %swap3A_1825], %div3A_1822 {strides = array<i32>} : memref<16x128xf32, #tpu.memory_space<vmem>>, vector<16xf32>,
      %get3A_1827 = arith.constant 9 : i32
      %get3A_1828 = arith.index_cast %get3A_1827 : i32 to index
      %get3A_1829 = arith.constant 112 : index
      %get3A_1830 = tpu.vector_load %arg17[%get3A_1828, %get3A_1829] {strides = array<i32>} : memref<16x128xf32, #tpu.memory_space<vmem>>, vector<16xf32>,
      %get3A_1831 = arith.constant 9 : i32
      %get3A_1832 = arith.index_cast %get3A_1831 : i32 to index
      %get3A_1833 = arith.constant 112 : index
      %get3A_1834 = tpu.vector_load %arg18[%get3A_1832, %get3A_1833] {strides = array<i32>} : memref<16x128xf32, #tpu.memory_space<vmem>>, vector<16xf32>,
      %add3A_1835 = arith.constant 9.99999997E-7 : f32
      %add3A_1836 = vector.broadcast %add3A_1835 : f32 to vector<16xf32>
      %add3A_1837 = arith.addf %get3A_1834, %add3A_1836 : vector<16xf32>
      %div3A_1838 = arith.divf %get3A_1830, %add3A_1837 : vector<16xf32>
      %swap3A_1839 = arith.constant 9 : i32
      %swap3A_1840 = arith.index_cast %swap3A_1839 : i32 to index
      %swap3A_1841 = arith.constant 112 : index
      %swap3A_1842 = tpu.vector_load %arg17[%swap3A_1840, %swap3A_1841] {strides = array<i32>} : memref<16x128xf32, #tpu.memory_space<vmem>>, vector<16xf32>,
      tpu.vector_store %arg17[%swap3A_1840, %swap3A_1841], %div3A_1838 {strides = array<i32>} : memref<16x128xf32, #tpu.memory_space<vmem>>, vector<16xf32>,
      %get3A_1843 = arith.constant 10 : i32
      %get3A_1844 = arith.index_cast %get3A_1843 : i32 to index
      %get3A_1845 = arith.constant 0 : index
      %get3A_1846 = tpu.vector_load %arg17[%get3A_1844, %get3A_1845] {strides = array<i32>} : memref<16x128xf32, #tpu.memory_space<vmem>>, vector<16xf32>,
      %get3A_1847 = arith.constant 10 : i32
      %get3A_1848 = arith.index_cast %get3A_1847 : i32 to index
      %get3A_1849 = arith.constant 0 : index
      %get3A_1850 = tpu.vector_load %arg18[%get3A_1848, %get3A_1849] {strides = array<i32>} : memref<16x128xf32, #tpu.memory_space<vmem>>, vector<16xf32>,
      %add3A_1851 = arith.constant 9.99999997E-7 : f32
      %add3A_1852 = vector.broadcast %add3A_1851 : f32 to vector<16xf32>
      %add3A_1853 = arith.addf %get3A_1850, %add3A_1852 : vector<16xf32>
      %div3A_1854 = arith.divf %get3A_1846, %add3A_1853 : vector<16xf32>
      %swap3A_1855 = arith.constant 10 : i32
      %swap3A_1856 = arith.index_cast %swap3A_1855 : i32 to index
      %swap3A_1857 = arith.constant 0 : index
      %swap3A_1858 = tpu.vector_load %arg17[%swap3A_1856, %swap3A_1857] {strides = array<i32>} : memref<16x128xf32, #tpu.memory_space<vmem>>, vector<16xf32>,
      tpu.vector_store %arg17[%swap3A_1856, %swap3A_1857], %div3A_1854 {strides = array<i32>} : memref<16x128xf32, #tpu.memory_space<vmem>>, vector<16xf32>,
      %get3A_1859 = arith.constant 10 : i32
      %get3A_1860 = arith.index_cast %get3A_1859 : i32 to index
      %get3A_1861 = arith.constant 16 : index
      %get3A_1862 = tpu.vector_load %arg17[%get3A_1860, %get3A_1861] {strides = array<i32>} : memref<16x128xf32, #tpu.memory_space<vmem>>, vector<16xf32>,
      %get3A_1863 = arith.constant 10 : i32
      %get3A_1864 = arith.index_cast %get3A_1863 : i32 to index
      %get3A_1865 = arith.constant 16 : index
      %get3A_1866 = tpu.vector_load %arg18[%get3A_1864, %get3A_1865] {strides = array<i32>} : memref<16x128xf32, #tpu.memory_space<vmem>>, vector<16xf32>,
      %add3A_1867 = arith.constant 9.99999997E-7 : f32
      %add3A_1868 = vector.broadcast %add3A_1867 : f32 to vector<16xf32>
      %add3A_1869 = arith.addf %get3A_1866, %add3A_1868 : vector<16xf32>
      %div3A_1870 = arith.divf %get3A_1862, %add3A_1869 : vector<16xf32>
      %swap3A_1871 = arith.constant 10 : i32
      %swap3A_1872 = arith.index_cast %swap3A_1871 : i32 to index
      %swap3A_1873 = arith.constant 16 : index
      %swap3A_1874 = tpu.vector_load %arg17[%swap3A_1872, %swap3A_1873] {strides = array<i32>} : memref<16x128xf32, #tpu.memory_space<vmem>>, vector<16xf32>,
      tpu.vector_store %arg17[%swap3A_1872, %swap3A_1873], %div3A_1870 {strides = array<i32>} : memref<16x128xf32, #tpu.memory_space<vmem>>, vector<16xf32>,
      %get3A_1875 = arith.constant 10 : i32
      %get3A_1876 = arith.index_cast %get3A_1875 : i32 to index
      %get3A_1877 = arith.constant 32 : index
      %get3A_1878 = tpu.vector_load %arg17[%get3A_1876, %get3A_1877] {strides = array<i32>} : memref<16x128xf32, #tpu.memory_space<vmem>>, vector<16xf32>,
      %get3A_1879 = arith.constant 10 : i32
      %get3A_1880 = arith.index_cast %get3A_1879 : i32 to index
      %get3A_1881 = arith.constant 32 : index
      %get3A_1882 = tpu.vector_load %arg18[%get3A_1880, %get3A_1881] {strides = array<i32>} : memref<16x128xf32, #tpu.memory_space<vmem>>, vector<16xf32>,
      %add3A_1883 = arith.constant 9.99999997E-7 : f32
      %add3A_1884 = vector.broadcast %add3A_1883 : f32 to vector<16xf32>
      %add3A_1885 = arith.addf %get3A_1882, %add3A_1884 : vector<16xf32>
      %div3A_1886 = arith.divf %get3A_1878, %add3A_1885 : vector<16xf32>
      %swap3A_1887 = arith.constant 10 : i32
      %swap3A_1888 = arith.index_cast %swap3A_1887 : i32 to index
      %swap3A_1889 = arith.constant 32 : index
      %swap3A_1890 = tpu.vector_load %arg17[%swap3A_1888, %swap3A_1889] {strides = array<i32>} : memref<16x128xf32, #tpu.memory_space<vmem>>, vector<16xf32>,
      tpu.vector_store %arg17[%swap3A_1888, %swap3A_1889], %div3A_1886 {strides = array<i32>} : memref<16x128xf32, #tpu.memory_space<vmem>>, vector<16xf32>,
      %get3A_1891 = arith.constant 10 : i32
      %get3A_1892 = arith.index_cast %get3A_1891 : i32 to index
      %get3A_1893 = arith.constant 48 : index
      %get3A_1894 = tpu.vector_load %arg17[%get3A_1892, %get3A_1893] {strides = array<i32>} : memref<16x128xf32, #tpu.memory_space<vmem>>, vector<16xf32>,
      %get3A_1895 = arith.constant 10 : i32
      %get3A_1896 = arith.index_cast %get3A_1895 : i32 to index
      %get3A_1897 = arith.constant 48 : index
      %get3A_1898 = tpu.vector_load %arg18[%get3A_1896, %get3A_1897] {strides = array<i32>} : memref<16x128xf32, #tpu.memory_space<vmem>>, vector<16xf32>,
      %add3A_1899 = arith.constant 9.99999997E-7 : f32
      %add3A_1900 = vector.broadcast %add3A_1899 : f32 to vector<16xf32>
      %add3A_1901 = arith.addf %get3A_1898, %add3A_1900 : vector<16xf32>
      %div3A_1902 = arith.divf %get3A_1894, %add3A_1901 : vector<16xf32>
      %swap3A_1903 = arith.constant 10 : i32
      %swap3A_1904 = arith.index_cast %swap3A_1903 : i32 to index
      %swap3A_1905 = arith.constant 48 : index
      %swap3A_1906 = tpu.vector_load %arg17[%swap3A_1904, %swap3A_1905] {strides = array<i32>} : memref<16x128xf32, #tpu.memory_space<vmem>>, vector<16xf32>,
      tpu.vector_store %arg17[%swap3A_1904, %swap3A_1905], %div3A_1902 {strides = array<i32>} : memref<16x128xf32, #tpu.memory_space<vmem>>, vector<16xf32>,
      %get3A_1907 = arith.constant 10 : i32
      %get3A_1908 = arith.index_cast %get3A_1907 : i32 to index
      %get3A_1909 = arith.constant 64 : index
      %get3A_1910 = tpu.vector_load %arg17[%get3A_1908, %get3A_1909] {strides = array<i32>} : memref<16x128xf32, #tpu.memory_space<vmem>>, vector<16xf32>,
      %get3A_1911 = arith.constant 10 : i32
      %get3A_1912 = arith.index_cast %get3A_1911 : i32 to index
      %get3A_1913 = arith.constant 64 : index
      %get3A_1914 = tpu.vector_load %arg18[%get3A_1912, %get3A_1913] {strides = array<i32>} : memref<16x128xf32, #tpu.memory_space<vmem>>, vector<16xf32>,
      %add3A_1915 = arith.constant 9.99999997E-7 : f32
      %add3A_1916 = vector.broadcast %add3A_1915 : f32 to vector<16xf32>
      %add3A_1917 = arith.addf %get3A_1914, %add3A_1916 : vector<16xf32>
      %div3A_1918 = arith.divf %get3A_1910, %add3A_1917 : vector<16xf32>
      %swap3A_1919 = arith.constant 10 : i32
      %swap3A_1920 = arith.index_cast %swap3A_1919 : i32 to index
      %swap3A_1921 = arith.constant 64 : index
      %swap3A_1922 = tpu.vector_load %arg17[%swap3A_1920, %swap3A_1921] {strides = array<i32>} : memref<16x128xf32, #tpu.memory_space<vmem>>, vector<16xf32>,
      tpu.vector_store %arg17[%swap3A_1920, %swap3A_1921], %div3A_1918 {strides = array<i32>} : memref<16x128xf32, #tpu.memory_space<vmem>>, vector<16xf32>,
      %get3A_1923 = arith.constant 10 : i32
      %get3A_1924 = arith.index_cast %get3A_1923 : i32 to index
      %get3A_1925 = arith.constant 80 : index
      %get3A_1926 = tpu.vector_load %arg17[%get3A_1924, %get3A_1925] {strides = array<i32>} : memref<16x128xf32, #tpu.memory_space<vmem>>, vector<16xf32>,
      %get3A_1927 = arith.constant 10 : i32
      %get3A_1928 = arith.index_cast %get3A_1927 : i32 to index
      %get3A_1929 = arith.constant 80 : index
      %get3A_1930 = tpu.vector_load %arg18[%get3A_1928, %get3A_1929] {strides = array<i32>} : memref<16x128xf32, #tpu.memory_space<vmem>>, vector<16xf32>,
      %add3A_1931 = arith.constant 9.99999997E-7 : f32
      %add3A_1932 = vector.broadcast %add3A_1931 : f32 to vector<16xf32>
      %add3A_1933 = arith.addf %get3A_1930, %add3A_1932 : vector<16xf32>
      %div3A_1934 = arith.divf %get3A_1926, %add3A_1933 : vector<16xf32>
      %swap3A_1935 = arith.constant 10 : i32
      %swap3A_1936 = arith.index_cast %swap3A_1935 : i32 to index
      %swap3A_1937 = arith.constant 80 : index
      %swap3A_1938 = tpu.vector_load %arg17[%swap3A_1936, %swap3A_1937] {strides = array<i32>} : memref<16x128xf32, #tpu.memory_space<vmem>>, vector<16xf32>,
      tpu.vector_store %arg17[%swap3A_1936, %swap3A_1937], %div3A_1934 {strides = array<i32>} : memref<16x128xf32, #tpu.memory_space<vmem>>, vector<16xf32>,
      %get3A_1939 = arith.constant 10 : i32
      %get3A_1940 = arith.index_cast %get3A_1939 : i32 to index
      %get3A_1941 = arith.constant 96 : index
      %get3A_1942 = tpu.vector_load %arg17[%get3A_1940, %get3A_1941] {strides = array<i32>} : memref<16x128xf32, #tpu.memory_space<vmem>>, vector<16xf32>,
      %get3A_1943 = arith.constant 10 : i32
      %get3A_1944 = arith.index_cast %get3A_1943 : i32 to index
      %get3A_1945 = arith.constant 96 : index
      %get3A_1946 = tpu.vector_load %arg18[%get3A_1944, %get3A_1945] {strides = array<i32>} : memref<16x128xf32, #tpu.memory_space<vmem>>, vector<16xf32>,
      %add3A_1947 = arith.constant 9.99999997E-7 : f32
      %add3A_1948 = vector.broadcast %add3A_1947 : f32 to vector<16xf32>
      %add3A_1949 = arith.addf %get3A_1946, %add3A_1948 : vector<16xf32>
      %div3A_1950 = arith.divf %get3A_1942, %add3A_1949 : vector<16xf32>
      %swap3A_1951 = arith.constant 10 : i32
      %swap3A_1952 = arith.index_cast %swap3A_1951 : i32 to index
      %swap3A_1953 = arith.constant 96 : index
      %swap3A_1954 = tpu.vector_load %arg17[%swap3A_1952, %swap3A_1953] {strides = array<i32>} : memref<16x128xf32, #tpu.memory_space<vmem>>, vector<16xf32>,
      tpu.vector_store %arg17[%swap3A_1952, %swap3A_1953], %div3A_1950 {strides = array<i32>} : memref<16x128xf32, #tpu.memory_space<vmem>>, vector<16xf32>,
      %get3A_1955 = arith.constant 10 : i32
      %get3A_1956 = arith.index_cast %get3A_1955 : i32 to index
      %get3A_1957 = arith.constant 112 : index
      %get3A_1958 = tpu.vector_load %arg17[%get3A_1956, %get3A_1957] {strides = array<i32>} : memref<16x128xf32, #tpu.memory_space<vmem>>, vector<16xf32>,
      %get3A_1959 = arith.constant 10 : i32
      %get3A_1960 = arith.index_cast %get3A_1959 : i32 to index
      %get3A_1961 = arith.constant 112 : index
      %get3A_1962 = tpu.vector_load %arg18[%get3A_1960, %get3A_1961] {strides = array<i32>} : memref<16x128xf32, #tpu.memory_space<vmem>>, vector<16xf32>,
      %add3A_1963 = arith.constant 9.99999997E-7 : f32
      %add3A_1964 = vector.broadcast %add3A_1963 : f32 to vector<16xf32>
      %add3A_1965 = arith.addf %get3A_1962, %add3A_1964 : vector<16xf32>
      %div3A_1966 = arith.divf %get3A_1958, %add3A_1965 : vector<16xf32>
      %swap3A_1967 = arith.constant 10 : i32
      %swap3A_1968 = arith.index_cast %swap3A_1967 : i32 to index
      %swap3A_1969 = arith.constant 112 : index
      %swap3A_1970 = tpu.vector_load %arg17[%swap3A_1968, %swap3A_1969] {strides = array<i32>} : memref<16x128xf32, #tpu.memory_space<vmem>>, vector<16xf32>,
      tpu.vector_store %arg17[%swap3A_1968, %swap3A_1969], %div3A_1966 {strides = array<i32>} : memref<16x128xf32, #tpu.memory_space<vmem>>, vector<16xf32>,
      %get3A_1971 = arith.constant 11 : i32
      %get3A_1972 = arith.index_cast %get3A_1971 : i32 to index
      %get3A_1973 = arith.constant 0 : index
      %get3A_1974 = tpu.vector_load %arg17[%get3A_1972, %get3A_1973] {strides = array<i32>} : memref<16x128xf32, #tpu.memory_space<vmem>>, vector<16xf32>,
      %get3A_1975 = arith.constant 11 : i32
      %get3A_1976 = arith.index_cast %get3A_1975 : i32 to index
      %get3A_1977 = arith.constant 0 : index
      %get3A_1978 = tpu.vector_load %arg18[%get3A_1976, %get3A_1977] {strides = array<i32>} : memref<16x128xf32, #tpu.memory_space<vmem>>, vector<16xf32>,
      %add3A_1979 = arith.constant 9.99999997E-7 : f32
      %add3A_1980 = vector.broadcast %add3A_1979 : f32 to vector<16xf32>
      %add3A_1981 = arith.addf %get3A_1978, %add3A_1980 : vector<16xf32>
      %div3A_1982 = arith.divf %get3A_1974, %add3A_1981 : vector<16xf32>
      %swap3A_1983 = arith.constant 11 : i32
      %swap3A_1984 = arith.index_cast %swap3A_1983 : i32 to index
      %swap3A_1985 = arith.constant 0 : index
      %swap3A_1986 = tpu.vector_load %arg17[%swap3A_1984, %swap3A_1985] {strides = array<i32>} : memref<16x128xf32, #tpu.memory_space<vmem>>, vector<16xf32>,
      tpu.vector_store %arg17[%swap3A_1984, %swap3A_1985], %div3A_1982 {strides = array<i32>} : memref<16x128xf32, #tpu.memory_space<vmem>>, vector<16xf32>,
      %get3A_1987 = arith.constant 11 : i32
      %get3A_1988 = arith.index_cast %get3A_1987 : i32 to index
      %get3A_1989 = arith.constant 16 : index
      %get3A_1990 = tpu.vector_load %arg17[%get3A_1988, %get3A_1989] {strides = array<i32>} : memref<16x128xf32, #tpu.memory_space<vmem>>, vector<16xf32>,
      %get3A_1991 = arith.constant 11 : i32
      %get3A_1992 = arith.index_cast %get3A_1991 : i32 to index
      %get3A_1993 = arith.constant 16 : index
      %get3A_1994 = tpu.vector_load %arg18[%get3A_1992, %get3A_1993] {strides = array<i32>} : memref<16x128xf32, #tpu.memory_space<vmem>>, vector<16xf32>,
      %add3A_1995 = arith.constant 9.99999997E-7 : f32
      %add3A_1996 = vector.broadcast %add3A_1995 : f32 to vector<16xf32>
      %add3A_1997 = arith.addf %get3A_1994, %add3A_1996 : vector<16xf32>
      %div3A_1998 = arith.divf %get3A_1990, %add3A_1997 : vector<16xf32>
      %swap3A_1999 = arith.constant 11 : i32
      %swap3A_2000 = arith.index_cast %swap3A_1999 : i32 to index
      %swap3A_2001 = arith.constant 16 : index
      %swap3A_2002 = tpu.vector_load %arg17[%swap3A_2000, %swap3A_2001] {strides = array<i32>} : memref<16x128xf32, #tpu.memory_space<vmem>>, vector<16xf32>,
      tpu.vector_store %arg17[%swap3A_2000, %swap3A_2001], %div3A_1998 {strides = array<i32>} : memref<16x128xf32, #tpu.memory_space<vmem>>, vector<16xf32>,
      %get3A_2003 = arith.constant 11 : i32
      %get3A_2004 = arith.index_cast %get3A_2003 : i32 to index
      %get3A_2005 = arith.constant 32 : index
      %get3A_2006 = tpu.vector_load %arg17[%get3A_2004, %get3A_2005] {strides = array<i32>} : memref<16x128xf32, #tpu.memory_space<vmem>>, vector<16xf32>,
      %get3A_2007 = arith.constant 11 : i32
      %get3A_2008 = arith.index_cast %get3A_2007 : i32 to index
      %get3A_2009 = arith.constant 32 : index
      %get3A_2010 = tpu.vector_load %arg18[%get3A_2008, %get3A_2009] {strides = array<i32>} : memref<16x128xf32, #tpu.memory_space<vmem>>, vector<16xf32>,
      %add3A_2011 = arith.constant 9.99999997E-7 : f32
      %add3A_2012 = vector.broadcast %add3A_2011 : f32 to vector<16xf32>
      %add3A_2013 = arith.addf %get3A_2010, %add3A_2012 : vector<16xf32>
      %div3A_2014 = arith.divf %get3A_2006, %add3A_2013 : vector<16xf32>
      %swap3A_2015 = arith.constant 11 : i32
      %swap3A_2016 = arith.index_cast %swap3A_2015 : i32 to index
      %swap3A_2017 = arith.constant 32 : index
      %swap3A_2018 = tpu.vector_load %arg17[%swap3A_2016, %swap3A_2017] {strides = array<i32>} : memref<16x128xf32, #tpu.memory_space<vmem>>, vector<16xf32>,
      tpu.vector_store %arg17[%swap3A_2016, %swap3A_2017], %div3A_2014 {strides = array<i32>} : memref<16x128xf32, #tpu.memory_space<vmem>>, vector<16xf32>,
      %get3A_2019 = arith.constant 11 : i32
      %get3A_2020 = arith.index_cast %get3A_2019 : i32 to index
      %get3A_2021 = arith.constant 48 : index
      %get3A_2022 = tpu.vector_load %arg17[%get3A_2020, %get3A_2021] {strides = array<i32>} : memref<16x128xf32, #tpu.memory_space<vmem>>, vector<16xf32>,
      %get3A_2023 = arith.constant 11 : i32
      %get3A_2024 = arith.index_cast %get3A_2023 : i32 to index
      %get3A_2025 = arith.constant 48 : index
      %get3A_2026 = tpu.vector_load %arg18[%get3A_2024, %get3A_2025] {strides = array<i32>} : memref<16x128xf32, #tpu.memory_space<vmem>>, vector<16xf32>,
      %add3A_2027 = arith.constant 9.99999997E-7 : f32
      %add3A_2028 = vector.broadcast %add3A_2027 : f32 to vector<16xf32>
      %add3A_2029 = arith.addf %get3A_2026, %add3A_2028 : vector<16xf32>
      %div3A_2030 = arith.divf %get3A_2022, %add3A_2029 : vector<16xf32>
      %swap3A_2031 = arith.constant 11 : i32
      %swap3A_2032 = arith.index_cast %swap3A_2031 : i32 to index
      %swap3A_2033 = arith.constant 48 : index
      %swap3A_2034 = tpu.vector_load %arg17[%swap3A_2032, %swap3A_2033] {strides = array<i32>} : memref<16x128xf32, #tpu.memory_space<vmem>>, vector<16xf32>,
      tpu.vector_store %arg17[%swap3A_2032, %swap3A_2033], %div3A_2030 {strides = array<i32>} : memref<16x128xf32, #tpu.memory_space<vmem>>, vector<16xf32>,
      %get3A_2035 = arith.constant 11 : i32
      %get3A_2036 = arith.index_cast %get3A_2035 : i32 to index
      %get3A_2037 = arith.constant 64 : index
      %get3A_2038 = tpu.vector_load %arg17[%get3A_2036, %get3A_2037] {strides = array<i32>} : memref<16x128xf32, #tpu.memory_space<vmem>>, vector<16xf32>,
      %get3A_2039 = arith.constant 11 : i32
      %get3A_2040 = arith.index_cast %get3A_2039 : i32 to index
      %get3A_2041 = arith.constant 64 : index
      %get3A_2042 = tpu.vector_load %arg18[%get3A_2040, %get3A_2041] {strides = array<i32>} : memref<16x128xf32, #tpu.memory_space<vmem>>, vector<16xf32>,
      %add3A_2043 = arith.constant 9.99999997E-7 : f32
      %add3A_2044 = vector.broadcast %add3A_2043 : f32 to vector<16xf32>
      %add3A_2045 = arith.addf %get3A_2042, %add3A_2044 : vector<16xf32>
      %div3A_2046 = arith.divf %get3A_2038, %add3A_2045 : vector<16xf32>
      %swap3A_2047 = arith.constant 11 : i32
      %swap3A_2048 = arith.index_cast %swap3A_2047 : i32 to index
      %swap3A_2049 = arith.constant 64 : index
      %swap3A_2050 = tpu.vector_load %arg17[%swap3A_2048, %swap3A_2049] {strides = array<i32>} : memref<16x128xf32, #tpu.memory_space<vmem>>, vector<16xf32>,
      tpu.vector_store %arg17[%swap3A_2048, %swap3A_2049], %div3A_2046 {strides = array<i32>} : memref<16x128xf32, #tpu.memory_space<vmem>>, vector<16xf32>,
      %get3A_2051 = arith.constant 11 : i32
      %get3A_2052 = arith.index_cast %get3A_2051 : i32 to index
      %get3A_2053 = arith.constant 80 : index
      %get3A_2054 = tpu.vector_load %arg17[%get3A_2052, %get3A_2053] {strides = array<i32>} : memref<16x128xf32, #tpu.memory_space<vmem>>, vector<16xf32>,
      %get3A_2055 = arith.constant 11 : i32
      %get3A_2056 = arith.index_cast %get3A_2055 : i32 to index
      %get3A_2057 = arith.constant 80 : index
      %get3A_2058 = tpu.vector_load %arg18[%get3A_2056, %get3A_2057] {strides = array<i32>} : memref<16x128xf32, #tpu.memory_space<vmem>>, vector<16xf32>,
      %add3A_2059 = arith.constant 9.99999997E-7 : f32
      %add3A_2060 = vector.broadcast %add3A_2059 : f32 to vector<16xf32>
      %add3A_2061 = arith.addf %get3A_2058, %add3A_2060 : vector<16xf32>
      %div3A_2062 = arith.divf %get3A_2054, %add3A_2061 : vector<16xf32>
      %swap3A_2063 = arith.constant 11 : i32
      %swap3A_2064 = arith.index_cast %swap3A_2063 : i32 to index
      %swap3A_2065 = arith.constant 80 : index
      %swap3A_2066 = tpu.vector_load %arg17[%swap3A_2064, %swap3A_2065] {strides = array<i32>} : memref<16x128xf32, #tpu.memory_space<vmem>>, vector<16xf32>,
      tpu.vector_store %arg17[%swap3A_2064, %swap3A_2065], %div3A_2062 {strides = array<i32>} : memref<16x128xf32, #tpu.memory_space<vmem>>, vector<16xf32>,
      %get3A_2067 = arith.constant 11 : i32
      %get3A_2068 = arith.index_cast %get3A_2067 : i32 to index
      %get3A_2069 = arith.constant 96 : index
      %get3A_2070 = tpu.vector_load %arg17[%get3A_2068, %get3A_2069] {strides = array<i32>} : memref<16x128xf32, #tpu.memory_space<vmem>>, vector<16xf32>,
      %get3A_2071 = arith.constant 11 : i32
      %get3A_2072 = arith.index_cast %get3A_2071 : i32 to index
      %get3A_2073 = arith.constant 96 : index
      %get3A_2074 = tpu.vector_load %arg18[%get3A_2072, %get3A_2073] {strides = array<i32>} : memref<16x128xf32, #tpu.memory_space<vmem>>, vector<16xf32>,
      %add3A_2075 = arith.constant 9.99999997E-7 : f32
      %add3A_2076 = vector.broadcast %add3A_2075 : f32 to vector<16xf32>
      %add3A_2077 = arith.addf %get3A_2074, %add3A_2076 : vector<16xf32>
      %div3A_2078 = arith.divf %get3A_2070, %add3A_2077 : vector<16xf32>
      %swap3A_2079 = arith.constant 11 : i32
      %swap3A_2080 = arith.index_cast %swap3A_2079 : i32 to index
      %swap3A_2081 = arith.constant 96 : index
      %swap3A_2082 = tpu.vector_load %arg17[%swap3A_2080, %swap3A_2081] {strides = array<i32>} : memref<16x128xf32, #tpu.memory_space<vmem>>, vector<16xf32>,
      tpu.vector_store %arg17[%swap3A_2080, %swap3A_2081], %div3A_2078 {strides = array<i32>} : memref<16x128xf32, #tpu.memory_space<vmem>>, vector<16xf32>,
      %get3A_2083 = arith.constant 11 : i32
      %get3A_2084 = arith.index_cast %get3A_2083 : i32 to index
      %get3A_2085 = arith.constant 112 : index
      %get3A_2086 = tpu.vector_load %arg17[%get3A_2084, %get3A_2085] {strides = array<i32>} : memref<16x128xf32, #tpu.memory_space<vmem>>, vector<16xf32>,
      %get3A_2087 = arith.constant 11 : i32
      %get3A_2088 = arith.index_cast %get3A_2087 : i32 to index
      %get3A_2089 = arith.constant 112 : index
      %get3A_2090 = tpu.vector_load %arg18[%get3A_2088, %get3A_2089] {strides = array<i32>} : memref<16x128xf32, #tpu.memory_space<vmem>>, vector<16xf32>,
      %add3A_2091 = arith.constant 9.99999997E-7 : f32
      %add3A_2092 = vector.broadcast %add3A_2091 : f32 to vector<16xf32>
      %add3A_2093 = arith.addf %get3A_2090, %add3A_2092 : vector<16xf32>
      %div3A_2094 = arith.divf %get3A_2086, %add3A_2093 : vector<16xf32>
      %swap3A_2095 = arith.constant 11 : i32
      %swap3A_2096 = arith.index_cast %swap3A_2095 : i32 to index
      %swap3A_2097 = arith.constant 112 : index
      %swap3A_2098 = tpu.vector_load %arg17[%swap3A_2096, %swap3A_2097] {strides = array<i32>} : memref<16x128xf32, #tpu.memory_space<vmem>>, vector<16xf32>,
      tpu.vector_store %arg17[%swap3A_2096, %swap3A_2097], %div3A_2094 {strides = array<i32>} : memref<16x128xf32, #tpu.memory_space<vmem>>, vector<16xf32>,
      %get3A_2099 = arith.constant 12 : i32
      %get3A_2100 = arith.index_cast %get3A_2099 : i32 to index
      %get3A_2101 = arith.constant 0 : index
      %get3A_2102 = tpu.vector_load %arg17[%get3A_2100, %get3A_2101] {strides = array<i32>} : memref<16x128xf32, #tpu.memory_space<vmem>>, vector<16xf32>,
      %get3A_2103 = arith.constant 12 : i32
      %get3A_2104 = arith.index_cast %get3A_2103 : i32 to index
      %get3A_2105 = arith.constant 0 : index
      %get3A_2106 = tpu.vector_load %arg18[%get3A_2104, %get3A_2105] {strides = array<i32>} : memref<16x128xf32, #tpu.memory_space<vmem>>, vector<16xf32>,
      %add3A_2107 = arith.constant 9.99999997E-7 : f32
      %add3A_2108 = vector.broadcast %add3A_2107 : f32 to vector<16xf32>
      %add3A_2109 = arith.addf %get3A_2106, %add3A_2108 : vector<16xf32>
      %div3A_2110 = arith.divf %get3A_2102, %add3A_2109 : vector<16xf32>
      %swap3A_2111 = arith.constant 12 : i32
      %swap3A_2112 = arith.index_cast %swap3A_2111 : i32 to index
      %swap3A_2113 = arith.constant 0 : index
      %swap3A_2114 = tpu.vector_load %arg17[%swap3A_2112, %swap3A_2113] {strides = array<i32>} : memref<16x128xf32, #tpu.memory_space<vmem>>, vector<16xf32>,
      tpu.vector_store %arg17[%swap3A_2112, %swap3A_2113], %div3A_2110 {strides = array<i32>} : memref<16x128xf32, #tpu.memory_space<vmem>>, vector<16xf32>,
      %get3A_2115 = arith.constant 12 : i32
      %get3A_2116 = arith.index_cast %get3A_2115 : i32 to index
      %get3A_2117 = arith.constant 16 : index
      %get3A_2118 = tpu.vector_load %arg17[%get3A_2116, %get3A_2117] {strides = array<i32>} : memref<16x128xf32, #tpu.memory_space<vmem>>, vector<16xf32>,
      %get3A_2119 = arith.constant 12 : i32
      %get3A_2120 = arith.index_cast %get3A_2119 : i32 to index
      %get3A_2121 = arith.constant 16 : index
      %get3A_2122 = tpu.vector_load %arg18[%get3A_2120, %get3A_2121] {strides = array<i32>} : memref<16x128xf32, #tpu.memory_space<vmem>>, vector<16xf32>,
      %add3A_2123 = arith.constant 9.99999997E-7 : f32
      %add3A_2124 = vector.broadcast %add3A_2123 : f32 to vector<16xf32>
      %add3A_2125 = arith.addf %get3A_2122, %add3A_2124 : vector<16xf32>
      %div3A_2126 = arith.divf %get3A_2118, %add3A_2125 : vector<16xf32>
      %swap3A_2127 = arith.constant 12 : i32
      %swap3A_2128 = arith.index_cast %swap3A_2127 : i32 to index
      %swap3A_2129 = arith.constant 16 : index
      %swap3A_2130 = tpu.vector_load %arg17[%swap3A_2128, %swap3A_2129] {strides = array<i32>} : memref<16x128xf32, #tpu.memory_space<vmem>>, vector<16xf32>,
      tpu.vector_store %arg17[%swap3A_2128, %swap3A_2129], %div3A_2126 {strides = array<i32>} : memref<16x128xf32, #tpu.memory_space<vmem>>, vector<16xf32>,
      %get3A_2131 = arith.constant 12 : i32
      %get3A_2132 = arith.index_cast %get3A_2131 : i32 to index
      %get3A_2133 = arith.constant 32 : index
      %get3A_2134 = tpu.vector_load %arg17[%get3A_2132, %get3A_2133] {strides = array<i32>} : memref<16x128xf32, #tpu.memory_space<vmem>>, vector<16xf32>,
      %get3A_2135 = arith.constant 12 : i32
      %get3A_2136 = arith.index_cast %get3A_2135 : i32 to index
      %get3A_2137 = arith.constant 32 : index
      %get3A_2138 = tpu.vector_load %arg18[%get3A_2136, %get3A_2137] {strides = array<i32>} : memref<16x128xf32, #tpu.memory_space<vmem>>, vector<16xf32>,
      %add3A_2139 = arith.constant 9.99999997E-7 : f32
      %add3A_2140 = vector.broadcast %add3A_2139 : f32 to vector<16xf32>
      %add3A_2141 = arith.addf %get3A_2138, %add3A_2140 : vector<16xf32>
      %div3A_2142 = arith.divf %get3A_2134, %add3A_2141 : vector<16xf32>
      %swap3A_2143 = arith.constant 12 : i32
      %swap3A_2144 = arith.index_cast %swap3A_2143 : i32 to index
      %swap3A_2145 = arith.constant 32 : index
      %swap3A_2146 = tpu.vector_load %arg17[%swap3A_2144, %swap3A_2145] {strides = array<i32>} : memref<16x128xf32, #tpu.memory_space<vmem>>, vector<16xf32>,
      tpu.vector_store %arg17[%swap3A_2144, %swap3A_2145], %div3A_2142 {strides = array<i32>} : memref<16x128xf32, #tpu.memory_space<vmem>>, vector<16xf32>,
      %get3A_2147 = arith.constant 12 : i32
      %get3A_2148 = arith.index_cast %get3A_2147 : i32 to index
      %get3A_2149 = arith.constant 48 : index
      %get3A_2150 = tpu.vector_load %arg17[%get3A_2148, %get3A_2149] {strides = array<i32>} : memref<16x128xf32, #tpu.memory_space<vmem>>, vector<16xf32>,
      %get3A_2151 = arith.constant 12 : i32
      %get3A_2152 = arith.index_cast %get3A_2151 : i32 to index
      %get3A_2153 = arith.constant 48 : index
      %get3A_2154 = tpu.vector_load %arg18[%get3A_2152, %get3A_2153] {strides = array<i32>} : memref<16x128xf32, #tpu.memory_space<vmem>>, vector<16xf32>,
      %add3A_2155 = arith.constant 9.99999997E-7 : f32
      %add3A_2156 = vector.broadcast %add3A_2155 : f32 to vector<16xf32>
      %add3A_2157 = arith.addf %get3A_2154, %add3A_2156 : vector<16xf32>
      %div3A_2158 = arith.divf %get3A_2150, %add3A_2157 : vector<16xf32>
      %swap3A_2159 = arith.constant 12 : i32
      %swap3A_2160 = arith.index_cast %swap3A_2159 : i32 to index
      %swap3A_2161 = arith.constant 48 : index
      %swap3A_2162 = tpu.vector_load %arg17[%swap3A_2160, %swap3A_2161] {strides = array<i32>} : memref<16x128xf32, #tpu.memory_space<vmem>>, vector<16xf32>,
      tpu.vector_store %arg17[%swap3A_2160, %swap3A_2161], %div3A_2158 {strides = array<i32>} : memref<16x128xf32, #tpu.memory_space<vmem>>, vector<16xf32>,
      %get3A_2163 = arith.constant 12 : i32
      %get3A_2164 = arith.index_cast %get3A_2163 : i32 to index
      %get3A_2165 = arith.constant 64 : index
      %get3A_2166 = tpu.vector_load %arg17[%get3A_2164, %get3A_2165] {strides = array<i32>} : memref<16x128xf32, #tpu.memory_space<vmem>>, vector<16xf32>,
      %get3A_2167 = arith.constant 12 : i32
      %get3A_2168 = arith.index_cast %get3A_2167 : i32 to index
      %get3A_2169 = arith.constant 64 : index
      %get3A_2170 = tpu.vector_load %arg18[%get3A_2168, %get3A_2169] {strides = array<i32>} : memref<16x128xf32, #tpu.memory_space<vmem>>, vector<16xf32>,
      %add3A_2171 = arith.constant 9.99999997E-7 : f32
      %add3A_2172 = vector.broadcast %add3A_2171 : f32 to vector<16xf32>
      %add3A_2173 = arith.addf %get3A_2170, %add3A_2172 : vector<16xf32>
      %div3A_2174 = arith.divf %get3A_2166, %add3A_2173 : vector<16xf32>
      %swap3A_2175 = arith.constant 12 : i32
      %swap3A_2176 = arith.index_cast %swap3A_2175 : i32 to index
      %swap3A_2177 = arith.constant 64 : index
      %swap3A_2178 = tpu.vector_load %arg17[%swap3A_2176, %swap3A_2177] {strides = array<i32>} : memref<16x128xf32, #tpu.memory_space<vmem>>, vector<16xf32>,
      tpu.vector_store %arg17[%swap3A_2176, %swap3A_2177], %div3A_2174 {strides = array<i32>} : memref<16x128xf32, #tpu.memory_space<vmem>>, vector<16xf32>,
      %get3A_2179 = arith.constant 12 : i32
      %get3A_2180 = arith.index_cast %get3A_2179 : i32 to index
      %get3A_2181 = arith.constant 80 : index
      %get3A_2182 = tpu.vector_load %arg17[%get3A_2180, %get3A_2181] {strides = array<i32>} : memref<16x128xf32, #tpu.memory_space<vmem>>, vector<16xf32>,
      %get3A_2183 = arith.constant 12 : i32
      %get3A_2184 = arith.index_cast %get3A_2183 : i32 to index
      %get3A_2185 = arith.constant 80 : index
      %get3A_2186 = tpu.vector_load %arg18[%get3A_2184, %get3A_2185] {strides = array<i32>} : memref<16x128xf32, #tpu.memory_space<vmem>>, vector<16xf32>,
      %add3A_2187 = arith.constant 9.99999997E-7 : f32
      %add3A_2188 = vector.broadcast %add3A_2187 : f32 to vector<16xf32>
      %add3A_2189 = arith.addf %get3A_2186, %add3A_2188 : vector<16xf32>
      %div3A_2190 = arith.divf %get3A_2182, %add3A_2189 : vector<16xf32>
      %swap3A_2191 = arith.constant 12 : i32
      %swap3A_2192 = arith.index_cast %swap3A_2191 : i32 to index
      %swap3A_2193 = arith.constant 80 : index
      %swap3A_2194 = tpu.vector_load %arg17[%swap3A_2192, %swap3A_2193] {strides = array<i32>} : memref<16x128xf32, #tpu.memory_space<vmem>>, vector<16xf32>,
      tpu.vector_store %arg17[%swap3A_2192, %swap3A_2193], %div3A_2190 {strides = array<i32>} : memref<16x128xf32, #tpu.memory_space<vmem>>, vector<16xf32>,
      %get3A_2195 = arith.constant 12 : i32
      %get3A_2196 = arith.index_cast %get3A_2195 : i32 to index
      %get3A_2197 = arith.constant 96 : index
      %get3A_2198 = tpu.vector_load %arg17[%get3A_2196, %get3A_2197] {strides = array<i32>} : memref<16x128xf32, #tpu.memory_space<vmem>>, vector<16xf32>,
      %get3A_2199 = arith.constant 12 : i32
      %get3A_2200 = arith.index_cast %get3A_2199 : i32 to index
      %get3A_2201 = arith.constant 96 : index
      %get3A_2202 = tpu.vector_load %arg18[%get3A_2200, %get3A_2201] {strides = array<i32>} : memref<16x128xf32, #tpu.memory_space<vmem>>, vector<16xf32>,
      %add3A_2203 = arith.constant 9.99999997E-7 : f32
      %add3A_2204 = vector.broadcast %add3A_2203 : f32 to vector<16xf32>
      %add3A_2205 = arith.addf %get3A_2202, %add3A_2204 : vector<16xf32>
      %div3A_2206 = arith.divf %get3A_2198, %add3A_2205 : vector<16xf32>
      %swap3A_2207 = arith.constant 12 : i32
      %swap3A_2208 = arith.index_cast %swap3A_2207 : i32 to index
      %swap3A_2209 = arith.constant 96 : index
      %swap3A_2210 = tpu.vector_load %arg17[%swap3A_2208, %swap3A_2209] {strides = array<i32>} : memref<16x128xf32, #tpu.memory_space<vmem>>, vector<16xf32>,
      tpu.vector_store %arg17[%swap3A_2208, %swap3A_2209], %div3A_2206 {strides = array<i32>} : memref<16x128xf32, #tpu.memory_space<vmem>>, vector<16xf32>,
      %get3A_2211 = arith.constant 12 : i32
      %get3A_2212 = arith.index_cast %get3A_2211 : i32 to index
      %get3A_2213 = arith.constant 112 : index
      %get3A_2214 = tpu.vector_load %arg17[%get3A_2212, %get3A_2213] {strides = array<i32>} : memref<16x128xf32, #tpu.memory_space<vmem>>, vector<16xf32>,
      %get3A_2215 = arith.constant 12 : i32
      %get3A_2216 = arith.index_cast %get3A_2215 : i32 to index
      %get3A_2217 = arith.constant 112 : index
      %get3A_2218 = tpu.vector_load %arg18[%get3A_2216, %get3A_2217] {strides = array<i32>} : memref<16x128xf32, #tpu.memory_space<vmem>>, vector<16xf32>,
      %add3A_2219 = arith.constant 9.99999997E-7 : f32
      %add3A_2220 = vector.broadcast %add3A_2219 : f32 to vector<16xf32>
      %add3A_2221 = arith.addf %get3A_2218, %add3A_2220 : vector<16xf32>
      %div3A_2222 = arith.divf %get3A_2214, %add3A_2221 : vector<16xf32>
      %swap3A_2223 = arith.constant 12 : i32
      %swap3A_2224 = arith.index_cast %swap3A_2223 : i32 to index
      %swap3A_2225 = arith.constant 112 : index
      %swap3A_2226 = tpu.vector_load %arg17[%swap3A_2224, %swap3A_2225] {strides = array<i32>} : memref<16x128xf32, #tpu.memory_space<vmem>>, vector<16xf32>,
      tpu.vector_store %arg17[%swap3A_2224, %swap3A_2225], %div3A_2222 {strides = array<i32>} : memref<16x128xf32, #tpu.memory_space<vmem>>, vector<16xf32>,
      %get3A_2227 = arith.constant 13 : i32
      %get3A_2228 = arith.index_cast %get3A_2227 : i32 to index
      %get3A_2229 = arith.constant 0 : index
      %get3A_2230 = tpu.vector_load %arg17[%get3A_2228, %get3A_2229] {strides = array<i32>} : memref<16x128xf32, #tpu.memory_space<vmem>>, vector<16xf32>,
      %get3A_2231 = arith.constant 13 : i32
      %get3A_2232 = arith.index_cast %get3A_2231 : i32 to index
      %get3A_2233 = arith.constant 0 : index
      %get3A_2234 = tpu.vector_load %arg18[%get3A_2232, %get3A_2233] {strides = array<i32>} : memref<16x128xf32, #tpu.memory_space<vmem>>, vector<16xf32>,
      %add3A_2235 = arith.constant 9.99999997E-7 : f32
      %add3A_2236 = vector.broadcast %add3A_2235 : f32 to vector<16xf32>
      %add3A_2237 = arith.addf %get3A_2234, %add3A_2236 : vector<16xf32>
      %div3A_2238 = arith.divf %get3A_2230, %add3A_2237 : vector<16xf32>
      %swap3A_2239 = arith.constant 13 : i32
      %swap3A_2240 = arith.index_cast %swap3A_2239 : i32 to index
      %swap3A_2241 = arith.constant 0 : index
      %swap3A_2242 = tpu.vector_load %arg17[%swap3A_2240, %swap3A_2241] {strides = array<i32>} : memref<16x128xf32, #tpu.memory_space<vmem>>, vector<16xf32>,
      tpu.vector_store %arg17[%swap3A_2240, %swap3A_2241], %div3A_2238 {strides = array<i32>} : memref<16x128xf32, #tpu.memory_space<vmem>>, vector<16xf32>,
      %get3A_2243 = arith.constant 13 : i32
      %get3A_2244 = arith.index_cast %get3A_2243 : i32 to index
      %get3A_2245 = arith.constant 16 : index
      %get3A_2246 = tpu.vector_load %arg17[%get3A_2244, %get3A_2245] {strides = array<i32>} : memref<16x128xf32, #tpu.memory_space<vmem>>, vector<16xf32>,
      %get3A_2247 = arith.constant 13 : i32
      %get3A_2248 = arith.index_cast %get3A_2247 : i32 to index
      %get3A_2249 = arith.constant 16 : index
      %get3A_2250 = tpu.vector_load %arg18[%get3A_2248, %get3A_2249] {strides = array<i32>} : memref<16x128xf32, #tpu.memory_space<vmem>>, vector<16xf32>,
      %add3A_2251 = arith.constant 9.99999997E-7 : f32
      %add3A_2252 = vector.broadcast %add3A_2251 : f32 to vector<16xf32>
      %add3A_2253 = arith.addf %get3A_2250, %add3A_2252 : vector<16xf32>
      %div3A_2254 = arith.divf %get3A_2246, %add3A_2253 : vector<16xf32>
      %swap3A_2255 = arith.constant 13 : i32
      %swap3A_2256 = arith.index_cast %swap3A_2255 : i32 to index
      %swap3A_2257 = arith.constant 16 : index
      %swap3A_2258 = tpu.vector_load %arg17[%swap3A_2256, %swap3A_2257] {strides = array<i32>} : memref<16x128xf32, #tpu.memory_space<vmem>>, vector<16xf32>,
      tpu.vector_store %arg17[%swap3A_2256, %swap3A_2257], %div3A_2254 {strides = array<i32>} : memref<16x128xf32, #tpu.memory_space<vmem>>, vector<16xf32>,
      %get3A_2259 = arith.constant 13 : i32
      %get3A_2260 = arith.index_cast %get3A_2259 : i32 to index
      %get3A_2261 = arith.constant 32 : index
      %get3A_2262 = tpu.vector_load %arg17[%get3A_2260, %get3A_2261] {strides = array<i32>} : memref<16x128xf32, #tpu.memory_space<vmem>>, vector<16xf32>,
      %get3A_2263 = arith.constant 13 : i32
      %get3A_2264 = arith.index_cast %get3A_2263 : i32 to index
      %get3A_2265 = arith.constant 32 : index
      %get3A_2266 = tpu.vector_load %arg18[%get3A_2264, %get3A_2265] {strides = array<i32>} : memref<16x128xf32, #tpu.memory_space<vmem>>, vector<16xf32>,
      %add3A_2267 = arith.constant 9.99999997E-7 : f32
      %add3A_2268 = vector.broadcast %add3A_2267 : f32 to vector<16xf32>
      %add3A_2269 = arith.addf %get3A_2266, %add3A_2268 : vector<16xf32>
      %div3A_2270 = arith.divf %get3A_2262, %add3A_2269 : vector<16xf32>
      %swap3A_2271 = arith.constant 13 : i32
      %swap3A_2272 = arith.index_cast %swap3A_2271 : i32 to index
      %swap3A_2273 = arith.constant 32 : index
      %swap3A_2274 = tpu.vector_load %arg17[%swap3A_2272, %swap3A_2273] {strides = array<i32>} : memref<16x128xf32, #tpu.memory_space<vmem>>, vector<16xf32>,
      tpu.vector_store %arg17[%swap3A_2272, %swap3A_2273], %div3A_2270 {strides = array<i32>} : memref<16x128xf32, #tpu.memory_space<vmem>>, vector<16xf32>,
      %get3A_2275 = arith.constant 13 : i32
      %get3A_2276 = arith.index_cast %get3A_2275 : i32 to index
      %get3A_2277 = arith.constant 48 : index
      %get3A_2278 = tpu.vector_load %arg17[%get3A_2276, %get3A_2277] {strides = array<i32>} : memref<16x128xf32, #tpu.memory_space<vmem>>, vector<16xf32>,
      %get3A_2279 = arith.constant 13 : i32
      %get3A_2280 = arith.index_cast %get3A_2279 : i32 to index
      %get3A_2281 = arith.constant 48 : index
      %get3A_2282 = tpu.vector_load %arg18[%get3A_2280, %get3A_2281] {strides = array<i32>} : memref<16x128xf32, #tpu.memory_space<vmem>>, vector<16xf32>,
      %add3A_2283 = arith.constant 9.99999997E-7 : f32
      %add3A_2284 = vector.broadcast %add3A_2283 : f32 to vector<16xf32>
      %add3A_2285 = arith.addf %get3A_2282, %add3A_2284 : vector<16xf32>
      %div3A_2286 = arith.divf %get3A_2278, %add3A_2285 : vector<16xf32>
      %swap3A_2287 = arith.constant 13 : i32
      %swap3A_2288 = arith.index_cast %swap3A_2287 : i32 to index
      %swap3A_2289 = arith.constant 48 : index
      %swap3A_2290 = tpu.vector_load %arg17[%swap3A_2288, %swap3A_2289] {strides = array<i32>} : memref<16x128xf32, #tpu.memory_space<vmem>>, vector<16xf32>,
      tpu.vector_store %arg17[%swap3A_2288, %swap3A_2289], %div3A_2286 {strides = array<i32>} : memref<16x128xf32, #tpu.memory_space<vmem>>, vector<16xf32>,
      %get3A_2291 = arith.constant 13 : i32
      %get3A_2292 = arith.index_cast %get3A_2291 : i32 to index
      %get3A_2293 = arith.constant 64 : index
      %get3A_2294 = tpu.vector_load %arg17[%get3A_2292, %get3A_2293] {strides = array<i32>} : memref<16x128xf32, #tpu.memory_space<vmem>>, vector<16xf32>,
      %get3A_2295 = arith.constant 13 : i32
      %get3A_2296 = arith.index_cast %get3A_2295 : i32 to index
      %get3A_2297 = arith.constant 64 : index
      %get3A_2298 = tpu.vector_load %arg18[%get3A_2296, %get3A_2297] {strides = array<i32>} : memref<16x128xf32, #tpu.memory_space<vmem>>, vector<16xf32>,
      %add3A_2299 = arith.constant 9.99999997E-7 : f32
      %add3A_2300 = vector.broadcast %add3A_2299 : f32 to vector<16xf32>
      %add3A_2301 = arith.addf %get3A_2298, %add3A_2300 : vector<16xf32>
      %div3A_2302 = arith.divf %get3A_2294, %add3A_2301 : vector<16xf32>
      %swap3A_2303 = arith.constant 13 : i32
      %swap3A_2304 = arith.index_cast %swap3A_2303 : i32 to index
      %swap3A_2305 = arith.constant 64 : index
      %swap3A_2306 = tpu.vector_load %arg17[%swap3A_2304, %swap3A_2305] {strides = array<i32>} : memref<16x128xf32, #tpu.memory_space<vmem>>, vector<16xf32>,
      tpu.vector_store %arg17[%swap3A_2304, %swap3A_2305], %div3A_2302 {strides = array<i32>} : memref<16x128xf32, #tpu.memory_space<vmem>>, vector<16xf32>,
      %get3A_2307 = arith.constant 13 : i32
      %get3A_2308 = arith.index_cast %get3A_2307 : i32 to index
      %get3A_2309 = arith.constant 80 : index
      %get3A_2310 = tpu.vector_load %arg17[%get3A_2308, %get3A_2309] {strides = array<i32>} : memref<16x128xf32, #tpu.memory_space<vmem>>, vector<16xf32>,
      %get3A_2311 = arith.constant 13 : i32
      %get3A_2312 = arith.index_cast %get3A_2311 : i32 to index
      %get3A_2313 = arith.constant 80 : index
      %get3A_2314 = tpu.vector_load %arg18[%get3A_2312, %get3A_2313] {strides = array<i32>} : memref<16x128xf32, #tpu.memory_space<vmem>>, vector<16xf32>,
      %add3A_2315 = arith.constant 9.99999997E-7 : f32
      %add3A_2316 = vector.broadcast %add3A_2315 : f32 to vector<16xf32>
      %add3A_2317 = arith.addf %get3A_2314, %add3A_2316 : vector<16xf32>
      %div3A_2318 = arith.divf %get3A_2310, %add3A_2317 : vector<16xf32>
      %swap3A_2319 = arith.constant 13 : i32
      %swap3A_2320 = arith.index_cast %swap3A_2319 : i32 to index
      %swap3A_2321 = arith.constant 80 : index
      %swap3A_2322 = tpu.vector_load %arg17[%swap3A_2320, %swap3A_2321] {strides = array<i32>} : memref<16x128xf32, #tpu.memory_space<vmem>>, vector<16xf32>,
      tpu.vector_store %arg17[%swap3A_2320, %swap3A_2321], %div3A_2318 {strides = array<i32>} : memref<16x128xf32, #tpu.memory_space<vmem>>, vector<16xf32>,
      %get3A_2323 = arith.constant 13 : i32
      %get3A_2324 = arith.index_cast %get3A_2323 : i32 to index
      %get3A_2325 = arith.constant 96 : index
      %get3A_2326 = tpu.vector_load %arg17[%get3A_2324, %get3A_2325] {strides = array<i32>} : memref<16x128xf32, #tpu.memory_space<vmem>>, vector<16xf32>,
      %get3A_2327 = arith.constant 13 : i32
      %get3A_2328 = arith.index_cast %get3A_2327 : i32 to index
      %get3A_2329 = arith.constant 96 : index
      %get3A_2330 = tpu.vector_load %arg18[%get3A_2328, %get3A_2329] {strides = array<i32>} : memref<16x128xf32, #tpu.memory_space<vmem>>, vector<16xf32>,
      %add3A_2331 = arith.constant 9.99999997E-7 : f32
      %add3A_2332 = vector.broadcast %add3A_2331 : f32 to vector<16xf32>
      %add3A_2333 = arith.addf %get3A_2330, %add3A_2332 : vector<16xf32>
      %div3A_2334 = arith.divf %get3A_2326, %add3A_2333 : vector<16xf32>
      %swap3A_2335 = arith.constant 13 : i32
      %swap3A_2336 = arith.index_cast %swap3A_2335 : i32 to index
      %swap3A_2337 = arith.constant 96 : index
      %swap3A_2338 = tpu.vector_load %arg17[%swap3A_2336, %swap3A_2337] {strides = array<i32>} : memref<16x128xf32, #tpu.memory_space<vmem>>, vector<16xf32>,
      tpu.vector_store %arg17[%swap3A_2336, %swap3A_2337], %div3A_2334 {strides = array<i32>} : memref<16x128xf32, #tpu.memory_space<vmem>>, vector<16xf32>,
      %get3A_2339 = arith.constant 13 : i32
      %get3A_2340 = arith.index_cast %get3A_2339 : i32 to index
      %get3A_2341 = arith.constant 112 : index
      %get3A_2342 = tpu.vector_load %arg17[%get3A_2340, %get3A_2341] {strides = array<i32>} : memref<16x128xf32, #tpu.memory_space<vmem>>, vector<16xf32>,
      %get3A_2343 = arith.constant 13 : i32
      %get3A_2344 = arith.index_cast %get3A_2343 : i32 to index
      %get3A_2345 = arith.constant 112 : index
      %get3A_2346 = tpu.vector_load %arg18[%get3A_2344, %get3A_2345] {strides = array<i32>} : memref<16x128xf32, #tpu.memory_space<vmem>>, vector<16xf32>,
      %add3A_2347 = arith.constant 9.99999997E-7 : f32
      %add3A_2348 = vector.broadcast %add3A_2347 : f32 to vector<16xf32>
      %add3A_2349 = arith.addf %get3A_2346, %add3A_2348 : vector<16xf32>
      %div3A_2350 = arith.divf %get3A_2342, %add3A_2349 : vector<16xf32>
      %swap3A_2351 = arith.constant 13 : i32
      %swap3A_2352 = arith.index_cast %swap3A_2351 : i32 to index
      %swap3A_2353 = arith.constant 112 : index
      %swap3A_2354 = tpu.vector_load %arg17[%swap3A_2352, %swap3A_2353] {strides = array<i32>} : memref<16x128xf32, #tpu.memory_space<vmem>>, vector<16xf32>,
      tpu.vector_store %arg17[%swap3A_2352, %swap3A_2353], %div3A_2350 {strides = array<i32>} : memref<16x128xf32, #tpu.memory_space<vmem>>, vector<16xf32>,
      %get3A_2355 = arith.constant 14 : i32
      %get3A_2356 = arith.index_cast %get3A_2355 : i32 to index
      %get3A_2357 = arith.constant 0 : index
      %get3A_2358 = tpu.vector_load %arg17[%get3A_2356, %get3A_2357] {strides = array<i32>} : memref<16x128xf32, #tpu.memory_space<vmem>>, vector<16xf32>,
      %get3A_2359 = arith.constant 14 : i32
      %get3A_2360 = arith.index_cast %get3A_2359 : i32 to index
      %get3A_2361 = arith.constant 0 : index
      %get3A_2362 = tpu.vector_load %arg18[%get3A_2360, %get3A_2361] {strides = array<i32>} : memref<16x128xf32, #tpu.memory_space<vmem>>, vector<16xf32>,
      %add3A_2363 = arith.constant 9.99999997E-7 : f32
      %add3A_2364 = vector.broadcast %add3A_2363 : f32 to vector<16xf32>
      %add3A_2365 = arith.addf %get3A_2362, %add3A_2364 : vector<16xf32>
      %div3A_2366 = arith.divf %get3A_2358, %add3A_2365 : vector<16xf32>
      %swap3A_2367 = arith.constant 14 : i32
      %swap3A_2368 = arith.index_cast %swap3A_2367 : i32 to index
      %swap3A_2369 = arith.constant 0 : index
      %swap3A_2370 = tpu.vector_load %arg17[%swap3A_2368, %swap3A_2369] {strides = array<i32>} : memref<16x128xf32, #tpu.memory_space<vmem>>, vector<16xf32>,
      tpu.vector_store %arg17[%swap3A_2368, %swap3A_2369], %div3A_2366 {strides = array<i32>} : memref<16x128xf32, #tpu.memory_space<vmem>>, vector<16xf32>,
      %get3A_2371 = arith.constant 14 : i32
      %get3A_2372 = arith.index_cast %get3A_2371 : i32 to index
      %get3A_2373 = arith.constant 16 : index
      %get3A_2374 = tpu.vector_load %arg17[%get3A_2372, %get3A_2373] {strides = array<i32>} : memref<16x128xf32, #tpu.memory_space<vmem>>, vector<16xf32>,
      %get3A_2375 = arith.constant 14 : i32
      %get3A_2376 = arith.index_cast %get3A_2375 : i32 to index
      %get3A_2377 = arith.constant 16 : index
      %get3A_2378 = tpu.vector_load %arg18[%get3A_2376, %get3A_2377] {strides = array<i32>} : memref<16x128xf32, #tpu.memory_space<vmem>>, vector<16xf32>,
      %add3A_2379 = arith.constant 9.99999997E-7 : f32
      %add3A_2380 = vector.broadcast %add3A_2379 : f32 to vector<16xf32>
      %add3A_2381 = arith.addf %get3A_2378, %add3A_2380 : vector<16xf32>
      %div3A_2382 = arith.divf %get3A_2374, %add3A_2381 : vector<16xf32>
      %swap3A_2383 = arith.constant 14 : i32
      %swap3A_2384 = arith.index_cast %swap3A_2383 : i32 to index
      %swap3A_2385 = arith.constant 16 : index
      %swap3A_2386 = tpu.vector_load %arg17[%swap3A_2384, %swap3A_2385] {strides = array<i32>} : memref<16x128xf32, #tpu.memory_space<vmem>>, vector<16xf32>,
      tpu.vector_store %arg17[%swap3A_2384, %swap3A_2385], %div3A_2382 {strides = array<i32>} : memref<16x128xf32, #tpu.memory_space<vmem>>, vector<16xf32>,
      %get3A_2387 = arith.constant 14 : i32
      %get3A_2388 = arith.index_cast %get3A_2387 : i32 to index
      %get3A_2389 = arith.constant 32 : index
      %get3A_2390 = tpu.vector_load %arg17[%get3A_2388, %get3A_2389] {strides = array<i32>} : memref<16x128xf32, #tpu.memory_space<vmem>>, vector<16xf32>,
      %get3A_2391 = arith.constant 14 : i32
      %get3A_2392 = arith.index_cast %get3A_2391 : i32 to index
      %get3A_2393 = arith.constant 32 : index
      %get3A_2394 = tpu.vector_load %arg18[%get3A_2392, %get3A_2393] {strides = array<i32>} : memref<16x128xf32, #tpu.memory_space<vmem>>, vector<16xf32>,
      %add3A_2395 = arith.constant 9.99999997E-7 : f32
      %add3A_2396 = vector.broadcast %add3A_2395 : f32 to vector<16xf32>
      %add3A_2397 = arith.addf %get3A_2394, %add3A_2396 : vector<16xf32>
      %div3A_2398 = arith.divf %get3A_2390, %add3A_2397 : vector<16xf32>
      %swap3A_2399 = arith.constant 14 : i32
      %swap3A_2400 = arith.index_cast %swap3A_2399 : i32 to index
      %swap3A_2401 = arith.constant 32 : index
      %swap3A_2402 = tpu.vector_load %arg17[%swap3A_2400, %swap3A_2401] {strides = array<i32>} : memref<16x128xf32, #tpu.memory_space<vmem>>, vector<16xf32>,
      tpu.vector_store %arg17[%swap3A_2400, %swap3A_2401], %div3A_2398 {strides = array<i32>} : memref<16x128xf32, #tpu.memory_space<vmem>>, vector<16xf32>,
      %get3A_2403 = arith.constant 14 : i32
      %get3A_2404 = arith.index_cast %get3A_2403 : i32 to index
      %get3A_2405 = arith.constant 48 : index
      %get3A_2406 = tpu.vector_load %arg17[%get3A_2404, %get3A_2405] {strides = array<i32>} : memref<16x128xf32, #tpu.memory_space<vmem>>, vector<16xf32>,
      %get3A_2407 = arith.constant 14 : i32
      %get3A_2408 = arith.index_cast %get3A_2407 : i32 to index
      %get3A_2409 = arith.constant 48 : index
      %get3A_2410 = tpu.vector_load %arg18[%get3A_2408, %get3A_2409] {strides = array<i32>} : memref<16x128xf32, #tpu.memory_space<vmem>>, vector<16xf32>,
      %add3A_2411 = arith.constant 9.99999997E-7 : f32
      %add3A_2412 = vector.broadcast %add3A_2411 : f32 to vector<16xf32>
      %add3A_2413 = arith.addf %get3A_2410, %add3A_2412 : vector<16xf32>
      %div3A_2414 = arith.divf %get3A_2406, %add3A_2413 : vector<16xf32>
      %swap3A_2415 = arith.constant 14 : i32
      %swap3A_2416 = arith.index_cast %swap3A_2415 : i32 to index
      %swap3A_2417 = arith.constant 48 : index
      %swap3A_2418 = tpu.vector_load %arg17[%swap3A_2416, %swap3A_2417] {strides = array<i32>} : memref<16x128xf32, #tpu.memory_space<vmem>>, vector<16xf32>,
      tpu.vector_store %arg17[%swap3A_2416, %swap3A_2417], %div3A_2414 {strides = array<i32>} : memref<16x128xf32, #tpu.memory_space<vmem>>, vector<16xf32>,
      %get3A_2419 = arith.constant 14 : i32
      %get3A_2420 = arith.index_cast %get3A_2419 : i32 to index
      %get3A_2421 = arith.constant 64 : index
      %get3A_2422 = tpu.vector_load %arg17[%get3A_2420, %get3A_2421] {strides = array<i32>} : memref<16x128xf32, #tpu.memory_space<vmem>>, vector<16xf32>,
      %get3A_2423 = arith.constant 14 : i32
      %get3A_2424 = arith.index_cast %get3A_2423 : i32 to index
      %get3A_2425 = arith.constant 64 : index
      %get3A_2426 = tpu.vector_load %arg18[%get3A_2424, %get3A_2425] {strides = array<i32>} : memref<16x128xf32, #tpu.memory_space<vmem>>, vector<16xf32>,
      %add3A_2427 = arith.constant 9.99999997E-7 : f32
      %add3A_2428 = vector.broadcast %add3A_2427 : f32 to vector<16xf32>
      %add3A_2429 = arith.addf %get3A_2426, %add3A_2428 : vector<16xf32>
      %div3A_2430 = arith.divf %get3A_2422, %add3A_2429 : vector<16xf32>
      %swap3A_2431 = arith.constant 14 : i32
      %swap3A_2432 = arith.index_cast %swap3A_2431 : i32 to index
      %swap3A_2433 = arith.constant 64 : index
      %swap3A_2434 = tpu.vector_load %arg17[%swap3A_2432, %swap3A_2433] {strides = array<i32>} : memref<16x128xf32, #tpu.memory_space<vmem>>, vector<16xf32>,
      tpu.vector_store %arg17[%swap3A_2432, %swap3A_2433], %div3A_2430 {strides = array<i32>} : memref<16x128xf32, #tpu.memory_space<vmem>>, vector<16xf32>,
      %get3A_2435 = arith.constant 14 : i32
      %get3A_2436 = arith.index_cast %get3A_2435 : i32 to index
      %get3A_2437 = arith.constant 80 : index
      %get3A_2438 = tpu.vector_load %arg17[%get3A_2436, %get3A_2437] {strides = array<i32>} : memref<16x128xf32, #tpu.memory_space<vmem>>, vector<16xf32>,
      %get3A_2439 = arith.constant 14 : i32
      %get3A_2440 = arith.index_cast %get3A_2439 : i32 to index
      %get3A_2441 = arith.constant 80 : index
      %get3A_2442 = tpu.vector_load %arg18[%get3A_2440, %get3A_2441] {strides = array<i32>} : memref<16x128xf32, #tpu.memory_space<vmem>>, vector<16xf32>,
      %add3A_2443 = arith.constant 9.99999997E-7 : f32
      %add3A_2444 = vector.broadcast %add3A_2443 : f32 to vector<16xf32>
      %add3A_2445 = arith.addf %get3A_2442, %add3A_2444 : vector<16xf32>
      %div3A_2446 = arith.divf %get3A_2438, %add3A_2445 : vector<16xf32>
      %swap3A_2447 = arith.constant 14 : i32
      %swap3A_2448 = arith.index_cast %swap3A_2447 : i32 to index
      %swap3A_2449 = arith.constant 80 : index
      %swap3A_2450 = tpu.vector_load %arg17[%swap3A_2448, %swap3A_2449] {strides = array<i32>} : memref<16x128xf32, #tpu.memory_space<vmem>>, vector<16xf32>,
      tpu.vector_store %arg17[%swap3A_2448, %swap3A_2449], %div3A_2446 {strides = array<i32>} : memref<16x128xf32, #tpu.memory_space<vmem>>, vector<16xf32>,
      %get3A_2451 = arith.constant 14 : i32
      %get3A_2452 = arith.index_cast %get3A_2451 : i32 to index
      %get3A_2453 = arith.constant 96 : index
      %get3A_2454 = tpu.vector_load %arg17[%get3A_2452, %get3A_2453] {strides = array<i32>} : memref<16x128xf32, #tpu.memory_space<vmem>>, vector<16xf32>,
      %get3A_2455 = arith.constant 14 : i32
      %get3A_2456 = arith.index_cast %get3A_2455 : i32 to index
      %get3A_2457 = arith.constant 96 : index
      %get3A_2458 = tpu.vector_load %arg18[%get3A_2456, %get3A_2457] {strides = array<i32>} : memref<16x128xf32, #tpu.memory_space<vmem>>, vector<16xf32>,
      %add3A_2459 = arith.constant 9.99999997E-7 : f32
      %add3A_2460 = vector.broadcast %add3A_2459 : f32 to vector<16xf32>
      %add3A_2461 = arith.addf %get3A_2458, %add3A_2460 : vector<16xf32>
      %div3A_2462 = arith.divf %get3A_2454, %add3A_2461 : vector<16xf32>
      %swap3A_2463 = arith.constant 14 : i32
      %swap3A_2464 = arith.index_cast %swap3A_2463 : i32 to index
      %swap3A_2465 = arith.constant 96 : index
      %swap3A_2466 = tpu.vector_load %arg17[%swap3A_2464, %swap3A_2465] {strides = array<i32>} : memref<16x128xf32, #tpu.memory_space<vmem>>, vector<16xf32>,
      tpu.vector_store %arg17[%swap3A_2464, %swap3A_2465], %div3A_2462 {strides = array<i32>} : memref<16x128xf32, #tpu.memory_space<vmem>>, vector<16xf32>,
      %get3A_2467 = arith.constant 14 : i32
      %get3A_2468 = arith.index_cast %get3A_2467 : i32 to index
      %get3A_2469 = arith.constant 112 : index
      %get3A_2470 = tpu.vector_load %arg17[%get3A_2468, %get3A_2469] {strides = array<i32>} : memref<16x128xf32, #tpu.memory_space<vmem>>, vector<16xf32>,
      %get3A_2471 = arith.constant 14 : i32
      %get3A_2472 = arith.index_cast %get3A_2471 : i32 to index
      %get3A_2473 = arith.constant 112 : index
      %get3A_2474 = tpu.vector_load %arg18[%get3A_2472, %get3A_2473] {strides = array<i32>} : memref<16x128xf32, #tpu.memory_space<vmem>>, vector<16xf32>,
      %add3A_2475 = arith.constant 9.99999997E-7 : f32
      %add3A_2476 = vector.broadcast %add3A_2475 : f32 to vector<16xf32>
      %add3A_2477 = arith.addf %get3A_2474, %add3A_2476 : vector<16xf32>
      %div3A_2478 = arith.divf %get3A_2470, %add3A_2477 : vector<16xf32>
      %swap3A_2479 = arith.constant 14 : i32
      %swap3A_2480 = arith.index_cast %swap3A_2479 : i32 to index
      %swap3A_2481 = arith.constant 112 : index
      %swap3A_2482 = tpu.vector_load %arg17[%swap3A_2480, %swap3A_2481] {strides = array<i32>} : memref<16x128xf32, #tpu.memory_space<vmem>>, vector<16xf32>,
      tpu.vector_store %arg17[%swap3A_2480, %swap3A_2481], %div3A_2478 {strides = array<i32>} : memref<16x128xf32, #tpu.memory_space<vmem>>, vector<16xf32>,
      %get3A_2483 = arith.constant 15 : i32
      %get3A_2484 = arith.index_cast %get3A_2483 : i32 to index
      %get3A_2485 = arith.constant 0 : index
      %get3A_2486 = tpu.vector_load %arg17[%get3A_2484, %get3A_2485] {strides = array<i32>} : memref<16x128xf32, #tpu.memory_space<vmem>>, vector<16xf32>,
      %get3A_2487 = arith.constant 15 : i32
      %get3A_2488 = arith.index_cast %get3A_2487 : i32 to index
      %get3A_2489 = arith.constant 0 : index
      %get3A_2490 = tpu.vector_load %arg18[%get3A_2488, %get3A_2489] {strides = array<i32>} : memref<16x128xf32, #tpu.memory_space<vmem>>, vector<16xf32>,
      %add3A_2491 = arith.constant 9.99999997E-7 : f32
      %add3A_2492 = vector.broadcast %add3A_2491 : f32 to vector<16xf32>
      %add3A_2493 = arith.addf %get3A_2490, %add3A_2492 : vector<16xf32>
      %div3A_2494 = arith.divf %get3A_2486, %add3A_2493 : vector<16xf32>
      %swap3A_2495 = arith.constant 15 : i32
      %swap3A_2496 = arith.index_cast %swap3A_2495 : i32 to index
      %swap3A_2497 = arith.constant 0 : index
      %swap3A_2498 = tpu.vector_load %arg17[%swap3A_2496, %swap3A_2497] {strides = array<i32>} : memref<16x128xf32, #tpu.memory_space<vmem>>, vector<16xf32>,
      tpu.vector_store %arg17[%swap3A_2496, %swap3A_2497], %div3A_2494 {strides = array<i32>} : memref<16x128xf32, #tpu.memory_space<vmem>>, vector<16xf32>,
      %get3A_2499 = arith.constant 15 : i32
      %get3A_2500 = arith.index_cast %get3A_2499 : i32 to index
      %get3A_2501 = arith.constant 16 : index
      %get3A_2502 = tpu.vector_load %arg17[%get3A_2500, %get3A_2501] {strides = array<i32>} : memref<16x128xf32, #tpu.memory_space<vmem>>, vector<16xf32>,
      %get3A_2503 = arith.constant 15 : i32
      %get3A_2504 = arith.index_cast %get3A_2503 : i32 to index
      %get3A_2505 = arith.constant 16 : index
      %get3A_2506 = tpu.vector_load %arg18[%get3A_2504, %get3A_2505] {strides = array<i32>} : memref<16x128xf32, #tpu.memory_space<vmem>>, vector<16xf32>,
      %add3A_2507 = arith.constant 9.99999997E-7 : f32
      %add3A_2508 = vector.broadcast %add3A_2507 : f32 to vector<16xf32>
      %add3A_2509 = arith.addf %get3A_2506, %add3A_2508 : vector<16xf32>
      %div3A_2510 = arith.divf %get3A_2502, %add3A_2509 : vector<16xf32>
      %swap3A_2511 = arith.constant 15 : i32
      %swap3A_2512 = arith.index_cast %swap3A_2511 : i32 to index
      %swap3A_2513 = arith.constant 16 : index
      %swap3A_2514 = tpu.vector_load %arg17[%swap3A_2512, %swap3A_2513] {strides = array<i32>} : memref<16x128xf32, #tpu.memory_space<vmem>>, vector<16xf32>,
      tpu.vector_store %arg17[%swap3A_2512, %swap3A_2513], %div3A_2510 {strides = array<i32>} : memref<16x128xf32, #tpu.memory_space<vmem>>, vector<16xf32>,
      %get3A_2515 = arith.constant 15 : i32
      %get3A_2516 = arith.index_cast %get3A_2515 : i32 to index
      %get3A_2517 = arith.constant 32 : index
      %get3A_2518 = tpu.vector_load %arg17[%get3A_2516, %get3A_2517] {strides = array<i32>} : memref<16x128xf32, #tpu.memory_space<vmem>>, vector<16xf32>,
      %get3A_2519 = arith.constant 15 : i32
      %get3A_2520 = arith.index_cast %get3A_2519 : i32 to index
      %get3A_2521 = arith.constant 32 : index
      %get3A_2522 = tpu.vector_load %arg18[%get3A_2520, %get3A_2521] {strides = array<i32>} : memref<16x128xf32, #tpu.memory_space<vmem>>, vector<16xf32>,
      %add3A_2523 = arith.constant 9.99999997E-7 : f32
      %add3A_2524 = vector.broadcast %add3A_2523 : f32 to vector<16xf32>
      %add3A_2525 = arith.addf %get3A_2522, %add3A_2524 : vector<16xf32>
      %div3A_2526 = arith.divf %get3A_2518, %add3A_2525 : vector<16xf32>
      %swap3A_2527 = arith.constant 15 : i32
      %swap3A_2528 = arith.index_cast %swap3A_2527 : i32 to index
      %swap3A_2529 = arith.constant 32 : index
      %swap3A_2530 = tpu.vector_load %arg17[%swap3A_2528, %swap3A_2529] {strides = array<i32>} : memref<16x128xf32, #tpu.memory_space<vmem>>, vector<16xf32>,
      tpu.vector_store %arg17[%swap3A_2528, %swap3A_2529], %div3A_2526 {strides = array<i32>} : memref<16x128xf32, #tpu.memory_space<vmem>>, vector<16xf32>,
      %get3A_2531 = arith.constant 15 : i32
      %get3A_2532 = arith.index_cast %get3A_2531 : i32 to index
      %get3A_2533 = arith.constant 48 : index
      %get3A_2534 = tpu.vector_load %arg17[%get3A_2532, %get3A_2533] {strides = array<i32>} : memref<16x128xf32, #tpu.memory_space<vmem>>, vector<16xf32>,
      %get3A_2535 = arith.constant 15 : i32
      %get3A_2536 = arith.index_cast %get3A_2535 : i32 to index
      %get3A_2537 = arith.constant 48 : index
      %get3A_2538 = tpu.vector_load %arg18[%get3A_2536, %get3A_2537] {strides = array<i32>} : memref<16x128xf32, #tpu.memory_space<vmem>>, vector<16xf32>,
      %add3A_2539 = arith.constant 9.99999997E-7 : f32
      %add3A_2540 = vector.broadcast %add3A_2539 : f32 to vector<16xf32>
      %add3A_2541 = arith.addf %get3A_2538, %add3A_2540 : vector<16xf32>
      %div3A_2542 = arith.divf %get3A_2534, %add3A_2541 : vector<16xf32>
      %swap3A_2543 = arith.constant 15 : i32
      %swap3A_2544 = arith.index_cast %swap3A_2543 : i32 to index
      %swap3A_2545 = arith.constant 48 : index
      %swap3A_2546 = tpu.vector_load %arg17[%swap3A_2544, %swap3A_2545] {strides = array<i32>} : memref<16x128xf32, #tpu.memory_space<vmem>>, vector<16xf32>,
      tpu.vector_store %arg17[%swap3A_2544, %swap3A_2545], %div3A_2542 {strides = array<i32>} : memref<16x128xf32, #tpu.memory_space<vmem>>, vector<16xf32>,
      %get3A_2547 = arith.constant 15 : i32
      %get3A_2548 = arith.index_cast %get3A_2547 : i32 to index
      %get3A_2549 = arith.constant 64 : index
      %get3A_2550 = tpu.vector_load %arg17[%get3A_2548, %get3A_2549] {strides = array<i32>} : memref<16x128xf32, #tpu.memory_space<vmem>>, vector<16xf32>,
      %get3A_2551 = arith.constant 15 : i32
      %get3A_2552 = arith.index_cast %get3A_2551 : i32 to index
      %get3A_2553 = arith.constant 64 : index
      %get3A_2554 = tpu.vector_load %arg18[%get3A_2552, %get3A_2553] {strides = array<i32>} : memref<16x128xf32, #tpu.memory_space<vmem>>, vector<16xf32>,
      %add3A_2555 = arith.constant 9.99999997E-7 : f32
      %add3A_2556 = vector.broadcast %add3A_2555 : f32 to vector<16xf32>
      %add3A_2557 = arith.addf %get3A_2554, %add3A_2556 : vector<16xf32>
      %div3A_2558 = arith.divf %get3A_2550, %add3A_2557 : vector<16xf32>
      %swap3A_2559 = arith.constant 15 : i32
      %swap3A_2560 = arith.index_cast %swap3A_2559 : i32 to index
      %swap3A_2561 = arith.constant 64 : index
      %swap3A_2562 = tpu.vector_load %arg17[%swap3A_2560, %swap3A_2561] {strides = array<i32>} : memref<16x128xf32, #tpu.memory_space<vmem>>, vector<16xf32>,
      tpu.vector_store %arg17[%swap3A_2560, %swap3A_2561], %div3A_2558 {strides = array<i32>} : memref<16x128xf32, #tpu.memory_space<vmem>>, vector<16xf32>,
      %get3A_2563 = arith.constant 15 : i32
      %get3A_2564 = arith.index_cast %get3A_2563 : i32 to index
      %get3A_2565 = arith.constant 80 : index
      %get3A_2566 = tpu.vector_load %arg17[%get3A_2564, %get3A_2565] {strides = array<i32>} : memref<16x128xf32, #tpu.memory_space<vmem>>, vector<16xf32>,
      %get3A_2567 = arith.constant 15 : i32
      %get3A_2568 = arith.index_cast %get3A_2567 : i32 to index
      %get3A_2569 = arith.constant 80 : index
      %get3A_2570 = tpu.vector_load %arg18[%get3A_2568, %get3A_2569] {strides = array<i32>} : memref<16x128xf32, #tpu.memory_space<vmem>>, vector<16xf32>,
      %add3A_2571 = arith.constant 9.99999997E-7 : f32
      %add3A_2572 = vector.broadcast %add3A_2571 : f32 to vector<16xf32>
      %add3A_2573 = arith.addf %get3A_2570, %add3A_2572 : vector<16xf32>
      %div3A_2574 = arith.divf %get3A_2566, %add3A_2573 : vector<16xf32>
      %swap3A_2575 = arith.constant 15 : i32
      %swap3A_2576 = arith.index_cast %swap3A_2575 : i32 to index
      %swap3A_2577 = arith.constant 80 : index
      %swap3A_2578 = tpu.vector_load %arg17[%swap3A_2576, %swap3A_2577] {strides = array<i32>} : memref<16x128xf32, #tpu.memory_space<vmem>>, vector<16xf32>,
      tpu.vector_store %arg17[%swap3A_2576, %swap3A_2577], %div3A_2574 {strides = array<i32>} : memref<16x128xf32, #tpu.memory_space<vmem>>, vector<16xf32>,
      %get3A_2579 = arith.constant 15 : i32
      %get3A_2580 = arith.index_cast %get3A_2579 : i32 to index
      %get3A_2581 = arith.constant 96 : index
      %get3A_2582 = tpu.vector_load %arg17[%get3A_2580, %get3A_2581] {strides = array<i32>} : memref<16x128xf32, #tpu.memory_space<vmem>>, vector<16xf32>,
      %get3A_2583 = arith.constant 15 : i32
      %get3A_2584 = arith.index_cast %get3A_2583 : i32 to index
      %get3A_2585 = arith.constant 96 : index
      %get3A_2586 = tpu.vector_load %arg18[%get3A_2584, %get3A_2585] {strides = array<i32>} : memref<16x128xf32, #tpu.memory_space<vmem>>, vector<16xf32>,
      %add3A_2587 = arith.constant 9.99999997E-7 : f32
      %add3A_2588 = vector.broadcast %add3A_2587 : f32 to vector<16xf32>
      %add3A_2589 = arith.addf %get3A_2586, %add3A_2588 : vector<16xf32>
      %div3A_2590 = arith.divf %get3A_2582, %add3A_2589 : vector<16xf32>
      %swap3A_2591 = arith.constant 15 : i32
      %swap3A_2592 = arith.index_cast %swap3A_2591 : i32 to index
      %swap3A_2593 = arith.constant 96 : index
      %swap3A_2594 = tpu.vector_load %arg17[%swap3A_2592, %swap3A_2593] {strides = array<i32>} : memref<16x128xf32, #tpu.memory_space<vmem>>, vector<16xf32>,
      tpu.vector_store %arg17[%swap3A_2592, %swap3A_2593], %div3A_2590 {strides = array<i32>} : memref<16x128xf32, #tpu.memory_space<vmem>>, vector<16xf32>,
      %get3A_2595 = arith.constant 15 : i32
      %get3A_2596 = arith.index_cast %get3A_2595 : i32 to index
      %get3A_2597 = arith.constant 112 : index
      %get3A_2598 = tpu.vector_load %arg17[%get3A_2596, %get3A_2597] {strides = array<i32>} : memref<16x128xf32, #tpu.memory_space<vmem>>, vector<16xf32>,
      %get3A_2599 = arith.constant 15 : i32
      %get3A_2600 = arith.index_cast %get3A_2599 : i32 to index
      %get3A_2601 = arith.constant 112 : index
      %get3A_2602 = tpu.vector_load %arg18[%get3A_2600, %get3A_2601] {strides = array<i32>} : memref<16x128xf32, #tpu.memory_space<vmem>>, vector<16xf32>,
      %add3A_2603 = arith.constant 9.99999997E-7 : f32
      %add3A_2604 = vector.broadcast %add3A_2603 : f32 to vector<16xf32>
      %add3A_2605 = arith.addf %get3A_2602, %add3A_2604 : vector<16xf32>
      %div3A_2606 = arith.divf %get3A_2598, %add3A_2605 : vector<16xf32>
      %swap3A_2607 = arith.constant 15 : i32
      %swap3A_2608 = arith.index_cast %swap3A_2607 : i32 to index
      %swap3A_2609 = arith.constant 112 : index
      %swap3A_2610 = tpu.vector_load %arg17[%swap3A_2608, %swap3A_2609] {strides = array<i32>} : memref<16x128xf32, #tpu.memory_space<vmem>>, vector<16xf32>,
      tpu.vector_store %arg17[%swap3A_2608, %swap3A_2609], %div3A_2606 {strides = array<i32>} : memref<16x128xf32, #tpu.memory_space<vmem>>, vector<16xf32>,
      %mul3A_2611 = arith.constant 10240 : i32
      %mul3A_2612 = arith.muli %arg0, %mul3A_2611 : i32
      %add3A_2613 = arith.addi %mul3A_2612, %add3A_553 : i32
      "tpu.region"() ({
        %run_scoped3A = tpu.sem_alloc : memref<!tpu.dma_semaphore, #tpu.memory_space<semaphore_mem>>
        %dma_start3A_2614 = arith.constant 0 : i32
        %dma_start3A_2615 = tpu.memref_slice %arg7[%add3A_2613, %dma_start3A_2614] : memref<20480x128xf32, #tpu.memory_space<hbm>> -> memref<16x128xf32, #tpu.memory_space<hbm>>
        %dma_start3A_2616 = arith.constant 0 : i32
        %dma_start3A_2617 = tpu.memref_slice %arg7[%add3A_2613, %dma_start3A_2616] : memref<20480x128xf32, #tpu.memory_space<hbm>> -> memref<16x128xf32, #tpu.memory_space<hbm>>
        tpu.enqueue_dma source(%arg17 : memref<16x128xf32, #tpu.memory_space<vmem>>) target(%dma_start3A_2617 : memref<16x128xf32, #tpu.memory_space<hbm>>) target_semaphore(%run_scoped3A : memref<!tpu.dma_semaphore, #tpu.memory_space<semaphore_mem>>)
        %dma_wait3A_2618 = arith.constant 0 : i32
        %dma_wait3A_2619 = tpu.memref_slice %arg7[%add3A_2613, %dma_wait3A_2618] : memref<20480x128xf32, #tpu.memory_space<hbm>> -> memref<16x128xf32, #tpu.memory_space<hbm>>
        %dma_wait3A_2620 = arith.constant 0 : i32
        %dma_wait3A_2621 = tpu.memref_slice %arg7[%add3A_2613, %dma_wait3A_2620] : memref<20480x128xf32, #tpu.memory_space<hbm>> -> memref<16x128xf32, #tpu.memory_space<hbm>>
        tpu.wait_dma2 semaphore(%run_scoped3A : memref<!tpu.dma_semaphore, #tpu.memory_space<semaphore_mem>>) src(%arg17 : memref<16x128xf32, #tpu.memory_space<vmem>>) dst(%dma_wait3A_2621 : memref<16x128xf32, #tpu.memory_space<hbm>>)
        tpu.yield
      }) : () -> ()
    }
    %scan3A_544 = arith.constant 40 : i32
    return
  }
}

</mosaic_0001>

<sc_bundles>
// kernel: kernel.3.cloned.1.call-start
scs
__scs_entry_jumppad:
0x0: {  	(pc) =	sbr.rel $0x88, $3  }
0x1: {  	(tag) =	ssettag $0x0;
	lr =	simm.s32 $0x1  }
0x2: {  	[smem:$0x3F9D] =	sst lr;
	_ =	strace $0xD0000000  }
0x3: {  	_ = 	snop  }
0x4: {  	_ = 	snop  }
0x5: {  	_ = 	snop  }
0x6: {  	_ = 	snop  }
0x7: {  	_ = 	snop  }
__scs_overlays_trampoline_lowered:
0x8: {  	[smem:$0x3FAC] =	sst s0  }
0x9: {  	[smem:$0x3FAD] =	sst s1  }
0xa: {  	[smem:$0x3FAE] =	sst s2  }
0xb: {  	[smem:$0x3FAF] =	sst s3  }
0xc: {  	[smem:$0x3FB0] =	sst s4  }
0xd: {  	[smem:$0x3FB1] =	sst s5  }
0xe: {  	[smem:$0x3FB2] =	sst s6  }
0xf: {  	[smem:$0x3FB3] =	sst s7  }
0x10: {  	[smem:$0x3FB4] =	sst s8  }
0x11: {  	[smem:$0x3FB5] =	sst s9;
	s0 =	simm.s32 @!p0 $0x0  }
0x12: {  	s1 =	sld [smem:$0x3F9B];
	s0 =	simm.s32 @p0 $0x1  }
0x13: {  	[smem:$0x3FB6] =	sst s0;
	s0 =	simm.s32 @!p1 $0x0  }
0x14: {  	s2 =	sld [smem:$0x3F9A];
	s0 =	simm.s32 @p1 $0x1  }
0x15: {  	[smem:$0x3FB7] =	sst s0;
	s0 =	simm.s32 @!p2 $0x0  }
0x16: {  	s3 =	sld [smem:$0x3FDB];
	s0 =	simm.s32 @p2 $0x1  }
0x17: {  	s4 =	simm.s32 $0x1BF5;
	[smem:$0x3FB9] =	sst s0  }
0x18: {  	s0 =	sld [smem:$0x3F9C];
	_ =	swait.ge [sflag:s4], $0x0  }
0x19: {  	s7 =	sld [smem:$0x3F9D]  }
0x1a: {  	s8 =	sadd.s32 $0xFFFFE003, lr  }
0x1b: {  	s9 =	sadd.s32 $0xFFFFFEF7, lr;
	s5 =	simm.s32 $0xFFFFFFFF;
	p2 =	slt.u32 s8, $0xFFFFF086  }
0x1c: {  	p1 =	slt.u32 s9, $0xF7A;
	s5 =	simm.s32 @!p2 $0x0  }
0x1d: {  	s5 =	simm.s32 @p1 $0x1;
	p0 =	seq.s32 s7, s2  }
0x1e: {  	s7 =	smul.u32 @!p0 $0xF7A, s2;
	p2 =	seq.s32 @!p0 s5, $0x0  }
0x1f: {  	s9 =	smul.u32 $0xF7A, s1;
	s8 =	simm.s32 @!p0 $0x1BF5;
	p2 =	por !p2, p0  }
0x20: {  	[sflag:s8] =	ssyncset.s32 @!p0 $0xFFFFF086;
	s6 =	sadd.s32 @!p0 s3, s7;
	s7 =	simm.s32 @!p0 $0x108  }
0x21: {  	s3 =	sadd.s32 s3, s9;
	s6 =	sadd.s32 @!p0 $0x88, s6;
	s7 =	simm.s32 @p2 $0x1082  }
0x22: {  	[simem:s7], [sflag:s8] =	dma.local @!p0 [hbm:s6], $0xF7A  }
0x23: {  	s9 =	sor.u32 $0xD0000000, s2;
	s6 =	simm.s32 $0x108;
	_ =	swait.ge @!p0 [sflag:s8], $0x0  }
0x24: {  	s3 =	sadd.s32 $0x88, s3;
	s6 =	simm.s32 @!p1 $0x1082;
	[sflag:s4] =	ssyncset.s32 $0xFFFFF086  }
0x25: {  	[simem:s6], [sflag:s4] =	dma.local [hbm:s3], $0xF7A  }
0x26: {  	[smem:$0x3F9D] =	sst s1;
	(tag) =	ssettag s2;
	_ =	strace s9  }
0x27: {  	s1 =	sld [smem:$0x3FAD]  }
0x28: {  	s2 =	sld [smem:$0x3FAE]  }
0x29: {  	s4 =	sld [smem:$0x3FB0]  }
0x2a: {  	p0 =	seq.s32 s5, $0x0;
	s5 =	sld [smem:$0x3FB1]  }
0x2b: {  	s6 =	sld [smem:$0x3FB2]  }
0x2c: {  	s7 =	sld [smem:$0x3FB3]  }
0x2d: {  	s3 =	simm.s32 $0x108;
	s8 =	sld [smem:$0x3FB4]  }
0x2e: {  	s3 =	simm.s32 @!p0 $0x1082;
	s9 =	sld [smem:$0x3FB5]  }
0x2f: {  	lr =	sadd.s32 s0, s3;
	s0 =	sld [smem:$0x3FAC]  }
0x30: {  	s3 =	sld [smem:$0x3FAF]  }
0x31: {  	[smem:$0x3FB8] =	sst s10  }
0x32: {  	s10 =	sld [smem:$0x3FB6];
	_ =	sdelay $0x3  }
0x33: {  	p0 =	seq.s32 s10, $0x1;
	s10 =	sld [smem:$0x3FB8];
	_ =	sdelay $0x3  }
0x34: {  	[smem:$0x3FB8] =	sst s10  }
0x35: {  	s10 =	sld [smem:$0x3FB7];
	_ =	sdelay $0x3  }
0x36: {  	p1 =	seq.s32 s10, $0x1;
	s10 =	sld [smem:$0x3FB8];
	_ =	sdelay $0x3  }
0x37: {  	[smem:$0x3FB8] =	sst s10  }
0x38: {  	s10 =	sld [smem:$0x3FB9]  }
0x39: {  	_ = 	snop;
	(pc) =	sbr.ind lr, $3  }
0x3a: {  	_ = 	snop  }
0x3b: {  	_ = 	snop  }
0x3c: {  	p2 =	seq.s32 s10, $0x1;
	s10 =	sld [smem:$0x3FB8]  }
0x3d: {  	_ =	shalt  }
0x3e: {  	_ =	shalt  }
0x3f: {  	_ =	shalt  }
0x40: {  	_ =	shalt  }
0x41: {  	_ =	shalt  }
0x42: {  	_ =	shalt  }
0x43: {  	_ =	shalt  }
0x44: {  	_ =	shalt  }
0x45: {  	_ =	shalt  }
0x46: {  	_ =	shalt  }
0x47: {  	_ =	shalt  }
0x48: {  	_ =	shalt  }
0x49: {  	_ =	shalt  }
0x4a: {  	_ =	shalt  }
0x4b: {  	_ =	shalt  }
0x4c: {  	_ =	shalt  }
0x4d: {  	_ =	shalt  }
0x4e: {  	_ =	shalt  }
0x4f: {  	_ =	shalt  }
0x50: {  	_ =	shalt  }
0x51: {  	_ =	shalt  }
0x52: {  	_ =	shalt  }
0x53: {  	_ =	shalt  }
0x54: {  	_ =	shalt  }
0x55: {  	_ =	shalt  }
0x56: {  	_ =	shalt  }
0x57: {  	_ =	shalt  }
0x58: {  	_ =	shalt  }
0x59: {  	_ =	shalt  }
0x5a: {  	_ =	shalt  }
0x5b: {  	_ =	shalt  }
0x5c: {  	_ =	shalt  }
0x5d: {  	_ =	shalt  }
0x5e: {  	_ =	shalt  }
0x5f: {  	_ =	shalt  }
0x60: {  	_ =	shalt  }
0x61: {  	_ =	shalt  }
0x62: {  	_ =	shalt  }
0x63: {  	_ =	shalt  }
0x64: {  	_ =	shalt  }
0x65: {  	_ =	shalt  }
0x66: {  	_ =	shalt  }
0x67: {  	_ =	shalt  }
0x68: {  	_ =	shalt  }
0x69: {  	_ =	shalt  }
0x6a: {  	_ =	shalt  }
0x6b: {  	_ =	shalt  }
0x6c: {  	_ =	shalt  }
0x6d: {  	_ =	shalt  }
0x6e: {  	_ =	shalt  }
0x6f: {  	_ =	shalt  }
0x70: {  	_ =	shalt  }
0x71: {  	_ =	shalt  }
0x72: {  	_ =	shalt  }
0x73: {  	_ =	shalt  }
0x74: {  	_ =	shalt  }
0x75: {  	_ =	shalt  }
0x76: {  	_ =	shalt  }
0x77: {  	_ =	shalt  }
0x78: {  	_ =	shalt  }
0x79: {  	_ =	shalt  }
0x7a: {  	_ =	shalt  }
0x7b: {  	_ =	shalt  }
0x7c: {  	_ =	shalt  }
0x7d: {  	_ =	shalt  }
0x7e: {  	_ =	shalt  }
0x7f: {  	_ =	shalt  }
0x80: {  	_ =	shalt  }
0x81: {  	_ =	shalt  }
0x82: {  	_ =	shalt  }
0x83: {  	_ =	shalt  }
0x84: {  	_ =	shalt  }
0x85: {  	_ =	shalt  }
0x86: {  	_ =	shalt  }
0x87: {  	_ =	shalt  }
.Lfunc_end0:
.L_simem_size_0:
called_computation_lowered:
.L_overlay_start_0:
0x88: {  	s2 =	sld [smem:$0x3FD9]  }
0x89: {  	s3 =	sld [smem:$0x3FFE];
	_ =	sdelay $0x1  }
0x8a: {  	s1 =	srdreg.scid  }
0x8b: {  	s0 =	sand.u32 $0x1, s1  }
0x8c: {  	s17 =	sshll.u32 s0, $0xA;
	s2 =	sadd.s32 s3, s2  }
0x8d: {  	s2 =	sadd.s32 s2, s17  }
0x8e: {  	[smem:$0x3FC4] =	sst s2  }
0x8f: {  	_ = 	snop  }
0x90: {  	s2 =	sld [smem:$0x3FD0];
	(tm) =	ssettm $0x1  }
0x91: {  	s18 =	sld [smem:$0x3FFB];
	_ =	sdelay $0x3  }
0x92: {  	_ =	strace s18  }
0x93: {  	s3 =	sld [smem:$0x3FFC];
	_ =	sdelay $0x3  }
0x94: {  	_ =	strace s3  }
0x95: {  	s3 =	sld [smem:$0x3FFD];
	_ =	sdelay $0x3  }
0x96: {  	_ =	strace s3  }
0x97: {  	_ =	strace $0x8FFFFFFF  }
0x98: {  	s19 =	sld [smem:$0x3FDB];
	_ =	sdelay $0x1  }
0x99: {  	s4 =	simm.s32 $_scs_section_size  }
0x9a: {  	s5 =	simm.s32 $_size__tile_overlayer_lowered;
	s6 =	simm.s32 $_tile_overlayer_lowered  }
0x9b: {  	s22 =	simm.s32 $0x1BFF;
	s21 =	sshll.u32 s6, $0x1;
	s3 =	sadd.s32 s4, s19  }
0x9c: {  	s7 =	simm.s32 $0x0;
	s20 =	sshll.u32 s5, $0x1;
	s5 =	sadd.s32 s21, s3  }
0x9d: {  	[timem:s7], [sflag:s22] =	dma.local [hbm:s5], s20  }
0x9e: {  	_ =	swait.ge [sflag:s22], s20  }
0x9f: {  	s4 =	ssub.s32 $0x0, s20;
	[sflag:s22] =	ssyncset.done $0x0  }
0xa0: {  	[sflag:s22] =	ssyncadd.s32 s4;
	_ =	sdelay $0x1  }
0xa1: {  	s23 =	simm.s32 $0x1B8B  }
0xa2: {  	_ =	swait.ge [sflag:s23], $0x1  }
0xa3: {  	[sflag:s23] =	ssyncset.done $0x0  }
0xa4: {  	s25 =	simm.s32 $0x1B8E;
	s24 =	sld [smem:$0x3FFE];
	[sflag:s23] =	ssyncadd.s32 $0xFFFFFFFF  }
0xa5: {  	s26 =	simm.s32 $execute0_lowered;
	[smem:$0x3FD2] =	sst s25  }
0xa6: {  	s5 =	sshll.u32 s26, $0x1;
	_ =	strace $0x80000046;
	[dreg:$0x1] =	wrdreg $0xFFFFFFFF  }
0xa7: {  	s28 =	simm.s32 $_size_execute0_lowered;
	s3 =	sadd.s32 s3, s5;
	[dreg:$0x0] =	wrdreg $0x0  }
0xa8: {  	s5 =	sshll.u32 s28, $0x1;
	[dreg:$0x2] =	wrdreg s3  }
0xa9: {  	[dreg:$0x3] =	wrdreg s5  }
0xaa: {  	[dreg:$0x4] =	wrdreg $0xC0  }
0xab: {  	_ =	task [dreg:s7], $0x5FFFF  }
0xac: {  	[dreg:$0x1] =	wrdreg $0xFFFFFFFF  }
0xad: {  	[dreg:$0x0] =	wrdreg $0x60  }
0xae: {  	[dreg:$0x2] =	wrdreg s24  }
0xaf: {  	[dreg:$0x3] =	wrdreg s2  }
0xb0: {  	[dreg:$0x4] =	wrdreg $0x92000  }
0xb1: {  	[dreg:$0x5] =	wrdreg $0x9  }
0xb2: {  	_ =	task.clear_ibuf [dreg:s7], $0x6FFFF;
	_ =	strace $0x90000046  }
0xb3: {  	s29 =	simm.s32 $0x9;
	_ =	strace $0x80000048  }
0xb4: {  	_ =	swait.ge [sflag:s29], $0x1  }
0xb5: {  	[sflag:s29] =	ssyncadd.s32 $0xFFFFFFFF  }
0xb6: {  	_ =	strace $0x90000048  }
0xb7: {  	_ =	sfence  }
0xb8: {  	s30 =	sld [smem:$0x0];
	_ =	sdelay $0x2  }
0xb9: {  	s31 =	sshll.u32 s1, $0xD;
	s1 =	sshrl.u32 s1, $0x2  }
0xba: {  	s3 =	sand.u32 $0x4000, s31;
	s1 =	sadd.s32 s1, s30  }
0xbb: {  	s0 =	sor.u32 s3, s0;
	s1 =	sshll.u32 s1, $0x11  }
0xbc: {  	s0 =	sor.u32 s1, s0  }
0xbd: {  	s0 =	sadd.s32 $0x8F2B, s0  }
0xbe: {  	[sflag:s0] =	ssyncadd.remote.s32 $0x1  }
0xbf: {  	_ =	sfence.sel $0xFFFF  }
0xc0: {  	[dreg:$0x0] =	wrdreg $0xFFFFFFFF;
	(pc) =	sbr.abs _section_cstart, $3  }
0xc1: {  	[dreg:$0x1] =	wrdreg $0xFFFFFFFF  }
0xc2: {  	_ =	task.clear_ibuf [dreg:s7], $0x2FFFF;
	_ =	strace $0x9FFFFFFF  }
0xc3: {  	(tm) =	ssettm $0x7FFFFFFF  }
tec
execute0_lowered:
.L_overlay_start_1:
0x0: {  	(tag) =	ssettag $0x1  }
0x1: {  	s0 =	rddreg [dreg:$0x0]  }
0x2: {  	s1 =	rddreg [dreg:$0x1]  }
0x3: {  	s2 =	rddreg [dreg:$0x2];
	s3 =	simm.s32 $0x0  }
0x4: {  	s4 =	srdreg.scid;
	s16 =	stileid.u32;
	s17 =	simm.s32 $0x8A00  }
0x5: {  	s18 =	simm.s32 $0x1;
	s19 =	simm.s32 $0x2;
	s20 =	simm.s32 $0x80  }
0x6: {  	s21 =	simm.s32 $0x40;
	s22 =	simm.s32 $0x180;
	s23 =	simm.s32 $0x100  }
0x7: {  	s24 =	simm.s32 $0x2180;
	s25 =	simm.s32 $0x4180;
	s26 =	simm.s32 $0x6180  }
0x8: {  	s28 =	simm.s32 $0x8200;
	[smem:$0x7FF] =	sst s3;
	s4 =	sand.u32 $0x1, s4  }
0x9: {  	s5 =	sadd.s32 $0x54E00, s0;
	s6 =	sadd.s32 $0x6A00, s0;
	s9 =	smul.u32 $0x280, s16  }
0xa: {  	s7 =	sadd.s32 $0xA3200, s0;
	s8 =	sadd.s32 $0x1A00, s0;
	s10 =	smul.u32 $0x28000, s4  }
0xb: {  	s15 =	smul.u32 $0x2800, s16;
	_ =	strace $0x80000047;
	s11 =	ssub.s32 $0x2, s4  }
0xc: {  	s13 =	smul.u32 $0x2711, s4;
	s12 =	sshrl.u32 s11, $0x1;
	s14 =	sadd.s32 s10, s0  }
0xd: {  	v2 =	vlaneseq.u32;
	s10 =	sadd.s32 $0xF1600, s0;
	s30 =	ssub.s32 s11, s12;
	s11 =	smul.u32 $0x2740, s16  }
0xe: {  	vm0 =	vmmov $0x1;
	vm1 =	vcmask $0x704;
	vm2 =	vcmask $0xB08;
	s12 =	smul.u32 $0x27400, s4;
	s0 =	smax.u32 s30, $0x1;
	s31 =	sadd.s32 s15, s14  }
0xf: {  	vm3 =	vcmask $0xF0C;
	vm4 =	vcmask $0x1310;
	s16 =	simm.s32 $0x8180;
	v8 =	vmov s13;
	[dreg:$0x4] =	wrdreg s0;
	s0 =	sadd.s32 $0x5D9600, s31  }
0x10: {  	vm5 =	vcmask $0x1714;
	vm6 =	vcmask $0x1B18;
	vm7 =	vcmask $0x1F1C;
	s4 =	simm.s32 $0x0;
	s15 =	simm.s32 $0x10;
	[tilespmem:$0x1FFF0] =	vst v8;
	[dreg:$0x5] =	wrdreg s0  }
.LBB2_1:
0x11: {  	v0 =	vimm.f32 $0.0e+00  }
0x12: {  	[tilespmem:$0x8A00] =	vst v0  }
0x13: {  	[tilespmem:$0x8A10] =	vst v0  }
0x14: {  	[tilespmem:$0x8A20] =	vst v0  }
0x15: {  	[tilespmem:$0x8A30] =	vst v0  }
0x16: {  	[tilespmem:$0x8A40] =	vst v0  }
0x17: {  	[tilespmem:$0x8A50] =	vst v0  }
0x18: {  	[tilespmem:$0x8A60] =	vst v0  }
0x19: {  	[tilespmem:$0x8A70] =	vst v0  }
0x1a: {  	[tilespmem:$0x8A80] =	vst v0  }
0x1b: {  	[tilespmem:$0x8A90] =	vst v0  }
0x1c: {  	[tilespmem:$0x8AA0] =	vst v0  }
0x1d: {  	[tilespmem:$0x8AB0] =	vst v0  }
0x1e: {  	[tilespmem:$0x8AC0] =	vst v0  }
0x1f: {  	[tilespmem:$0x8AD0] =	vst v0  }
0x20: {  	[tilespmem:$0x8AE0] =	vst v0  }
0x21: {  	[tilespmem:$0x8AF0] =	vst v0  }
0x22: {  	[tilespmem:$0x8B00] =	vst v0  }
0x23: {  	[tilespmem:$0x8B10] =	vst v0  }
0x24: {  	[tilespmem:$0x8B20] =	vst v0  }
0x25: {  	[tilespmem:$0x8B30] =	vst v0  }
0x26: {  	[tilespmem:$0x8B40] =	vst v0  }
0x27: {  	[tilespmem:$0x8B50] =	vst v0  }
0x28: {  	[tilespmem:$0x8B60] =	vst v0  }
0x29: {  	[tilespmem:$0x8B70] =	vst v0  }
0x2a: {  	[tilespmem:$0x8B80] =	vst v0  }
0x2b: {  	[tilespmem:$0x8B90] =	vst v0  }
0x2c: {  	[tilespmem:$0x8BA0] =	vst v0  }
0x2d: {  	[tilespmem:$0x8BB0] =	vst v0  }
0x2e: {  	[tilespmem:$0x8BC0] =	vst v0  }
0x2f: {  	[tilespmem:$0x8BD0] =	vst v0  }
0x30: {  	[tilespmem:$0x8BE0] =	vst v0  }
0x31: {  	[tilespmem:$0x8BF0] =	vst v0  }
0x32: {  	[tilespmem:$0x8C00] =	vst v0  }
0x33: {  	[tilespmem:$0x8C10] =	vst v0  }
0x34: {  	[tilespmem:$0x8C20] =	vst v0  }
0x35: {  	[tilespmem:$0x8C30] =	vst v0  }
0x36: {  	[tilespmem:$0x8C40] =	vst v0  }
0x37: {  	[tilespmem:$0x8C50] =	vst v0  }
0x38: {  	[tilespmem:$0x8C60] =	vst v0  }
0x39: {  	[tilespmem:$0x8C70] =	vst v0  }
0x3a: {  	[tilespmem:$0x8C80] =	vst v0  }
0x3b: {  	[tilespmem:$0x8C90] =	vst v0  }
0x3c: {  	[tilespmem:$0x8CA0] =	vst v0  }
0x3d: {  	[tilespmem:$0x8CB0] =	vst v0  }
0x3e: {  	[tilespmem:$0x8CC0] =	vst v0  }
0x3f: {  	[tilespmem:$0x8CD0] =	vst v0  }
0x40: {  	[tilespmem:$0x8CE0] =	vst v0  }
0x41: {  	[tilespmem:$0x8CF0] =	vst v0  }
0x42: {  	[tilespmem:$0x8D00] =	vst v0  }
0x43: {  	[tilespmem:$0x8D10] =	vst v0  }
0x44: {  	[tilespmem:$0x8D20] =	vst v0  }
0x45: {  	[tilespmem:$0x8D30] =	vst v0  }
0x46: {  	[tilespmem:$0x8D40] =	vst v0  }
0x47: {  	[tilespmem:$0x8D50] =	vst v0  }
0x48: {  	[tilespmem:$0x8D60] =	vst v0  }
0x49: {  	[tilespmem:$0x8D70] =	vst v0  }
0x4a: {  	[tilespmem:$0x8D80] =	vst v0  }
0x4b: {  	[tilespmem:$0x8D90] =	vst v0  }
0x4c: {  	[tilespmem:$0x8DA0] =	vst v0  }
0x4d: {  	[tilespmem:$0x8DB0] =	vst v0  }
0x4e: {  	[tilespmem:$0x8DC0] =	vst v0  }
0x4f: {  	[tilespmem:$0x8DD0] =	vst v0  }
0x50: {  	[tilespmem:$0x8DE0] =	vst v0  }
0x51: {  	[tilespmem:$0x8DF0] =	vst v0  }
0x52: {  	[tilespmem:$0x8E00] =	vst v0  }
0x53: {  	[tilespmem:$0x8E10] =	vst v0  }
0x54: {  	[tilespmem:$0x8E20] =	vst v0  }
0x55: {  	[tilespmem:$0x8E30] =	vst v0  }
0x56: {  	[tilespmem:$0x8E40] =	vst v0  }
0x57: {  	[tilespmem:$0x8E50] =	vst v0  }
0x58: {  	[tilespmem:$0x8E60] =	vst v0  }
0x59: {  	[tilespmem:$0x8E70] =	vst v0  }
0x5a: {  	[tilespmem:$0x8E80] =	vst v0  }
0x5b: {  	[tilespmem:$0x8E90] =	vst v0  }
0x5c: {  	[tilespmem:$0x8EA0] =	vst v0  }
0x5d: {  	[tilespmem:$0x8EB0] =	vst v0  }
0x5e: {  	[tilespmem:$0x8EC0] =	vst v0  }
0x5f: {  	[tilespmem:$0x8ED0] =	vst v0  }
0x60: {  	[tilespmem:$0x8EE0] =	vst v0  }
0x61: {  	[tilespmem:$0x8EF0] =	vst v0  }
0x62: {  	[tilespmem:$0x8F00] =	vst v0  }
0x63: {  	[tilespmem:$0x8F10] =	vst v0  }
0x64: {  	[tilespmem:$0x8F20] =	vst v0  }
0x65: {  	[tilespmem:$0x8F30] =	vst v0  }
0x66: {  	[tilespmem:$0x8F40] =	vst v0  }
0x67: {  	[tilespmem:$0x8F50] =	vst v0  }
0x68: {  	[tilespmem:$0x8F60] =	vst v0  }
0x69: {  	[tilespmem:$0x8F70] =	vst v0  }
0x6a: {  	[tilespmem:$0x8F80] =	vst v0  }
0x6b: {  	[tilespmem:$0x8F90] =	vst v0  }
0x6c: {  	[tilespmem:$0x8FA0] =	vst v0  }
0x6d: {  	[tilespmem:$0x8FB0] =	vst v0  }
0x6e: {  	[tilespmem:$0x8FC0] =	vst v0  }
0x6f: {  	[tilespmem:$0x8FD0] =	vst v0  }
0x70: {  	[tilespmem:$0x8FE0] =	vst v0  }
0x71: {  	[tilespmem:$0x8FF0] =	vst v0  }
0x72: {  	[tilespmem:$0x9000] =	vst v0  }
0x73: {  	[tilespmem:$0x9010] =	vst v0  }
0x74: {  	[tilespmem:$0x9020] =	vst v0  }
0x75: {  	[tilespmem:$0x9030] =	vst v0  }
0x76: {  	[tilespmem:$0x9040] =	vst v0  }
0x77: {  	[tilespmem:$0x9050] =	vst v0  }
0x78: {  	[tilespmem:$0x9060] =	vst v0  }
0x79: {  	[tilespmem:$0x9070] =	vst v0  }
0x7a: {  	[tilespmem:$0x9080] =	vst v0  }
0x7b: {  	[tilespmem:$0x9090] =	vst v0  }
0x7c: {  	[tilespmem:$0x90A0] =	vst v0  }
0x7d: {  	[tilespmem:$0x90B0] =	vst v0  }
0x7e: {  	[tilespmem:$0x90C0] =	vst v0  }
0x7f: {  	[tilespmem:$0x90D0] =	vst v0  }
0x80: {  	[tilespmem:$0x90E0] =	vst v0  }
0x81: {  	[tilespmem:$0x90F0] =	vst v0  }
0x82: {  	[tilespmem:$0x9100] =	vst v0  }
0x83: {  	[tilespmem:$0x9110] =	vst v0  }
0x84: {  	[tilespmem:$0x9120] =	vst v0  }
0x85: {  	[tilespmem:$0x9130] =	vst v0  }
0x86: {  	[tilespmem:$0x9140] =	vst v0  }
0x87: {  	[tilespmem:$0x9150] =	vst v0  }
0x88: {  	[tilespmem:$0x9160] =	vst v0  }
0x89: {  	[tilespmem:$0x9170] =	vst v0  }
0x8a: {  	[tilespmem:$0x9180] =	vst v0  }
0x8b: {  	[tilespmem:$0x9190] =	vst v0  }
0x8c: {  	[tilespmem:$0x91A0] =	vst v0  }
0x8d: {  	[tilespmem:$0x91B0] =	vst v0  }
0x8e: {  	[tilespmem:$0x91C0] =	vst v0  }
0x8f: {  	[tilespmem:$0x91D0] =	vst v0  }
0x90: {  	s0 =	sadd.s32 $0x0, s9;
	[tilespmem:$0x91E0] =	vst v0  }
0x91: {  	[tilespmem:$0x91F0] =	vst v0;
	v0 =	vor.u32 s0, v2  }
0x92: {  	[dreg:$0x6] =	wrdreg s4;
	[tilespmem:$0x8180] =	vst v0  }
0x93: {  	[spmem:s2] =	stream.indirect.scatter [tilespmem:s17], [sflag:$0x1], $0x80, s16, s15, $0xb8;
	[tilespmem:$0x1D200] =	vst v63  }
0x94: {  	s0 =	simm.s32 $0x10;
	_ =	swait.ge [sflag:s18], $0x800  }
.LBB2_2:
0x95: {  	s4 =	sadd.s32 s0, s9;
	[sflag:s18] =	ssyncset.done $0x0;
	p0 =	sne.s32 s0, $0x270  }
.Ltmp0:
0x96: {  	v0 =	vor.u32 s4, v2;
	[sflag:s18] =	ssyncadd.s32 $0xFFFFF800;
	(pc) =	sbr.rel @p0 .LBB2_2-.Ltmp0, $4  }
0x97: {  	[tilespmem:$0x8180] =	vst v0  }
0x98: {  	s0 =	sadd.s32 $0x10, s0  }
0x99: {  	[spmem:s2] =	stream.indirect.scatter [tilespmem:s17], [sflag:$0x1], $0x80, s16, s15, $0xb8;
	[tilespmem:$0x1D200] =	vst v63  }
0x9a: {  	_ =	swait.ge [sflag:s18], $0x800  }
0x9b: {  	[sflag:s18] =	ssyncset.done $0x0  }
0x9c: {  	[sflag:s18] =	ssyncadd.s32 $0xFFFFF800  }
0x9d: {  	s30 =	simm.s32 $0x0;
	[bflag:$0x0] =	sbarrier.arrive $0xFFFF  }
.LBB2_4:
0x9e: {  	s0 =	sshll.u32 s30, $0x6  }
0x9f: {  	s31 =	sadd.s32 s11, s0  }
0xa0: {  	s0 =	sshrl.u32 s31, $0x3  }
0xa1: {  	s4 =	sadd.s32 s1, s0  }
0xa2: {  	[tilespmem:s3], [sflag:$0x2] =	stream.linear.gather [hbm4b:s4+s3], $0x40, $0x38;
	[tilespmem:$0x1D200] =	vst v63  }
0xa3: {  	_ =	swait.ge [sflag:s19], $0x40  }
0xa4: {  	[sflag:s19] =	ssyncset.done $0x0  }
0xa5: {  	s0 =	sadd.s32 s8, s0;
	[sflag:s19] =	ssyncadd.s32 $0xFFFFFFC0  }
0xa6: {  	[tilespmem:s20], [sflag:$0x2] =	stream.linear.gather [hbm4b:s0+s3], $0x40, $0x38;
	[tilespmem:$0x1D200] =	vst v63  }
0xa7: {  	_ =	swait.ge [sflag:s19], $0x40  }
0xa8: {  	[sflag:s19] =	ssyncset.done $0x0  }
0xa9: {  	[sflag:s19] =	ssyncadd.s32 $0xFFFFFFC0  }
0xaa: {  	v0 =	vld [tilespmem:$0x0]  }
0xab: {  	v1 =	vld [tilespmem:$0x80]  }
0xac: {  	v3 =	vld [tilespmem:$0x10]  }
0xad: {  	v4 =	vld [tilespmem:$0x90]  }
0xae: {  	v5 =	vld [tilespmem:$0x20]  }
0xaf: {  	v6 =	vld [tilespmem:$0xA0];
	v0 =	vadd.s32 v8, v0  }
0xb0: {  	[tilespmem:$0x0] =	vst v0;
	v0 =	vadd.s32 v8, v1;
	v1 =	vld [tilespmem:$0x30]  }
0xb1: {  	[tilespmem:$0x100] =	vst v0;
	v0 =	vadd.s32 v8, v3;
	v3 =	vld [tilespmem:$0xB0]  }
0xb2: {  	[tilespmem:$0x10] =	vst v0;
	v0 =	vadd.s32 v8, v4  }
0xb3: {  	[tilespmem:$0x110] =	vst v0;
	v0 =	vadd.s32 v8, v5  }
0xb4: {  	[tilespmem:$0x20] =	vst v0;
	v0 =	vadd.s32 v8, v6  }
0xb5: {  	[tilespmem:$0x120] =	vst v0;
	v0 =	vadd.s32 v8, v1  }
0xb6: {  	[tilespmem:$0x30] =	vst v0;
	v0 =	vadd.s32 v8, v3  }
0xb7: {  	[tilespmem:$0x130] =	vst v0  }
0xb8: {  	[tilespmem:s22], [sflag:$0x1] =	stream.indirect.gather [hbm4b:s5+s21], $0x80, s3, s21, $0xb8;
	[tilespmem:$0x1D200] =	vst v63  }
0xb9: {  	_ = 	snop  }
0xba: {  	[tilespmem:s24], [sflag:$0x1] =	stream.indirect.gather [hbm4b:s6+s21], $0x80, s23, s21, $0xb8;
	[tilespmem:$0x1D200] =	vst v63  }
0xbb: {  	_ = 	snop  }
0xbc: {  	[tilespmem:s25], [sflag:$0x1] =	stream.indirect.gather [hbm4b:s7+s21], $0x80, s3, s21, $0xb8;
	[tilespmem:$0x1D200] =	vst v63  }
0xbd: {  	_ =	swait.ge [sflag:s18], $0x2000  }
0xbe: {  	[sflag:s18] =	ssyncset.done $0x0  }
0xbf: {  	[sflag:s18] =	ssyncadd.s32 $0xFFFFE000  }
0xc0: {  	_ =	swait.ge [sflag:s18], $0x2000  }
0xc1: {  	[sflag:s18] =	ssyncset.done $0x0  }
0xc2: {  	[sflag:s18] =	ssyncadd.s32 $0xFFFFE000  }
0xc3: {  	s13 =	simm.s32 $0x6200;
	_ =	swait.ge [sflag:s18], $0x2000  }
0xc4: {  	s14 =	simm.s32 $0x2200;
	s29 =	simm.s32 $0x200;
	[sflag:s18] =	ssyncset.done $0x0  }
0xc5: {  	s4 =	simm.s32 $0x4200;
	s0 =	simm.s32 $0xFFFFFFFE;
	[sflag:s18] =	ssyncadd.s32 $0xFFFFE000  }
.LBB2_5:
0xc6: {  	v0 =	vld [tilespmem:s29+$0xFFFFFF80]  }
0xc7: {  	v1 =	vld [tilespmem:s14+$0xFFFFFF80]  }
0xc8: {  	v3 =	vld [tilespmem:s29+$0xFFFFFF90]  }
0xc9: {  	v4 =	vld [tilespmem:s14+$0xFFFFFF90]  }
0xca: {  	v5 =	vld [tilespmem:s29+$0xFFFFFFA0]  }
0xcb: {  	v6 =	vld [tilespmem:s14+$0xFFFFFFA0]  }
0xcc: {  	v7 =	vld [tilespmem:s29+$0xFFFFFFB0]  }
0xcd: {  	v48 =	vld [tilespmem:s29+$0xFFFFFFC0];
	v0 =	vmul.f32 v1, v0  }
0xce: {  	v1 =	vld [tilespmem:s14+$0xFFFFFFB0];
	v3 =	vmul.f32 v4, v3  }
0xcf: {  	(xrf2) =	vadd.scan.msk.f32 $0xffff, v0;
	v0 =	vld [tilespmem:s14+$0xFFFFFFC0]  }
0xd0: {  	v49 =	vld [tilespmem:s29+$0xFFFFFFD0];
	(xrf2) =	vadd.scan.msk.f32 $0xffff, v3;
	v3 =	vmul.f32 v6, v5  }
0xd1: {  	v6 =	vld [tilespmem:s14+$0xFFFFFFD0]  }
0xd2: {  	(xrf2) =	vadd.scan.msk.f32 $0xffff, v3;
	v3 =	vld [tilespmem:s29+$0xFFFFFFE0]  }
0xd3: {  	v1 =	vmul.f32 v1, v7;
	v7 =	vld [tilespmem:s14+$0xFFFFFFE0]  }
0xd4: {  	v50 =	vld [tilespmem:s14+$0xFFFFFFF0];
	v0 =	vmul.f32 v0, v48  }
0xd5: {  	(xrf2) =	vadd.scan.msk.f32 $0xffff, v1;
	v1 =	vld [tilespmem:s29+$0xFFFFFFF0]  }
0xd6: {  	(xrf2) =	vadd.scan.msk.f32 $0xffff, v0;
	v0 =	vmul.f32 v6, v49;
	_ =	sdelay $0x1  }
0xd7: {  	(xrf2) =	vadd.scan.msk.f32 $0xffff, v0;
	v0 =	vmul.f32 v7, v3  }
0xd8: {  	v3, _, _ =	vpop (xrf2)  }
0xd9: {  	v51, _, _ =	vpop (xrf2);
	(xrf2) =	vadd.scan.msk.f32 $0xffff, v0;
	v0 =	vmul.f32 v50, v1  }
0xda: {  	v1 =	vbroadcast v3, $0xF;
	v3 =	vbroadcast v51, $0xF;
	_ =	sdelay $0x1  }
0xdb: {  	v52, _, _ =	vpop (xrf2);
	(xrf2) =	vadd.scan.msk.f32 $0xffff, v0;
	v0 =	vnsel vm0, $0x0, v1;
	v1 =	vnsel vm1, $0x0, v3;
	_ =	sdelay $0x1  }
0xdc: {  	v3 =	vbroadcast v52, $0xF  }
0xdd: {  	v0 =	vadd.f32 v1, v0;
	v1, _, _ =	vpop (xrf2)  }
0xde: {  	v3 =	vnsel vm2, $0x0, v3;
	v1 =	vbroadcast v1, $0xF;
	_ =	sdelay $0x1  }
0xdf: {  	v1 =	vnsel vm3, $0x0, v1  }
0xe0: {  	v0 =	vadd.f32 v3, v0;
	v3, _, _ =	vpop (xrf2)  }
0xe1: {  	v3 =	vbroadcast v3, $0xF  }
0xe2: {  	v0 =	vadd.f32 v1, v0;
	v1, _, _ =	vpop (xrf2)  }
0xe3: {  	v3 =	vnsel vm4, $0x0, v3;
	v1 =	vbroadcast v1, $0xF;
	_ =	sdelay $0x1  }
0xe4: {  	v1 =	vnsel vm5, $0x0, v1  }
0xe5: {  	v0 =	vadd.f32 v3, v0;
	v3, _, _ =	vpop (xrf2)  }
0xe6: {  	v3 =	vbroadcast v3, $0xF  }
0xe7: {  	v0 =	vadd.f32 v1, v0;
	v1, _, _ =	vpop (xrf2)  }
0xe8: {  	v3 =	vnsel vm6, $0x0, v3;
	v1 =	vbroadcast v1, $0xF  }
0xe9: {  	v0 =	vadd.f32 v3, v0  }
0xea: {  	v1 =	vnsel vm7, $0x0, v1  }
0xeb: {  	v0 =	vadd.f32 v1, v0;
	_ =	sdelay $0x1  }
0xec: {  	v0 =	vmul.f32 $2.500000000e-01, v0;
	_ =	sdelay $0x1  }
0xed: {  	v0 =	vmax.f32 v0, $-5.000000000e+00  }
0xee: {  	v0 =	vmin.f32 v0, $5.000000000e+00  }
0xef: {  	v0 =	vmul.f32 $1.442695020e+00, v0;
	_ =	sdelay $0x1  }
0xf0: {  	(erf) = vpow2.f32 v0;
	_ =	sdelay $0x8  }
0xf1: {  	v0 =	vpop (erf)  }
0xf2: {  	[tilespmem:s13+$0xFFFFFF80] =	vst v0  }
0xf3: {  	v1 =	vld [tilespmem:s4+$0xFFFFFF80];
	_ =	sdelay $0x2  }
0xf4: {  	v3 =	vbroadcast v0, $0x0;
	_ =	sdelay $0x1  }
0xf5: {  	v1 =	vmul.f32 v3, v1;
	_ =	sdelay $0x1  }
0xf6: {  	[tilespmem:s4+$0xFFFFFF80] =	vst v1;
	v1 =	vld [tilespmem:s4+$0xFFFFFF90];
	_ =	sdelay $0x2  }
0xf7: {  	v3 =	vbroadcast v0, $0x1;
	_ =	sdelay $0x1  }
0xf8: {  	v1 =	vmul.f32 v3, v1;
	_ =	sdelay $0x1  }
0xf9: {  	[tilespmem:s4+$0xFFFFFF90] =	vst v1;
	v1 =	vld [tilespmem:s4+$0xFFFFFFA0];
	_ =	sdelay $0x2  }
0xfa: {  	v3 =	vbroadcast v0, $0x2;
	_ =	sdelay $0x1  }
0xfb: {  	v1 =	vmul.f32 v3, v1;
	_ =	sdelay $0x1  }
0xfc: {  	[tilespmem:s4+$0xFFFFFFA0] =	vst v1;
	v1 =	vld [tilespmem:s4+$0xFFFFFFB0];
	_ =	sdelay $0x2  }
0xfd: {  	v3 =	vbroadcast v0, $0x3;
	_ =	sdelay $0x1  }
0xfe: {  	v1 =	vmul.f32 v3, v1;
	_ =	sdelay $0x1  }
0xff: {  	[tilespmem:s4+$0xFFFFFFB0] =	vst v1;
	v1 =	vld [tilespmem:s4+$0xFFFFFFC0];
	_ =	sdelay $0x2  }
0x100: {  	v3 =	vbroadcast v0, $0x4;
	_ =	sdelay $0x1  }
0x101: {  	v1 =	vmul.f32 v3, v1;
	_ =	sdelay $0x1  }
0x102: {  	[tilespmem:s4+$0xFFFFFFC0] =	vst v1;
	v1 =	vld [tilespmem:s4+$0xFFFFFFD0];
	_ =	sdelay $0x2  }
0x103: {  	v3 =	vbroadcast v0, $0x5;
	_ =	sdelay $0x1  }
0x104: {  	v1 =	vmul.f32 v3, v1;
	_ =	sdelay $0x1  }
0x105: {  	[tilespmem:s4+$0xFFFFFFD0] =	vst v1;
	v1 =	vld [tilespmem:s4+$0xFFFFFFE0];
	_ =	sdelay $0x2  }
0x106: {  	v3 =	vbroadcast v0, $0x6;
	_ =	sdelay $0x1  }
0x107: {  	v1 =	vmul.f32 v1, v3;
	_ =	sdelay $0x1  }
0x108: {  	[tilespmem:s4+$0xFFFFFFE0] =	vst v1;
	v1 =	vld [tilespmem:s4+$0xFFFFFFF0];
	_ =	sdelay $0x2  }
0x109: {  	v0 =	vbroadcast v0, $0x7;
	_ =	sdelay $0x1  }
0x10a: {  	v0 =	vmul.f32 v1, v0;
	_ =	sdelay $0x1  }
0x10b: {  	[tilespmem:s4+$0xFFFFFFF0] =	vst v0  }
0x10c: {  	v0 =	vld [tilespmem:s29+$0x0]  }
0x10d: {  	v1 =	vld [tilespmem:s14+$0x0]  }
0x10e: {  	v3 =	vld [tilespmem:s29+$0x10]  }
0x10f: {  	v53 =	vld [tilespmem:s14+$0x10]  }
0x110: {  	v54 =	vld [tilespmem:s29+$0x20]  }
0x111: {  	v6 =	vld [tilespmem:s14+$0x20]  }
0x112: {  	v7 =	vld [tilespmem:s29+$0x30]  }
0x113: {  	v0 =	vmul.f32 v1, v0;
	v1 =	vld [tilespmem:s14+$0x30]  }
0x114: {  	v55 =	vld [tilespmem:s29+$0x40];
	v3 =	vmul.f32 v53, v3  }
0x115: {  	(xrf2) =	vadd.scan.msk.f32 $0xffff, v0;
	v0 =	vld [tilespmem:s14+$0x40]  }
0x116: {  	v56 =	vld [tilespmem:s29+$0x50];
	(xrf2) =	vadd.scan.msk.f32 $0xffff, v3;
	v3 =	vmul.f32 v6, v54  }
0x117: {  	v6 =	vld [tilespmem:s14+$0x50]  }
0x118: {  	(xrf2) =	vadd.scan.msk.f32 $0xffff, v3;
	v1 =	vmul.f32 v1, v7;
	v3 =	vld [tilespmem:s29+$0x60]  }
0x119: {  	v7 =	vld [tilespmem:s14+$0x60]  }
0x11a: {  	v57 =	vld [tilespmem:s14+$0x70];
	(xrf2) =	vadd.scan.msk.f32 $0xffff, v1;
	v0 =	vmul.f32 v0, v55  }
0x11b: {  	v1 =	vld [tilespmem:s29+$0x70]  }
0x11c: {  	(xrf2) =	vadd.scan.msk.f32 $0xffff, v0;
	v0 =	vmul.f32 v6, v56;
	_ =	sdelay $0x1  }
0x11d: {  	(xrf2) =	vadd.scan.msk.f32 $0xffff, v0;
	v0 =	vmul.f32 v7, v3  }
0x11e: {  	v3, _, _ =	vpop (xrf2)  }
0x11f: {  	v58, _, _ =	vpop (xrf2);
	(xrf2) =	vadd.scan.msk.f32 $0xffff, v0;
	v0 =	vmul.f32 v57, v1  }
0x120: {  	v1 =	vbroadcast v3, $0xF;
	v3 =	vbroadcast v58, $0xF  }
0x121: {  	v59, _, _ =	vpop (xrf2)  }
0x122: {  	(xrf2) =	vadd.scan.msk.f32 $0xffff, v0;
	v0 =	vnsel vm0, $0x0, v1;
	v1 =	vnsel vm1, $0x0, v3;
	v3 =	vbroadcast v59, $0xF  }
0x123: {  	v60, _, _ =	vpop (xrf2)  }
0x124: {  	v0 =	vadd.f32 v1, v0;
	v1 =	vnsel vm2, $0x0, v3;
	v3 =	vbroadcast v60, $0xF  }
0x125: {  	v61, _, _ =	vpop (xrf2)  }
0x126: {  	v0 =	vadd.f32 v1, v0;
	v1 =	vnsel vm3, $0x0, v3;
	v3 =	vbroadcast v61, $0xF  }
0x127: {  	v62, _, _ =	vpop (xrf2)  }
0x128: {  	v0 =	vadd.f32 v1, v0;
	v1 =	vnsel vm4, $0x0, v3;
	v3 =	vbroadcast v62, $0xF;
	_ =	sdelay $0x1  }
0x129: {  	v0 =	vadd.f32 v1, v0;
	v1 =	vnsel vm5, $0x0, v3  }
0x12a: {  	v63, _, _ =	vpop (xrf2)  }
0x12b: {  	v3 =	vbroadcast v63, $0xF  }
0x12c: {  	v0 =	vadd.f32 v1, v0;
	v1, _, _ =	vpop (xrf2)  }
0x12d: {  	v3 =	vnsel vm6, $0x0, v3;
	v1 =	vbroadcast v1, $0xF  }
0x12e: {  	v0 =	vadd.f32 v3, v0  }
0x12f: {  	v1 =	vnsel vm7, $0x0, v1  }
0x130: {  	v0 =	vadd.f32 v1, v0;
	_ =	sdelay $0x1  }
0x131: {  	v0 =	vmul.f32 $2.500000000e-01, v0;
	_ =	sdelay $0x1  }
0x132: {  	v0 =	vmax.f32 v0, $-5.000000000e+00  }
0x133: {  	v0 =	vmin.f32 v0, $5.000000000e+00  }
0x134: {  	v0 =	vmul.f32 $1.442695020e+00, v0;
	_ =	sdelay $0x1  }
0x135: {  	(erf) = vpow2.f32 v0;
	_ =	sdelay $0x8  }
0x136: {  	v0 =	vpop (erf)  }
0x137: {  	[tilespmem:s13+$0x0] =	vst v0  }
0x138: {  	v1 =	vld [tilespmem:s4+$0x0];
	_ =	sdelay $0x2  }
0x139: {  	v3 =	vbroadcast v0, $0x0;
	_ =	sdelay $0x1  }
0x13a: {  	v1 =	vmul.f32 v3, v1;
	_ =	sdelay $0x1  }
0x13b: {  	[tilespmem:s4+$0x0] =	vst v1;
	v1 =	vld [tilespmem:s4+$0x10];
	_ =	sdelay $0x2  }
0x13c: {  	v3 =	vbroadcast v0, $0x1;
	_ =	sdelay $0x1  }
0x13d: {  	v1 =	vmul.f32 v3, v1;
	_ =	sdelay $0x1  }
0x13e: {  	[tilespmem:s4+$0x10] =	vst v1;
	v1 =	vld [tilespmem:s4+$0x20];
	_ =	sdelay $0x2  }
0x13f: {  	v3 =	vbroadcast v0, $0x2;
	_ =	sdelay $0x1  }
0x140: {  	v1 =	vmul.f32 v3, v1;
	_ =	sdelay $0x1  }
0x141: {  	[tilespmem:s4+$0x20] =	vst v1;
	v1 =	vld [tilespmem:s4+$0x30];
	_ =	sdelay $0x2  }
0x142: {  	v3 =	vbroadcast v0, $0x3;
	_ =	sdelay $0x1  }
0x143: {  	v1 =	vmul.f32 v3, v1;
	_ =	sdelay $0x1  }
0x144: {  	[tilespmem:s4+$0x30] =	vst v1;
	v1 =	vld [tilespmem:s4+$0x40];
	_ =	sdelay $0x2  }
0x145: {  	v3 =	vbroadcast v0, $0x4;
	_ =	sdelay $0x1  }
0x146: {  	v1 =	vmul.f32 v3, v1;
	_ =	sdelay $0x1  }
0x147: {  	[tilespmem:s4+$0x40] =	vst v1;
	v1 =	vld [tilespmem:s4+$0x50];
	_ =	sdelay $0x2  }
0x148: {  	v3 =	vbroadcast v0, $0x5;
	_ =	sdelay $0x1  }
0x149: {  	v1 =	vmul.f32 v3, v1;
	_ =	sdelay $0x1  }
0x14a: {  	[tilespmem:s4+$0x50] =	vst v1;
	v1 =	vld [tilespmem:s4+$0x60];
	_ =	sdelay $0x2  }
0x14b: {  	v3 =	vbroadcast v0, $0x6;
	_ =	sdelay $0x1  }
0x14c: {  	v1 =	vmul.f32 v1, v3;
	_ =	sdelay $0x1  }
0x14d: {  	[tilespmem:s4+$0x60] =	vst v1;
	v1 =	vld [tilespmem:s4+$0x70]  }
0x14e: {  	s0 =	sadd.s32 $0x2, s0  }
0x14f: {  	p0 =	slt.u32 s0, $0x3E  }
.Ltmp1:
0x150: {  	v0 =	vbroadcast v0, $0x7;
	(pc) =	sbr.rel @p0 .LBB2_5-.Ltmp1, $4  }
0x151: {  	_ = 	snop  }
0x152: {  	v0 =	vmul.f32 v1, v0  }
0x153: {  	s14 =	sadd.s32 $0x100, s14  }
0x154: {  	s29 =	sadd.s32 $0x100, s29;
	s13 =	sadd.s32 $0x100, s13;
	[tilespmem:s4+$0x70] =	vst v0;
	s4 =	sadd.s32 $0x100, s4  }
0x155: {  	[spmem:s2] =	stream.indirect.scatter.add.f32 [tilespmem:s25], [sflag:$0x1], $0x80, s20, s21, $0xb8;
	[tilespmem:$0x1D200] =	vst v63  }
0x156: {  	s0 =	sadd.s32 s12, s31;
	s30 =	sadd.s32 $0x1, s30;
	_ =	swait.ge [sflag:s18], $0x2000  }
0x157: {  	s0 =	sshll.u32 s0, $0x4;
	p0 =	sne.s32 s30, $0x9D;
	[sflag:s18] =	ssyncset.done $0x0  }
.Ltmp2:
0x158: {  	s0 =	sadd.s32 s10, s0;
	[sflag:s18] =	ssyncadd.s32 $0xFFFFE000;
	(pc) =	sbr.rel @p0 .LBB2_4-.Ltmp2, $4  }
0x159: {  	[hbm4b:s0+s3] =	stream.linear.scatter [tilespmem:s26], [sflag:$0x2], $0x2000, $0x38;
	[tilespmem:$0x1D200] =	vst v63  }
0x15a: {  	_ =	swait.ge [sflag:s19], $0x2000  }
0x15b: {  	[sflag:s19] =	ssyncset.done $0x0  }
0x15c: {  	[sflag:s19] =	ssyncadd.s32 $0xFFFFE000  }
0x15d: {  	s0 =	sadd.s32 $0x0, s9  }
0x15e: {  	[bflag:$0x0] =	sbarrier.arrive $0xFFFF;
	v0 =	vor.u32 s0, v2  }
0x15f: {  	[tilespmem:$0x8180] =	vst v0  }
0x160: {  	[tilespmem:s28], [sflag:$0x1] =	stream.indirect.gather [spmem:s2], $0x80, s16, s15, $0xb8;
	[tilespmem:$0x1D200] =	vst v63  }
0x161: {  	_ =	swait.ge [sflag:s18], $0x800  }
0x162: {  	[sflag:s18] =	ssyncset.done $0x0  }
0x163: {  	s4 =	simm.s32 $0x0;
	s13 =	rddreg [dreg:$0x5];
	[sflag:s18] =	ssyncadd.s32 $0xFFFFF800  }
0x164: {  	[hbm4b:s13+s4] =	stream.linear.scatter [tilespmem:s28], [sflag:$0x2], $0x800, $0x38;
	[tilespmem:$0x1D200] =	vst v63  }
0x165: {  	s14 =	simm.s32 $0x20;
	_ =	swait.ge [sflag:s19], $0x800  }
0x166: {  	s29 =	sadd.s32 $0x10, s9;
	s0 =	simm.s32 $0x10;
	[sflag:s19] =	ssyncset.done $0x0  }
.LBB2_8:
0x167: {  	[sflag:s19] =	ssyncadd.s32 $0xFFFFF800  }
0x168: {  	v0 =	vor.u32 s29, v2;
	s13 =	sadd.s32 $0x100, s13;
	s29 =	smov.u32 s14;
	s30 =	sadd.s32 $0x10, s14  }
0x169: {  	p0 =	sne.s32 s14, $0x270;
	[tilespmem:$0x8180] =	vst v0  }
0x16a: {  	[tilespmem:s28], [sflag:$0x1] =	stream.indirect.gather [spmem:s2], $0x80, s16, s15, $0xb8;
	[tilespmem:$0x1D200] =	vst v63  }
0x16b: {  	_ =	swait.ge [sflag:s18], $0x800  }
.Ltmp3:
0x16c: {  	[sflag:s18] =	ssyncset.done $0x0;
	(pc) =	sbr.rel @p0 .LBB2_8-.Ltmp3, $4  }
0x16d: {  	[sflag:s18] =	ssyncadd.s32 $0xFFFFF800  }
0x16e: {  	[hbm4b:s13+s4] =	stream.linear.scatter [tilespmem:s28], [sflag:$0x2], $0x800, $0x38;
	[tilespmem:$0x1D200] =	vst v63  }
0x16f: {  	_ =	swait.ge [sflag:s19], $0x800  }
0x170: {  	s29 =	sadd.s32 s29, s9;
	s14 =	smov.u32 s30;
	[sflag:s19] =	ssyncset.done $0x0  }
0x171: {  	v0 =	vor.u32 s29, v2;
	[sflag:s19] =	ssyncadd.s32 $0xFFFFF800  }
0x172: {  	[tilespmem:$0x8180] =	vst v0  }
0x173: {  	[tilespmem:s28], [sflag:$0x1] =	stream.indirect.gather [spmem:s2], $0x80, s16, s15, $0xb8;
	[tilespmem:$0x1D200] =	vst v63  }
0x174: {  	_ =	swait.ge [sflag:s18], $0x800  }
0x175: {  	[sflag:s18] =	ssyncset.done $0x0  }
0x176: {  	s13 =	sadd.s32 $0x100, s13;
	[sflag:s18] =	ssyncadd.s32 $0xFFFFF800  }
0x177: {  	[hbm4b:s13+s4] =	stream.linear.scatter [tilespmem:s28], [sflag:$0x2], $0x800, $0x38;
	[tilespmem:$0x1D200] =	vst v63  }
0x178: {  	_ =	swait.ge [sflag:s19], $0x800  }
0x179: {  	s31 =	sadd.s32 $0x0, s9;
	[sflag:s19] =	ssyncset.done $0x0  }
0x17a: {  	v0 =	vor.u32 s31, v2;
	[sflag:s19] =	ssyncadd.s32 $0xFFFFF800  }
0x17b: {  	[tilespmem:$0x8180] =	vst v0  }
0x17c: {  	[spmem:s2] =	stream.indirect.scatter [tilespmem:s17], [sflag:$0x1], $0x80, s16, s15, $0xb8;
	[tilespmem:$0x1D200] =	vst v63  }
0x17d: {  	_ =	swait.ge [sflag:s18], $0x800  }
.LBB2_10:
0x17e: {  	s4 =	sadd.s32 s0, s9;
	[sflag:s18] =	ssyncset.done $0x0;
	p0 =	sne.s32 s0, $0x270  }
.Ltmp4:
0x17f: {  	v0 =	vor.u32 s4, v2;
	[sflag:s18] =	ssyncadd.s32 $0xFFFFF800;
	(pc) =	sbr.rel @p0 .LBB2_10-.Ltmp4, $4  }
0x180: {  	[tilespmem:$0x8180] =	vst v0  }
0x181: {  	s0 =	sadd.s32 $0x10, s0  }
0x182: {  	[spmem:s2] =	stream.indirect.scatter [tilespmem:s17], [sflag:$0x1], $0x80, s16, s15, $0xb8;
	[tilespmem:$0x1D200] =	vst v63  }
0x183: {  	_ =	swait.ge [sflag:s18], $0x800  }
0x184: {  	[sflag:s18] =	ssyncset.done $0x0  }
0x185: {  	[sflag:s18] =	ssyncadd.s32 $0xFFFFF800  }
0x186: {  	s0 =	simm.s32 $0x0;
	[bflag:$0x0] =	sbarrier.arrive $0xFFFF  }
.LBB2_12:
0x187: {  	s4 =	sshll.u32 s0, $0x6  }
0x188: {  	s4 =	sadd.s32 s11, s4  }
0x189: {  	s13 =	sshrl.u32 s4, $0x3  }
0x18a: {  	s13 =	sadd.s32 s8, s13  }
0x18b: {  	[tilespmem:s20], [sflag:$0x2] =	stream.linear.gather [hbm4b:s13+s3], $0x40, $0x38;
	[tilespmem:$0x1D200] =	vst v63  }
0x18c: {  	s4 =	sadd.s32 s12, s4;
	_ =	swait.ge [sflag:s19], $0x40  }
0x18d: {  	s4 =	sshll.u32 s4, $0x4;
	[sflag:s19] =	ssyncset.done $0x0  }
0x18e: {  	s4 =	sadd.s32 s10, s4;
	[sflag:s19] =	ssyncadd.s32 $0xFFFFFFC0  }
0x18f: {  	[tilespmem:s26], [sflag:$0x2] =	stream.linear.gather [hbm4b:s4+s3], $0x2000, $0x38;
	[tilespmem:$0x1D200] =	vst v63  }
0x190: {  	_ =	swait.ge [sflag:s19], $0x2000  }
0x191: {  	[sflag:s19] =	ssyncset.done $0x0  }
0x192: {  	s4 =	simm.s32 $0x6200;
	[sflag:s19] =	ssyncadd.s32 $0xFFFFE000  }
0x193: {  	v0 =	vld [tilespmem:s4+$0xFFFFFF80];
	_ =	sdelay $0x4  }
0x194: {  	v0 =	vadd.f32 $0.0e+00, v0;
	_ =	sdelay $0x1  }
0x195: {  	v1 =	vbroadcast v0, $0x7  }
0x196: {  	s13 =	simm.s32 $0x4200;
	v3 =	vbroadcast v0, $0x0  }
0x197: {  	v4 =	vbroadcast v0, $0x2;
	[tilespmem:s13+$0xFFFFFFF0] =	vst v1  }
0x198: {  	v63 =	vbroadcast v0, $0x5;
	[tilespmem:s13+$0xFFFFFF80] =	vst v3  }
0x199: {  	v1 =	vbroadcast v0, $0x3;
	[tilespmem:s13+$0xFFFFFFA0] =	vst v4  }
0x19a: {  	v3 =	vbroadcast v0, $0x1;
	[tilespmem:s13+$0xFFFFFFD0] =	vst v63  }
0x19b: {  	[tilespmem:s13+$0xFFFFFFB0] =	vst v1;
	v1 =	vbroadcast v0, $0x6  }
0x19c: {  	[tilespmem:s13+$0xFFFFFF90] =	vst v3;
	v0 =	vbroadcast v0, $0x4  }
0x19d: {  	[tilespmem:s13+$0xFFFFFFE0] =	vst v1  }
0x19e: {  	[tilespmem:s13+$0xFFFFFFC0] =	vst v0  }
0x19f: {  	s29 =	simm.s32 $0x0;
	s14 =	simm.s32 $0x4200;
	v0 =	vld [tilespmem:s4+$0x0]  }
.LBB2_13:
0x1a0: {  	_ = 	snop  }
0x1a1: {  	s29 =	sadd.s32 $0x2, s29;
	s13 =	sadd.s32 $0x100, s13;
	s4 =	sadd.s32 $0x100, s4  }
0x1a2: {  	p0 =	slt.u32 s29, $0x3E;
	_ =	sdelay $0x1  }
0x1a3: {  	v0 =	vadd.f32 $0.0e+00, v0;
	_ =	sdelay $0x1  }
0x1a4: {  	v1 =	vbroadcast v0, $0x0;
	v3 =	vbroadcast v0, $0x1  }
0x1a5: {  	v4 =	vbroadcast v0, $0x2;
	v5 =	vbroadcast v0, $0x3  }
0x1a6: {  	v6 =	vbroadcast v0, $0x5;
	[tilespmem:s14+$0x0] =	vst v1;
	v1 =	vbroadcast v0, $0x4  }
0x1a7: {  	[tilespmem:s14+$0x30] =	vst v5;
	v5 =	vbroadcast v0, $0x6;
	v0 =	vbroadcast v0, $0x7  }
0x1a8: {  	[tilespmem:s14+$0x50] =	vst v6  }
0x1a9: {  	[tilespmem:s14+$0x20] =	vst v4  }
0x1aa: {  	[tilespmem:s14+$0x60] =	vst v5  }
0x1ab: {  	[tilespmem:s14+$0x70] =	vst v0  }
0x1ac: {  	[tilespmem:s14+$0x10] =	vst v3  }
0x1ad: {  	[tilespmem:s14+$0x40] =	vst v1;
	s14 =	smov.u32 s13  }
0x1ae: {  	v0 =	vld [tilespmem:s4+$0xFFFFFF80];
	_ =	sdelay $0x4  }
0x1af: {  	v0 =	vadd.f32 $0.0e+00, v0;
	_ =	sdelay $0x1  }
0x1b0: {  	v1 =	vbroadcast v0, $0x0;
	v3 =	vbroadcast v0, $0x7  }
0x1b1: {  	v4 =	vbroadcast v0, $0x2;
	v5 =	vbroadcast v0, $0x6  }
0x1b2: {  	v6 =	vbroadcast v0, $0x1;
	v7 =	vbroadcast v0, $0x3;
	[tilespmem:s13+$0xFFFFFFF0] =	vst v3  }
0x1b3: {  	[tilespmem:s13+$0xFFFFFF80] =	vst v1;
	v1 =	vbroadcast v0, $0x4;
	v0 =	vbroadcast v0, $0x5  }
0x1b4: {  	[tilespmem:s13+$0xFFFFFFA0] =	vst v4  }
0x1b5: {  	[tilespmem:s13+$0xFFFFFFB0] =	vst v7  }
.Ltmp5:
0x1b6: {  	[tilespmem:s13+$0xFFFFFF90] =	vst v6;
	(pc) =	sbr.rel @p0 .LBB2_13-.Ltmp5, $4  }
0x1b7: {  	[tilespmem:s13+$0xFFFFFFD0] =	vst v0  }
0x1b8: {  	[tilespmem:s13+$0xFFFFFFE0] =	vst v5  }
0x1b9: {  	[tilespmem:s13+$0xFFFFFFC0] =	vst v1  }
0x1ba: {  	v0 =	vld [tilespmem:s4+$0x0]  }
0x1bb: {  	_ =	sdelay $0x3  }
0x1bc: {  	v0 =	vadd.f32 $0.0e+00, v0;
	_ =	sdelay $0x1  }
0x1bd: {  	v1 =	vbroadcast v0, $0x0  }
0x1be: {  	v3 =	vbroadcast v0, $0x3  }
0x1bf: {  	v4 =	vbroadcast v0, $0x2;
	[tilespmem:s14+$0x0] =	vst v1  }
0x1c0: {  	v63 =	vbroadcast v0, $0x1;
	[tilespmem:s14+$0x30] =	vst v3  }
0x1c1: {  	v1 =	vbroadcast v0, $0x5;
	[tilespmem:s14+$0x20] =	vst v4  }
0x1c2: {  	v3 =	vbroadcast v0, $0x6;
	[tilespmem:s14+$0x10] =	vst v63  }
0x1c3: {  	[tilespmem:s14+$0x50] =	vst v1;
	v1 =	vbroadcast v0, $0x7  }
0x1c4: {  	s0 =	sadd.s32 $0x1, s0;
	[tilespmem:s14+$0x60] =	vst v3;
	v0 =	vbroadcast v0, $0x4  }
0x1c5: {  	p0 =	sne.s32 s0, $0x9D;
	[tilespmem:s14+$0x70] =	vst v1  }
.Ltmp6:
0x1c6: {  	[tilespmem:s14+$0x40] =	vst v0;
	(pc) =	sbr.rel @p0 .LBB2_12-.Ltmp6, $4  }
0x1c7: {  	[spmem:s2] =	stream.indirect.scatter.add.f32 [tilespmem:s25], [sflag:$0x1], $0x80, s20, s21, $0xb8;
	[tilespmem:$0x1D200] =	vst v63  }
0x1c8: {  	_ =	swait.ge [sflag:s18], $0x2000  }
0x1c9: {  	[sflag:s18] =	ssyncset.done $0x0  }
0x1ca: {  	[sflag:s18] =	ssyncadd.s32 $0xFFFFE000  }
0x1cb: {  	[bflag:$0x0] =	sbarrier.arrive $0xFFFF  }
0x1cc: {  	s30 =	simm.s32 $0x0;
	s31 =	rddreg [dreg:$0x5]  }
.LBB2_16:
0x1cd: {  	s0 =	sadd.s32 s30, s9  }
0x1ce: {  	v0 =	vor.u32 s0, v2  }
0x1cf: {  	[tilespmem:$0x8180] =	vst v0  }
0x1d0: {  	[tilespmem:s17], [sflag:$0x1] =	stream.indirect.gather [spmem:s2], $0x80, s16, s15, $0xb8;
	[tilespmem:$0x1D200] =	vst v63  }
0x1d1: {  	_ = 	snop  }
0x1d2: {  	[tilespmem:s28], [sflag:$0x2] =	stream.linear.gather [hbm4b:s31+s3], $0x800, $0x38;
	[tilespmem:$0x1D200] =	vst v63  }
0x1d3: {  	_ =	swait.ge [sflag:s19], $0x800  }
0x1d4: {  	[sflag:s19] =	ssyncset.done $0x0  }
0x1d5: {  	[sflag:s19] =	ssyncadd.s32 $0xFFFFF800  }
0x1d6: {  	_ =	swait.ge [sflag:s18], $0x800  }
0x1d7: {  	[sflag:s18] =	ssyncset.done $0x0  }
0x1d8: {  	[sflag:s18] =	ssyncadd.s32 $0xFFFFF800  }
0x1d9: {  	v0 =	vld [tilespmem:$0x8200]  }
0x1da: {  	v1 =	vld [tilespmem:$0x8A00]  }
0x1db: {  	v3 =	vld [tilespmem:$0x8210]  }
0x1dc: {  	v4 =	vld [tilespmem:$0x8A10]  }
0x1dd: {  	v5 =	vld [tilespmem:$0x8220]  }
0x1de: {  	v6 =	vld [tilespmem:$0x8A20]  }
0x1df: {  	v7 =	vld [tilespmem:$0x8230]  }
0x1e0: {  	v8 =	vld [tilespmem:$0x8A30]  }
0x1e1: {  	v9 =	vld [tilespmem:$0x8240]  }
0x1e2: {  	v10 =	vld [tilespmem:$0x8A40]  }
0x1e3: {  	v11 =	vld [tilespmem:$0x8250]  }
0x1e4: {  	v12 =	vld [tilespmem:$0x8A50]  }
0x1e5: {  	v13 =	vld [tilespmem:$0x8260]  }
0x1e6: {  	v14 =	vld [tilespmem:$0x8A60]  }
0x1e7: {  	v15 =	vld [tilespmem:$0x8270]  }
0x1e8: {  	v16 =	vld [tilespmem:$0x8A70]  }
0x1e9: {  	v17 =	vld [tilespmem:$0x8280]  }
0x1ea: {  	v18 =	vld [tilespmem:$0x8A80]  }
0x1eb: {  	v19 =	vld [tilespmem:$0x8290]  }
0x1ec: {  	v20 =	vld [tilespmem:$0x8A90];
	v1 =	vadd.f32 $9.999999970e-07, v1  }
0x1ed: {  	v21 =	vld [tilespmem:$0x82A0];
	v4 =	vadd.f32 $9.999999970e-07, v4  }
0x1ee: {  	v22 =	vld [tilespmem:$0x8AA0];
	(erf) = vrcp.f32 v1;
	v1 =	vadd.f32 $9.999999970e-07, v6  }
0x1ef: {  	v23 =	vld [tilespmem:$0x82B0];
	v46 =	vadd.f32 $9.999999970e-07, v8;
	(erf) = vrcp.f32 v4  }
0x1f0: {  	v24 =	vld [tilespmem:$0x8AB0];
	(erf) = vrcp.f32 v1;
	v1 =	vadd.f32 $9.999999970e-07, v10  }
0x1f1: {  	v47 =	vld [tilespmem:$0x8AC0];
	v48 =	vadd.f32 $9.999999970e-07, v12;
	(erf) = vrcp.f32 v46  }
0x1f2: {  	v49 =	vld [tilespmem:$0x8AD0];
	(erf) = vrcp.f32 v1;
	v1 =	vadd.f32 $9.999999970e-07, v14  }
0x1f3: {  	v51 =	vld [tilespmem:$0x8AE0];
	v50 =	vadd.f32 $9.999999970e-07, v16;
	(erf) = vrcp.f32 v48  }
0x1f4: {  	v53 =	vld [tilespmem:$0x8AF0];
	(erf) = vrcp.f32 v1;
	v1 =	vadd.f32 $9.999999970e-07, v18  }
0x1f5: {  	v55 =	vld [tilespmem:$0x8B00];
	v52 =	vadd.f32 $9.999999970e-07, v20;
	(erf) = vrcp.f32 v50  }
0x1f6: {  	v57 =	vld [tilespmem:$0x8B10];
	(erf) = vrcp.f32 v1;
	v1 =	vadd.f32 $9.999999970e-07, v22  }
0x1f7: {  	v60 =	vld [tilespmem:$0x8B20];
	v54 =	vadd.f32 $9.999999970e-07, v24;
	v25 =	vpop (erf);
	(erf) = vrcp.f32 v52  }
0x1f8: {  	v62 =	vld [tilespmem:$0x8B30];
	v56 =	vpop (erf);
	(erf) = vrcp.f32 v1;
	v1 =	vadd.f32 $9.999999970e-07, v47  }
0x1f9: {  	v27 =	vld [tilespmem:$0x8B50];
	v59 =	vadd.f32 $9.999999970e-07, v49;
	v3 =	vmul.f32 v56, v3;
	v58 =	vpop (erf);
	(erf) = vrcp.f32 v54  }
0x1fa: {  	v30 =	vld [tilespmem:$0x8B60];
	v0 =	vmul.f32 v25, v0;
	v61 =	vpop (erf);
	(erf) = vrcp.f32 v1;
	v1 =	vadd.f32 $9.999999970e-07, v51  }
0x1fb: {  	v32 =	vld [tilespmem:$0x8B70];
	v20 =	vadd.f32 $9.999999970e-07, v53;
	[tilespmem:$0x8210] =	vst v3;
	v3 =	vmul.f32 v61, v7;
	v63 =	vpop (erf);
	(erf) = vrcp.f32 v59  }
0x1fc: {  	v35 =	vld [tilespmem:$0x8B80];
	[tilespmem:$0x8200] =	vst v0;
	v0 =	vmul.f32 v58, v5;
	v26 =	vpop (erf);
	(erf) = vrcp.f32 v1  }
0x1fd: {  	v25 =	vld [tilespmem:$0x8B40];
	[tilespmem:$0x8230] =	vst v3;
	v3 =	vmul.f32 v26, v11;
	v28 =	vpop (erf);
	(erf) = vrcp.f32 v20  }
0x1fe: {  	v37 =	vld [tilespmem:$0x8B90];
	[tilespmem:$0x8220] =	vst v0;
	v0 =	vmul.f32 v63, v9;
	v1 =	vadd.f32 $9.999999970e-07, v55;
	v31 =	vpop (erf)  }
0x1ff: {  	v40 =	vld [tilespmem:$0x8BA0];
	v29 =	vadd.f32 $9.999999970e-07, v57;
	[tilespmem:$0x8250] =	vst v3;
	v3 =	vmul.f32 v31, v15;
	v33 =	vpop (erf)  }
0x200: {  	v10 =	vld [tilespmem:$0x82D0];
	[tilespmem:$0x8240] =	vst v0;
	v0 =	vmul.f32 v28, v13;
	(erf) = vrcp.f32 v1;
	v1 =	vadd.f32 $9.999999970e-07, v60;
	v36 =	vpop (erf)  }
0x201: {  	v34 =	vadd.f32 $9.999999970e-07, v62;
	v6 =	vld [tilespmem:$0x82C0];
	(erf) = vrcp.f32 v29;
	[tilespmem:$0x8270] =	vst v3;
	v3 =	vmul.f32 v36, v19;
	v38 =	vpop (erf)  }
0x202: {  	v18 =	vld [tilespmem:$0x82F0];
	[tilespmem:$0x8260] =	vst v0;
	v0 =	vmul.f32 v33, v17;
	(erf) = vrcp.f32 v1;
	v1 =	vadd.f32 $9.999999970e-07, v25;
	v41 =	vpop (erf)  }
0x203: {  	v39 =	vadd.f32 $9.999999970e-07, v27;
	v14 =	vld [tilespmem:$0x82E0];
	(erf) = vrcp.f32 v34;
	[tilespmem:$0x8290] =	vst v3;
	v3 =	vmul.f32 v41, v23;
	v43 =	vpop (erf)  }
0x204: {  	[tilespmem:$0x8280] =	vst v0;
	v0 =	vmul.f32 v38, v21;
	(erf) = vrcp.f32 v1;
	v1 =	vadd.f32 $9.999999970e-07, v30;
	v46 =	vpop (erf)  }
0x205: {  	v45 =	vadd.f32 $9.999999970e-07, v32;
	v22 =	vld [tilespmem:$0x8300];
	(erf) = vrcp.f32 v39;
	[tilespmem:$0x82B0] =	vst v3;
	v3 =	vmul.f32 v46, v10;
	v48 =	vpop (erf)  }
0x206: {  	v44 =	vld [tilespmem:$0x8310];
	[tilespmem:$0x82A0] =	vst v0;
	v0 =	vmul.f32 v43, v6;
	(erf) = vrcp.f32 v1;
	v1 =	vadd.f32 $9.999999970e-07, v35;
	v51 =	vpop (erf)  }
0x207: {  	v50 =	vadd.f32 $9.999999970e-07, v37;
	v47 =	vld [tilespmem:$0x8320];
	(erf) = vrcp.f32 v45;
	[tilespmem:$0x82D0] =	vst v3;
	v3 =	vmul.f32 v51, v18  }
0x208: {  	v49 =	vld [tilespmem:$0x8330];
	[tilespmem:$0x82C0] =	vst v0;
	v0 =	vmul.f32 v48, v14;
	(erf) = vrcp.f32 v1;
	v1 =	vadd.f32 $9.999999970e-07, v40  }
0x209: {  	v54 =	vld [tilespmem:$0x8340];
	v53 =	vpop (erf);
	(erf) = vrcp.f32 v50  }
0x20a: {  	v57 =	vld [tilespmem:$0x8350];
	[tilespmem:$0x82E0] =	vst v0;
	v0 =	vmul.f32 v53, v22;
	v56 =	vpop (erf);
	(erf) = vrcp.f32 v1  }
0x20b: {  	v58 =	vld [tilespmem:$0x8360];
	[tilespmem:$0x82F0] =	vst v3;
	v1 =	vmul.f32 v56, v44;
	v3 =	vpop (erf)  }
0x20c: {  	v59 =	vld [tilespmem:$0x8370];
	[tilespmem:$0x8300] =	vst v0;
	v0 =	vmul.f32 v3, v47;
	v3 =	vpop (erf)  }
0x20d: {  	v60 =	vld [tilespmem:$0x8380];
	[tilespmem:$0x8310] =	vst v1;
	v1 =	vmul.f32 v3, v49;
	v3 =	vpop (erf)  }
0x20e: {  	v61 =	vld [tilespmem:$0x8390];
	[tilespmem:$0x8320] =	vst v0;
	v0 =	vmul.f32 v3, v54;
	v3 =	vpop (erf)  }
0x20f: {  	v62 =	vld [tilespmem:$0x83A0];
	[tilespmem:$0x8330] =	vst v1;
	v1 =	vmul.f32 v3, v57;
	v3 =	vpop (erf)  }
0x210: {  	[tilespmem:$0x8340] =	vst v0;
	v0 =	vmul.f32 v3, v58;
	v3 =	vpop (erf)  }
0x211: {  	[tilespmem:$0x8350] =	vst v1;
	v1 =	vmul.f32 v3, v59;
	v3 =	vpop (erf)  }
0x212: {  	[tilespmem:$0x8360] =	vst v0;
	v0 =	vmul.f32 v3, v60;
	v3 =	vpop (erf)  }
0x213: {  	[tilespmem:$0x8370] =	vst v1;
	v1 =	vmul.f32 v3, v61;
	v3 =	vpop (erf)  }
0x214: {  	[tilespmem:$0x8380] =	vst v0;
	v0 =	vmul.f32 v3, v62;
	_ =	sdelay $0x1  }
0x215: {  	[tilespmem:$0x83A0] =	vst v0;
	v0 =	vld [tilespmem:$0x8520];
	_ =	sdelay $0x4  }
0x216: {  	[tilespmem:$0x1FD20] =	vst v0;
	v0 =	vld [tilespmem:$0x8530]  }
0x217: {  	v42 =	vld [tilespmem:$0x8BB0]  }
0x218: {  	v16 =	vld [tilespmem:$0x83D0]  }
0x219: {  	v8 =	vld [tilespmem:$0x8C80]  }
0x21a: {  	v12 =	vld [tilespmem:$0x8CC0]  }
0x21b: {  	[tilespmem:$0x1FD30] =	vst v0;
	v0 =	vld [tilespmem:$0x8540]  }
0x21c: {  	v24 =	vld [tilespmem:$0x8D40]  }
0x21d: {  	v27 =	vld [tilespmem:$0x8D60]  }
0x21e: {  	v32 =	vld [tilespmem:$0x8D90]  }
0x21f: {  	v4 =	vld [tilespmem:$0x8C40]  }
0x220: {  	[tilespmem:$0x1FD40] =	vst v0;
	v0 =	vld [tilespmem:$0x8550]  }
0x221: {  	v37 =	vld [tilespmem:$0x84A0]  }
0x222: {  	v52 =	vld [tilespmem:$0x8BC0]  }
0x223: {  	v5 =	vld [tilespmem:$0x8C50]  }
0x224: {  	v63 =	vld [tilespmem:$0x83B0]  }
0x225: {  	[tilespmem:$0x1FD50] =	vst v0;
	v0 =	vld [tilespmem:$0x8560]  }
0x226: {  	v55 =	vadd.f32 $9.999999970e-07, v42;
	v42 =	vld [tilespmem:$0x8C00]  }
0x227: {  	v9 =	vld [tilespmem:$0x8C90]  }
0x228: {  	v7 =	vadd.f32 $9.999999970e-07, v52;
	v52 =	vld [tilespmem:$0x84E0]  }
0x229: {  	v11 =	vld [tilespmem:$0x8CB0]  }
0x22a: {  	[tilespmem:$0x1FD60] =	vst v0;
	v0 =	vld [tilespmem:$0x8570]  }
0x22b: {  	v20 =	vld [tilespmem:$0x8D10]  }
0x22c: {  	v26 =	vld [tilespmem:$0x8D50]  }
0x22d: {  	v28 =	vld [tilespmem:$0x8450]  }
0x22e: {  	v13 =	vld [tilespmem:$0x8CD0]  }
0x22f: {  	[tilespmem:$0x1FD70] =	vst v0;
	v0 =	vld [tilespmem:$0x8580]  }
0x230: {  	v31 =	vld [tilespmem:$0x8470]  }
0x231: {  	v15 =	vld [tilespmem:$0x8CE0]  }
0x232: {  	v29 =	vld [tilespmem:$0x8D70]  }
0x233: {  	v25 =	vld [tilespmem:$0x8430]  }
0x234: {  	[tilespmem:$0x1FD80] =	vst v0;
	v0 =	vld [tilespmem:$0x8590]  }
0x235: {  	v33 =	vld [tilespmem:$0x8480]  }
0x236: {  	v17 =	vld [tilespmem:$0x8CF0]  }
0x237: {  	v19 =	vld [tilespmem:$0x83F0]  }
0x238: {  	v34 =	vld [tilespmem:$0x8DA0]  }
0x239: {  	[tilespmem:$0x1FDA0] =	vst v0;
	v0 =	vld [tilespmem:$0x85A0]  }
0x23a: {  	v36 =	vld [tilespmem:$0x8DB0]  }
0x23b: {  	v21 =	vld [tilespmem:$0x8D20]  }
0x23c: {  	v30 =	vld [tilespmem:$0x8D80]  }
0x23d: {  	v38 =	vld [tilespmem:$0x8DC0]  }
0x23e: {  	[tilespmem:$0x1FDC0] =	vst v0;
	v0 =	vld [tilespmem:$0x85B0]  }
0x23f: {  	v39 =	vld [tilespmem:$0x8BD0]  }
0x240: {  	v41 =	vld [tilespmem:$0x8BF0]  }
0x241: {  	v23 =	vld [tilespmem:$0x8D30]  }
0x242: {  	v43 =	vld [tilespmem:$0x8C10]  }
0x243: {  	[tilespmem:$0x1FDE0] =	vst v0;
	v0 =	vld [tilespmem:$0x85C0]  }
0x244: {  	v6 =	vld [tilespmem:$0x8C60]  }
0x245: {  	v35 =	vld [tilespmem:$0x8490]  }
0x246: {  	v45 =	vld [tilespmem:$0x83C0]  }
0x247: {  	v10 =	vld [tilespmem:$0x8CA0]  }
0x248: {  	[tilespmem:$0x1FE00] =	vst v0;
	v0 =	vld [tilespmem:$0x85D0]  }
0x249: {  	v46 =	vld [tilespmem:$0x8DD0]  }
0x24a: {  	v40 =	vld [tilespmem:$0x8BE0]  }
0x24b: {  	v48 =	vld [tilespmem:$0x8DE0]  }
0x24c: {  	v50 =	vld [tilespmem:$0x84D0]  }
0x24d: {  	[tilespmem:$0x1FE20] =	vst v0;
	v0 =	vld [tilespmem:$0x85E0]  }
0x24e: {  	v18 =	vld [tilespmem:$0x8D00]  }
0x24f: {  	v51 =	vld [tilespmem:$0x8DF0]  }
0x250: {  	v53 =	vld [tilespmem:$0x8400]  }
0x251: {  	v22 =	vld [tilespmem:$0x8410]  }
0x252: {  	[tilespmem:$0x1FE40] =	vst v0;
	v0 =	vld [tilespmem:$0x85F0]  }
0x253: {  	v56 =	vld [tilespmem:$0x8420]  }
0x254: {  	v44 =	vld [tilespmem:$0x84B0];
	(erf) = vrcp.f32 v55  }
0x255: {  	v55 =	vld [tilespmem:$0x84F0]  }
0x256: {  	v47 =	vld [tilespmem:$0x84C0]  }
0x257: {  	[tilespmem:$0x1FE60] =	vst v0;
	v0 =	vld [tilespmem:$0x8600]  }
0x258: {  	v49 =	vld [tilespmem:$0x83E0];
	(erf) = vrcp.f32 v7  }
0x259: {  	v54 =	vld [tilespmem:$0x8E00]  }
0x25a: {  	v7 =	vld [tilespmem:$0x8C70]  }
0x25b: {  	v58 =	vld [tilespmem:$0x8500]  }
0x25c: {  	[tilespmem:$0x1FE70] =	vst v0;
	v0 =	vld [tilespmem:$0x8610]  }
0x25d: {  	v59 =	vld [tilespmem:$0x8440];
	v3 =	vpop (erf)  }
0x25e: {  	v61 =	vld [tilespmem:$0x8510];
	[tilespmem:$0x8390] =	vst v1;
	v1 =	vmul.f32 v3, v63  }
0x25f: {  	v3 =	vld [tilespmem:$0x8C30]  }
0x260: {  	v63 =	vld [tilespmem:$0x8460];
	[tilespmem:$0x83B0] =	vst v1  }
0x261: {  	v1 =	vld [tilespmem:$0x8C20];
	v14 =	vpop (erf);
	[tilespmem:$0x1FE80] =	vst v0  }
0x262: {  	v57 =	vld [tilespmem:$0x8E10]  }
0x263: {  	v0 =	vld [tilespmem:$0x8620];
	_ =	sdelay $0x4  }
0x264: {  	[tilespmem:$0x1FE90] =	vst v0;
	v0 =	vld [tilespmem:$0x8630];
	_ =	sdelay $0x4  }
0x265: {  	[tilespmem:$0x1FEA0] =	vst v0;
	v0 =	vld [tilespmem:$0x8640];
	_ =	sdelay $0x4  }
0x266: {  	[tilespmem:$0x1FEB0] =	vst v0;
	v0 =	vld [tilespmem:$0x8E40];
	_ =	sdelay $0x4  }
0x267: {  	[tilespmem:$0x1FD90] =	vst v0;
	v0 =	vld [tilespmem:$0x8650];
	_ =	sdelay $0x4  }
0x268: {  	[tilespmem:$0x1FEC0] =	vst v0;
	v0 =	vld [tilespmem:$0x8E50];
	_ =	sdelay $0x4  }
0x269: {  	[tilespmem:$0x1FDB0] =	vst v0;
	v0 =	vld [tilespmem:$0x8660];
	_ =	sdelay $0x4  }
0x26a: {  	[tilespmem:$0x1FED0] =	vst v0;
	v0 =	vld [tilespmem:$0x8E60];
	_ =	sdelay $0x4  }
0x26b: {  	[tilespmem:$0x1FDD0] =	vst v0;
	v0 =	vld [tilespmem:$0x8670];
	_ =	sdelay $0x4  }
0x26c: {  	[tilespmem:$0x1FEE0] =	vst v0;
	v0 =	vld [tilespmem:$0x8E70];
	_ =	sdelay $0x4  }
0x26d: {  	[tilespmem:$0x1FDF0] =	vst v0;
	v0 =	vld [tilespmem:$0x8680];
	_ =	sdelay $0x4  }
0x26e: {  	[tilespmem:$0x1FEF0] =	vst v0;
	v0 =	vld [tilespmem:$0x8E80];
	_ =	sdelay $0x4  }
0x26f: {  	[tilespmem:$0x1FE10] =	vst v0;
	v0 =	vld [tilespmem:$0x8690];
	_ =	sdelay $0x4  }
0x270: {  	[tilespmem:$0x1FF00] =	vst v0;
	v0 =	vld [tilespmem:$0x8E90];
	_ =	sdelay $0x4  }
0x271: {  	[tilespmem:$0x1FE30] =	vst v0;
	v0 =	vld [tilespmem:$0x86A0];
	_ =	sdelay $0x4  }
0x272: {  	[tilespmem:$0x1FF10] =	vst v0;
	v0 =	vld [tilespmem:$0x8EA0];
	_ =	sdelay $0x4  }
0x273: {  	[tilespmem:$0x1FE50] =	vst v0;
	v0 =	vadd.f32 $9.999999970e-07, v39;
	_ =	sdelay $0x1  }
0x274: {  	(erf) = vrcp.f32 v0;
	v0 =	vadd.f32 $9.999999970e-07, v41;
	v41 =	vld [tilespmem:$0x86C0];
	_ =	sdelay $0x2  }
0x275: {  	v40 =	vadd.f32 $9.999999970e-07, v40;
	_ =	sdelay $0x1  }
0x276: {  	(erf) = vrcp.f32 v40;
	[tilespmem:$0x1FF30] =	vst v41;
	v41 =	vadd.f32 $9.999999970e-07, v42  }
0x277: {  	(erf) = vrcp.f32 v0;
	v0 =	vadd.f32 $9.999999970e-07, v43  }
0x278: {  	v60 =	vld [tilespmem:$0x8E20];
	(erf) = vrcp.f32 v41  }
0x279: {  	(erf) = vrcp.f32 v0;
	v0 =	vadd.f32 $9.999999970e-07, v3;
	v3 =	vld [tilespmem:$0x86E0]  }
0x27a: {  	v62 =	vld [tilespmem:$0x8E30]  }
0x27b: {  	v39 =	vld [tilespmem:$0x86B0]  }
0x27c: {  	v40 =	vld [tilespmem:$0x8EC0]  }
0x27d: {  	v42 =	vld [tilespmem:$0x86D0]  }
0x27e: {  	v1 =	vadd.f32 $9.999999970e-07, v1;
	[tilespmem:$0x1FF50] =	vst v3;
	v3 =	vld [tilespmem:$0x86F0]  }
0x27f: {  	v43 =	vld [tilespmem:$0x8EF0]  }
0x280: {  	[tilespmem:$0x1FF20] =	vst v39;
	v39 =	vld [tilespmem:$0x8EB0];
	(erf) = vrcp.f32 v1;
	v1 =	vadd.f32 $9.999999970e-07, v4  }
0x281: {  	v41 =	vld [tilespmem:$0x8ED0];
	(erf) = vrcp.f32 v0;
	v0 =	vadd.f32 $9.999999970e-07, v5  }
0x282: {  	[tilespmem:$0x1FF40] =	vst v42;
	v42 =	vld [tilespmem:$0x8EE0];
	(erf) = vrcp.f32 v1;
	v1 =	vadd.f32 $9.999999970e-07, v6  }
0x283: {  	(erf) = vrcp.f32 v0;
	v0 =	vadd.f32 $9.999999970e-07, v7;
	[tilespmem:$0x1FF60] =	vst v3;
	v3 =	vld [tilespmem:$0x8700]  }
0x284: {  	v6 =	vld [tilespmem:$0x8FC0];
	(erf) = vrcp.f32 v1;
	v1 =	vadd.f32 $9.999999970e-07, v8;
	v8 =	vpop (erf)  }
0x285: {  	v4 =	vmul.f32 v8, v16;
	(erf) = vrcp.f32 v0;
	v0 =	vadd.f32 $9.999999970e-07, v9;
	v9 =	vpop (erf);
	v8 =	vld [tilespmem:$0x8F70]  }
0x286: {  	(erf) = vrcp.f32 v1;
	v1 =	vadd.f32 $9.999999970e-07, v10;
	v16 =	vpop (erf);
	v10 =	vld [tilespmem:$0x8720]  }
0x287: {  	v19 =	vmul.f32 v16, v19;
	v16 =	vld [tilespmem:$0x8730]  }
0x288: {  	[tilespmem:$0x1FF70] =	vst v3;
	v3 =	vmul.f32 v14, v45;
	v14 =	vld [tilespmem:$0x8710]  }
0x289: {  	(erf) = vrcp.f32 v0;
	v0 =	vadd.f32 $9.999999970e-07, v11;
	v45 =	vld [tilespmem:$0x8F00]  }
0x28a: {  	[tilespmem:$0x83C0] =	vst v3;
	v3 =	vmul.f32 v9, v49;
	v49 =	vld [tilespmem:$0x8F10];
	v9 =	vpop (erf);
	(erf) = vrcp.f32 v1  }
0x28b: {  	v11 =	vpop (erf);
	(erf) = vrcp.f32 v0;
	v0 =	vadd.f32 $9.999999970e-07, v13;
	v13 =	vld [tilespmem:$0x8750]  }
0x28c: {  	v1 =	vadd.f32 $9.999999970e-07, v12;
	[tilespmem:$0x83E0] =	vst v3;
	v3 =	vmul.f32 v9, v53;
	v53 =	vld [tilespmem:$0x8F20]  }
0x28d: {  	v12 =	vmul.f32 v11, v22;
	v9 =	vld [tilespmem:$0x8740];
	[tilespmem:$0x1FF80] =	vst v14;
	v14 =	vpop (erf)  }
0x28e: {  	(erf) = vrcp.f32 v1;
	v1 =	vadd.f32 $9.999999970e-07, v15;
	[tilespmem:$0x8400] =	vst v3;
	v3 =	vmul.f32 v14, v56;
	v56 =	vld [tilespmem:$0x8F30]  }
0x28f: {  	[tilespmem:$0x83F0] =	vst v19;
	v19 =	vpop (erf);
	(erf) = vrcp.f32 v0;
	v0 =	vadd.f32 $9.999999970e-07, v17;
	v17 =	vld [tilespmem:$0x1FD30]  }
0x290: {  	[tilespmem:$0x1FF90] =	vst v10;
	v22 =	vmul.f32 v19, v25;
	v25 =	vpop (erf);
	(erf) = vrcp.f32 v1;
	v1 =	vadd.f32 $9.999999970e-07, v18;
	v18 =	vld [tilespmem:$0x8F60]  }
0x291: {  	[tilespmem:$0x8410] =	vst v12;
	v19 =	vadd.f32 $9.999999970e-07, v51;
	v51 =	vld [tilespmem:$0x1FDF0];
	v10 =	vpop (erf);
	(erf) = vrcp.f32 v0;
	v0 =	vadd.f32 $9.999999970e-07, v20  }
0x292: {  	[tilespmem:$0x8420] =	vst v3;
	v3 =	vmul.f32 v25, v59;
	v59 =	vld [tilespmem:$0x8F40];
	v12 =	vpop (erf);
	(erf) = vrcp.f32 v1;
	v1 =	vadd.f32 $9.999999970e-07, v21  }
0x293: {  	[tilespmem:$0x1FFC0] =	vst v13;
	v20 =	vld [tilespmem:$0x8780];
	v14 =	vpop (erf);
	(erf) = vrcp.f32 v0;
	v0 =	vadd.f32 $9.999999970e-07, v23  }
0x294: {  	v13 =	vld [tilespmem:$0x87B0];
	[tilespmem:$0x1FFB0] =	vst v9;
	v21 =	vpop (erf);
	(erf) = vrcp.f32 v1;
	v1 =	vadd.f32 $9.999999970e-07, v24  }
0x295: {  	[tilespmem:$0x8430] =	vst v22;
	v11 =	vmul.f32 v10, v28;
	v22 =	vld [tilespmem:$0x8760];
	v23 =	vpop (erf);
	(erf) = vrcp.f32 v0;
	v0 =	vadd.f32 $9.999999970e-07, v26  }
0x296: {  	v9 =	vadd.f32 $9.999999970e-07, v46;
	v46 =	vld [tilespmem:$0x1FDC0];
	[tilespmem:$0x8440] =	vst v3;
	v3 =	vmul.f32 v12, v63;
	v25 =	vpop (erf);
	(erf) = vrcp.f32 v1  }
0x297: {  	v63 =	vld [tilespmem:$0x8F50];
	[tilespmem:$0x8450] =	vst v11;
	v1 =	vadd.f32 $9.999999970e-07, v27;
	v27 =	vpop (erf);
	(erf) = vrcp.f32 v0;
	v0 =	vadd.f32 $9.999999970e-07, v29  }
0x298: {  	v15 =	vmul.f32 v14, v31;
	v11 =	vld [tilespmem:$0x8FA0];
	[tilespmem:$0x8460] =	vst v3;
	v3 =	vmul.f32 v21, v33  }
0x299: {  	v14 =	vld [tilespmem:$0x8FE0];
	v24 =	vmul.f32 v23, v35;
	v29 =	vpop (erf);
	(erf) = vrcp.f32 v1;
	v1 =	vadd.f32 $9.999999970e-07, v30  }
0x29a: {  	v26 =	vld [tilespmem:$0x8770];
	v33 =	vadd.f32 $9.999999970e-07, v32;
	[tilespmem:$0x8480] =	vst v3;
	v3 =	vmul.f32 v25, v37;
	v30 =	vpop (erf);
	(erf) = vrcp.f32 v0  }
0x29b: {  	v21 =	vld [tilespmem:$0x87A0];
	v28 =	vmul.f32 v27, v44;
	v0 =	vpop (erf);
	(erf) = vrcp.f32 v1;
	v1 =	vadd.f32 $9.999999970e-07, v34  }
0x29c: {  	[tilespmem:$0x1FFA0] =	vst v16;
	v32 =	vld [tilespmem:$0x1FD70];
	v5 =	vmul.f32 v29, v47;
	v47 =	vadd.f32 $9.999999970e-07, v36;
	v37 =	vpop (erf);
	(erf) = vrcp.f32 v33  }
0x29d: {  	[tilespmem:$0x8470] =	vst v15;
	v15 =	vld [tilespmem:$0x1FD20];
	v31 =	vmul.f32 v30, v50;
	v50 =	vpop (erf);
	(erf) = vrcp.f32 v1;
	v1 =	vadd.f32 $9.999999970e-07, v38  }
0x29e: {  	v23 =	vld [tilespmem:$0x87C0];
	[tilespmem:$0x1FFD0] =	vst v22;
	v44 =	vmul.f32 v37, v55;
	v55 =	vpop (erf);
	(erf) = vrcp.f32 v47  }
0x29f: {  	v22 =	vld [tilespmem:$0x8790];
	[tilespmem:$0x8490] =	vst v24;
	v10 =	vpop (erf);
	(erf) = vrcp.f32 v1;
	v1 =	vadd.f32 $9.999999970e-07, v48  }
0x2a0: {  	v25 =	vld [tilespmem:$0x1FD40];
	[tilespmem:$0x84A0] =	vst v3;
	v16 =	vpop (erf);
	(erf) = vrcp.f32 v9  }
0x2a1: {  	v27 =	vld [tilespmem:$0x1FD50];
	[tilespmem:$0x1FFE0] =	vst v26;
	v24 =	vpop (erf);
	(erf) = vrcp.f32 v1;
	v1 =	vadd.f32 $9.999999970e-07, v54  }
0x2a2: {  	v3 =	vld [tilespmem:$0x8F80];
	[tilespmem:$0x84B0] =	vst v28;
	v28 =	vadd.f32 $9.999999970e-07, v57;
	v26 =	vpop (erf);
	(erf) = vrcp.f32 v19  }
0x2a3: {  	v30 =	vld [tilespmem:$0x1FD60];
	v29 =	vpop (erf);
	(erf) = vrcp.f32 v1;
	v1 =	vadd.f32 $9.999999970e-07, v60  }
0x2a4: {  	v57 =	vld [tilespmem:$0x1FE20];
	[tilespmem:$0x84D0] =	vst v31;
	v31 =	vpop (erf);
	(erf) = vrcp.f32 v28  }
0x2a5: {  	v34 =	vpop (erf);
	(erf) = vrcp.f32 v1;
	v1 =	vld [tilespmem:$0x1FD90]  }
0x2a6: {  	v35 =	vmul.f32 v0, v52;
	v0 =	vld [tilespmem:$0x8F90]  }
0x2a7: {  	v33 =	vadd.f32 $9.999999970e-07, v62;
	v62 =	vld [tilespmem:$0x1FE40]  }
0x2a8: {  	v37 =	vld [tilespmem:$0x1FDA0]  }
0x2a9: {  	v38 =	vld [tilespmem:$0x1FDB0]  }
0x2aa: {  	v52 =	vmul.f32 v50, v58;
	v50 =	vld [tilespmem:$0x87E0];
	v1 =	vadd.f32 $9.999999970e-07, v1  }
0x2ab: {  	[tilespmem:$0x84E0] =	vst v35;
	v35 =	vld [tilespmem:$0x1FD80];
	v36 =	vpop (erf);
	(erf) = vrcp.f32 v33  }
0x2ac: {  	[tilespmem:$0x84F0] =	vst v44;
	v44 =	vpop (erf);
	(erf) = vrcp.f32 v1;
	v1 =	vld [tilespmem:$0x1FDD0]  }
0x2ad: {  	v58 =	vmul.f32 v55, v61;
	v61 =	vld [tilespmem:$0x8FB0]  }
0x2ae: {  	v48 =	vld [tilespmem:$0x1FDE0]  }
0x2af: {  	v55 =	vld [tilespmem:$0x1FE10]  }
0x2b0: {  	[tilespmem:$0x84C0] =	vst v5;
	v5 =	vmul.f32 v10, v15;
	v10 =	vld [tilespmem:$0x8FD0]  }
0x2b1: {  	v15 =	vld [tilespmem:$0x8FF0];
	v1 =	vadd.f32 $9.999999970e-07, v1  }
0x2b2: {  	v54 =	vld [tilespmem:$0x1FE00];
	v7 =	vadd.f32 $9.999999970e-07, v38  }
0x2b3: {  	[tilespmem:$0x83D0] =	vst v4;
	v4 =	vmul.f32 v16, v17;
	v16 =	vld [tilespmem:$0x9000];
	v47 =	vpop (erf)  }
0x2b4: {  	[tilespmem:$0x8500] =	vst v52;
	v17 =	vld [tilespmem:$0x9010];
	v52 =	vpop (erf);
	(erf) = vrcp.f32 v7  }
0x2b5: {  	[tilespmem:$0x8520] =	vst v5;
	v5 =	vmul.f32 v24, v25;
	v25 =	vld [tilespmem:$0x87D0];
	(erf) = vrcp.f32 v1;
	v1 =	vpop (erf)  }
0x2b6: {  	v38 =	vld [tilespmem:$0x87F0];
	v1 =	vmul.f32 v1, v57  }
0x2b7: {  	v19 =	vld [tilespmem:$0x1FE50]  }
0x2b8: {  	[tilespmem:$0x85D0] =	vst v1;
	v1 =	vld [tilespmem:$0x1FE60]  }
0x2b9: {  	[tilespmem:$0x8530] =	vst v4;
	v60 =	vld [tilespmem:$0x1FE30]  }
0x2ba: {  	v4 =	vmul.f32 v26, v27;
	v26 =	vadd.f32 $9.999999970e-07, v39;
	v39 =	vld [tilespmem:$0x1FE90];
	[tilespmem:$0x8540] =	vst v5;
	v5 =	vmul.f32 v29, v30  }
0x2bb: {  	[tilespmem:$0x8510] =	vst v58;
	v27 =	vld [tilespmem:$0x9040];
	v58 =	vpop (erf)  }
0x2bc: {  	v28 =	vld [tilespmem:$0x8820];
	[tilespmem:$0x8560] =	vst v5;
	v5 =	vmul.f32 v34, v35;
	v12 =	vpop (erf)  }
0x2bd: {  	v30 =	vld [tilespmem:$0x9050];
	[tilespmem:$0x8550] =	vst v4;
	v1 =	vmul.f32 v12, v1  }
0x2be: {  	v4 =	vmul.f32 v31, v32;
	v31 =	vld [tilespmem:$0x8810];
	[tilespmem:$0x8580] =	vst v5  }
0x2bf: {  	v5 =	vmul.f32 v44, v46;
	[tilespmem:$0x85F0] =	vst v1;
	v1 =	vld [tilespmem:$0x1FE80]  }
0x2c0: {  	v32 =	vld [tilespmem:$0x1FE70]  }
0x2c1: {  	v34 =	vld [tilespmem:$0x8800];
	[tilespmem:$0x85A0] =	vst v5;
	v5 =	vmul.f32 v52, v54  }
0x2c2: {  	[tilespmem:$0x8570] =	vst v4;
	v44 =	vld [tilespmem:$0x1FEB0];
	v7 =	vadd.f32 $9.999999970e-07, v51;
	v24 =	vpop (erf)  }
0x2c3: {  	v9 =	vadd.f32 $9.999999970e-07, v55;
	v4 =	vmul.f32 v36, v37;
	[tilespmem:$0x85C0] =	vst v5;
	v5 =	vld [tilespmem:$0x8830];
	v33 =	vpop (erf)  }
0x2c4: {  	v51 =	vld [tilespmem:$0x1FED0];
	(erf) = vrcp.f32 v7;
	v1 =	vmul.f32 v33, v1  }
0x2c5: {  	[tilespmem:$0x8590] =	vst v4;
	(erf) = vrcp.f32 v9;
	v9 =	vadd.f32 $9.999999970e-07, v19;
	v19 =	vld [tilespmem:$0x9020]  }
0x2c6: {  	v4 =	vmul.f32 v47, v48;
	v7 =	vadd.f32 $9.999999970e-07, v60;
	[tilespmem:$0x8610] =	vst v1;
	v1 =	vld [tilespmem:$0x1FEA0]  }
0x2c7: {  	v57 =	vld [tilespmem:$0x1FEF0]  }
0x2c8: {  	[tilespmem:$0x85B0] =	vst v4;
	v4 =	vmul.f32 v58, v62;
	(erf) = vrcp.f32 v7;
	v7 =	vld [tilespmem:$0x8860]  }
0x2c9: {  	v62 =	vadd.f32 $9.999999970e-07, v63;
	v63 =	vld [tilespmem:$0x1FF10];
	v36 =	vpop (erf)  }
0x2ca: {  	v35 =	vadd.f32 $9.999999970e-07, v40;
	(erf) = vrcp.f32 v9;
	[tilespmem:$0x85E0] =	vst v4;
	v4 =	vmul.f32 v24, v32;
	v24 =	vld [tilespmem:$0x9030];
	v40 =	vpop (erf)  }
0x2cb: {  	(erf) = vrcp.f32 v26;
	v32 =	vld [tilespmem:$0x90B0];
	v1 =	vmul.f32 v40, v1  }
0x2cc: {  	v37 =	vadd.f32 $9.999999970e-07, v41;
	(erf) = vrcp.f32 v35;
	v35 =	vld [tilespmem:$0x9090]  }
0x2cd: {  	[tilespmem:$0x8630] =	vst v1;
	v1 =	vld [tilespmem:$0x1FEC0]  }
0x2ce: {  	(erf) = vrcp.f32 v37;
	v37 =	vadd.f32 $9.999999970e-07, v18;
	v18 =	vld [tilespmem:$0x9070]  }
0x2cf: {  	[tilespmem:$0x8600] =	vst v4;
	v4 =	vmul.f32 v36, v39;
	v39 =	vld [tilespmem:$0x1FF20]  }
0x2d0: {  	v41 =	vadd.f32 $9.999999970e-07, v42;
	v42 =	vpop (erf);
	v12 =	vld [tilespmem:$0x8840]  }
0x2d1: {  	v43 =	vadd.f32 $9.999999970e-07, v43;
	[tilespmem:$0x8620] =	vst v4;
	v46 =	vpop (erf);
	v4 =	vld [tilespmem:$0x8850]  }
0x2d2: {  	(erf) = vrcp.f32 v41;
	v41 =	vadd.f32 $9.999999970e-07, v8;
	v8 =	vld [tilespmem:$0x8880];
	v1 =	vmul.f32 v46, v1  }
0x2d3: {  	v47 =	vadd.f32 $9.999999970e-07, v45;
	v26 =	vmul.f32 v42, v44;
	v42 =	vld [tilespmem:$0x1FF30]  }
0x2d4: {  	v49 =	vadd.f32 $9.999999970e-07, v49;
	v48 =	vpop (erf);
	(erf) = vrcp.f32 v43;
	[tilespmem:$0x8650] =	vst v1;
	v1 =	vld [tilespmem:$0x1FEE0]  }
0x2d5: {  	v54 =	vadd.f32 $9.999999970e-07, v53;
	v44 =	vld [tilespmem:$0x1FF40];
	[tilespmem:$0x8640] =	vst v26;
	v26 =	vmul.f32 v48, v51;
	v52 =	vpop (erf);
	(erf) = vrcp.f32 v47  }
0x2d6: {  	v56 =	vadd.f32 $9.999999970e-07, v56;
	v47 =	vld [tilespmem:$0x1FF50];
	v55 =	vpop (erf);
	(erf) = vrcp.f32 v49  }
0x2d7: {  	v49 =	vld [tilespmem:$0x1FF60];
	[tilespmem:$0x8660] =	vst v26;
	v26 =	vmul.f32 v55, v57;
	v58 =	vpop (erf);
	(erf) = vrcp.f32 v54  }
0x2d8: {  	v59 =	vadd.f32 $9.999999970e-07, v59;
	v54 =	vld [tilespmem:$0x1FF70];
	v60 =	vpop (erf);
	(erf) = vrcp.f32 v56  }
0x2d9: {  	[tilespmem:$0x8680] =	vst v26;
	v26 =	vmul.f32 v60, v63;
	v60 =	vld [tilespmem:$0x1FFA0];
	v1 =	vmul.f32 v52, v1  }
0x2da: {  	v36 =	vpop (erf);
	(erf) = vrcp.f32 v59;
	v33 =	vld [tilespmem:$0x9060]  }
0x2db: {  	v40 =	vpop (erf);
	(erf) = vrcp.f32 v62;
	[tilespmem:$0x8670] =	vst v1;
	v1 =	vld [tilespmem:$0x1FF00]  }
0x2dc: {  	v43 =	vpop (erf);
	(erf) = vrcp.f32 v37;
	v37 =	vld [tilespmem:$0x90A0]  }
0x2dd: {  	[tilespmem:$0x86A0] =	vst v26;
	v26 =	vmul.f32 v40, v42;
	v40 =	vld [tilespmem:$0x1FFC0]  }
0x2de: {  	v3 =	vadd.f32 $9.999999970e-07, v3;
	v42 =	vld [tilespmem:$0x1FFD0];
	v9 =	vmul.f32 v43, v44  }
0x2df: {  	v45 =	vpop (erf);
	(erf) = vrcp.f32 v41;
	v44 =	vadd.f32 $9.999999970e-07, v19;
	v19 =	vld [tilespmem:$0x90D0];
	v46 =	vadd.f32 $9.999999970e-07, v0  }
0x2e0: {  	v53 =	vadd.f32 $9.999999970e-07, v61;
	[tilespmem:$0x86C0] =	vst v26;
	v48 =	vpop (erf);
	(erf) = vrcp.f32 v3;
	v29 =	vmul.f32 v58, v1;
	v58 =	vld [tilespmem:$0x1FF90]  }
0x2e1: {  	v26 =	vmul.f32 v45, v47;
	v3 =	vadd.f32 $9.999999970e-07, v11;
	v45 =	vld [tilespmem:$0x1FFE0];
	[tilespmem:$0x86D0] =	vst v9;
	v52 =	vpop (erf);
	(erf) = vrcp.f32 v46  }
0x2e2: {  	v47 =	vadd.f32 $9.999999970e-07, v24;
	v24 =	vld [tilespmem:$0x90E0];
	v51 =	vmul.f32 v48, v49;
	v55 =	vpop (erf);
	[tilespmem:$0x8690] =	vst v29;
	v29 =	vmul.f32 v36, v39  }
0x2e3: {  	v6 =	vadd.f32 $9.999999970e-07, v6;
	[tilespmem:$0x86E0] =	vst v26;
	v26 =	vmul.f32 v52, v54;
	(erf) = vrcp.f32 v3;
	v3 =	vld [tilespmem:$0x1FF80];
	v57 =	vpop (erf)  }
0x2e4: {  	v14 =	vadd.f32 $9.999999970e-07, v14;
	v10 =	vadd.f32 $9.999999970e-07, v10;
	v9 =	vld [tilespmem:$0x88A0];
	[tilespmem:$0x86F0] =	vst v51;
	(erf) = vrcp.f32 v53;
	v59 =	vpop (erf)  }
0x2e5: {  	v51 =	vadd.f32 $9.999999970e-07, v27;
	v27 =	vld [tilespmem:$0x8920];
	[tilespmem:$0x8700] =	vst v26;
	(erf) = vrcp.f32 v6;
	v62 =	vpop (erf);
	v26 =	vmul.f32 v57, v58  }
0x2e6: {  	v63 =	vadd.f32 $9.999999970e-07, v15;
	v0 =	vld [tilespmem:$0x8890];
	(erf) = vrcp.f32 v10;
	[tilespmem:$0x86B0] =	vst v29;
	v29 =	vpop (erf)  }
0x2e7: {  	v61 =	vmul.f32 v59, v60;
	v39 =	vadd.f32 $9.999999970e-07, v16;
	(erf) = vrcp.f32 v14;
	[tilespmem:$0x8720] =	vst v26;
	v26 =	vld [tilespmem:$0x1FFB0];
	v41 =	vpop (erf)  }
0x2e8: {  	v17 =	vadd.f32 $9.999999970e-07, v17;
	v6 =	vld [tilespmem:$0x88C0];
	v56 =	vmul.f32 v55, v3;
	(erf) = vrcp.f32 v63;
	v43 =	vpop (erf)  }
0x2e9: {  	v10 =	vld [tilespmem:$0x88D0];
	[tilespmem:$0x8730] =	vst v61;
	v11 =	vmul.f32 v29, v40;
	(erf) = vrcp.f32 v39;
	v46 =	vpop (erf)  }
0x2ea: {  	v59 =	vadd.f32 $9.999999970e-07, v18;
	v18 =	vld [tilespmem:$0x8900];
	[tilespmem:$0x8710] =	vst v56;
	(erf) = vrcp.f32 v17;
	v48 =	vmul.f32 v46, v20;
	v49 =	vpop (erf)  }
0x2eb: {  	v3 =	vld [tilespmem:$0x88B0];
	[tilespmem:$0x8750] =	vst v11;
	(erf) = vrcp.f32 v44;
	v20 =	vmul.f32 v49, v22  }
0x2ec: {  	v53 =	vadd.f32 $9.999999970e-07, v30;
	v36 =	vld [tilespmem:$0x9080];
	v52 =	vpop (erf);
	(erf) = vrcp.f32 v47;
	v15 =	vmul.f32 v62, v26;
	[tilespmem:$0x8780] =	vst v48  }
0x2ed: {  	v1 =	vld [tilespmem:$0x8870];
	v56 =	vadd.f32 $9.999999970e-07, v33;
	v26 =	vmul.f32 v43, v45;
	v55 =	vpop (erf);
	(erf) = vrcp.f32 v51;
	[tilespmem:$0x8790] =	vst v20  }
0x2ee: {  	v16 =	vld [tilespmem:$0x90C0];
	v54 =	vmul.f32 v52, v21;
	v58 =	vpop (erf);
	(erf) = vrcp.f32 v53;
	[tilespmem:$0x8740] =	vst v15  }
0x2ef: {  	v57 =	vld [tilespmem:$0x90F0];
	v13 =	vmul.f32 v55, v13;
	[tilespmem:$0x8770] =	vst v26;
	v61 =	vpop (erf);
	(erf) = vrcp.f32 v56  }
0x2f0: {  	v63 =	vld [tilespmem:$0x9100];
	v15 =	vmul.f32 v41, v42;
	[tilespmem:$0x87A0] =	vst v54;
	v30 =	vpop (erf);
	(erf) = vrcp.f32 v59  }
0x2f1: {  	v37 =	vadd.f32 $9.999999970e-07, v37;
	v39 =	vld [tilespmem:$0x9110];
	v62 =	vadd.f32 $9.999999970e-07, v36;
	v60 =	vmul.f32 v58, v23;
	[tilespmem:$0x87B0] =	vst v13;
	v36 =	vpop (erf)  }
0x2f2: {  	v33 =	vadd.f32 $9.999999970e-07, v35;
	v11 =	vld [tilespmem:$0x88E0];
	v29 =	vmul.f32 v61, v25;
	[tilespmem:$0x8760] =	vst v15;
	v35 =	vmul.f32 v30, v50;
	v41 =	vpop (erf)  }
0x2f3: {  	v46 =	vld [tilespmem:$0x9120];
	v49 =	vadd.f32 $9.999999970e-07, v19;
	[tilespmem:$0x87C0] =	vst v60;
	(erf) = vrcp.f32 v62;
	v40 =	vmul.f32 v36, v38;
	v44 =	vpop (erf)  }
0x2f4: {  	v19 =	vld [tilespmem:$0x8930];
	v42 =	vadd.f32 $9.999999970e-07, v32;
	[tilespmem:$0x87D0] =	vst v29;
	(erf) = vrcp.f32 v33;
	v43 =	vmul.f32 v41, v34;
	v48 =	vpop (erf)  }
0x2f5: {  	v22 =	vld [tilespmem:$0x9170];
	v45 =	vadd.f32 $9.999999970e-07, v16;
	[tilespmem:$0x87E0] =	vst v35;
	(erf) = vrcp.f32 v37;
	v47 =	vmul.f32 v44, v31;
	v51 =	vpop (erf)  }
0x2f6: {  	v52 =	vadd.f32 $9.999999970e-07, v24;
	v53 =	vld [tilespmem:$0x9130];
	[tilespmem:$0x87F0] =	vst v40;
	(erf) = vrcp.f32 v42;
	v50 =	vmul.f32 v48, v28;
	v54 =	vpop (erf)  }
0x2f7: {  	v55 =	vadd.f32 $9.999999970e-07, v57;
	v26 =	vld [tilespmem:$0x88F0];
	[tilespmem:$0x8800] =	vst v43;
	(erf) = vrcp.f32 v45;
	v5 =	vmul.f32 v51, v5;
	v57 =	vpop (erf)  }
0x2f8: {  	v56 =	vld [tilespmem:$0x9140];
	[tilespmem:$0x8810] =	vst v47;
	(erf) = vrcp.f32 v49;
	v12 =	vmul.f32 v54, v12;
	v60 =	vpop (erf)  }
0x2f9: {  	v58 =	vadd.f32 $9.999999970e-07, v63;
	v59 =	vld [tilespmem:$0x9150];
	[tilespmem:$0x8820] =	vst v50;
	(erf) = vrcp.f32 v52;
	v4 =	vmul.f32 v57, v4;
	v63 =	vpop (erf)  }
0x2fa: {  	v61 =	vadd.f32 $9.999999970e-07, v39;
	v62 =	vld [tilespmem:$0x9160];
	[tilespmem:$0x8830] =	vst v5;
	(erf) = vrcp.f32 v55;
	v1 =	vmul.f32 v63, v1  }
0x2fb: {  	v23 =	vld [tilespmem:$0x8910];
	v21 =	vadd.f32 $9.999999970e-07, v46;
	[tilespmem:$0x8840] =	vst v12;
	v5 =	vmul.f32 v60, v7;
	(erf) = vrcp.f32 v58  }
0x2fc: {  	v29 =	vld [tilespmem:$0x9180];
	v28 =	vadd.f32 $9.999999970e-07, v53;
	[tilespmem:$0x8850] =	vst v4;
	v25 =	vpop (erf);
	(erf) = vrcp.f32 v61  }
0x2fd: {  	v32 =	vld [tilespmem:$0x9190];
	v31 =	vadd.f32 $9.999999970e-07, v56;
	[tilespmem:$0x8860] =	vst v5;
	v4 =	vmul.f32 v25, v8;
	v30 =	vpop (erf);
	(erf) = vrcp.f32 v21  }
0x2fe: {  	v34 =	vld [tilespmem:$0x91A0];
	v33 =	vadd.f32 $9.999999970e-07, v59;
	[tilespmem:$0x8870] =	vst v1;
	v0 =	vmul.f32 v30, v0;
	v1 =	vpop (erf);
	(erf) = vrcp.f32 v28  }
0x2ff: {  	v37 =	vld [tilespmem:$0x91B0];
	v36 =	vadd.f32 $9.999999970e-07, v62;
	[tilespmem:$0x8880] =	vst v4;
	v1 =	vmul.f32 v1, v9;
	v35 =	vpop (erf);
	(erf) = vrcp.f32 v31  }
0x300: {  	v39 =	vld [tilespmem:$0x91C0];
	v38 =	vadd.f32 $9.999999970e-07, v22;
	[tilespmem:$0x8890] =	vst v0;
	v0 =	vmul.f32 v35, v3;
	v3 =	vpop (erf);
	(erf) = vrcp.f32 v33  }
0x301: {  	v41 =	vld [tilespmem:$0x91D0];
	v40 =	vadd.f32 $9.999999970e-07, v29;
	[tilespmem:$0x88A0] =	vst v1;
	v1 =	vmul.f32 v3, v6;
	v3 =	vpop (erf);
	(erf) = vrcp.f32 v36  }
0x302: {  	v42 =	vadd.f32 $9.999999970e-07, v32;
	v43 =	vld [tilespmem:$0x91E0];
	[tilespmem:$0x88B0] =	vst v0;
	v0 =	vmul.f32 v3, v10;
	v3 =	vpop (erf);
	(erf) = vrcp.f32 v38  }
0x303: {  	v45 =	vld [tilespmem:$0x91F0];
	v44 =	vadd.f32 $9.999999970e-07, v34;
	[tilespmem:$0x88C0] =	vst v1;
	v1 =	vmul.f32 v3, v11;
	v3 =	vpop (erf);
	(erf) = vrcp.f32 v40  }
0x304: {  	v46 =	vld [tilespmem:$0x8940];
	v9 =	vadd.f32 $9.999999970e-07, v37;
	[tilespmem:$0x88D0] =	vst v0;
	v0 =	vmul.f32 v3, v26;
	v3 =	vpop (erf);
	(erf) = vrcp.f32 v42  }
0x305: {  	v47 =	vld [tilespmem:$0x8950];
	v5 =	vadd.f32 $9.999999970e-07, v39;
	[tilespmem:$0x88E0] =	vst v1;
	v1 =	vmul.f32 v3, v18;
	v3 =	vpop (erf);
	(erf) = vrcp.f32 v44  }
0x306: {  	v48 =	vld [tilespmem:$0x8960];
	v8 =	vadd.f32 $9.999999970e-07, v41;
	[tilespmem:$0x88F0] =	vst v0;
	v0 =	vmul.f32 v3, v23;
	v3 =	vpop (erf);
	(erf) = vrcp.f32 v9  }
0x307: {  	v49 =	vld [tilespmem:$0x8970];
	v10 =	vadd.f32 $9.999999970e-07, v43;
	[tilespmem:$0x8900] =	vst v1;
	v1 =	vmul.f32 v3, v27;
	v3 =	vpop (erf);
	(erf) = vrcp.f32 v5  }
0x308: {  	v50 =	vld [tilespmem:$0x8980];
	v7 =	vadd.f32 $9.999999970e-07, v45;
	[tilespmem:$0x8910] =	vst v0;
	v0 =	vmul.f32 v3, v19;
	v3 =	vpop (erf);
	(erf) = vrcp.f32 v8  }
0x309: {  	v51 =	vld [tilespmem:$0x8990];
	[tilespmem:$0x8920] =	vst v1;
	v1 =	vmul.f32 v3, v46;
	v3 =	vpop (erf);
	(erf) = vrcp.f32 v10  }
0x30a: {  	v52 =	vld [tilespmem:$0x89A0];
	[tilespmem:$0x8930] =	vst v0;
	v0 =	vmul.f32 v3, v47;
	v3 =	vpop (erf);
	(erf) = vrcp.f32 v7  }
0x30b: {  	v53 =	vpop (erf);
	[tilespmem:$0x8940] =	vst v1;
	v1 =	vmul.f32 v3, v48;
	v3 =	vld [tilespmem:$0x89B0]  }
0x30c: {  	v55 =	vld [tilespmem:$0x89C0];
	v54 =	vpop (erf);
	[tilespmem:$0x8950] =	vst v0;
	v0 =	vmul.f32 v53, v49  }
0x30d: {  	v57 =	vld [tilespmem:$0x89D0];
	v56 =	vpop (erf);
	[tilespmem:$0x8960] =	vst v1;
	v1 =	vmul.f32 v54, v50  }
0x30e: {  	v59 =	vld [tilespmem:$0x89E0];
	v58 =	vpop (erf);
	[tilespmem:$0x8970] =	vst v0;
	v0 =	vmul.f32 v56, v51  }
0x30f: {  	v61 =	vld [tilespmem:$0x89F0];
	v60 =	vpop (erf);
	[tilespmem:$0x8980] =	vst v1;
	v1 =	vmul.f32 v58, v52  }
0x310: {  	v62 =	vpop (erf);
	[tilespmem:$0x8990] =	vst v0;
	v0 =	vmul.f32 v60, v3  }
0x311: {  	v3 =	vpop (erf);
	[tilespmem:$0x89A0] =	vst v1;
	v1 =	vmul.f32 v62, v55  }
0x312: {  	v63 =	vpop (erf);
	[tilespmem:$0x89B0] =	vst v0;
	v0 =	vmul.f32 v3, v57  }
0x313: {  	[tilespmem:$0x89C0] =	vst v1;
	v1 =	vmul.f32 v63, v59;
	v3 =	vpop (erf)  }
0x314: {  	[tilespmem:$0x89D0] =	vst v0;
	v0 =	vmul.f32 v3, v61  }
0x315: {  	p0 =	sne.s32 s30, $0x270;
	[tilespmem:$0x89E0] =	vst v1  }
.Ltmp7:
0x316: {  	[tilespmem:$0x89F0] =	vst v0;
	(pc) =	sbr.rel @p0 .LBB2_16-.Ltmp7, $4  }
0x317: {  	[hbm4b:s31+s3] =	stream.linear.scatter [tilespmem:s28], [sflag:$0x2], $0x800, $0x38;
	[tilespmem:$0x1D200] =	vst v63  }
0x318: {  	_ =	swait.ge [sflag:s19], $0x800  }
0x319: {  	[sflag:s19] =	ssyncset.done $0x0  }
0x31a: {  	s30 =	sadd.s32 $0x10, s30;
	s31 =	sadd.s32 $0x100, s31;
	[sflag:s19] =	ssyncadd.s32 $0xFFFFF800  }
0x31b: {  	s4 =	rddreg [dreg:$0x6]  }
0x31c: {  	s0 =	rddreg [dreg:$0x4];
	s4 =	sadd.s32 $0x1, s4  }
0x31d: {  	p0 =	sne.s32 s4, s0  }
.Ltmp8:
0x31e: {  	_ = 	snop;
	(pc) =	sbr.rel @p0 .LBB2_1-.Ltmp8, $2  }
0x31f: {  	_ =	sdelay $0x2  }
0x320: {  	v8 =	vld [tilespmem:$0x1FFF0]  }
0x321: {  	_ =	sfence.sel $0x180000  }
0x322: {  	[bflag:$0x0] =	sbarrier.arrive $0xFFFF  }
0x323: {  	_ =	strace $0x90000047  }
0x324: {  	s0 =	stileid.u32;
	[bflag:$0x2] =	sbarrier.arrive $0xFFFF  }
0x325: {  	p0 =	sne.s32 s0, $0x0;
	s0 =	rddreg [dreg:$0x3]  }
0x326: {  	s0 =	sadd.s32 @!p0 $0x100000, s0  }
0x327: {  	[sflag:s0] =	ssyncadd.tile.s32 @!p0 $0x1;
	_ =	shalt  }
.Lfunc_end2:
_tile_overlayer_lowered:
.L_overlay_start_2:
0x328: {  	(tag) =	ssettag $0x2  }
0x329: {  	s0 =	rddreg [dreg:$0x0];
	s2 =	stileid.u32  }
0x32a: {  	s1 =	rddreg [dreg:$0x1];
	p0 =	sne.s32 s2, $0x0  }
0x32b: {  	s3 =	rddreg [dreg:$0x2];
	[bflag:$0x3] =	sbarrier.arrive $0xFFFF;
	s2 =	simm.s32 @!p0 $0x1C02  }
0x32c: {  	[timem:s3], [sflag:s2] =	dma.local @!p0 [hbm:s0], s1  }
0x32d: {  	s0 =	simm.s32 @!p0 $0x2  }
0x32e: {  	_ =	swait.ge @!p0 [sflag:s0], s1  }
0x32f: {  	s1 =	ssub.s32 @!p0 $0x0, s1;
	[sflag:s0] =	ssyncset.done @!p0 $0x0  }
0x330: {  	[sflag:s0] =	ssyncadd.s32 @!p0 s1  }
0x331: {  	[bflag:$0x3] =	sbarrier.arrive $0xFFFF  }
0x332: {  	_ =	shalt  }

</sc_bundles>
